<compile_context>
chip_gen: v7x
topology: tpu7x:2x2x1
jax: 0.10.2.dev20260603
libtpu: 0.0.44.dev20260713+nightly
codegen_flags: <defaults>
</compile_context>

<pallas_src>
import functools

import jax
import jax.numpy as jnp
from jax import lax
from jax.experimental import pallas as pl
from jax.experimental.pallas import tpu as pltpu
from jax.experimental.pallas import tpu_sc as plsc

B, T, K, D = 1024, 50, 8, 128
BT = B * T
L = 16
C = 16
CK = C * K
NIDX = 2 * C + 3 * CK


def _proj_body(a_ref, w_ref, b_ref, o_ref, *, zero_first: bool, block_rows: int):
    a = a_ref[...]
    if zero_first:
        row = lax.broadcasted_iota(jnp.int32, a.shape, 0) + pl.program_id(0) * block_rows
        a = jnp.where(row == 0, 0.0, a)
    o_ref[...] = jnp.dot(a, w_ref[...], preferred_element_type=jnp.float32) + b_ref[...]


def _project(table, wblk, bias, zero_first):
    n = table.shape[0]
    r = 2000 if n % 2000 == 0 else n
    grid = n // r
    return pl.pallas_call(
        functools.partial(_proj_body, zero_first=zero_first, block_rows=r),
        grid=(grid,),
        in_specs=[
            pl.BlockSpec((r, D), lambda i: (i, 0)),
            pl.BlockSpec((D, D), lambda i: (0, 0)),
            pl.BlockSpec((1, D), lambda i: (0, 0)),
        ],
        out_specs=pl.BlockSpec((r, D), lambda i: (i, 0)),
        out_shape=jax.ShapeDtypeStruct((n, D), jnp.float32),
    )(table, wblk, bias)


def _cnt_body(a_ref, t_ref, c_ref, g_ref, o_ref):
    g = g_ref[...]
    for f, x_ref in enumerate((a_ref, t_ref, c_ref)):
        m = (x_ref[...] != 0).astype(jnp.float32)
        cnt = jnp.dot(m, g, preferred_element_type=jnp.float32)
        o_ref[:, f, :] = cnt.astype(jnp.int32)


def _cnt_chunks(actors, themes, constraints):
    nchunks = BT // C
    rc = 400
    grid = nchunks // rc
    i = jnp.arange(CK)[:, None]
    j = jnp.arange(2 * L)[None, :]
    gmat = (i // K == j % C).astype(jnp.float32)
    spec_in = pl.BlockSpec((rc, CK), lambda i: (i, 0))
    return pl.pallas_call(
        _cnt_body,
        grid=(grid,),
        in_specs=[spec_in, spec_in, spec_in,
                  pl.BlockSpec((CK, 2 * L), lambda i: (0, 0))],
        out_specs=pl.BlockSpec((rc, 3, 2 * L), lambda i: (i, 0, 0)),
        out_shape=jax.ShapeDtypeStruct((nchunks, 3, 2 * L), jnp.int32),
    )(actors.reshape(nchunks, CK), themes.reshape(nchunks, CK),
      constraints.reshape(nchunks, CK), gmat)


def _make_sc_encode(nc, ns):
    nw = nc * ns
    cpw = BT // nw
    nchunk = cpw // C

    mesh = plsc.VectorSubcoreMesh(core_axis_name="c", subcore_axis_name="s")

    @functools.partial(
        pl.kernel,
        mesh=mesh,
        out_type=jax.ShapeDtypeStruct((BT, D), jnp.float32),
        scratch_types=[
            pltpu.VMEM((2, C), jnp.int32),
            pltpu.VMEM((2, C), jnp.int32),
            pltpu.VMEM((3, CK), jnp.int32),
            pltpu.VMEM((3, CK), jnp.int32),
            pltpu.VMEM((NIDX, D), jnp.float32),
            pltpu.VMEM((NIDX, D), jnp.float32),
            pltpu.VMEM((3, 2 * L), jnp.int32),
            pltpu.VMEM((3, 2 * L), jnp.int32),
            pltpu.VMEM((9, L), jnp.float32),
            pltpu.VMEM((C, D), jnp.float32),
            pltpu.SemaphoreType.DMA,
            pltpu.SemaphoreType.DMA,
            pltpu.SemaphoreType.DMA,
        ],
    )
    def sc_encode(pet, pac, pa, pth, pco, evac, sets, cnts, invtab, out_hbm,
                  ipe0, ipe1, ips0, ips1, rows0, rows1, cnt0, cnt1, invt, ob,
                  sem0, sem1, osem):
        wid = lax.axis_index("s") * nc + lax.axis_index("c")
        pltpu.sync_copy(invtab, invt)
        ipes = (ipe0, ipe1)
        ipss = (ips0, ips1)
        rowss = (rows0, rows1)
        cntb = (cnt0, cnt1)
        sems = (sem0, sem1)

        def fields(slot):
            ipe, ips = ipes[slot], ipss[slot]
            return [(0, C, pet, ipe.at[0]), (C, C, pac, ipe.at[1]),
                    (2 * C, CK, pa, ips.at[0]),
                    (2 * C + CK, CK, pth, ips.at[1]),
                    (2 * C + 2 * CK, CK, pco, ips.at[2])]

        def issue(cid, slot):
            rows, cnt, sem = rowss[slot], cntb[slot], sems[slot]
            pltpu.sync_copy(evac.at[cid], ipes[slot])
            pltpu.sync_copy(sets.at[cid], ipss[slot])
            for off, n, tab, idx in fields(slot):
                pltpu.async_copy(tab.at[idx], rows.at[pl.ds(off, n)], sem)
            pltpu.async_copy(cnts.at[cid], cnt, sem)

        def drain(cid, slot):
            rows, cnt, sem = rowss[slot], cntb[slot], sems[slot]
            for off, n, tab, idx in fields(slot):
                pltpu.make_async_copy(tab.at[idx], rows.at[pl.ds(off, n)], sem).wait()
            pltpu.make_async_copy(cnts.at[cid], cnt, sem).wait()

        def compute(cid, slot):
            rows, cnt = rowss[slot], cntb[slot]
            drain(cid, slot)

            def tok(t, c):
                ivs = []
                for f in range(3):
                    cv = cnt[f, pl.ds(t, L)]
                    ivs.append(invt[cv[0], :])
                for d in range(D // L):
                    sl = pl.ds(d * L, L)
                    v = rows[t, sl] + rows[C + t, sl]
                    for f in range(3):
                        base = 2 * C + f * CK + t * K
                        acc = rows[base, sl]
                        for k in range(1, K):
                            acc = acc + rows[base + k, sl]
                        v = v + acc * ivs[f]
                    ob[t, sl] = v
                return c

            lax.fori_loop(0, C, tok, 0)

        def store(cid):
            pltpu.async_copy(ob, out_hbm.at[pl.ds(cid * C, C)], osem)

        def wait_store(cid):
            pltpu.make_async_copy(ob, out_hbm.at[pl.ds(cid * C, C)], osem).wait()

        base = wid * nchunk
        issue(base, 0)

        def outer(i, carry):
            for b in range(2):
                g = i * 2 + b
                cid = base + g

                @pl.when(g + 1 < nchunk)
                def _():
                    issue(cid + 1, 1 - b)

                @pl.when(g > 0)
                def _():
                    wait_store(cid)
                compute(cid, b)
                store(cid)
            return carry

        lax.fori_loop(0, nchunk // 2, outer, 0)
        wait_store(base)

    return sc_encode


def kernel(event_type, action, actors, themes, constraints,
           event_type_emb, action_emb, actor_emb, theme_emb, constraint_emb,
           W, b):
    wr = W.reshape(5, D, D)
    zero_bias = jnp.zeros((1, D), jnp.float32)
    pet = _project(event_type_emb, wr[0], b.reshape(1, D), False)
    pac = _project(action_emb, wr[1], zero_bias, False)
    pa = _project(actor_emb, wr[2], zero_bias, True)
    pth = _project(theme_emb, wr[3], zero_bias, True)
    pco = _project(constraint_emb, wr[4], zero_bias, True)

    info = plsc.get_sparse_core_info()
    nw = info.num_cores * info.num_subcores
    nchunks = BT // C

    evac = jnp.stack(
        [event_type.reshape(nchunks, C), action.reshape(nchunks, C)], axis=1)
    sets = jnp.stack(
        [actors.reshape(nchunks, CK), themes.reshape(nchunks, CK),
         constraints.reshape(nchunks, CK)], axis=1)

    cnts = _cnt_chunks(actors, themes, constraints)

    invtab = jnp.broadcast_to(
        (1.0 / jnp.maximum(jnp.arange(9, dtype=jnp.float32), 1.0))[:, None], (9, L))

    sc_encode = _make_sc_encode(info.num_cores, info.num_subcores)
    out = sc_encode(pet, pac, pa, pth, pco, evac, sets, cnts, invtab)
    return out.reshape(B, T, D)

# --- scband reference (transcript-rebuilt; emitter-appended) ---
"""Pipeline reference for scband-event-encoder-16965120819816 (READ-ONLY COPY).

The authoritative reference and input builder live on the scoring server;
editing this copy changes nothing except your own understanding.
"""

import jax, jax.numpy as jnp
import numpy as np

B, T, K = 1024, 50, 8
D = 128
V = {"event_type": 1000, "action": 1000, "actor": 100000, "theme": 100000, "constraint": 1000}


def setup_inputs(seed: int = 0) -> dict:
    key = jax.random.key(seed)
    ks = jax.random.split(key, 12)
    return {
        "event_type": jax.random.randint(ks[0], (B, T), 0, V["event_type"], dtype=jnp.int32),
        "action": jax.random.randint(ks[1], (B, T), 0, V["action"], dtype=jnp.int32),
        "actors": jax.random.randint(ks[2], (B, T, K), 0, V["actor"], dtype=jnp.int32),
        "themes": jax.random.randint(ks[3], (B, T, K), 0, V["theme"], dtype=jnp.int32),
        "constraints": jax.random.randint(ks[4], (B, T, K), 0, V["constraint"], dtype=jnp.int32),
        "event_type_emb": jax.random.normal(ks[5], (V["event_type"], D), dtype=jnp.float32) * 0.02,
        "action_emb": jax.random.normal(ks[6], (V["action"], D), dtype=jnp.float32) * 0.02,
        "actor_emb": jax.random.normal(ks[7], (V["actor"], D), dtype=jnp.float32) * 0.02,
        "theme_emb": jax.random.normal(ks[8], (V["theme"], D), dtype=jnp.float32) * 0.02,
        "constraint_emb": jax.random.normal(ks[9], (V["constraint"], D), dtype=jnp.float32) * 0.02,
        "W": jax.random.normal(ks[10], (5 * D, D), dtype=jnp.float32) * 0.02,
        "b": jnp.zeros((D,), dtype=jnp.float32),
    }


def _avg_set(table, x):
    v = jnp.take(table, x, axis=0)  # [B, T, K, D]
    mask = (x != 0)[..., None].astype(v.dtype)
    v = v * mask
    denom = jnp.clip(jnp.sum(mask, axis=2), 1.0, None)  # [B, T, 1]
    return jnp.sum(v, axis=2) / denom


def reference(event_type, action, actors, themes, constraints,
              event_type_emb, action_emb, actor_emb, theme_emb, constraint_emb,
              W, b):
    et = jnp.take(event_type_emb, event_type, axis=0)
    ac = jnp.take(action_emb, action, axis=0)
    aa = _avg_set(actor_emb, actors)
    th = _avg_set(theme_emb, themes)
    co = _avg_set(constraint_emb, constraints)
    x = jnp.concatenate([et, ac, aa, th, co], axis=-1)  # [B, T, 5D]
    return x @ W + b

if __name__ == "__main__":
    import jax
    _d = setup_inputs()
    print(jax.jit(kernel)(*tuple(_d.values())))

</pallas_src>

<mosaic_0001>
#map = affine_map<(d0, d1) -> (0, 0)>
#map1 = affine_map<(d0, d1) -> (0, 0, 0)>
module attributes {stable_mosaic.version = 14 : i64} {
  func.func @sc_encode(%arg0: i32, %arg1: i32, %arg2: memref<1000x128xf32, #tpu.memory_space<hbm>>, %arg3: memref<1000x128xf32, #tpu.memory_space<hbm>>, %arg4: memref<100000x128xf32, #tpu.memory_space<hbm>>, %arg5: memref<100000x128xf32, #tpu.memory_space<hbm>>, %arg6: memref<1000x128xf32, #tpu.memory_space<hbm>>, %arg7: memref<3200x2x16xi32, #tpu.memory_space<hbm>>, %arg8: memref<3200x3x128xi32, #tpu.memory_space<hbm>>, %arg9: memref<3200x3x32xi32, #tpu.memory_space<hbm>>, %arg10: memref<9x16xf32, #tpu.memory_space<hbm>>, %arg11: memref<51200x128xf32, #tpu.memory_space<hbm>>, %arg12: memref<2x16xi32, #tpu.memory_space<vmem>>, %arg13: memref<2x16xi32, #tpu.memory_space<vmem>>, %arg14: memref<3x128xi32, #tpu.memory_space<vmem>>, %arg15: memref<3x128xi32, #tpu.memory_space<vmem>>, %arg16: memref<416x128xf32, #tpu.memory_space<vmem>>, %arg17: memref<416x128xf32, #tpu.memory_space<vmem>>, %arg18: memref<3x32xi32, #tpu.memory_space<vmem>>, %arg19: memref<3x32xi32, #tpu.memory_space<vmem>>, %arg20: memref<9x16xf32, #tpu.memory_space<vmem>>, %arg21: memref<16x128xf32, #tpu.memory_space<vmem>>, %arg22: memref<!tpu.dma_semaphore, #tpu.memory_space<semaphore_mem>>, %arg23: memref<!tpu.dma_semaphore, #tpu.memory_space<semaphore_mem>>, %arg24: memref<!tpu.dma_semaphore, #tpu.memory_space<semaphore_mem>>) attributes {dimension_semantics = [#tpu.dimension_semantics<core_parallel>, #tpu.dimension_semantics<subcore_parallel>], iteration_bounds = array<i64: 2, 16>, scalar_prefetch = 0 : i64, scratch_operands = 13 : i64, tpu.core_type = #tpu.core_type<sc_vector_subcore>, window_params = [{transform_indices = #map}, {transform_indices = #map}, {transform_indices = #map}, {transform_indices = #map}, {transform_indices = #map}, {transform_indices = #map1}, {transform_indices = #map1}, {transform_indices = #map1}, {transform_indices = #map}, {transform_indices = #map}]} {
    %mul3A = arith.constant 2 : i32
    %mul3A_0 = arith.muli %arg1, %mul3A : i32
    %add3A = arith.addi %mul3A_0, %arg0 : i32
    "tpu.region"() ({
      %run_scoped3A = tpu.sem_alloc : memref<!tpu.dma_semaphore, #tpu.memory_space<semaphore_mem>>
      tpu.enqueue_dma source(%arg10 : memref<9x16xf32, #tpu.memory_space<hbm>>) target(%arg20 : memref<9x16xf32, #tpu.memory_space<vmem>>) target_semaphore(%run_scoped3A : memref<!tpu.dma_semaphore, #tpu.memory_space<semaphore_mem>>)
      tpu.wait_dma2 semaphore(%run_scoped3A : memref<!tpu.dma_semaphore, #tpu.memory_space<semaphore_mem>>) src(%arg10 : memref<9x16xf32, #tpu.memory_space<hbm>>) dst(%arg20 : memref<9x16xf32, #tpu.memory_space<vmem>>)
      tpu.yield
    }) : () -> ()
    %mul3A_1 = arith.constant 100 : i32
    %mul3A_2 = arith.muli %add3A, %mul3A_1 : i32
    "tpu.region"() ({
      %run_scoped3A = tpu.sem_alloc : memref<!tpu.dma_semaphore, #tpu.memory_space<semaphore_mem>>
      %dma_start3A_70 = arith.constant 0 : i32
      %dma_start3A_71 = arith.constant 0 : i32
      %dma_start3A_72 = tpu.memref_slice %arg7[%mul3A_2, %dma_start3A_70, %dma_start3A_71] : memref<3200x2x16xi32, #tpu.memory_space<hbm>> -> memref<1x2x16xi32, #tpu.memory_space<hbm>>
      %dma_start3A_73 = tpu.memref_squeeze %dma_start3A_72 : memref<1x2x16xi32, #tpu.memory_space<hbm>> -> memref<2x16xi32, #tpu.memory_space<hbm>>
      %dma_start3A_74 = arith.constant 0 : i32
      %dma_start3A_75 = arith.constant 0 : i32
      %dma_start3A_76 = tpu.memref_slice %arg7[%mul3A_2, %dma_start3A_74, %dma_start3A_75] : memref<3200x2x16xi32, #tpu.memory_space<hbm>> -> memref<1x2x16xi32, #tpu.memory_space<hbm>>
      %dma_start3A_77 = tpu.memref_squeeze %dma_start3A_76 : memref<1x2x16xi32, #tpu.memory_space<hbm>> -> memref<2x16xi32, #tpu.memory_space<hbm>>
      tpu.enqueue_dma source(%dma_start3A_77 : memref<2x16xi32, #tpu.memory_space<hbm>>) target(%arg12 : memref<2x16xi32, #tpu.memory_space<vmem>>) target_semaphore(%run_scoped3A : memref<!tpu.dma_semaphore, #tpu.memory_space<semaphore_mem>>)
      %dma_wait3A_78 = arith.constant 0 : i32
      %dma_wait3A_79 = arith.constant 0 : i32
      %dma_wait3A_80 = tpu.memref_slice %arg7[%mul3A_2, %dma_wait3A_78, %dma_wait3A_79] : memref<3200x2x16xi32, #tpu.memory_space<hbm>> -> memref<1x2x16xi32, #tpu.memory_space<hbm>>
      %dma_wait3A_81 = tpu.memref_squeeze %dma_wait3A_80 : memref<1x2x16xi32, #tpu.memory_space<hbm>> -> memref<2x16xi32, #tpu.memory_space<hbm>>
      %dma_wait3A_82 = arith.constant 0 : i32
      %dma_wait3A_83 = arith.constant 0 : i32
      %dma_wait3A_84 = tpu.memref_slice %arg7[%mul3A_2, %dma_wait3A_82, %dma_wait3A_83] : memref<3200x2x16xi32, #tpu.memory_space<hbm>> -> memref<1x2x16xi32, #tpu.memory_space<hbm>>
      %dma_wait3A_85 = tpu.memref_squeeze %dma_wait3A_84 : memref<1x2x16xi32, #tpu.memory_space<hbm>> -> memref<2x16xi32, #tpu.memory_space<hbm>>
      tpu.wait_dma2 semaphore(%run_scoped3A : memref<!tpu.dma_semaphore, #tpu.memory_space<semaphore_mem>>) src(%dma_wait3A_85 : memref<2x16xi32, #tpu.memory_space<hbm>>) dst(%arg12 : memref<2x16xi32, #tpu.memory_space<vmem>>)
      tpu.yield
    }) : () -> ()
    "tpu.region"() ({
      %run_scoped3A = tpu.sem_alloc : memref<!tpu.dma_semaphore, #tpu.memory_space<semaphore_mem>>
      %dma_start3A_70 = arith.constant 0 : i32
      %dma_start3A_71 = arith.constant 0 : i32
      %dma_start3A_72 = tpu.memref_slice %arg8[%mul3A_2, %dma_start3A_70, %dma_start3A_71] : memref<3200x3x128xi32, #tpu.memory_space<hbm>> -> memref<1x3x128xi32, #tpu.memory_space<hbm>>
      %dma_start3A_73 = tpu.memref_squeeze %dma_start3A_72 : memref<1x3x128xi32, #tpu.memory_space<hbm>> -> memref<3x128xi32, #tpu.memory_space<hbm>>
      %dma_start3A_74 = arith.constant 0 : i32
      %dma_start3A_75 = arith.constant 0 : i32
      %dma_start3A_76 = tpu.memref_slice %arg8[%mul3A_2, %dma_start3A_74, %dma_start3A_75] : memref<3200x3x128xi32, #tpu.memory_space<hbm>> -> memref<1x3x128xi32, #tpu.memory_space<hbm>>
      %dma_start3A_77 = tpu.memref_squeeze %dma_start3A_76 : memref<1x3x128xi32, #tpu.memory_space<hbm>> -> memref<3x128xi32, #tpu.memory_space<hbm>>
      tpu.enqueue_dma source(%dma_start3A_77 : memref<3x128xi32, #tpu.memory_space<hbm>>) target(%arg14 : memref<3x128xi32, #tpu.memory_space<vmem>>) target_semaphore(%run_scoped3A : memref<!tpu.dma_semaphore, #tpu.memory_space<semaphore_mem>>)
      %dma_wait3A_78 = arith.constant 0 : i32
      %dma_wait3A_79 = arith.constant 0 : i32
      %dma_wait3A_80 = tpu.memref_slice %arg8[%mul3A_2, %dma_wait3A_78, %dma_wait3A_79] : memref<3200x3x128xi32, #tpu.memory_space<hbm>> -> memref<1x3x128xi32, #tpu.memory_space<hbm>>
      %dma_wait3A_81 = tpu.memref_squeeze %dma_wait3A_80 : memref<1x3x128xi32, #tpu.memory_space<hbm>> -> memref<3x128xi32, #tpu.memory_space<hbm>>
      %dma_wait3A_82 = arith.constant 0 : i32
      %dma_wait3A_83 = arith.constant 0 : i32
      %dma_wait3A_84 = tpu.memref_slice %arg8[%mul3A_2, %dma_wait3A_82, %dma_wait3A_83] : memref<3200x3x128xi32, #tpu.memory_space<hbm>> -> memref<1x3x128xi32, #tpu.memory_space<hbm>>
      %dma_wait3A_85 = tpu.memref_squeeze %dma_wait3A_84 : memref<1x3x128xi32, #tpu.memory_space<hbm>> -> memref<3x128xi32, #tpu.memory_space<hbm>>
      tpu.wait_dma2 semaphore(%run_scoped3A : memref<!tpu.dma_semaphore, #tpu.memory_space<semaphore_mem>>) src(%dma_wait3A_85 : memref<3x128xi32, #tpu.memory_space<hbm>>) dst(%arg14 : memref<3x128xi32, #tpu.memory_space<vmem>>)
      tpu.yield
    }) : () -> ()
    %dma_start3A = arith.constant 0 : i32
    %dma_start3A_3 = arith.constant 0 : i32
    %dma_start3A_4 = arith.constant 0 : i32
    %dma_start3A_5 = tpu.memref_slice %arg16[%dma_start3A_3, %dma_start3A_4] : memref<416x128xf32, #tpu.memory_space<vmem>> -> memref<16x128xf32, #tpu.memory_space<vmem>>
    %dma_start3A_6 = arith.constant 0 : i32
    %dma_start3A_7 = tpu.memref_slice %arg12[%dma_start3A, %dma_start3A_6] : memref<2x16xi32, #tpu.memory_space<vmem>> -> memref<1x16xi32, #tpu.memory_space<vmem>>
    %dma_start3A_8 = tpu.memref_squeeze %dma_start3A_7 : memref<1x16xi32, #tpu.memory_space<vmem>> -> memref<16xi32, #tpu.memory_space<vmem>>
    %dma_start3A_9 = arith.constant 0 : i32
    %dma_start3A_10 = arith.constant 0 : i32
    %dma_start3A_11 = tpu.memref_slice %arg2[%dma_start3A_9, %dma_start3A_10] : memref<1000x128xf32, #tpu.memory_space<hbm>> -> memref<1000x128xf32, #tpu.memory_space<hbm>>
    tpu.enqueue_indirect_dma source(%dma_start3A_11 : memref<1000x128xf32, #tpu.memory_space<hbm>>) target(%dma_start3A_5 : memref<16x128xf32, #tpu.memory_space<vmem>>) offsets(%dma_start3A_8 : memref<16xi32, #tpu.memory_space<vmem>>) semaphore(%arg22 : memref<!tpu.dma_semaphore, #tpu.memory_space<semaphore_mem>>)
    %dma_start3A_12 = arith.constant 1 : i32
    %dma_start3A_13 = arith.constant 16 : i32
    %dma_start3A_14 = arith.constant 0 : i32
    %dma_start3A_15 = tpu.memref_slice %arg16[%dma_start3A_13, %dma_start3A_14] : memref<416x128xf32, #tpu.memory_space<vmem>> -> memref<16x128xf32, #tpu.memory_space<vmem>>
    %dma_start3A_16 = arith.constant 0 : i32
    %dma_start3A_17 = tpu.memref_slice %arg12[%dma_start3A_12, %dma_start3A_16] : memref<2x16xi32, #tpu.memory_space<vmem>> -> memref<1x16xi32, #tpu.memory_space<vmem>>
    %dma_start3A_18 = tpu.memref_squeeze %dma_start3A_17 : memref<1x16xi32, #tpu.memory_space<vmem>> -> memref<16xi32, #tpu.memory_space<vmem>>
    %dma_start3A_19 = arith.constant 0 : i32
    %dma_start3A_20 = arith.constant 0 : i32
    %dma_start3A_21 = tpu.memref_slice %arg3[%dma_start3A_19, %dma_start3A_20] : memref<1000x128xf32, #tpu.memory_space<hbm>> -> memref<1000x128xf32, #tpu.memory_space<hbm>>
    tpu.enqueue_indirect_dma source(%dma_start3A_21 : memref<1000x128xf32, #tpu.memory_space<hbm>>) target(%dma_start3A_15 : memref<16x128xf32, #tpu.memory_space<vmem>>) offsets(%dma_start3A_18 : memref<16xi32, #tpu.memory_space<vmem>>) semaphore(%arg22 : memref<!tpu.dma_semaphore, #tpu.memory_space<semaphore_mem>>)
    %dma_start3A_22 = arith.constant 0 : i32
    %dma_start3A_23 = arith.constant 32 : i32
    %dma_start3A_24 = arith.constant 0 : i32
    %dma_start3A_25 = tpu.memref_slice %arg16[%dma_start3A_23, %dma_start3A_24] : memref<416x128xf32, #tpu.memory_space<vmem>> -> memref<128x128xf32, #tpu.memory_space<vmem>>
    %dma_start3A_26 = arith.constant 0 : i32
    %dma_start3A_27 = tpu.memref_slice %arg14[%dma_start3A_22, %dma_start3A_26] : memref<3x128xi32, #tpu.memory_space<vmem>> -> memref<1x128xi32, #tpu.memory_space<vmem>>
    %dma_start3A_28 = tpu.memref_squeeze %dma_start3A_27 : memref<1x128xi32, #tpu.memory_space<vmem>> -> memref<128xi32, #tpu.memory_space<vmem>>
    %dma_start3A_29 = arith.constant 0 : i32
    %dma_start3A_30 = arith.constant 0 : i32
    %dma_start3A_31 = tpu.memref_slice %arg4[%dma_start3A_29, %dma_start3A_30] : memref<100000x128xf32, #tpu.memory_space<hbm>> -> memref<100000x128xf32, #tpu.memory_space<hbm>>
    tpu.enqueue_indirect_dma source(%dma_start3A_31 : memref<100000x128xf32, #tpu.memory_space<hbm>>) target(%dma_start3A_25 : memref<128x128xf32, #tpu.memory_space<vmem>>) offsets(%dma_start3A_28 : memref<128xi32, #tpu.memory_space<vmem>>) semaphore(%arg22 : memref<!tpu.dma_semaphore, #tpu.memory_space<semaphore_mem>>)
    %dma_start3A_32 = arith.constant 1 : i32
    %dma_start3A_33 = arith.constant 160 : i32
    %dma_start3A_34 = arith.constant 0 : i32
    %dma_start3A_35 = tpu.memref_slice %arg16[%dma_start3A_33, %dma_start3A_34] : memref<416x128xf32, #tpu.memory_space<vmem>> -> memref<128x128xf32, #tpu.memory_space<vmem>>
    %dma_start3A_36 = arith.constant 0 : i32
    %dma_start3A_37 = tpu.memref_slice %arg14[%dma_start3A_32, %dma_start3A_36] : memref<3x128xi32, #tpu.memory_space<vmem>> -> memref<1x128xi32, #tpu.memory_space<vmem>>
    %dma_start3A_38 = tpu.memref_squeeze %dma_start3A_37 : memref<1x128xi32, #tpu.memory_space<vmem>> -> memref<128xi32, #tpu.memory_space<vmem>>
    %dma_start3A_39 = arith.constant 0 : i32
    %dma_start3A_40 = arith.constant 0 : i32
    %dma_start3A_41 = tpu.memref_slice %arg5[%dma_start3A_39, %dma_start3A_40] : memref<100000x128xf32, #tpu.memory_space<hbm>> -> memref<100000x128xf32, #tpu.memory_space<hbm>>
    tpu.enqueue_indirect_dma source(%dma_start3A_41 : memref<100000x128xf32, #tpu.memory_space<hbm>>) target(%dma_start3A_35 : memref<128x128xf32, #tpu.memory_space<vmem>>) offsets(%dma_start3A_38 : memref<128xi32, #tpu.memory_space<vmem>>) semaphore(%arg22 : memref<!tpu.dma_semaphore, #tpu.memory_space<semaphore_mem>>)
    %dma_start3A_42 = arith.constant 2 : i32
    %dma_start3A_43 = arith.constant 288 : i32
    %dma_start3A_44 = arith.constant 0 : i32
    %dma_start3A_45 = tpu.memref_slice %arg16[%dma_start3A_43, %dma_start3A_44] : memref<416x128xf32, #tpu.memory_space<vmem>> -> memref<128x128xf32, #tpu.memory_space<vmem>>
    %dma_start3A_46 = arith.constant 0 : i32
    %dma_start3A_47 = tpu.memref_slice %arg14[%dma_start3A_42, %dma_start3A_46] : memref<3x128xi32, #tpu.memory_space<vmem>> -> memref<1x128xi32, #tpu.memory_space<vmem>>
    %dma_start3A_48 = tpu.memref_squeeze %dma_start3A_47 : memref<1x128xi32, #tpu.memory_space<vmem>> -> memref<128xi32, #tpu.memory_space<vmem>>
    %dma_start3A_49 = arith.constant 0 : i32
    %dma_start3A_50 = arith.constant 0 : i32
    %dma_start3A_51 = tpu.memref_slice %arg6[%dma_start3A_49, %dma_start3A_50] : memref<1000x128xf32, #tpu.memory_space<hbm>> -> memref<1000x128xf32, #tpu.memory_space<hbm>>
    tpu.enqueue_indirect_dma source(%dma_start3A_51 : memref<1000x128xf32, #tpu.memory_space<hbm>>) target(%dma_start3A_45 : memref<128x128xf32, #tpu.memory_space<vmem>>) offsets(%dma_start3A_48 : memref<128xi32, #tpu.memory_space<vmem>>) semaphore(%arg22 : memref<!tpu.dma_semaphore, #tpu.memory_space<semaphore_mem>>)
    %dma_start3A_52 = arith.constant 0 : i32
    %dma_start3A_53 = arith.constant 0 : i32
    %dma_start3A_54 = tpu.memref_slice %arg9[%mul3A_2, %dma_start3A_52, %dma_start3A_53] : memref<3200x3x32xi32, #tpu.memory_space<hbm>> -> memref<1x3x32xi32, #tpu.memory_space<hbm>>
    %dma_start3A_55 = tpu.memref_squeeze %dma_start3A_54 : memref<1x3x32xi32, #tpu.memory_space<hbm>> -> memref<3x32xi32, #tpu.memory_space<hbm>>
    %dma_start3A_56 = arith.constant 0 : i32
    %dma_start3A_57 = arith.constant 0 : i32
    %dma_start3A_58 = tpu.memref_slice %arg9[%mul3A_2, %dma_start3A_56, %dma_start3A_57] : memref<3200x3x32xi32, #tpu.memory_space<hbm>> -> memref<1x3x32xi32, #tpu.memory_space<hbm>>
    %dma_start3A_59 = tpu.memref_squeeze %dma_start3A_58 : memref<1x3x32xi32, #tpu.memory_space<hbm>> -> memref<3x32xi32, #tpu.memory_space<hbm>>
    tpu.enqueue_dma source(%dma_start3A_59 : memref<3x32xi32, #tpu.memory_space<hbm>>) target(%arg18 : memref<3x32xi32, #tpu.memory_space<vmem>>) target_semaphore(%arg22 : memref<!tpu.dma_semaphore, #tpu.memory_space<semaphore_mem>>)
    %scan3A = arith.constant 0 : i32
    %scan3A_60 = arith.constant 0 : i32
    %scan3A_61 = arith.constant 50 : i32
    %scan3A_62 = arith.addi %scan3A_60, %scan3A_61 : i32
    %scan3A_63 = arith.constant 1 : i32
    scf.for %scan3A_70 = %scan3A_60 to %scan3A_62 step %scan3A_63  : i32 {
      %mul3A_71 = arith.constant 2 : i32
      %mul3A_72 = arith.muli %scan3A_70, %mul3A_71 : i32
      %add3A_73 = arith.constant 0 : i32
      %add3A_74 = arith.addi %mul3A_72, %add3A_73 : i32
      %add3A_75 = arith.addi %mul3A_2, %add3A_74 : i32
      %add3A_76 = arith.constant 1 : i32
      %add3A_77 = arith.addi %add3A_74, %add3A_76 : i32
      %lt3A = arith.constant 100 : i32
      %lt3A_78 = arith.cmpi slt, %add3A_77, %lt3A : i32
      %convert_element_type3A = arith.extui %lt3A_78 : i1 to i32
      %cond3A = arith.constant 0 : i32
      %cond3A_79 = arith.cmpi ne, %convert_element_type3A, %cond3A : i32
      scf.if %cond3A_79 {
        %add3A_241 = arith.constant 1 : i32
        %add3A_242 = arith.addi %add3A_75, %add3A_241 : i32
        "tpu.region"() ({
          %run_scoped3A = tpu.sem_alloc : memref<!tpu.dma_semaphore, #tpu.memory_space<semaphore_mem>>
          %dma_start3A_301 = arith.constant 0 : i32
          %dma_start3A_302 = arith.constant 0 : i32
          %dma_start3A_303 = tpu.memref_slice %arg7[%add3A_242, %dma_start3A_301, %dma_start3A_302] : memref<3200x2x16xi32, #tpu.memory_space<hbm>> -> memref<1x2x16xi32, #tpu.memory_space<hbm>>
          %dma_start3A_304 = tpu.memref_squeeze %dma_start3A_303 : memref<1x2x16xi32, #tpu.memory_space<hbm>> -> memref<2x16xi32, #tpu.memory_space<hbm>>
          %dma_start3A_305 = arith.constant 0 : i32
          %dma_start3A_306 = arith.constant 0 : i32
          %dma_start3A_307 = tpu.memref_slice %arg7[%add3A_242, %dma_start3A_305, %dma_start3A_306] : memref<3200x2x16xi32, #tpu.memory_space<hbm>> -> memref<1x2x16xi32, #tpu.memory_space<hbm>>
          %dma_start3A_308 = tpu.memref_squeeze %dma_start3A_307 : memref<1x2x16xi32, #tpu.memory_space<hbm>> -> memref<2x16xi32, #tpu.memory_space<hbm>>
          tpu.enqueue_dma source(%dma_start3A_308 : memref<2x16xi32, #tpu.memory_space<hbm>>) target(%arg13 : memref<2x16xi32, #tpu.memory_space<vmem>>) target_semaphore(%run_scoped3A : memref<!tpu.dma_semaphore, #tpu.memory_space<semaphore_mem>>)
          %dma_wait3A_309 = arith.constant 0 : i32
          %dma_wait3A_310 = arith.constant 0 : i32
          %dma_wait3A_311 = tpu.memref_slice %arg7[%add3A_242, %dma_wait3A_309, %dma_wait3A_310] : memref<3200x2x16xi32, #tpu.memory_space<hbm>> -> memref<1x2x16xi32, #tpu.memory_space<hbm>>
          %dma_wait3A_312 = tpu.memref_squeeze %dma_wait3A_311 : memref<1x2x16xi32, #tpu.memory_space<hbm>> -> memref<2x16xi32, #tpu.memory_space<hbm>>
          %dma_wait3A_313 = arith.constant 0 : i32
          %dma_wait3A_314 = arith.constant 0 : i32
          %dma_wait3A_315 = tpu.memref_slice %arg7[%add3A_242, %dma_wait3A_313, %dma_wait3A_314] : memref<3200x2x16xi32, #tpu.memory_space<hbm>> -> memref<1x2x16xi32, #tpu.memory_space<hbm>>
          %dma_wait3A_316 = tpu.memref_squeeze %dma_wait3A_315 : memref<1x2x16xi32, #tpu.memory_space<hbm>> -> memref<2x16xi32, #tpu.memory_space<hbm>>
          tpu.wait_dma2 semaphore(%run_scoped3A : memref<!tpu.dma_semaphore, #tpu.memory_space<semaphore_mem>>) src(%dma_wait3A_316 : memref<2x16xi32, #tpu.memory_space<hbm>>) dst(%arg13 : memref<2x16xi32, #tpu.memory_space<vmem>>)
          tpu.yield
        }) : () -> ()
        "tpu.region"() ({
          %run_scoped3A = tpu.sem_alloc : memref<!tpu.dma_semaphore, #tpu.memory_space<semaphore_mem>>
          %dma_start3A_301 = arith.constant 0 : i32
          %dma_start3A_302 = arith.constant 0 : i32
          %dma_start3A_303 = tpu.memref_slice %arg8[%add3A_242, %dma_start3A_301, %dma_start3A_302] : memref<3200x3x128xi32, #tpu.memory_space<hbm>> -> memref<1x3x128xi32, #tpu.memory_space<hbm>>
          %dma_start3A_304 = tpu.memref_squeeze %dma_start3A_303 : memref<1x3x128xi32, #tpu.memory_space<hbm>> -> memref<3x128xi32, #tpu.memory_space<hbm>>
          %dma_start3A_305 = arith.constant 0 : i32
          %dma_start3A_306 = arith.constant 0 : i32
          %dma_start3A_307 = tpu.memref_slice %arg8[%add3A_242, %dma_start3A_305, %dma_start3A_306] : memref<3200x3x128xi32, #tpu.memory_space<hbm>> -> memref<1x3x128xi32, #tpu.memory_space<hbm>>
          %dma_start3A_308 = tpu.memref_squeeze %dma_start3A_307 : memref<1x3x128xi32, #tpu.memory_space<hbm>> -> memref<3x128xi32, #tpu.memory_space<hbm>>
          tpu.enqueue_dma source(%dma_start3A_308 : memref<3x128xi32, #tpu.memory_space<hbm>>) target(%arg15 : memref<3x128xi32, #tpu.memory_space<vmem>>) target_semaphore(%run_scoped3A : memref<!tpu.dma_semaphore, #tpu.memory_space<semaphore_mem>>)
          %dma_wait3A_309 = arith.constant 0 : i32
          %dma_wait3A_310 = arith.constant 0 : i32
          %dma_wait3A_311 = tpu.memref_slice %arg8[%add3A_242, %dma_wait3A_309, %dma_wait3A_310] : memref<3200x3x128xi32, #tpu.memory_space<hbm>> -> memref<1x3x128xi32, #tpu.memory_space<hbm>>
          %dma_wait3A_312 = tpu.memref_squeeze %dma_wait3A_311 : memref<1x3x128xi32, #tpu.memory_space<hbm>> -> memref<3x128xi32, #tpu.memory_space<hbm>>
          %dma_wait3A_313 = arith.constant 0 : i32
          %dma_wait3A_314 = arith.constant 0 : i32
          %dma_wait3A_315 = tpu.memref_slice %arg8[%add3A_242, %dma_wait3A_313, %dma_wait3A_314] : memref<3200x3x128xi32, #tpu.memory_space<hbm>> -> memref<1x3x128xi32, #tpu.memory_space<hbm>>
          %dma_wait3A_316 = tpu.memref_squeeze %dma_wait3A_315 : memref<1x3x128xi32, #tpu.memory_space<hbm>> -> memref<3x128xi32, #tpu.memory_space<hbm>>
          tpu.wait_dma2 semaphore(%run_scoped3A : memref<!tpu.dma_semaphore, #tpu.memory_space<semaphore_mem>>) src(%dma_wait3A_316 : memref<3x128xi32, #tpu.memory_space<hbm>>) dst(%arg15 : memref<3x128xi32, #tpu.memory_space<vmem>>)
          tpu.yield
        }) : () -> ()
        %dma_start3A_243 = arith.constant 0 : i32
        %dma_start3A_244 = arith.constant 0 : i32
        %dma_start3A_245 = arith.constant 0 : i32
        %dma_start3A_246 = tpu.memref_slice %arg17[%dma_start3A_244, %dma_start3A_245] : memref<416x128xf32, #tpu.memory_space<vmem>> -> memref<16x128xf32, #tpu.memory_space<vmem>>
        %dma_start3A_247 = arith.constant 0 : i32
        %dma_start3A_248 = tpu.memref_slice %arg13[%dma_start3A_243, %dma_start3A_247] : memref<2x16xi32, #tpu.memory_space<vmem>> -> memref<1x16xi32, #tpu.memory_space<vmem>>
        %dma_start3A_249 = tpu.memref_squeeze %dma_start3A_248 : memref<1x16xi32, #tpu.memory_space<vmem>> -> memref<16xi32, #tpu.memory_space<vmem>>
        %dma_start3A_250 = arith.constant 0 : i32
        %dma_start3A_251 = arith.constant 0 : i32
        %dma_start3A_252 = tpu.memref_slice %arg2[%dma_start3A_250, %dma_start3A_251] : memref<1000x128xf32, #tpu.memory_space<hbm>> -> memref<1000x128xf32, #tpu.memory_space<hbm>>
        tpu.enqueue_indirect_dma source(%dma_start3A_252 : memref<1000x128xf32, #tpu.memory_space<hbm>>) target(%dma_start3A_246 : memref<16x128xf32, #tpu.memory_space<vmem>>) offsets(%dma_start3A_249 : memref<16xi32, #tpu.memory_space<vmem>>) semaphore(%arg23 : memref<!tpu.dma_semaphore, #tpu.memory_space<semaphore_mem>>)
        %dma_start3A_253 = arith.constant 1 : i32
        %dma_start3A_254 = arith.constant 16 : i32
        %dma_start3A_255 = arith.constant 0 : i32
        %dma_start3A_256 = tpu.memref_slice %arg17[%dma_start3A_254, %dma_start3A_255] : memref<416x128xf32, #tpu.memory_space<vmem>> -> memref<16x128xf32, #tpu.memory_space<vmem>>
        %dma_start3A_257 = arith.constant 0 : i32
        %dma_start3A_258 = tpu.memref_slice %arg13[%dma_start3A_253, %dma_start3A_257] : memref<2x16xi32, #tpu.memory_space<vmem>> -> memref<1x16xi32, #tpu.memory_space<vmem>>
        %dma_start3A_259 = tpu.memref_squeeze %dma_start3A_258 : memref<1x16xi32, #tpu.memory_space<vmem>> -> memref<16xi32, #tpu.memory_space<vmem>>
        %dma_start3A_260 = arith.constant 0 : i32
        %dma_start3A_261 = arith.constant 0 : i32
        %dma_start3A_262 = tpu.memref_slice %arg3[%dma_start3A_260, %dma_start3A_261] : memref<1000x128xf32, #tpu.memory_space<hbm>> -> memref<1000x128xf32, #tpu.memory_space<hbm>>
        tpu.enqueue_indirect_dma source(%dma_start3A_262 : memref<1000x128xf32, #tpu.memory_space<hbm>>) target(%dma_start3A_256 : memref<16x128xf32, #tpu.memory_space<vmem>>) offsets(%dma_start3A_259 : memref<16xi32, #tpu.memory_space<vmem>>) semaphore(%arg23 : memref<!tpu.dma_semaphore, #tpu.memory_space<semaphore_mem>>)
        %dma_start3A_263 = arith.constant 0 : i32
        %dma_start3A_264 = arith.constant 32 : i32
        %dma_start3A_265 = arith.constant 0 : i32
        %dma_start3A_266 = tpu.memref_slice %arg17[%dma_start3A_264, %dma_start3A_265] : memref<416x128xf32, #tpu.memory_space<vmem>> -> memref<128x128xf32, #tpu.memory_space<vmem>>
        %dma_start3A_267 = arith.constant 0 : i32
        %dma_start3A_268 = tpu.memref_slice %arg15[%dma_start3A_263, %dma_start3A_267] : memref<3x128xi32, #tpu.memory_space<vmem>> -> memref<1x128xi32, #tpu.memory_space<vmem>>
        %dma_start3A_269 = tpu.memref_squeeze %dma_start3A_268 : memref<1x128xi32, #tpu.memory_space<vmem>> -> memref<128xi32, #tpu.memory_space<vmem>>
        %dma_start3A_270 = arith.constant 0 : i32
        %dma_start3A_271 = arith.constant 0 : i32
        %dma_start3A_272 = tpu.memref_slice %arg4[%dma_start3A_270, %dma_start3A_271] : memref<100000x128xf32, #tpu.memory_space<hbm>> -> memref<100000x128xf32, #tpu.memory_space<hbm>>
        tpu.enqueue_indirect_dma source(%dma_start3A_272 : memref<100000x128xf32, #tpu.memory_space<hbm>>) target(%dma_start3A_266 : memref<128x128xf32, #tpu.memory_space<vmem>>) offsets(%dma_start3A_269 : memref<128xi32, #tpu.memory_space<vmem>>) semaphore(%arg23 : memref<!tpu.dma_semaphore, #tpu.memory_space<semaphore_mem>>)
        %dma_start3A_273 = arith.constant 1 : i32
        %dma_start3A_274 = arith.constant 160 : i32
        %dma_start3A_275 = arith.constant 0 : i32
        %dma_start3A_276 = tpu.memref_slice %arg17[%dma_start3A_274, %dma_start3A_275] : memref<416x128xf32, #tpu.memory_space<vmem>> -> memref<128x128xf32, #tpu.memory_space<vmem>>
        %dma_start3A_277 = arith.constant 0 : i32
        %dma_start3A_278 = tpu.memref_slice %arg15[%dma_start3A_273, %dma_start3A_277] : memref<3x128xi32, #tpu.memory_space<vmem>> -> memref<1x128xi32, #tpu.memory_space<vmem>>
        %dma_start3A_279 = tpu.memref_squeeze %dma_start3A_278 : memref<1x128xi32, #tpu.memory_space<vmem>> -> memref<128xi32, #tpu.memory_space<vmem>>
        %dma_start3A_280 = arith.constant 0 : i32
        %dma_start3A_281 = arith.constant 0 : i32
        %dma_start3A_282 = tpu.memref_slice %arg5[%dma_start3A_280, %dma_start3A_281] : memref<100000x128xf32, #tpu.memory_space<hbm>> -> memref<100000x128xf32, #tpu.memory_space<hbm>>
        tpu.enqueue_indirect_dma source(%dma_start3A_282 : memref<100000x128xf32, #tpu.memory_space<hbm>>) target(%dma_start3A_276 : memref<128x128xf32, #tpu.memory_space<vmem>>) offsets(%dma_start3A_279 : memref<128xi32, #tpu.memory_space<vmem>>) semaphore(%arg23 : memref<!tpu.dma_semaphore, #tpu.memory_space<semaphore_mem>>)
        %dma_start3A_283 = arith.constant 2 : i32
        %dma_start3A_284 = arith.constant 288 : i32
        %dma_start3A_285 = arith.constant 0 : i32
        %dma_start3A_286 = tpu.memref_slice %arg17[%dma_start3A_284, %dma_start3A_285] : memref<416x128xf32, #tpu.memory_space<vmem>> -> memref<128x128xf32, #tpu.memory_space<vmem>>
        %dma_start3A_287 = arith.constant 0 : i32
        %dma_start3A_288 = tpu.memref_slice %arg15[%dma_start3A_283, %dma_start3A_287] : memref<3x128xi32, #tpu.memory_space<vmem>> -> memref<1x128xi32, #tpu.memory_space<vmem>>
        %dma_start3A_289 = tpu.memref_squeeze %dma_start3A_288 : memref<1x128xi32, #tpu.memory_space<vmem>> -> memref<128xi32, #tpu.memory_space<vmem>>
        %dma_start3A_290 = arith.constant 0 : i32
        %dma_start3A_291 = arith.constant 0 : i32
        %dma_start3A_292 = tpu.memref_slice %arg6[%dma_start3A_290, %dma_start3A_291] : memref<1000x128xf32, #tpu.memory_space<hbm>> -> memref<1000x128xf32, #tpu.memory_space<hbm>>
        tpu.enqueue_indirect_dma source(%dma_start3A_292 : memref<1000x128xf32, #tpu.memory_space<hbm>>) target(%dma_start3A_286 : memref<128x128xf32, #tpu.memory_space<vmem>>) offsets(%dma_start3A_289 : memref<128xi32, #tpu.memory_space<vmem>>) semaphore(%arg23 : memref<!tpu.dma_semaphore, #tpu.memory_space<semaphore_mem>>)
        %dma_start3A_293 = arith.constant 0 : i32
        %dma_start3A_294 = arith.constant 0 : i32
        %dma_start3A_295 = tpu.memref_slice %arg9[%add3A_242, %dma_start3A_293, %dma_start3A_294] : memref<3200x3x32xi32, #tpu.memory_space<hbm>> -> memref<1x3x32xi32, #tpu.memory_space<hbm>>
        %dma_start3A_296 = tpu.memref_squeeze %dma_start3A_295 : memref<1x3x32xi32, #tpu.memory_space<hbm>> -> memref<3x32xi32, #tpu.memory_space<hbm>>
        %dma_start3A_297 = arith.constant 0 : i32
        %dma_start3A_298 = arith.constant 0 : i32
        %dma_start3A_299 = tpu.memref_slice %arg9[%add3A_242, %dma_start3A_297, %dma_start3A_298] : memref<3200x3x32xi32, #tpu.memory_space<hbm>> -> memref<1x3x32xi32, #tpu.memory_space<hbm>>
        %dma_start3A_300 = tpu.memref_squeeze %dma_start3A_299 : memref<1x3x32xi32, #tpu.memory_space<hbm>> -> memref<3x32xi32, #tpu.memory_space<hbm>>
        tpu.enqueue_dma source(%dma_start3A_300 : memref<3x32xi32, #tpu.memory_space<hbm>>) target(%arg19 : memref<3x32xi32, #tpu.memory_space<vmem>>) target_semaphore(%arg23 : memref<!tpu.dma_semaphore, #tpu.memory_space<semaphore_mem>>)
      } else {
      }
      %gt3A = arith.constant 0 : i32
      %gt3A_80 = arith.cmpi sgt, %add3A_74, %gt3A : i32
      %convert_element_type3A_81 = arith.extui %gt3A_80 : i1 to i32
      %cond3A_82 = arith.constant 0 : i32
      %cond3A_83 = arith.cmpi ne, %convert_element_type3A_81, %cond3A_82 : i32
      scf.if %cond3A_83 {
        %mul3A_241 = arith.constant 16 : i32
        %mul3A_242 = arith.muli %add3A_75, %mul3A_241 : i32
        %dma_wait3A_243 = arith.constant 0 : i32
        %dma_wait3A_244 = tpu.memref_slice %arg11[%mul3A_242, %dma_wait3A_243] : memref<51200x128xf32, #tpu.memory_space<hbm>> -> memref<16x128xf32, #tpu.memory_space<hbm>>
        %dma_wait3A_245 = arith.constant 0 : i32
        %dma_wait3A_246 = tpu.memref_slice %arg11[%mul3A_242, %dma_wait3A_245] : memref<51200x128xf32, #tpu.memory_space<hbm>> -> memref<16x128xf32, #tpu.memory_space<hbm>>
        tpu.wait_dma2 semaphore(%arg24 : memref<!tpu.dma_semaphore, #tpu.memory_space<semaphore_mem>>) src(%arg21 : memref<16x128xf32, #tpu.memory_space<vmem>>) dst(%dma_wait3A_246 : memref<16x128xf32, #tpu.memory_space<hbm>>)
      } else {
      }
      %dma_wait3A_84 = arith.constant 0 : i32
      %dma_wait3A_85 = arith.constant 0 : i32
      %dma_wait3A_86 = arith.constant 0 : i32
      %dma_wait3A_87 = tpu.memref_slice %arg16[%dma_wait3A_85, %dma_wait3A_86] : memref<416x128xf32, #tpu.memory_space<vmem>> -> memref<16x128xf32, #tpu.memory_space<vmem>>
      %dma_wait3A_88 = arith.constant 0 : i32
      %dma_wait3A_89 = tpu.memref_slice %arg12[%dma_wait3A_84, %dma_wait3A_88] : memref<2x16xi32, #tpu.memory_space<vmem>> -> memref<1x16xi32, #tpu.memory_space<vmem>>
      %dma_wait3A_90 = tpu.memref_squeeze %dma_wait3A_89 : memref<1x16xi32, #tpu.memory_space<vmem>> -> memref<16xi32, #tpu.memory_space<vmem>>
      %dma_wait3A_91 = arith.constant 0 : i32
      %dma_wait3A_92 = arith.constant 0 : i32
      %dma_wait3A_93 = tpu.memref_slice %arg2[%dma_wait3A_91, %dma_wait3A_92] : memref<1000x128xf32, #tpu.memory_space<hbm>> -> memref<1000x128xf32, #tpu.memory_space<hbm>>
      tpu.wait_indirect_dma semaphore(%arg22 : memref<!tpu.dma_semaphore, #tpu.memory_space<semaphore_mem>>) src(%dma_wait3A_93 : memref<1000x128xf32, #tpu.memory_space<hbm>>) dst(%dma_wait3A_87 : memref<16x128xf32, #tpu.memory_space<vmem>>)
      %dma_wait3A_94 = arith.constant 1 : i32
      %dma_wait3A_95 = arith.constant 16 : i32
      %dma_wait3A_96 = arith.constant 0 : i32
      %dma_wait3A_97 = tpu.memref_slice %arg16[%dma_wait3A_95, %dma_wait3A_96] : memref<416x128xf32, #tpu.memory_space<vmem>> -> memref<16x128xf32, #tpu.memory_space<vmem>>
      %dma_wait3A_98 = arith.constant 0 : i32
      %dma_wait3A_99 = tpu.memref_slice %arg12[%dma_wait3A_94, %dma_wait3A_98] : memref<2x16xi32, #tpu.memory_space<vmem>> -> memref<1x16xi32, #tpu.memory_space<vmem>>
      %dma_wait3A_100 = tpu.memref_squeeze %dma_wait3A_99 : memref<1x16xi32, #tpu.memory_space<vmem>> -> memref<16xi32, #tpu.memory_space<vmem>>
      %dma_wait3A_101 = arith.constant 0 : i32
      %dma_wait3A_102 = arith.constant 0 : i32
      %dma_wait3A_103 = tpu.memref_slice %arg3[%dma_wait3A_101, %dma_wait3A_102] : memref<1000x128xf32, #tpu.memory_space<hbm>> -> memref<1000x128xf32, #tpu.memory_space<hbm>>
      tpu.wait_indirect_dma semaphore(%arg22 : memref<!tpu.dma_semaphore, #tpu.memory_space<semaphore_mem>>) src(%dma_wait3A_103 : memref<1000x128xf32, #tpu.memory_space<hbm>>) dst(%dma_wait3A_97 : memref<16x128xf32, #tpu.memory_space<vmem>>)
      %dma_wait3A_104 = arith.constant 0 : i32
      %dma_wait3A_105 = arith.constant 32 : i32
      %dma_wait3A_106 = arith.constant 0 : i32
      %dma_wait3A_107 = tpu.memref_slice %arg16[%dma_wait3A_105, %dma_wait3A_106] : memref<416x128xf32, #tpu.memory_space<vmem>> -> memref<128x128xf32, #tpu.memory_space<vmem>>
      %dma_wait3A_108 = arith.constant 0 : i32
      %dma_wait3A_109 = tpu.memref_slice %arg14[%dma_wait3A_104, %dma_wait3A_108] : memref<3x128xi32, #tpu.memory_space<vmem>> -> memref<1x128xi32, #tpu.memory_space<vmem>>
      %dma_wait3A_110 = tpu.memref_squeeze %dma_wait3A_109 : memref<1x128xi32, #tpu.memory_space<vmem>> -> memref<128xi32, #tpu.memory_space<vmem>>
      %dma_wait3A_111 = arith.constant 0 : i32
      %dma_wait3A_112 = arith.constant 0 : i32
      %dma_wait3A_113 = tpu.memref_slice %arg4[%dma_wait3A_111, %dma_wait3A_112] : memref<100000x128xf32, #tpu.memory_space<hbm>> -> memref<100000x128xf32, #tpu.memory_space<hbm>>
      tpu.wait_indirect_dma semaphore(%arg22 : memref<!tpu.dma_semaphore, #tpu.memory_space<semaphore_mem>>) src(%dma_wait3A_113 : memref<100000x128xf32, #tpu.memory_space<hbm>>) dst(%dma_wait3A_107 : memref<128x128xf32, #tpu.memory_space<vmem>>)
      %dma_wait3A_114 = arith.constant 1 : i32
      %dma_wait3A_115 = arith.constant 160 : i32
      %dma_wait3A_116 = arith.constant 0 : i32
      %dma_wait3A_117 = tpu.memref_slice %arg16[%dma_wait3A_115, %dma_wait3A_116] : memref<416x128xf32, #tpu.memory_space<vmem>> -> memref<128x128xf32, #tpu.memory_space<vmem>>
      %dma_wait3A_118 = arith.constant 0 : i32
      %dma_wait3A_119 = tpu.memref_slice %arg14[%dma_wait3A_114, %dma_wait3A_118] : memref<3x128xi32, #tpu.memory_space<vmem>> -> memref<1x128xi32, #tpu.memory_space<vmem>>
      %dma_wait3A_120 = tpu.memref_squeeze %dma_wait3A_119 : memref<1x128xi32, #tpu.memory_space<vmem>> -> memref<128xi32, #tpu.memory_space<vmem>>
      %dma_wait3A_121 = arith.constant 0 : i32
      %dma_wait3A_122 = arith.constant 0 : i32
      %dma_wait3A_123 = tpu.memref_slice %arg5[%dma_wait3A_121, %dma_wait3A_122] : memref<100000x128xf32, #tpu.memory_space<hbm>> -> memref<100000x128xf32, #tpu.memory_space<hbm>>
      tpu.wait_indirect_dma semaphore(%arg22 : memref<!tpu.dma_semaphore, #tpu.memory_space<semaphore_mem>>) src(%dma_wait3A_123 : memref<100000x128xf32, #tpu.memory_space<hbm>>) dst(%dma_wait3A_117 : memref<128x128xf32, #tpu.memory_space<vmem>>)
      %dma_wait3A_124 = arith.constant 2 : i32
      %dma_wait3A_125 = arith.constant 288 : i32
      %dma_wait3A_126 = arith.constant 0 : i32
      %dma_wait3A_127 = tpu.memref_slice %arg16[%dma_wait3A_125, %dma_wait3A_126] : memref<416x128xf32, #tpu.memory_space<vmem>> -> memref<128x128xf32, #tpu.memory_space<vmem>>
      %dma_wait3A_128 = arith.constant 0 : i32
      %dma_wait3A_129 = tpu.memref_slice %arg14[%dma_wait3A_124, %dma_wait3A_128] : memref<3x128xi32, #tpu.memory_space<vmem>> -> memref<1x128xi32, #tpu.memory_space<vmem>>
      %dma_wait3A_130 = tpu.memref_squeeze %dma_wait3A_129 : memref<1x128xi32, #tpu.memory_space<vmem>> -> memref<128xi32, #tpu.memory_space<vmem>>
      %dma_wait3A_131 = arith.constant 0 : i32
      %dma_wait3A_132 = arith.constant 0 : i32
      %dma_wait3A_133 = tpu.memref_slice %arg6[%dma_wait3A_131, %dma_wait3A_132] : memref<1000x128xf32, #tpu.memory_space<hbm>> -> memref<1000x128xf32, #tpu.memory_space<hbm>>
      tpu.wait_indirect_dma semaphore(%arg22 : memref<!tpu.dma_semaphore, #tpu.memory_space<semaphore_mem>>) src(%dma_wait3A_133 : memref<1000x128xf32, #tpu.memory_space<hbm>>) dst(%dma_wait3A_127 : memref<128x128xf32, #tpu.memory_space<vmem>>)
      %dma_wait3A_134 = arith.constant 0 : i32
      %dma_wait3A_135 = arith.constant 0 : i32
      %dma_wait3A_136 = tpu.memref_slice %arg9[%add3A_75, %dma_wait3A_134, %dma_wait3A_135] : memref<3200x3x32xi32, #tpu.memory_space<hbm>> -> memref<1x3x32xi32, #tpu.memory_space<hbm>>
      %dma_wait3A_137 = tpu.memref_squeeze %dma_wait3A_136 : memref<1x3x32xi32, #tpu.memory_space<hbm>> -> memref<3x32xi32, #tpu.memory_space<hbm>>
      %dma_wait3A_138 = arith.constant 0 : i32
      %dma_wait3A_139 = arith.constant 0 : i32
      %dma_wait3A_140 = tpu.memref_slice %arg9[%add3A_75, %dma_wait3A_138, %dma_wait3A_139] : memref<3200x3x32xi32, #tpu.memory_space<hbm>> -> memref<1x3x32xi32, #tpu.memory_space<hbm>>
      %dma_wait3A_141 = tpu.memref_squeeze %dma_wait3A_140 : memref<1x3x32xi32, #tpu.memory_space<hbm>> -> memref<3x32xi32, #tpu.memory_space<hbm>>
      tpu.wait_dma2 semaphore(%arg22 : memref<!tpu.dma_semaphore, #tpu.memory_space<semaphore_mem>>) src(%dma_wait3A_141 : memref<3x32xi32, #tpu.memory_space<hbm>>) dst(%arg18 : memref<3x32xi32, #tpu.memory_space<vmem>>)
      %scan3A_142 = arith.constant 0 : i32
      %scan3A_143 = arith.constant 0 : i32
      %scan3A_144 = arith.constant 16 : i32
      %scan3A_145 = arith.addi %scan3A_143, %scan3A_144 : i32
      %scan3A_146 = arith.constant 1 : i32
      scf.for %scan3A_241 = %scan3A_143 to %scan3A_145 step %scan3A_146  : i32 {
        %get3A = arith.constant 0 : i32
        %get3A_242 = arith.index_cast %get3A : i32 to index
        %get3A_243 = arith.index_cast %scan3A_241 : i32 to index
        %get3A_244 = tpu.vector_load %arg18[%get3A_242, %get3A_243] {strides = array<i32>} : memref<3x32xi32, #tpu.memory_space<vmem>>, vector<1x16xi32>,
        %get3A_245 = vector.shape_cast %get3A_244 : vector<1x16xi32> to vector<16xi32>
        %slice3A = vector.extract_strided_slice %get3A_245 {offsets = [0], sizes = [1], strides = [1]} : vector<16xi32> to vector<1xi32>
        %squeeze3A = vector.extract %slice3A[0] : i32 from vector<1xi32>
        %get3A_246 = arith.index_cast %squeeze3A : i32 to index
        %get3A_247 = arith.constant 0 : index
        %get3A_248 = tpu.vector_load %arg20[%get3A_246, %get3A_247] {strides = array<i32>} : memref<9x16xf32, #tpu.memory_space<vmem>>, vector<1x16xf32>,
        %get3A_249 = vector.shape_cast %get3A_248 : vector<1x16xf32> to vector<16xf32>
        %get3A_250 = arith.constant 1 : i32
        %get3A_251 = arith.index_cast %get3A_250 : i32 to index
        %get3A_252 = arith.index_cast %scan3A_241 : i32 to index
        %get3A_253 = tpu.vector_load %arg18[%get3A_251, %get3A_252] {strides = array<i32>} : memref<3x32xi32, #tpu.memory_space<vmem>>, vector<1x16xi32>,
        %get3A_254 = vector.shape_cast %get3A_253 : vector<1x16xi32> to vector<16xi32>
        %slice3A_255 = vector.extract_strided_slice %get3A_254 {offsets = [0], sizes = [1], strides = [1]} : vector<16xi32> to vector<1xi32>
        %squeeze3A_256 = vector.extract %slice3A_255[0] : i32 from vector<1xi32>
        %get3A_257 = arith.index_cast %squeeze3A_256 : i32 to index
        %get3A_258 = arith.constant 0 : index
        %get3A_259 = tpu.vector_load %arg20[%get3A_257, %get3A_258] {strides = array<i32>} : memref<9x16xf32, #tpu.memory_space<vmem>>, vector<1x16xf32>,
        %get3A_260 = vector.shape_cast %get3A_259 : vector<1x16xf32> to vector<16xf32>
        %get3A_261 = arith.constant 2 : i32
        %get3A_262 = arith.index_cast %get3A_261 : i32 to index
        %get3A_263 = arith.index_cast %scan3A_241 : i32 to index
        %get3A_264 = tpu.vector_load %arg18[%get3A_262, %get3A_263] {strides = array<i32>} : memref<3x32xi32, #tpu.memory_space<vmem>>, vector<1x16xi32>,
        %get3A_265 = vector.shape_cast %get3A_264 : vector<1x16xi32> to vector<16xi32>
        %slice3A_266 = vector.extract_strided_slice %get3A_265 {offsets = [0], sizes = [1], strides = [1]} : vector<16xi32> to vector<1xi32>
        %squeeze3A_267 = vector.extract %slice3A_266[0] : i32 from vector<1xi32>
        %get3A_268 = arith.index_cast %squeeze3A_267 : i32 to index
        %get3A_269 = arith.constant 0 : index
        %get3A_270 = tpu.vector_load %arg20[%get3A_268, %get3A_269] {strides = array<i32>} : memref<9x16xf32, #tpu.memory_space<vmem>>, vector<1x16xf32>,
        %get3A_271 = vector.shape_cast %get3A_270 : vector<1x16xf32> to vector<16xf32>
        %get3A_272 = arith.index_cast %scan3A_241 : i32 to index
        %get3A_273 = arith.constant 0 : index
        %get3A_274 = tpu.vector_load %arg16[%get3A_272, %get3A_273] {strides = array<i32>} : memref<416x128xf32, #tpu.memory_space<vmem>>, vector<1x16xf32>,
        %get3A_275 = vector.shape_cast %get3A_274 : vector<1x16xf32> to vector<16xf32>
        %add3A_276 = arith.constant 16 : i32
        %add3A_277 = arith.addi %add3A_276, %scan3A_241 : i32
        %get3A_278 = arith.index_cast %add3A_277 : i32 to index
        %get3A_279 = arith.constant 0 : index
        %get3A_280 = tpu.vector_load %arg16[%get3A_278, %get3A_279] {strides = array<i32>} : memref<416x128xf32, #tpu.memory_space<vmem>>, vector<1x16xf32>,
        %get3A_281 = vector.shape_cast %get3A_280 : vector<1x16xf32> to vector<16xf32>
        %add3A_282 = arith.addf %get3A_275, %get3A_281 : vector<16xf32>
        %mul3A_283 = arith.constant 8 : i32
        %mul3A_284 = arith.muli %scan3A_241, %mul3A_283 : i32
        %add3A_285 = arith.constant 32 : i32
        %add3A_286 = arith.addi %add3A_285, %mul3A_284 : i32
        %get3A_287 = arith.index_cast %add3A_286 : i32 to index
        %get3A_288 = arith.constant 0 : index
        %get3A_289 = tpu.vector_load %arg16[%get3A_287, %get3A_288] {strides = array<i32>} : memref<416x128xf32, #tpu.memory_space<vmem>>, vector<1x16xf32>,
        %get3A_290 = vector.shape_cast %get3A_289 : vector<1x16xf32> to vector<16xf32>
        %add3A_291 = arith.constant 1 : i32
        %add3A_292 = arith.addi %add3A_286, %add3A_291 : i32
        %get3A_293 = arith.index_cast %add3A_292 : i32 to index
        %get3A_294 = arith.constant 0 : index
        %get3A_295 = tpu.vector_load %arg16[%get3A_293, %get3A_294] {strides = array<i32>} : memref<416x128xf32, #tpu.memory_space<vmem>>, vector<1x16xf32>,
        %get3A_296 = vector.shape_cast %get3A_295 : vector<1x16xf32> to vector<16xf32>
        %add3A_297 = arith.addf %get3A_290, %get3A_296 : vector<16xf32>
        %add3A_298 = arith.constant 2 : i32
        %add3A_299 = arith.addi %add3A_286, %add3A_298 : i32
        %get3A_300 = arith.index_cast %add3A_299 : i32 to index
        %get3A_301 = arith.constant 0 : index
        %get3A_302 = tpu.vector_load %arg16[%get3A_300, %get3A_301] {strides = array<i32>} : memref<416x128xf32, #tpu.memory_space<vmem>>, vector<1x16xf32>,
        %get3A_303 = vector.shape_cast %get3A_302 : vector<1x16xf32> to vector<16xf32>
        %add3A_304 = arith.addf %add3A_297, %get3A_303 : vector<16xf32>
        %add3A_305 = arith.constant 3 : i32
        %add3A_306 = arith.addi %add3A_286, %add3A_305 : i32
        %get3A_307 = arith.index_cast %add3A_306 : i32 to index
        %get3A_308 = arith.constant 0 : index
        %get3A_309 = tpu.vector_load %arg16[%get3A_307, %get3A_308] {strides = array<i32>} : memref<416x128xf32, #tpu.memory_space<vmem>>, vector<1x16xf32>,
        %get3A_310 = vector.shape_cast %get3A_309 : vector<1x16xf32> to vector<16xf32>
        %add3A_311 = arith.addf %add3A_304, %get3A_310 : vector<16xf32>
        %add3A_312 = arith.constant 4 : i32
        %add3A_313 = arith.addi %add3A_286, %add3A_312 : i32
        %get3A_314 = arith.index_cast %add3A_313 : i32 to index
        %get3A_315 = arith.constant 0 : index
        %get3A_316 = tpu.vector_load %arg16[%get3A_314, %get3A_315] {strides = array<i32>} : memref<416x128xf32, #tpu.memory_space<vmem>>, vector<1x16xf32>,
        %get3A_317 = vector.shape_cast %get3A_316 : vector<1x16xf32> to vector<16xf32>
        %add3A_318 = arith.addf %add3A_311, %get3A_317 : vector<16xf32>
        %add3A_319 = arith.constant 5 : i32
        %add3A_320 = arith.addi %add3A_286, %add3A_319 : i32
        %get3A_321 = arith.index_cast %add3A_320 : i32 to index
        %get3A_322 = arith.constant 0 : index
        %get3A_323 = tpu.vector_load %arg16[%get3A_321, %get3A_322] {strides = array<i32>} : memref<416x128xf32, #tpu.memory_space<vmem>>, vector<1x16xf32>,
        %get3A_324 = vector.shape_cast %get3A_323 : vector<1x16xf32> to vector<16xf32>
        %add3A_325 = arith.addf %add3A_318, %get3A_324 : vector<16xf32>
        %add3A_326 = arith.constant 6 : i32
        %add3A_327 = arith.addi %add3A_286, %add3A_326 : i32
        %get3A_328 = arith.index_cast %add3A_327 : i32 to index
        %get3A_329 = arith.constant 0 : index
        %get3A_330 = tpu.vector_load %arg16[%get3A_328, %get3A_329] {strides = array<i32>} : memref<416x128xf32, #tpu.memory_space<vmem>>, vector<1x16xf32>,
        %get3A_331 = vector.shape_cast %get3A_330 : vector<1x16xf32> to vector<16xf32>
        %add3A_332 = arith.addf %add3A_325, %get3A_331 : vector<16xf32>
        %add3A_333 = arith.constant 7 : i32
        %add3A_334 = arith.addi %add3A_286, %add3A_333 : i32
        %get3A_335 = arith.index_cast %add3A_334 : i32 to index
        %get3A_336 = arith.constant 0 : index
        %get3A_337 = tpu.vector_load %arg16[%get3A_335, %get3A_336] {strides = array<i32>} : memref<416x128xf32, #tpu.memory_space<vmem>>, vector<1x16xf32>,
        %get3A_338 = vector.shape_cast %get3A_337 : vector<1x16xf32> to vector<16xf32>
        %add3A_339 = arith.addf %add3A_332, %get3A_338 : vector<16xf32>
        %mul3A_340 = arith.mulf %add3A_339, %get3A_249 : vector<16xf32>
        %add3A_341 = arith.addf %add3A_282, %mul3A_340 : vector<16xf32>
        %mul3A_342 = arith.constant 8 : i32
        %mul3A_343 = arith.muli %scan3A_241, %mul3A_342 : i32
        %add3A_344 = arith.constant 160 : i32
        %add3A_345 = arith.addi %add3A_344, %mul3A_343 : i32
        %get3A_346 = arith.index_cast %add3A_345 : i32 to index
        %get3A_347 = arith.constant 0 : index
        %get3A_348 = tpu.vector_load %arg16[%get3A_346, %get3A_347] {strides = array<i32>} : memref<416x128xf32, #tpu.memory_space<vmem>>, vector<1x16xf32>,
        %get3A_349 = vector.shape_cast %get3A_348 : vector<1x16xf32> to vector<16xf32>
        %add3A_350 = arith.constant 1 : i32
        %add3A_351 = arith.addi %add3A_345, %add3A_350 : i32
        %get3A_352 = arith.index_cast %add3A_351 : i32 to index
        %get3A_353 = arith.constant 0 : index
        %get3A_354 = tpu.vector_load %arg16[%get3A_352, %get3A_353] {strides = array<i32>} : memref<416x128xf32, #tpu.memory_space<vmem>>, vector<1x16xf32>,
        %get3A_355 = vector.shape_cast %get3A_354 : vector<1x16xf32> to vector<16xf32>
        %add3A_356 = arith.addf %get3A_349, %get3A_355 : vector<16xf32>
        %add3A_357 = arith.constant 2 : i32
        %add3A_358 = arith.addi %add3A_345, %add3A_357 : i32
        %get3A_359 = arith.index_cast %add3A_358 : i32 to index
        %get3A_360 = arith.constant 0 : index
        %get3A_361 = tpu.vector_load %arg16[%get3A_359, %get3A_360] {strides = array<i32>} : memref<416x128xf32, #tpu.memory_space<vmem>>, vector<1x16xf32>,
        %get3A_362 = vector.shape_cast %get3A_361 : vector<1x16xf32> to vector<16xf32>
        %add3A_363 = arith.addf %add3A_356, %get3A_362 : vector<16xf32>
        %add3A_364 = arith.constant 3 : i32
        %add3A_365 = arith.addi %add3A_345, %add3A_364 : i32
        %get3A_366 = arith.index_cast %add3A_365 : i32 to index
        %get3A_367 = arith.constant 0 : index
        %get3A_368 = tpu.vector_load %arg16[%get3A_366, %get3A_367] {strides = array<i32>} : memref<416x128xf32, #tpu.memory_space<vmem>>, vector<1x16xf32>,
        %get3A_369 = vector.shape_cast %get3A_368 : vector<1x16xf32> to vector<16xf32>
        %add3A_370 = arith.addf %add3A_363, %get3A_369 : vector<16xf32>
        %add3A_371 = arith.constant 4 : i32
        %add3A_372 = arith.addi %add3A_345, %add3A_371 : i32
        %get3A_373 = arith.index_cast %add3A_372 : i32 to index
        %get3A_374 = arith.constant 0 : index
        %get3A_375 = tpu.vector_load %arg16[%get3A_373, %get3A_374] {strides = array<i32>} : memref<416x128xf32, #tpu.memory_space<vmem>>, vector<1x16xf32>,
        %get3A_376 = vector.shape_cast %get3A_375 : vector<1x16xf32> to vector<16xf32>
        %add3A_377 = arith.addf %add3A_370, %get3A_376 : vector<16xf32>
        %add3A_378 = arith.constant 5 : i32
        %add3A_379 = arith.addi %add3A_345, %add3A_378 : i32
        %get3A_380 = arith.index_cast %add3A_379 : i32 to index
        %get3A_381 = arith.constant 0 : index
        %get3A_382 = tpu.vector_load %arg16[%get3A_380, %get3A_381] {strides = array<i32>} : memref<416x128xf32, #tpu.memory_space<vmem>>, vector<1x16xf32>,
        %get3A_383 = vector.shape_cast %get3A_382 : vector<1x16xf32> to vector<16xf32>
        %add3A_384 = arith.addf %add3A_377, %get3A_383 : vector<16xf32>
        %add3A_385 = arith.constant 6 : i32
        %add3A_386 = arith.addi %add3A_345, %add3A_385 : i32
        %get3A_387 = arith.index_cast %add3A_386 : i32 to index
        %get3A_388 = arith.constant 0 : index
        %get3A_389 = tpu.vector_load %arg16[%get3A_387, %get3A_388] {strides = array<i32>} : memref<416x128xf32, #tpu.memory_space<vmem>>, vector<1x16xf32>,
        %get3A_390 = vector.shape_cast %get3A_389 : vector<1x16xf32> to vector<16xf32>
        %add3A_391 = arith.addf %add3A_384, %get3A_390 : vector<16xf32>
        %add3A_392 = arith.constant 7 : i32
        %add3A_393 = arith.addi %add3A_345, %add3A_392 : i32
        %get3A_394 = arith.index_cast %add3A_393 : i32 to index
        %get3A_395 = arith.constant 0 : index
        %get3A_396 = tpu.vector_load %arg16[%get3A_394, %get3A_395] {strides = array<i32>} : memref<416x128xf32, #tpu.memory_space<vmem>>, vector<1x16xf32>,
        %get3A_397 = vector.shape_cast %get3A_396 : vector<1x16xf32> to vector<16xf32>
        %add3A_398 = arith.addf %add3A_391, %get3A_397 : vector<16xf32>
        %mul3A_399 = arith.mulf %add3A_398, %get3A_260 : vector<16xf32>
        %add3A_400 = arith.addf %add3A_341, %mul3A_399 : vector<16xf32>
        %mul3A_401 = arith.constant 8 : i32
        %mul3A_402 = arith.muli %scan3A_241, %mul3A_401 : i32
        %add3A_403 = arith.constant 288 : i32
        %add3A_404 = arith.addi %add3A_403, %mul3A_402 : i32
        %get3A_405 = arith.index_cast %add3A_404 : i32 to index
        %get3A_406 = arith.constant 0 : index
        %get3A_407 = tpu.vector_load %arg16[%get3A_405, %get3A_406] {strides = array<i32>} : memref<416x128xf32, #tpu.memory_space<vmem>>, vector<1x16xf32>,
        %get3A_408 = vector.shape_cast %get3A_407 : vector<1x16xf32> to vector<16xf32>
        %add3A_409 = arith.constant 1 : i32
        %add3A_410 = arith.addi %add3A_404, %add3A_409 : i32
        %get3A_411 = arith.index_cast %add3A_410 : i32 to index
        %get3A_412 = arith.constant 0 : index
        %get3A_413 = tpu.vector_load %arg16[%get3A_411, %get3A_412] {strides = array<i32>} : memref<416x128xf32, #tpu.memory_space<vmem>>, vector<1x16xf32>,
        %get3A_414 = vector.shape_cast %get3A_413 : vector<1x16xf32> to vector<16xf32>
        %add3A_415 = arith.addf %get3A_408, %get3A_414 : vector<16xf32>
        %add3A_416 = arith.constant 2 : i32
        %add3A_417 = arith.addi %add3A_404, %add3A_416 : i32
        %get3A_418 = arith.index_cast %add3A_417 : i32 to index
        %get3A_419 = arith.constant 0 : index
        %get3A_420 = tpu.vector_load %arg16[%get3A_418, %get3A_419] {strides = array<i32>} : memref<416x128xf32, #tpu.memory_space<vmem>>, vector<1x16xf32>,
        %get3A_421 = vector.shape_cast %get3A_420 : vector<1x16xf32> to vector<16xf32>
        %add3A_422 = arith.addf %add3A_415, %get3A_421 : vector<16xf32>
        %add3A_423 = arith.constant 3 : i32
        %add3A_424 = arith.addi %add3A_404, %add3A_423 : i32
        %get3A_425 = arith.index_cast %add3A_424 : i32 to index
        %get3A_426 = arith.constant 0 : index
        %get3A_427 = tpu.vector_load %arg16[%get3A_425, %get3A_426] {strides = array<i32>} : memref<416x128xf32, #tpu.memory_space<vmem>>, vector<1x16xf32>,
        %get3A_428 = vector.shape_cast %get3A_427 : vector<1x16xf32> to vector<16xf32>
        %add3A_429 = arith.addf %add3A_422, %get3A_428 : vector<16xf32>
        %add3A_430 = arith.constant 4 : i32
        %add3A_431 = arith.addi %add3A_404, %add3A_430 : i32
        %get3A_432 = arith.index_cast %add3A_431 : i32 to index
        %get3A_433 = arith.constant 0 : index
        %get3A_434 = tpu.vector_load %arg16[%get3A_432, %get3A_433] {strides = array<i32>} : memref<416x128xf32, #tpu.memory_space<vmem>>, vector<1x16xf32>,
        %get3A_435 = vector.shape_cast %get3A_434 : vector<1x16xf32> to vector<16xf32>
        %add3A_436 = arith.addf %add3A_429, %get3A_435 : vector<16xf32>
        %add3A_437 = arith.constant 5 : i32
        %add3A_438 = arith.addi %add3A_404, %add3A_437 : i32
        %get3A_439 = arith.index_cast %add3A_438 : i32 to index
        %get3A_440 = arith.constant 0 : index
        %get3A_441 = tpu.vector_load %arg16[%get3A_439, %get3A_440] {strides = array<i32>} : memref<416x128xf32, #tpu.memory_space<vmem>>, vector<1x16xf32>,
        %get3A_442 = vector.shape_cast %get3A_441 : vector<1x16xf32> to vector<16xf32>
        %add3A_443 = arith.addf %add3A_436, %get3A_442 : vector<16xf32>
        %add3A_444 = arith.constant 6 : i32
        %add3A_445 = arith.addi %add3A_404, %add3A_444 : i32
        %get3A_446 = arith.index_cast %add3A_445 : i32 to index
        %get3A_447 = arith.constant 0 : index
        %get3A_448 = tpu.vector_load %arg16[%get3A_446, %get3A_447] {strides = array<i32>} : memref<416x128xf32, #tpu.memory_space<vmem>>, vector<1x16xf32>,
        %get3A_449 = vector.shape_cast %get3A_448 : vector<1x16xf32> to vector<16xf32>
        %add3A_450 = arith.addf %add3A_443, %get3A_449 : vector<16xf32>
        %add3A_451 = arith.constant 7 : i32
        %add3A_452 = arith.addi %add3A_404, %add3A_451 : i32
        %get3A_453 = arith.index_cast %add3A_452 : i32 to index
        %get3A_454 = arith.constant 0 : index
        %get3A_455 = tpu.vector_load %arg16[%get3A_453, %get3A_454] {strides = array<i32>} : memref<416x128xf32, #tpu.memory_space<vmem>>, vector<1x16xf32>,
        %get3A_456 = vector.shape_cast %get3A_455 : vector<1x16xf32> to vector<16xf32>
        %add3A_457 = arith.addf %add3A_450, %get3A_456 : vector<16xf32>
        %mul3A_458 = arith.mulf %add3A_457, %get3A_271 : vector<16xf32>
        %add3A_459 = arith.addf %add3A_400, %mul3A_458 : vector<16xf32>
        %swap3A = arith.index_cast %scan3A_241 : i32 to index
        %swap3A_460 = arith.constant 0 : index
        %swap3A_461 = tpu.vector_load %arg21[%swap3A, %swap3A_460] {strides = array<i32>} : memref<16x128xf32, #tpu.memory_space<vmem>>, vector<1x16xf32>,
        %swap3A_462 = vector.shape_cast %swap3A_461 : vector<1x16xf32> to vector<16xf32>
        %swap3A_463 = vector.shape_cast %add3A_459 : vector<16xf32> to vector<1x16xf32>
        tpu.vector_store %arg21[%swap3A, %swap3A_460], %swap3A_463 {strides = array<i32>} : memref<16x128xf32, #tpu.memory_space<vmem>>, vector<1x16xf32>,
        %get3A_464 = arith.index_cast %scan3A_241 : i32 to index
        %get3A_465 = arith.constant 16 : index
        %get3A_466 = tpu.vector_load %arg16[%get3A_464, %get3A_465] {strides = array<i32>} : memref<416x128xf32, #tpu.memory_space<vmem>>, vector<1x16xf32>,
        %get3A_467 = vector.shape_cast %get3A_466 : vector<1x16xf32> to vector<16xf32>
        %add3A_468 = arith.constant 16 : i32
        %add3A_469 = arith.addi %add3A_468, %scan3A_241 : i32
        %get3A_470 = arith.index_cast %add3A_469 : i32 to index
        %get3A_471 = arith.constant 16 : index
        %get3A_472 = tpu.vector_load %arg16[%get3A_470, %get3A_471] {strides = array<i32>} : memref<416x128xf32, #tpu.memory_space<vmem>>, vector<1x16xf32>,
        %get3A_473 = vector.shape_cast %get3A_472 : vector<1x16xf32> to vector<16xf32>
        %add3A_474 = arith.addf %get3A_467, %get3A_473 : vector<16xf32>
        %mul3A_475 = arith.constant 8 : i32
        %mul3A_476 = arith.muli %scan3A_241, %mul3A_475 : i32
        %add3A_477 = arith.constant 32 : i32
        %add3A_478 = arith.addi %add3A_477, %mul3A_476 : i32
        %get3A_479 = arith.index_cast %add3A_478 : i32 to index
        %get3A_480 = arith.constant 16 : index
        %get3A_481 = tpu.vector_load %arg16[%get3A_479, %get3A_480] {strides = array<i32>} : memref<416x128xf32, #tpu.memory_space<vmem>>, vector<1x16xf32>,
        %get3A_482 = vector.shape_cast %get3A_481 : vector<1x16xf32> to vector<16xf32>
        %add3A_483 = arith.constant 1 : i32
        %add3A_484 = arith.addi %add3A_478, %add3A_483 : i32
        %get3A_485 = arith.index_cast %add3A_484 : i32 to index
        %get3A_486 = arith.constant 16 : index
        %get3A_487 = tpu.vector_load %arg16[%get3A_485, %get3A_486] {strides = array<i32>} : memref<416x128xf32, #tpu.memory_space<vmem>>, vector<1x16xf32>,
        %get3A_488 = vector.shape_cast %get3A_487 : vector<1x16xf32> to vector<16xf32>
        %add3A_489 = arith.addf %get3A_482, %get3A_488 : vector<16xf32>
        %add3A_490 = arith.constant 2 : i32
        %add3A_491 = arith.addi %add3A_478, %add3A_490 : i32
        %get3A_492 = arith.index_cast %add3A_491 : i32 to index
        %get3A_493 = arith.constant 16 : index
        %get3A_494 = tpu.vector_load %arg16[%get3A_492, %get3A_493] {strides = array<i32>} : memref<416x128xf32, #tpu.memory_space<vmem>>, vector<1x16xf32>,
        %get3A_495 = vector.shape_cast %get3A_494 : vector<1x16xf32> to vector<16xf32>
        %add3A_496 = arith.addf %add3A_489, %get3A_495 : vector<16xf32>
        %add3A_497 = arith.constant 3 : i32
        %add3A_498 = arith.addi %add3A_478, %add3A_497 : i32
        %get3A_499 = arith.index_cast %add3A_498 : i32 to index
        %get3A_500 = arith.constant 16 : index
        %get3A_501 = tpu.vector_load %arg16[%get3A_499, %get3A_500] {strides = array<i32>} : memref<416x128xf32, #tpu.memory_space<vmem>>, vector<1x16xf32>,
        %get3A_502 = vector.shape_cast %get3A_501 : vector<1x16xf32> to vector<16xf32>
        %add3A_503 = arith.addf %add3A_496, %get3A_502 : vector<16xf32>
        %add3A_504 = arith.constant 4 : i32
        %add3A_505 = arith.addi %add3A_478, %add3A_504 : i32
        %get3A_506 = arith.index_cast %add3A_505 : i32 to index
        %get3A_507 = arith.constant 16 : index
        %get3A_508 = tpu.vector_load %arg16[%get3A_506, %get3A_507] {strides = array<i32>} : memref<416x128xf32, #tpu.memory_space<vmem>>, vector<1x16xf32>,
        %get3A_509 = vector.shape_cast %get3A_508 : vector<1x16xf32> to vector<16xf32>
        %add3A_510 = arith.addf %add3A_503, %get3A_509 : vector<16xf32>
        %add3A_511 = arith.constant 5 : i32
        %add3A_512 = arith.addi %add3A_478, %add3A_511 : i32
        %get3A_513 = arith.index_cast %add3A_512 : i32 to index
        %get3A_514 = arith.constant 16 : index
        %get3A_515 = tpu.vector_load %arg16[%get3A_513, %get3A_514] {strides = array<i32>} : memref<416x128xf32, #tpu.memory_space<vmem>>, vector<1x16xf32>,
        %get3A_516 = vector.shape_cast %get3A_515 : vector<1x16xf32> to vector<16xf32>
        %add3A_517 = arith.addf %add3A_510, %get3A_516 : vector<16xf32>
        %add3A_518 = arith.constant 6 : i32
        %add3A_519 = arith.addi %add3A_478, %add3A_518 : i32
        %get3A_520 = arith.index_cast %add3A_519 : i32 to index
        %get3A_521 = arith.constant 16 : index
        %get3A_522 = tpu.vector_load %arg16[%get3A_520, %get3A_521] {strides = array<i32>} : memref<416x128xf32, #tpu.memory_space<vmem>>, vector<1x16xf32>,
        %get3A_523 = vector.shape_cast %get3A_522 : vector<1x16xf32> to vector<16xf32>
        %add3A_524 = arith.addf %add3A_517, %get3A_523 : vector<16xf32>
        %add3A_525 = arith.constant 7 : i32
        %add3A_526 = arith.addi %add3A_478, %add3A_525 : i32
        %get3A_527 = arith.index_cast %add3A_526 : i32 to index
        %get3A_528 = arith.constant 16 : index
        %get3A_529 = tpu.vector_load %arg16[%get3A_527, %get3A_528] {strides = array<i32>} : memref<416x128xf32, #tpu.memory_space<vmem>>, vector<1x16xf32>,
        %get3A_530 = vector.shape_cast %get3A_529 : vector<1x16xf32> to vector<16xf32>
        %add3A_531 = arith.addf %add3A_524, %get3A_530 : vector<16xf32>
        %mul3A_532 = arith.mulf %add3A_531, %get3A_249 : vector<16xf32>
        %add3A_533 = arith.addf %add3A_474, %mul3A_532 : vector<16xf32>
        %mul3A_534 = arith.constant 8 : i32
        %mul3A_535 = arith.muli %scan3A_241, %mul3A_534 : i32
        %add3A_536 = arith.constant 160 : i32
        %add3A_537 = arith.addi %add3A_536, %mul3A_535 : i32
        %get3A_538 = arith.index_cast %add3A_537 : i32 to index
        %get3A_539 = arith.constant 16 : index
        %get3A_540 = tpu.vector_load %arg16[%get3A_538, %get3A_539] {strides = array<i32>} : memref<416x128xf32, #tpu.memory_space<vmem>>, vector<1x16xf32>,
        %get3A_541 = vector.shape_cast %get3A_540 : vector<1x16xf32> to vector<16xf32>
        %add3A_542 = arith.constant 1 : i32
        %add3A_543 = arith.addi %add3A_537, %add3A_542 : i32
        %get3A_544 = arith.index_cast %add3A_543 : i32 to index
        %get3A_545 = arith.constant 16 : index
        %get3A_546 = tpu.vector_load %arg16[%get3A_544, %get3A_545] {strides = array<i32>} : memref<416x128xf32, #tpu.memory_space<vmem>>, vector<1x16xf32>,
        %get3A_547 = vector.shape_cast %get3A_546 : vector<1x16xf32> to vector<16xf32>
        %add3A_548 = arith.addf %get3A_541, %get3A_547 : vector<16xf32>
        %add3A_549 = arith.constant 2 : i32
        %add3A_550 = arith.addi %add3A_537, %add3A_549 : i32
        %get3A_551 = arith.index_cast %add3A_550 : i32 to index
        %get3A_552 = arith.constant 16 : index
        %get3A_553 = tpu.vector_load %arg16[%get3A_551, %get3A_552] {strides = array<i32>} : memref<416x128xf32, #tpu.memory_space<vmem>>, vector<1x16xf32>,
        %get3A_554 = vector.shape_cast %get3A_553 : vector<1x16xf32> to vector<16xf32>
        %add3A_555 = arith.addf %add3A_548, %get3A_554 : vector<16xf32>
        %add3A_556 = arith.constant 3 : i32
        %add3A_557 = arith.addi %add3A_537, %add3A_556 : i32
        %get3A_558 = arith.index_cast %add3A_557 : i32 to index
        %get3A_559 = arith.constant 16 : index
        %get3A_560 = tpu.vector_load %arg16[%get3A_558, %get3A_559] {strides = array<i32>} : memref<416x128xf32, #tpu.memory_space<vmem>>, vector<1x16xf32>,
        %get3A_561 = vector.shape_cast %get3A_560 : vector<1x16xf32> to vector<16xf32>
        %add3A_562 = arith.addf %add3A_555, %get3A_561 : vector<16xf32>
        %add3A_563 = arith.constant 4 : i32
        %add3A_564 = arith.addi %add3A_537, %add3A_563 : i32
        %get3A_565 = arith.index_cast %add3A_564 : i32 to index
        %get3A_566 = arith.constant 16 : index
        %get3A_567 = tpu.vector_load %arg16[%get3A_565, %get3A_566] {strides = array<i32>} : memref<416x128xf32, #tpu.memory_space<vmem>>, vector<1x16xf32>,
        %get3A_568 = vector.shape_cast %get3A_567 : vector<1x16xf32> to vector<16xf32>
        %add3A_569 = arith.addf %add3A_562, %get3A_568 : vector<16xf32>
        %add3A_570 = arith.constant 5 : i32
        %add3A_571 = arith.addi %add3A_537, %add3A_570 : i32
        %get3A_572 = arith.index_cast %add3A_571 : i32 to index
        %get3A_573 = arith.constant 16 : index
        %get3A_574 = tpu.vector_load %arg16[%get3A_572, %get3A_573] {strides = array<i32>} : memref<416x128xf32, #tpu.memory_space<vmem>>, vector<1x16xf32>,
        %get3A_575 = vector.shape_cast %get3A_574 : vector<1x16xf32> to vector<16xf32>
        %add3A_576 = arith.addf %add3A_569, %get3A_575 : vector<16xf32>
        %add3A_577 = arith.constant 6 : i32
        %add3A_578 = arith.addi %add3A_537, %add3A_577 : i32
        %get3A_579 = arith.index_cast %add3A_578 : i32 to index
        %get3A_580 = arith.constant 16 : index
        %get3A_581 = tpu.vector_load %arg16[%get3A_579, %get3A_580] {strides = array<i32>} : memref<416x128xf32, #tpu.memory_space<vmem>>, vector<1x16xf32>,
        %get3A_582 = vector.shape_cast %get3A_581 : vector<1x16xf32> to vector<16xf32>
        %add3A_583 = arith.addf %add3A_576, %get3A_582 : vector<16xf32>
        %add3A_584 = arith.constant 7 : i32
        %add3A_585 = arith.addi %add3A_537, %add3A_584 : i32
        %get3A_586 = arith.index_cast %add3A_585 : i32 to index
        %get3A_587 = arith.constant 16 : index
        %get3A_588 = tpu.vector_load %arg16[%get3A_586, %get3A_587] {strides = array<i32>} : memref<416x128xf32, #tpu.memory_space<vmem>>, vector<1x16xf32>,
        %get3A_589 = vector.shape_cast %get3A_588 : vector<1x16xf32> to vector<16xf32>
        %add3A_590 = arith.addf %add3A_583, %get3A_589 : vector<16xf32>
        %mul3A_591 = arith.mulf %add3A_590, %get3A_260 : vector<16xf32>
        %add3A_592 = arith.addf %add3A_533, %mul3A_591 : vector<16xf32>
        %mul3A_593 = arith.constant 8 : i32
        %mul3A_594 = arith.muli %scan3A_241, %mul3A_593 : i32
        %add3A_595 = arith.constant 288 : i32
        %add3A_596 = arith.addi %add3A_595, %mul3A_594 : i32
        %get3A_597 = arith.index_cast %add3A_596 : i32 to index
        %get3A_598 = arith.constant 16 : index
        %get3A_599 = tpu.vector_load %arg16[%get3A_597, %get3A_598] {strides = array<i32>} : memref<416x128xf32, #tpu.memory_space<vmem>>, vector<1x16xf32>,
        %get3A_600 = vector.shape_cast %get3A_599 : vector<1x16xf32> to vector<16xf32>
        %add3A_601 = arith.constant 1 : i32
        %add3A_602 = arith.addi %add3A_596, %add3A_601 : i32
        %get3A_603 = arith.index_cast %add3A_602 : i32 to index
        %get3A_604 = arith.constant 16 : index
        %get3A_605 = tpu.vector_load %arg16[%get3A_603, %get3A_604] {strides = array<i32>} : memref<416x128xf32, #tpu.memory_space<vmem>>, vector<1x16xf32>,
        %get3A_606 = vector.shape_cast %get3A_605 : vector<1x16xf32> to vector<16xf32>
        %add3A_607 = arith.addf %get3A_600, %get3A_606 : vector<16xf32>
        %add3A_608 = arith.constant 2 : i32
        %add3A_609 = arith.addi %add3A_596, %add3A_608 : i32
        %get3A_610 = arith.index_cast %add3A_609 : i32 to index
        %get3A_611 = arith.constant 16 : index
        %get3A_612 = tpu.vector_load %arg16[%get3A_610, %get3A_611] {strides = array<i32>} : memref<416x128xf32, #tpu.memory_space<vmem>>, vector<1x16xf32>,
        %get3A_613 = vector.shape_cast %get3A_612 : vector<1x16xf32> to vector<16xf32>
        %add3A_614 = arith.addf %add3A_607, %get3A_613 : vector<16xf32>
        %add3A_615 = arith.constant 3 : i32
        %add3A_616 = arith.addi %add3A_596, %add3A_615 : i32
        %get3A_617 = arith.index_cast %add3A_616 : i32 to index
        %get3A_618 = arith.constant 16 : index
        %get3A_619 = tpu.vector_load %arg16[%get3A_617, %get3A_618] {strides = array<i32>} : memref<416x128xf32, #tpu.memory_space<vmem>>, vector<1x16xf32>,
        %get3A_620 = vector.shape_cast %get3A_619 : vector<1x16xf32> to vector<16xf32>
        %add3A_621 = arith.addf %add3A_614, %get3A_620 : vector<16xf32>
        %add3A_622 = arith.constant 4 : i32
        %add3A_623 = arith.addi %add3A_596, %add3A_622 : i32
        %get3A_624 = arith.index_cast %add3A_623 : i32 to index
        %get3A_625 = arith.constant 16 : index
        %get3A_626 = tpu.vector_load %arg16[%get3A_624, %get3A_625] {strides = array<i32>} : memref<416x128xf32, #tpu.memory_space<vmem>>, vector<1x16xf32>,
        %get3A_627 = vector.shape_cast %get3A_626 : vector<1x16xf32> to vector<16xf32>
        %add3A_628 = arith.addf %add3A_621, %get3A_627 : vector<16xf32>
        %add3A_629 = arith.constant 5 : i32
        %add3A_630 = arith.addi %add3A_596, %add3A_629 : i32
        %get3A_631 = arith.index_cast %add3A_630 : i32 to index
        %get3A_632 = arith.constant 16 : index
        %get3A_633 = tpu.vector_load %arg16[%get3A_631, %get3A_632] {strides = array<i32>} : memref<416x128xf32, #tpu.memory_space<vmem>>, vector<1x16xf32>,
        %get3A_634 = vector.shape_cast %get3A_633 : vector<1x16xf32> to vector<16xf32>
        %add3A_635 = arith.addf %add3A_628, %get3A_634 : vector<16xf32>
        %add3A_636 = arith.constant 6 : i32
        %add3A_637 = arith.addi %add3A_596, %add3A_636 : i32
        %get3A_638 = arith.index_cast %add3A_637 : i32 to index
        %get3A_639 = arith.constant 16 : index
        %get3A_640 = tpu.vector_load %arg16[%get3A_638, %get3A_639] {strides = array<i32>} : memref<416x128xf32, #tpu.memory_space<vmem>>, vector<1x16xf32>,
        %get3A_641 = vector.shape_cast %get3A_640 : vector<1x16xf32> to vector<16xf32>
        %add3A_642 = arith.addf %add3A_635, %get3A_641 : vector<16xf32>
        %add3A_643 = arith.constant 7 : i32
        %add3A_644 = arith.addi %add3A_596, %add3A_643 : i32
        %get3A_645 = arith.index_cast %add3A_644 : i32 to index
        %get3A_646 = arith.constant 16 : index
        %get3A_647 = tpu.vector_load %arg16[%get3A_645, %get3A_646] {strides = array<i32>} : memref<416x128xf32, #tpu.memory_space<vmem>>, vector<1x16xf32>,
        %get3A_648 = vector.shape_cast %get3A_647 : vector<1x16xf32> to vector<16xf32>
        %add3A_649 = arith.addf %add3A_642, %get3A_648 : vector<16xf32>
        %mul3A_650 = arith.mulf %add3A_649, %get3A_271 : vector<16xf32>
        %add3A_651 = arith.addf %add3A_592, %mul3A_650 : vector<16xf32>
        %swap3A_652 = arith.index_cast %scan3A_241 : i32 to index
        %swap3A_653 = arith.constant 16 : index
        %swap3A_654 = tpu.vector_load %arg21[%swap3A_652, %swap3A_653] {strides = array<i32>} : memref<16x128xf32, #tpu.memory_space<vmem>>, vector<1x16xf32>,
        %swap3A_655 = vector.shape_cast %swap3A_654 : vector<1x16xf32> to vector<16xf32>
        %swap3A_656 = vector.shape_cast %add3A_651 : vector<16xf32> to vector<1x16xf32>
        tpu.vector_store %arg21[%swap3A_652, %swap3A_653], %swap3A_656 {strides = array<i32>} : memref<16x128xf32, #tpu.memory_space<vmem>>, vector<1x16xf32>,
        %get3A_657 = arith.index_cast %scan3A_241 : i32 to index
        %get3A_658 = arith.constant 32 : index
        %get3A_659 = tpu.vector_load %arg16[%get3A_657, %get3A_658] {strides = array<i32>} : memref<416x128xf32, #tpu.memory_space<vmem>>, vector<1x16xf32>,
        %get3A_660 = vector.shape_cast %get3A_659 : vector<1x16xf32> to vector<16xf32>
        %add3A_661 = arith.constant 16 : i32
        %add3A_662 = arith.addi %add3A_661, %scan3A_241 : i32
        %get3A_663 = arith.index_cast %add3A_662 : i32 to index
        %get3A_664 = arith.constant 32 : index
        %get3A_665 = tpu.vector_load %arg16[%get3A_663, %get3A_664] {strides = array<i32>} : memref<416x128xf32, #tpu.memory_space<vmem>>, vector<1x16xf32>,
        %get3A_666 = vector.shape_cast %get3A_665 : vector<1x16xf32> to vector<16xf32>
        %add3A_667 = arith.addf %get3A_660, %get3A_666 : vector<16xf32>
        %mul3A_668 = arith.constant 8 : i32
        %mul3A_669 = arith.muli %scan3A_241, %mul3A_668 : i32
        %add3A_670 = arith.constant 32 : i32
        %add3A_671 = arith.addi %add3A_670, %mul3A_669 : i32
        %get3A_672 = arith.index_cast %add3A_671 : i32 to index
        %get3A_673 = arith.constant 32 : index
        %get3A_674 = tpu.vector_load %arg16[%get3A_672, %get3A_673] {strides = array<i32>} : memref<416x128xf32, #tpu.memory_space<vmem>>, vector<1x16xf32>,
        %get3A_675 = vector.shape_cast %get3A_674 : vector<1x16xf32> to vector<16xf32>
        %add3A_676 = arith.constant 1 : i32
        %add3A_677 = arith.addi %add3A_671, %add3A_676 : i32
        %get3A_678 = arith.index_cast %add3A_677 : i32 to index
        %get3A_679 = arith.constant 32 : index
        %get3A_680 = tpu.vector_load %arg16[%get3A_678, %get3A_679] {strides = array<i32>} : memref<416x128xf32, #tpu.memory_space<vmem>>, vector<1x16xf32>,
        %get3A_681 = vector.shape_cast %get3A_680 : vector<1x16xf32> to vector<16xf32>
        %add3A_682 = arith.addf %get3A_675, %get3A_681 : vector<16xf32>
        %add3A_683 = arith.constant 2 : i32
        %add3A_684 = arith.addi %add3A_671, %add3A_683 : i32
        %get3A_685 = arith.index_cast %add3A_684 : i32 to index
        %get3A_686 = arith.constant 32 : index
        %get3A_687 = tpu.vector_load %arg16[%get3A_685, %get3A_686] {strides = array<i32>} : memref<416x128xf32, #tpu.memory_space<vmem>>, vector<1x16xf32>,
        %get3A_688 = vector.shape_cast %get3A_687 : vector<1x16xf32> to vector<16xf32>
        %add3A_689 = arith.addf %add3A_682, %get3A_688 : vector<16xf32>
        %add3A_690 = arith.constant 3 : i32
        %add3A_691 = arith.addi %add3A_671, %add3A_690 : i32
        %get3A_692 = arith.index_cast %add3A_691 : i32 to index
        %get3A_693 = arith.constant 32 : index
        %get3A_694 = tpu.vector_load %arg16[%get3A_692, %get3A_693] {strides = array<i32>} : memref<416x128xf32, #tpu.memory_space<vmem>>, vector<1x16xf32>,
        %get3A_695 = vector.shape_cast %get3A_694 : vector<1x16xf32> to vector<16xf32>
        %add3A_696 = arith.addf %add3A_689, %get3A_695 : vector<16xf32>
        %add3A_697 = arith.constant 4 : i32
        %add3A_698 = arith.addi %add3A_671, %add3A_697 : i32
        %get3A_699 = arith.index_cast %add3A_698 : i32 to index
        %get3A_700 = arith.constant 32 : index
        %get3A_701 = tpu.vector_load %arg16[%get3A_699, %get3A_700] {strides = array<i32>} : memref<416x128xf32, #tpu.memory_space<vmem>>, vector<1x16xf32>,
        %get3A_702 = vector.shape_cast %get3A_701 : vector<1x16xf32> to vector<16xf32>
        %add3A_703 = arith.addf %add3A_696, %get3A_702 : vector<16xf32>
        %add3A_704 = arith.constant 5 : i32
        %add3A_705 = arith.addi %add3A_671, %add3A_704 : i32
        %get3A_706 = arith.index_cast %add3A_705 : i32 to index
        %get3A_707 = arith.constant 32 : index
        %get3A_708 = tpu.vector_load %arg16[%get3A_706, %get3A_707] {strides = array<i32>} : memref<416x128xf32, #tpu.memory_space<vmem>>, vector<1x16xf32>,
        %get3A_709 = vector.shape_cast %get3A_708 : vector<1x16xf32> to vector<16xf32>
        %add3A_710 = arith.addf %add3A_703, %get3A_709 : vector<16xf32>
        %add3A_711 = arith.constant 6 : i32
        %add3A_712 = arith.addi %add3A_671, %add3A_711 : i32
        %get3A_713 = arith.index_cast %add3A_712 : i32 to index
        %get3A_714 = arith.constant 32 : index
        %get3A_715 = tpu.vector_load %arg16[%get3A_713, %get3A_714] {strides = array<i32>} : memref<416x128xf32, #tpu.memory_space<vmem>>, vector<1x16xf32>,
        %get3A_716 = vector.shape_cast %get3A_715 : vector<1x16xf32> to vector<16xf32>
        %add3A_717 = arith.addf %add3A_710, %get3A_716 : vector<16xf32>
        %add3A_718 = arith.constant 7 : i32
        %add3A_719 = arith.addi %add3A_671, %add3A_718 : i32
        %get3A_720 = arith.index_cast %add3A_719 : i32 to index
        %get3A_721 = arith.constant 32 : index
        %get3A_722 = tpu.vector_load %arg16[%get3A_720, %get3A_721] {strides = array<i32>} : memref<416x128xf32, #tpu.memory_space<vmem>>, vector<1x16xf32>,
        %get3A_723 = vector.shape_cast %get3A_722 : vector<1x16xf32> to vector<16xf32>
        %add3A_724 = arith.addf %add3A_717, %get3A_723 : vector<16xf32>
        %mul3A_725 = arith.mulf %add3A_724, %get3A_249 : vector<16xf32>
        %add3A_726 = arith.addf %add3A_667, %mul3A_725 : vector<16xf32>
        %mul3A_727 = arith.constant 8 : i32
        %mul3A_728 = arith.muli %scan3A_241, %mul3A_727 : i32
        %add3A_729 = arith.constant 160 : i32
        %add3A_730 = arith.addi %add3A_729, %mul3A_728 : i32
        %get3A_731 = arith.index_cast %add3A_730 : i32 to index
        %get3A_732 = arith.constant 32 : index
        %get3A_733 = tpu.vector_load %arg16[%get3A_731, %get3A_732] {strides = array<i32>} : memref<416x128xf32, #tpu.memory_space<vmem>>, vector<1x16xf32>,
        %get3A_734 = vector.shape_cast %get3A_733 : vector<1x16xf32> to vector<16xf32>
        %add3A_735 = arith.constant 1 : i32
        %add3A_736 = arith.addi %add3A_730, %add3A_735 : i32
        %get3A_737 = arith.index_cast %add3A_736 : i32 to index
        %get3A_738 = arith.constant 32 : index
        %get3A_739 = tpu.vector_load %arg16[%get3A_737, %get3A_738] {strides = array<i32>} : memref<416x128xf32, #tpu.memory_space<vmem>>, vector<1x16xf32>,
        %get3A_740 = vector.shape_cast %get3A_739 : vector<1x16xf32> to vector<16xf32>
        %add3A_741 = arith.addf %get3A_734, %get3A_740 : vector<16xf32>
        %add3A_742 = arith.constant 2 : i32
        %add3A_743 = arith.addi %add3A_730, %add3A_742 : i32
        %get3A_744 = arith.index_cast %add3A_743 : i32 to index
        %get3A_745 = arith.constant 32 : index
        %get3A_746 = tpu.vector_load %arg16[%get3A_744, %get3A_745] {strides = array<i32>} : memref<416x128xf32, #tpu.memory_space<vmem>>, vector<1x16xf32>,
        %get3A_747 = vector.shape_cast %get3A_746 : vector<1x16xf32> to vector<16xf32>
        %add3A_748 = arith.addf %add3A_741, %get3A_747 : vector<16xf32>
        %add3A_749 = arith.constant 3 : i32
        %add3A_750 = arith.addi %add3A_730, %add3A_749 : i32
        %get3A_751 = arith.index_cast %add3A_750 : i32 to index
        %get3A_752 = arith.constant 32 : index
        %get3A_753 = tpu.vector_load %arg16[%get3A_751, %get3A_752] {strides = array<i32>} : memref<416x128xf32, #tpu.memory_space<vmem>>, vector<1x16xf32>,
        %get3A_754 = vector.shape_cast %get3A_753 : vector<1x16xf32> to vector<16xf32>
        %add3A_755 = arith.addf %add3A_748, %get3A_754 : vector<16xf32>
        %add3A_756 = arith.constant 4 : i32
        %add3A_757 = arith.addi %add3A_730, %add3A_756 : i32
        %get3A_758 = arith.index_cast %add3A_757 : i32 to index
        %get3A_759 = arith.constant 32 : index
        %get3A_760 = tpu.vector_load %arg16[%get3A_758, %get3A_759] {strides = array<i32>} : memref<416x128xf32, #tpu.memory_space<vmem>>, vector<1x16xf32>,
        %get3A_761 = vector.shape_cast %get3A_760 : vector<1x16xf32> to vector<16xf32>
        %add3A_762 = arith.addf %add3A_755, %get3A_761 : vector<16xf32>
        %add3A_763 = arith.constant 5 : i32
        %add3A_764 = arith.addi %add3A_730, %add3A_763 : i32
        %get3A_765 = arith.index_cast %add3A_764 : i32 to index
        %get3A_766 = arith.constant 32 : index
        %get3A_767 = tpu.vector_load %arg16[%get3A_765, %get3A_766] {strides = array<i32>} : memref<416x128xf32, #tpu.memory_space<vmem>>, vector<1x16xf32>,
        %get3A_768 = vector.shape_cast %get3A_767 : vector<1x16xf32> to vector<16xf32>
        %add3A_769 = arith.addf %add3A_762, %get3A_768 : vector<16xf32>
        %add3A_770 = arith.constant 6 : i32
        %add3A_771 = arith.addi %add3A_730, %add3A_770 : i32
        %get3A_772 = arith.index_cast %add3A_771 : i32 to index
        %get3A_773 = arith.constant 32 : index
        %get3A_774 = tpu.vector_load %arg16[%get3A_772, %get3A_773] {strides = array<i32>} : memref<416x128xf32, #tpu.memory_space<vmem>>, vector<1x16xf32>,
        %get3A_775 = vector.shape_cast %get3A_774 : vector<1x16xf32> to vector<16xf32>
        %add3A_776 = arith.addf %add3A_769, %get3A_775 : vector<16xf32>
        %add3A_777 = arith.constant 7 : i32
        %add3A_778 = arith.addi %add3A_730, %add3A_777 : i32
        %get3A_779 = arith.index_cast %add3A_778 : i32 to index
        %get3A_780 = arith.constant 32 : index
        %get3A_781 = tpu.vector_load %arg16[%get3A_779, %get3A_780] {strides = array<i32>} : memref<416x128xf32, #tpu.memory_space<vmem>>, vector<1x16xf32>,
        %get3A_782 = vector.shape_cast %get3A_781 : vector<1x16xf32> to vector<16xf32>
        %add3A_783 = arith.addf %add3A_776, %get3A_782 : vector<16xf32>
        %mul3A_784 = arith.mulf %add3A_783, %get3A_260 : vector<16xf32>
        %add3A_785 = arith.addf %add3A_726, %mul3A_784 : vector<16xf32>
        %mul3A_786 = arith.constant 8 : i32
        %mul3A_787 = arith.muli %scan3A_241, %mul3A_786 : i32
        %add3A_788 = arith.constant 288 : i32
        %add3A_789 = arith.addi %add3A_788, %mul3A_787 : i32
        %get3A_790 = arith.index_cast %add3A_789 : i32 to index
        %get3A_791 = arith.constant 32 : index
        %get3A_792 = tpu.vector_load %arg16[%get3A_790, %get3A_791] {strides = array<i32>} : memref<416x128xf32, #tpu.memory_space<vmem>>, vector<1x16xf32>,
        %get3A_793 = vector.shape_cast %get3A_792 : vector<1x16xf32> to vector<16xf32>
        %add3A_794 = arith.constant 1 : i32
        %add3A_795 = arith.addi %add3A_789, %add3A_794 : i32
        %get3A_796 = arith.index_cast %add3A_795 : i32 to index
        %get3A_797 = arith.constant 32 : index
        %get3A_798 = tpu.vector_load %arg16[%get3A_796, %get3A_797] {strides = array<i32>} : memref<416x128xf32, #tpu.memory_space<vmem>>, vector<1x16xf32>,
        %get3A_799 = vector.shape_cast %get3A_798 : vector<1x16xf32> to vector<16xf32>
        %add3A_800 = arith.addf %get3A_793, %get3A_799 : vector<16xf32>
        %add3A_801 = arith.constant 2 : i32
        %add3A_802 = arith.addi %add3A_789, %add3A_801 : i32
        %get3A_803 = arith.index_cast %add3A_802 : i32 to index
        %get3A_804 = arith.constant 32 : index
        %get3A_805 = tpu.vector_load %arg16[%get3A_803, %get3A_804] {strides = array<i32>} : memref<416x128xf32, #tpu.memory_space<vmem>>, vector<1x16xf32>,
        %get3A_806 = vector.shape_cast %get3A_805 : vector<1x16xf32> to vector<16xf32>
        %add3A_807 = arith.addf %add3A_800, %get3A_806 : vector<16xf32>
        %add3A_808 = arith.constant 3 : i32
        %add3A_809 = arith.addi %add3A_789, %add3A_808 : i32
        %get3A_810 = arith.index_cast %add3A_809 : i32 to index
        %get3A_811 = arith.constant 32 : index
        %get3A_812 = tpu.vector_load %arg16[%get3A_810, %get3A_811] {strides = array<i32>} : memref<416x128xf32, #tpu.memory_space<vmem>>, vector<1x16xf32>,
        %get3A_813 = vector.shape_cast %get3A_812 : vector<1x16xf32> to vector<16xf32>
        %add3A_814 = arith.addf %add3A_807, %get3A_813 : vector<16xf32>
        %add3A_815 = arith.constant 4 : i32
        %add3A_816 = arith.addi %add3A_789, %add3A_815 : i32
        %get3A_817 = arith.index_cast %add3A_816 : i32 to index
        %get3A_818 = arith.constant 32 : index
        %get3A_819 = tpu.vector_load %arg16[%get3A_817, %get3A_818] {strides = array<i32>} : memref<416x128xf32, #tpu.memory_space<vmem>>, vector<1x16xf32>,
        %get3A_820 = vector.shape_cast %get3A_819 : vector<1x16xf32> to vector<16xf32>
        %add3A_821 = arith.addf %add3A_814, %get3A_820 : vector<16xf32>
        %add3A_822 = arith.constant 5 : i32
        %add3A_823 = arith.addi %add3A_789, %add3A_822 : i32
        %get3A_824 = arith.index_cast %add3A_823 : i32 to index
        %get3A_825 = arith.constant 32 : index
        %get3A_826 = tpu.vector_load %arg16[%get3A_824, %get3A_825] {strides = array<i32>} : memref<416x128xf32, #tpu.memory_space<vmem>>, vector<1x16xf32>,
        %get3A_827 = vector.shape_cast %get3A_826 : vector<1x16xf32> to vector<16xf32>
        %add3A_828 = arith.addf %add3A_821, %get3A_827 : vector<16xf32>
        %add3A_829 = arith.constant 6 : i32
        %add3A_830 = arith.addi %add3A_789, %add3A_829 : i32
        %get3A_831 = arith.index_cast %add3A_830 : i32 to index
        %get3A_832 = arith.constant 32 : index
        %get3A_833 = tpu.vector_load %arg16[%get3A_831, %get3A_832] {strides = array<i32>} : memref<416x128xf32, #tpu.memory_space<vmem>>, vector<1x16xf32>,
        %get3A_834 = vector.shape_cast %get3A_833 : vector<1x16xf32> to vector<16xf32>
        %add3A_835 = arith.addf %add3A_828, %get3A_834 : vector<16xf32>
        %add3A_836 = arith.constant 7 : i32
        %add3A_837 = arith.addi %add3A_789, %add3A_836 : i32
        %get3A_838 = arith.index_cast %add3A_837 : i32 to index
        %get3A_839 = arith.constant 32 : index
        %get3A_840 = tpu.vector_load %arg16[%get3A_838, %get3A_839] {strides = array<i32>} : memref<416x128xf32, #tpu.memory_space<vmem>>, vector<1x16xf32>,
        %get3A_841 = vector.shape_cast %get3A_840 : vector<1x16xf32> to vector<16xf32>
        %add3A_842 = arith.addf %add3A_835, %get3A_841 : vector<16xf32>
        %mul3A_843 = arith.mulf %add3A_842, %get3A_271 : vector<16xf32>
        %add3A_844 = arith.addf %add3A_785, %mul3A_843 : vector<16xf32>
        %swap3A_845 = arith.index_cast %scan3A_241 : i32 to index
        %swap3A_846 = arith.constant 32 : index
        %swap3A_847 = tpu.vector_load %arg21[%swap3A_845, %swap3A_846] {strides = array<i32>} : memref<16x128xf32, #tpu.memory_space<vmem>>, vector<1x16xf32>,
        %swap3A_848 = vector.shape_cast %swap3A_847 : vector<1x16xf32> to vector<16xf32>
        %swap3A_849 = vector.shape_cast %add3A_844 : vector<16xf32> to vector<1x16xf32>
        tpu.vector_store %arg21[%swap3A_845, %swap3A_846], %swap3A_849 {strides = array<i32>} : memref<16x128xf32, #tpu.memory_space<vmem>>, vector<1x16xf32>,
        %get3A_850 = arith.index_cast %scan3A_241 : i32 to index
        %get3A_851 = arith.constant 48 : index
        %get3A_852 = tpu.vector_load %arg16[%get3A_850, %get3A_851] {strides = array<i32>} : memref<416x128xf32, #tpu.memory_space<vmem>>, vector<1x16xf32>,
        %get3A_853 = vector.shape_cast %get3A_852 : vector<1x16xf32> to vector<16xf32>
        %add3A_854 = arith.constant 16 : i32
        %add3A_855 = arith.addi %add3A_854, %scan3A_241 : i32
        %get3A_856 = arith.index_cast %add3A_855 : i32 to index
        %get3A_857 = arith.constant 48 : index
        %get3A_858 = tpu.vector_load %arg16[%get3A_856, %get3A_857] {strides = array<i32>} : memref<416x128xf32, #tpu.memory_space<vmem>>, vector<1x16xf32>,
        %get3A_859 = vector.shape_cast %get3A_858 : vector<1x16xf32> to vector<16xf32>
        %add3A_860 = arith.addf %get3A_853, %get3A_859 : vector<16xf32>
        %mul3A_861 = arith.constant 8 : i32
        %mul3A_862 = arith.muli %scan3A_241, %mul3A_861 : i32
        %add3A_863 = arith.constant 32 : i32
        %add3A_864 = arith.addi %add3A_863, %mul3A_862 : i32
        %get3A_865 = arith.index_cast %add3A_864 : i32 to index
        %get3A_866 = arith.constant 48 : index
        %get3A_867 = tpu.vector_load %arg16[%get3A_865, %get3A_866] {strides = array<i32>} : memref<416x128xf32, #tpu.memory_space<vmem>>, vector<1x16xf32>,
        %get3A_868 = vector.shape_cast %get3A_867 : vector<1x16xf32> to vector<16xf32>
        %add3A_869 = arith.constant 1 : i32
        %add3A_870 = arith.addi %add3A_864, %add3A_869 : i32
        %get3A_871 = arith.index_cast %add3A_870 : i32 to index
        %get3A_872 = arith.constant 48 : index
        %get3A_873 = tpu.vector_load %arg16[%get3A_871, %get3A_872] {strides = array<i32>} : memref<416x128xf32, #tpu.memory_space<vmem>>, vector<1x16xf32>,
        %get3A_874 = vector.shape_cast %get3A_873 : vector<1x16xf32> to vector<16xf32>
        %add3A_875 = arith.addf %get3A_868, %get3A_874 : vector<16xf32>
        %add3A_876 = arith.constant 2 : i32
        %add3A_877 = arith.addi %add3A_864, %add3A_876 : i32
        %get3A_878 = arith.index_cast %add3A_877 : i32 to index
        %get3A_879 = arith.constant 48 : index
        %get3A_880 = tpu.vector_load %arg16[%get3A_878, %get3A_879] {strides = array<i32>} : memref<416x128xf32, #tpu.memory_space<vmem>>, vector<1x16xf32>,
        %get3A_881 = vector.shape_cast %get3A_880 : vector<1x16xf32> to vector<16xf32>
        %add3A_882 = arith.addf %add3A_875, %get3A_881 : vector<16xf32>
        %add3A_883 = arith.constant 3 : i32
        %add3A_884 = arith.addi %add3A_864, %add3A_883 : i32
        %get3A_885 = arith.index_cast %add3A_884 : i32 to index
        %get3A_886 = arith.constant 48 : index
        %get3A_887 = tpu.vector_load %arg16[%get3A_885, %get3A_886] {strides = array<i32>} : memref<416x128xf32, #tpu.memory_space<vmem>>, vector<1x16xf32>,
        %get3A_888 = vector.shape_cast %get3A_887 : vector<1x16xf32> to vector<16xf32>
        %add3A_889 = arith.addf %add3A_882, %get3A_888 : vector<16xf32>
        %add3A_890 = arith.constant 4 : i32
        %add3A_891 = arith.addi %add3A_864, %add3A_890 : i32
        %get3A_892 = arith.index_cast %add3A_891 : i32 to index
        %get3A_893 = arith.constant 48 : index
        %get3A_894 = tpu.vector_load %arg16[%get3A_892, %get3A_893] {strides = array<i32>} : memref<416x128xf32, #tpu.memory_space<vmem>>, vector<1x16xf32>,
        %get3A_895 = vector.shape_cast %get3A_894 : vector<1x16xf32> to vector<16xf32>
        %add3A_896 = arith.addf %add3A_889, %get3A_895 : vector<16xf32>
        %add3A_897 = arith.constant 5 : i32
        %add3A_898 = arith.addi %add3A_864, %add3A_897 : i32
        %get3A_899 = arith.index_cast %add3A_898 : i32 to index
        %get3A_900 = arith.constant 48 : index
        %get3A_901 = tpu.vector_load %arg16[%get3A_899, %get3A_900] {strides = array<i32>} : memref<416x128xf32, #tpu.memory_space<vmem>>, vector<1x16xf32>,
        %get3A_902 = vector.shape_cast %get3A_901 : vector<1x16xf32> to vector<16xf32>
        %add3A_903 = arith.addf %add3A_896, %get3A_902 : vector<16xf32>
        %add3A_904 = arith.constant 6 : i32
        %add3A_905 = arith.addi %add3A_864, %add3A_904 : i32
        %get3A_906 = arith.index_cast %add3A_905 : i32 to index
        %get3A_907 = arith.constant 48 : index
        %get3A_908 = tpu.vector_load %arg16[%get3A_906, %get3A_907] {strides = array<i32>} : memref<416x128xf32, #tpu.memory_space<vmem>>, vector<1x16xf32>,
        %get3A_909 = vector.shape_cast %get3A_908 : vector<1x16xf32> to vector<16xf32>
        %add3A_910 = arith.addf %add3A_903, %get3A_909 : vector<16xf32>
        %add3A_911 = arith.constant 7 : i32
        %add3A_912 = arith.addi %add3A_864, %add3A_911 : i32
        %get3A_913 = arith.index_cast %add3A_912 : i32 to index
        %get3A_914 = arith.constant 48 : index
        %get3A_915 = tpu.vector_load %arg16[%get3A_913, %get3A_914] {strides = array<i32>} : memref<416x128xf32, #tpu.memory_space<vmem>>, vector<1x16xf32>,
        %get3A_916 = vector.shape_cast %get3A_915 : vector<1x16xf32> to vector<16xf32>
        %add3A_917 = arith.addf %add3A_910, %get3A_916 : vector<16xf32>
        %mul3A_918 = arith.mulf %add3A_917, %get3A_249 : vector<16xf32>
        %add3A_919 = arith.addf %add3A_860, %mul3A_918 : vector<16xf32>
        %mul3A_920 = arith.constant 8 : i32
        %mul3A_921 = arith.muli %scan3A_241, %mul3A_920 : i32
        %add3A_922 = arith.constant 160 : i32
        %add3A_923 = arith.addi %add3A_922, %mul3A_921 : i32
        %get3A_924 = arith.index_cast %add3A_923 : i32 to index
        %get3A_925 = arith.constant 48 : index
        %get3A_926 = tpu.vector_load %arg16[%get3A_924, %get3A_925] {strides = array<i32>} : memref<416x128xf32, #tpu.memory_space<vmem>>, vector<1x16xf32>,
        %get3A_927 = vector.shape_cast %get3A_926 : vector<1x16xf32> to vector<16xf32>
        %add3A_928 = arith.constant 1 : i32
        %add3A_929 = arith.addi %add3A_923, %add3A_928 : i32
        %get3A_930 = arith.index_cast %add3A_929 : i32 to index
        %get3A_931 = arith.constant 48 : index
        %get3A_932 = tpu.vector_load %arg16[%get3A_930, %get3A_931] {strides = array<i32>} : memref<416x128xf32, #tpu.memory_space<vmem>>, vector<1x16xf32>,
        %get3A_933 = vector.shape_cast %get3A_932 : vector<1x16xf32> to vector<16xf32>
        %add3A_934 = arith.addf %get3A_927, %get3A_933 : vector<16xf32>
        %add3A_935 = arith.constant 2 : i32
        %add3A_936 = arith.addi %add3A_923, %add3A_935 : i32
        %get3A_937 = arith.index_cast %add3A_936 : i32 to index
        %get3A_938 = arith.constant 48 : index
        %get3A_939 = tpu.vector_load %arg16[%get3A_937, %get3A_938] {strides = array<i32>} : memref<416x128xf32, #tpu.memory_space<vmem>>, vector<1x16xf32>,
        %get3A_940 = vector.shape_cast %get3A_939 : vector<1x16xf32> to vector<16xf32>
        %add3A_941 = arith.addf %add3A_934, %get3A_940 : vector<16xf32>
        %add3A_942 = arith.constant 3 : i32
        %add3A_943 = arith.addi %add3A_923, %add3A_942 : i32
        %get3A_944 = arith.index_cast %add3A_943 : i32 to index
        %get3A_945 = arith.constant 48 : index
        %get3A_946 = tpu.vector_load %arg16[%get3A_944, %get3A_945] {strides = array<i32>} : memref<416x128xf32, #tpu.memory_space<vmem>>, vector<1x16xf32>,
        %get3A_947 = vector.shape_cast %get3A_946 : vector<1x16xf32> to vector<16xf32>
        %add3A_948 = arith.addf %add3A_941, %get3A_947 : vector<16xf32>
        %add3A_949 = arith.constant 4 : i32
        %add3A_950 = arith.addi %add3A_923, %add3A_949 : i32
        %get3A_951 = arith.index_cast %add3A_950 : i32 to index
        %get3A_952 = arith.constant 48 : index
        %get3A_953 = tpu.vector_load %arg16[%get3A_951, %get3A_952] {strides = array<i32>} : memref<416x128xf32, #tpu.memory_space<vmem>>, vector<1x16xf32>,
        %get3A_954 = vector.shape_cast %get3A_953 : vector<1x16xf32> to vector<16xf32>
        %add3A_955 = arith.addf %add3A_948, %get3A_954 : vector<16xf32>
        %add3A_956 = arith.constant 5 : i32
        %add3A_957 = arith.addi %add3A_923, %add3A_956 : i32
        %get3A_958 = arith.index_cast %add3A_957 : i32 to index
        %get3A_959 = arith.constant 48 : index
        %get3A_960 = tpu.vector_load %arg16[%get3A_958, %get3A_959] {strides = array<i32>} : memref<416x128xf32, #tpu.memory_space<vmem>>, vector<1x16xf32>,
        %get3A_961 = vector.shape_cast %get3A_960 : vector<1x16xf32> to vector<16xf32>
        %add3A_962 = arith.addf %add3A_955, %get3A_961 : vector<16xf32>
        %add3A_963 = arith.constant 6 : i32
        %add3A_964 = arith.addi %add3A_923, %add3A_963 : i32
        %get3A_965 = arith.index_cast %add3A_964 : i32 to index
        %get3A_966 = arith.constant 48 : index
        %get3A_967 = tpu.vector_load %arg16[%get3A_965, %get3A_966] {strides = array<i32>} : memref<416x128xf32, #tpu.memory_space<vmem>>, vector<1x16xf32>,
        %get3A_968 = vector.shape_cast %get3A_967 : vector<1x16xf32> to vector<16xf32>
        %add3A_969 = arith.addf %add3A_962, %get3A_968 : vector<16xf32>
        %add3A_970 = arith.constant 7 : i32
        %add3A_971 = arith.addi %add3A_923, %add3A_970 : i32
        %get3A_972 = arith.index_cast %add3A_971 : i32 to index
        %get3A_973 = arith.constant 48 : index
        %get3A_974 = tpu.vector_load %arg16[%get3A_972, %get3A_973] {strides = array<i32>} : memref<416x128xf32, #tpu.memory_space<vmem>>, vector<1x16xf32>,
        %get3A_975 = vector.shape_cast %get3A_974 : vector<1x16xf32> to vector<16xf32>
        %add3A_976 = arith.addf %add3A_969, %get3A_975 : vector<16xf32>
        %mul3A_977 = arith.mulf %add3A_976, %get3A_260 : vector<16xf32>
        %add3A_978 = arith.addf %add3A_919, %mul3A_977 : vector<16xf32>
        %mul3A_979 = arith.constant 8 : i32
        %mul3A_980 = arith.muli %scan3A_241, %mul3A_979 : i32
        %add3A_981 = arith.constant 288 : i32
        %add3A_982 = arith.addi %add3A_981, %mul3A_980 : i32
        %get3A_983 = arith.index_cast %add3A_982 : i32 to index
        %get3A_984 = arith.constant 48 : index
        %get3A_985 = tpu.vector_load %arg16[%get3A_983, %get3A_984] {strides = array<i32>} : memref<416x128xf32, #tpu.memory_space<vmem>>, vector<1x16xf32>,
        %get3A_986 = vector.shape_cast %get3A_985 : vector<1x16xf32> to vector<16xf32>
        %add3A_987 = arith.constant 1 : i32
        %add3A_988 = arith.addi %add3A_982, %add3A_987 : i32
        %get3A_989 = arith.index_cast %add3A_988 : i32 to index
        %get3A_990 = arith.constant 48 : index
        %get3A_991 = tpu.vector_load %arg16[%get3A_989, %get3A_990] {strides = array<i32>} : memref<416x128xf32, #tpu.memory_space<vmem>>, vector<1x16xf32>,
        %get3A_992 = vector.shape_cast %get3A_991 : vector<1x16xf32> to vector<16xf32>
        %add3A_993 = arith.addf %get3A_986, %get3A_992 : vector<16xf32>
        %add3A_994 = arith.constant 2 : i32
        %add3A_995 = arith.addi %add3A_982, %add3A_994 : i32
        %get3A_996 = arith.index_cast %add3A_995 : i32 to index
        %get3A_997 = arith.constant 48 : index
        %get3A_998 = tpu.vector_load %arg16[%get3A_996, %get3A_997] {strides = array<i32>} : memref<416x128xf32, #tpu.memory_space<vmem>>, vector<1x16xf32>,
        %get3A_999 = vector.shape_cast %get3A_998 : vector<1x16xf32> to vector<16xf32>
        %add3A_1000 = arith.addf %add3A_993, %get3A_999 : vector<16xf32>
        %add3A_1001 = arith.constant 3 : i32
        %add3A_1002 = arith.addi %add3A_982, %add3A_1001 : i32
        %get3A_1003 = arith.index_cast %add3A_1002 : i32 to index
        %get3A_1004 = arith.constant 48 : index
        %get3A_1005 = tpu.vector_load %arg16[%get3A_1003, %get3A_1004] {strides = array<i32>} : memref<416x128xf32, #tpu.memory_space<vmem>>, vector<1x16xf32>,
        %get3A_1006 = vector.shape_cast %get3A_1005 : vector<1x16xf32> to vector<16xf32>
        %add3A_1007 = arith.addf %add3A_1000, %get3A_1006 : vector<16xf32>
        %add3A_1008 = arith.constant 4 : i32
        %add3A_1009 = arith.addi %add3A_982, %add3A_1008 : i32
        %get3A_1010 = arith.index_cast %add3A_1009 : i32 to index
        %get3A_1011 = arith.constant 48 : index
        %get3A_1012 = tpu.vector_load %arg16[%get3A_1010, %get3A_1011] {strides = array<i32>} : memref<416x128xf32, #tpu.memory_space<vmem>>, vector<1x16xf32>,
        %get3A_1013 = vector.shape_cast %get3A_1012 : vector<1x16xf32> to vector<16xf32>
        %add3A_1014 = arith.addf %add3A_1007, %get3A_1013 : vector<16xf32>
        %add3A_1015 = arith.constant 5 : i32
        %add3A_1016 = arith.addi %add3A_982, %add3A_1015 : i32
        %get3A_1017 = arith.index_cast %add3A_1016 : i32 to index
        %get3A_1018 = arith.constant 48 : index
        %get3A_1019 = tpu.vector_load %arg16[%get3A_1017, %get3A_1018] {strides = array<i32>} : memref<416x128xf32, #tpu.memory_space<vmem>>, vector<1x16xf32>,
        %get3A_1020 = vector.shape_cast %get3A_1019 : vector<1x16xf32> to vector<16xf32>
        %add3A_1021 = arith.addf %add3A_1014, %get3A_1020 : vector<16xf32>
        %add3A_1022 = arith.constant 6 : i32
        %add3A_1023 = arith.addi %add3A_982, %add3A_1022 : i32
        %get3A_1024 = arith.index_cast %add3A_1023 : i32 to index
        %get3A_1025 = arith.constant 48 : index
        %get3A_1026 = tpu.vector_load %arg16[%get3A_1024, %get3A_1025] {strides = array<i32>} : memref<416x128xf32, #tpu.memory_space<vmem>>, vector<1x16xf32>,
        %get3A_1027 = vector.shape_cast %get3A_1026 : vector<1x16xf32> to vector<16xf32>
        %add3A_1028 = arith.addf %add3A_1021, %get3A_1027 : vector<16xf32>
        %add3A_1029 = arith.constant 7 : i32
        %add3A_1030 = arith.addi %add3A_982, %add3A_1029 : i32
        %get3A_1031 = arith.index_cast %add3A_1030 : i32 to index
        %get3A_1032 = arith.constant 48 : index
        %get3A_1033 = tpu.vector_load %arg16[%get3A_1031, %get3A_1032] {strides = array<i32>} : memref<416x128xf32, #tpu.memory_space<vmem>>, vector<1x16xf32>,
        %get3A_1034 = vector.shape_cast %get3A_1033 : vector<1x16xf32> to vector<16xf32>
        %add3A_1035 = arith.addf %add3A_1028, %get3A_1034 : vector<16xf32>
        %mul3A_1036 = arith.mulf %add3A_1035, %get3A_271 : vector<16xf32>
        %add3A_1037 = arith.addf %add3A_978, %mul3A_1036 : vector<16xf32>
        %swap3A_1038 = arith.index_cast %scan3A_241 : i32 to index
        %swap3A_1039 = arith.constant 48 : index
        %swap3A_1040 = tpu.vector_load %arg21[%swap3A_1038, %swap3A_1039] {strides = array<i32>} : memref<16x128xf32, #tpu.memory_space<vmem>>, vector<1x16xf32>,
        %swap3A_1041 = vector.shape_cast %swap3A_1040 : vector<1x16xf32> to vector<16xf32>
        %swap3A_1042 = vector.shape_cast %add3A_1037 : vector<16xf32> to vector<1x16xf32>
        tpu.vector_store %arg21[%swap3A_1038, %swap3A_1039], %swap3A_1042 {strides = array<i32>} : memref<16x128xf32, #tpu.memory_space<vmem>>, vector<1x16xf32>,
        %get3A_1043 = arith.index_cast %scan3A_241 : i32 to index
        %get3A_1044 = arith.constant 64 : index
        %get3A_1045 = tpu.vector_load %arg16[%get3A_1043, %get3A_1044] {strides = array<i32>} : memref<416x128xf32, #tpu.memory_space<vmem>>, vector<1x16xf32>,
        %get3A_1046 = vector.shape_cast %get3A_1045 : vector<1x16xf32> to vector<16xf32>
        %add3A_1047 = arith.constant 16 : i32
        %add3A_1048 = arith.addi %add3A_1047, %scan3A_241 : i32
        %get3A_1049 = arith.index_cast %add3A_1048 : i32 to index
        %get3A_1050 = arith.constant 64 : index
        %get3A_1051 = tpu.vector_load %arg16[%get3A_1049, %get3A_1050] {strides = array<i32>} : memref<416x128xf32, #tpu.memory_space<vmem>>, vector<1x16xf32>,
        %get3A_1052 = vector.shape_cast %get3A_1051 : vector<1x16xf32> to vector<16xf32>
        %add3A_1053 = arith.addf %get3A_1046, %get3A_1052 : vector<16xf32>
        %mul3A_1054 = arith.constant 8 : i32
        %mul3A_1055 = arith.muli %scan3A_241, %mul3A_1054 : i32
        %add3A_1056 = arith.constant 32 : i32
        %add3A_1057 = arith.addi %add3A_1056, %mul3A_1055 : i32
        %get3A_1058 = arith.index_cast %add3A_1057 : i32 to index
        %get3A_1059 = arith.constant 64 : index
        %get3A_1060 = tpu.vector_load %arg16[%get3A_1058, %get3A_1059] {strides = array<i32>} : memref<416x128xf32, #tpu.memory_space<vmem>>, vector<1x16xf32>,
        %get3A_1061 = vector.shape_cast %get3A_1060 : vector<1x16xf32> to vector<16xf32>
        %add3A_1062 = arith.constant 1 : i32
        %add3A_1063 = arith.addi %add3A_1057, %add3A_1062 : i32
        %get3A_1064 = arith.index_cast %add3A_1063 : i32 to index
        %get3A_1065 = arith.constant 64 : index
        %get3A_1066 = tpu.vector_load %arg16[%get3A_1064, %get3A_1065] {strides = array<i32>} : memref<416x128xf32, #tpu.memory_space<vmem>>, vector<1x16xf32>,
        %get3A_1067 = vector.shape_cast %get3A_1066 : vector<1x16xf32> to vector<16xf32>
        %add3A_1068 = arith.addf %get3A_1061, %get3A_1067 : vector<16xf32>
        %add3A_1069 = arith.constant 2 : i32
        %add3A_1070 = arith.addi %add3A_1057, %add3A_1069 : i32
        %get3A_1071 = arith.index_cast %add3A_1070 : i32 to index
        %get3A_1072 = arith.constant 64 : index
        %get3A_1073 = tpu.vector_load %arg16[%get3A_1071, %get3A_1072] {strides = array<i32>} : memref<416x128xf32, #tpu.memory_space<vmem>>, vector<1x16xf32>,
        %get3A_1074 = vector.shape_cast %get3A_1073 : vector<1x16xf32> to vector<16xf32>
        %add3A_1075 = arith.addf %add3A_1068, %get3A_1074 : vector<16xf32>
        %add3A_1076 = arith.constant 3 : i32
        %add3A_1077 = arith.addi %add3A_1057, %add3A_1076 : i32
        %get3A_1078 = arith.index_cast %add3A_1077 : i32 to index
        %get3A_1079 = arith.constant 64 : index
        %get3A_1080 = tpu.vector_load %arg16[%get3A_1078, %get3A_1079] {strides = array<i32>} : memref<416x128xf32, #tpu.memory_space<vmem>>, vector<1x16xf32>,
        %get3A_1081 = vector.shape_cast %get3A_1080 : vector<1x16xf32> to vector<16xf32>
        %add3A_1082 = arith.addf %add3A_1075, %get3A_1081 : vector<16xf32>
        %add3A_1083 = arith.constant 4 : i32
        %add3A_1084 = arith.addi %add3A_1057, %add3A_1083 : i32
        %get3A_1085 = arith.index_cast %add3A_1084 : i32 to index
        %get3A_1086 = arith.constant 64 : index
        %get3A_1087 = tpu.vector_load %arg16[%get3A_1085, %get3A_1086] {strides = array<i32>} : memref<416x128xf32, #tpu.memory_space<vmem>>, vector<1x16xf32>,
        %get3A_1088 = vector.shape_cast %get3A_1087 : vector<1x16xf32> to vector<16xf32>
        %add3A_1089 = arith.addf %add3A_1082, %get3A_1088 : vector<16xf32>
        %add3A_1090 = arith.constant 5 : i32
        %add3A_1091 = arith.addi %add3A_1057, %add3A_1090 : i32
        %get3A_1092 = arith.index_cast %add3A_1091 : i32 to index
        %get3A_1093 = arith.constant 64 : index
        %get3A_1094 = tpu.vector_load %arg16[%get3A_1092, %get3A_1093] {strides = array<i32>} : memref<416x128xf32, #tpu.memory_space<vmem>>, vector<1x16xf32>,
        %get3A_1095 = vector.shape_cast %get3A_1094 : vector<1x16xf32> to vector<16xf32>
        %add3A_1096 = arith.addf %add3A_1089, %get3A_1095 : vector<16xf32>
        %add3A_1097 = arith.constant 6 : i32
        %add3A_1098 = arith.addi %add3A_1057, %add3A_1097 : i32
        %get3A_1099 = arith.index_cast %add3A_1098 : i32 to index
        %get3A_1100 = arith.constant 64 : index
        %get3A_1101 = tpu.vector_load %arg16[%get3A_1099, %get3A_1100] {strides = array<i32>} : memref<416x128xf32, #tpu.memory_space<vmem>>, vector<1x16xf32>,
        %get3A_1102 = vector.shape_cast %get3A_1101 : vector<1x16xf32> to vector<16xf32>
        %add3A_1103 = arith.addf %add3A_1096, %get3A_1102 : vector<16xf32>
        %add3A_1104 = arith.constant 7 : i32
        %add3A_1105 = arith.addi %add3A_1057, %add3A_1104 : i32
        %get3A_1106 = arith.index_cast %add3A_1105 : i32 to index
        %get3A_1107 = arith.constant 64 : index
        %get3A_1108 = tpu.vector_load %arg16[%get3A_1106, %get3A_1107] {strides = array<i32>} : memref<416x128xf32, #tpu.memory_space<vmem>>, vector<1x16xf32>,
        %get3A_1109 = vector.shape_cast %get3A_1108 : vector<1x16xf32> to vector<16xf32>
        %add3A_1110 = arith.addf %add3A_1103, %get3A_1109 : vector<16xf32>
        %mul3A_1111 = arith.mulf %add3A_1110, %get3A_249 : vector<16xf32>
        %add3A_1112 = arith.addf %add3A_1053, %mul3A_1111 : vector<16xf32>
        %mul3A_1113 = arith.constant 8 : i32
        %mul3A_1114 = arith.muli %scan3A_241, %mul3A_1113 : i32
        %add3A_1115 = arith.constant 160 : i32
        %add3A_1116 = arith.addi %add3A_1115, %mul3A_1114 : i32
        %get3A_1117 = arith.index_cast %add3A_1116 : i32 to index
        %get3A_1118 = arith.constant 64 : index
        %get3A_1119 = tpu.vector_load %arg16[%get3A_1117, %get3A_1118] {strides = array<i32>} : memref<416x128xf32, #tpu.memory_space<vmem>>, vector<1x16xf32>,
        %get3A_1120 = vector.shape_cast %get3A_1119 : vector<1x16xf32> to vector<16xf32>
        %add3A_1121 = arith.constant 1 : i32
        %add3A_1122 = arith.addi %add3A_1116, %add3A_1121 : i32
        %get3A_1123 = arith.index_cast %add3A_1122 : i32 to index
        %get3A_1124 = arith.constant 64 : index
        %get3A_1125 = tpu.vector_load %arg16[%get3A_1123, %get3A_1124] {strides = array<i32>} : memref<416x128xf32, #tpu.memory_space<vmem>>, vector<1x16xf32>,
        %get3A_1126 = vector.shape_cast %get3A_1125 : vector<1x16xf32> to vector<16xf32>
        %add3A_1127 = arith.addf %get3A_1120, %get3A_1126 : vector<16xf32>
        %add3A_1128 = arith.constant 2 : i32
        %add3A_1129 = arith.addi %add3A_1116, %add3A_1128 : i32
        %get3A_1130 = arith.index_cast %add3A_1129 : i32 to index
        %get3A_1131 = arith.constant 64 : index
        %get3A_1132 = tpu.vector_load %arg16[%get3A_1130, %get3A_1131] {strides = array<i32>} : memref<416x128xf32, #tpu.memory_space<vmem>>, vector<1x16xf32>,
        %get3A_1133 = vector.shape_cast %get3A_1132 : vector<1x16xf32> to vector<16xf32>
        %add3A_1134 = arith.addf %add3A_1127, %get3A_1133 : vector<16xf32>
        %add3A_1135 = arith.constant 3 : i32
        %add3A_1136 = arith.addi %add3A_1116, %add3A_1135 : i32
        %get3A_1137 = arith.index_cast %add3A_1136 : i32 to index
        %get3A_1138 = arith.constant 64 : index
        %get3A_1139 = tpu.vector_load %arg16[%get3A_1137, %get3A_1138] {strides = array<i32>} : memref<416x128xf32, #tpu.memory_space<vmem>>, vector<1x16xf32>,
        %get3A_1140 = vector.shape_cast %get3A_1139 : vector<1x16xf32> to vector<16xf32>
        %add3A_1141 = arith.addf %add3A_1134, %get3A_1140 : vector<16xf32>
        %add3A_1142 = arith.constant 4 : i32
        %add3A_1143 = arith.addi %add3A_1116, %add3A_1142 : i32
        %get3A_1144 = arith.index_cast %add3A_1143 : i32 to index
        %get3A_1145 = arith.constant 64 : index
        %get3A_1146 = tpu.vector_load %arg16[%get3A_1144, %get3A_1145] {strides = array<i32>} : memref<416x128xf32, #tpu.memory_space<vmem>>, vector<1x16xf32>,
        %get3A_1147 = vector.shape_cast %get3A_1146 : vector<1x16xf32> to vector<16xf32>
        %add3A_1148 = arith.addf %add3A_1141, %get3A_1147 : vector<16xf32>
        %add3A_1149 = arith.constant 5 : i32
        %add3A_1150 = arith.addi %add3A_1116, %add3A_1149 : i32
        %get3A_1151 = arith.index_cast %add3A_1150 : i32 to index
        %get3A_1152 = arith.constant 64 : index
        %get3A_1153 = tpu.vector_load %arg16[%get3A_1151, %get3A_1152] {strides = array<i32>} : memref<416x128xf32, #tpu.memory_space<vmem>>, vector<1x16xf32>,
        %get3A_1154 = vector.shape_cast %get3A_1153 : vector<1x16xf32> to vector<16xf32>
        %add3A_1155 = arith.addf %add3A_1148, %get3A_1154 : vector<16xf32>
        %add3A_1156 = arith.constant 6 : i32
        %add3A_1157 = arith.addi %add3A_1116, %add3A_1156 : i32
        %get3A_1158 = arith.index_cast %add3A_1157 : i32 to index
        %get3A_1159 = arith.constant 64 : index
        %get3A_1160 = tpu.vector_load %arg16[%get3A_1158, %get3A_1159] {strides = array<i32>} : memref<416x128xf32, #tpu.memory_space<vmem>>, vector<1x16xf32>,
        %get3A_1161 = vector.shape_cast %get3A_1160 : vector<1x16xf32> to vector<16xf32>
        %add3A_1162 = arith.addf %add3A_1155, %get3A_1161 : vector<16xf32>
        %add3A_1163 = arith.constant 7 : i32
        %add3A_1164 = arith.addi %add3A_1116, %add3A_1163 : i32
        %get3A_1165 = arith.index_cast %add3A_1164 : i32 to index
        %get3A_1166 = arith.constant 64 : index
        %get3A_1167 = tpu.vector_load %arg16[%get3A_1165, %get3A_1166] {strides = array<i32>} : memref<416x128xf32, #tpu.memory_space<vmem>>, vector<1x16xf32>,
        %get3A_1168 = vector.shape_cast %get3A_1167 : vector<1x16xf32> to vector<16xf32>
        %add3A_1169 = arith.addf %add3A_1162, %get3A_1168 : vector<16xf32>
        %mul3A_1170 = arith.mulf %add3A_1169, %get3A_260 : vector<16xf32>
        %add3A_1171 = arith.addf %add3A_1112, %mul3A_1170 : vector<16xf32>
        %mul3A_1172 = arith.constant 8 : i32
        %mul3A_1173 = arith.muli %scan3A_241, %mul3A_1172 : i32
        %add3A_1174 = arith.constant 288 : i32
        %add3A_1175 = arith.addi %add3A_1174, %mul3A_1173 : i32
        %get3A_1176 = arith.index_cast %add3A_1175 : i32 to index
        %get3A_1177 = arith.constant 64 : index
        %get3A_1178 = tpu.vector_load %arg16[%get3A_1176, %get3A_1177] {strides = array<i32>} : memref<416x128xf32, #tpu.memory_space<vmem>>, vector<1x16xf32>,
        %get3A_1179 = vector.shape_cast %get3A_1178 : vector<1x16xf32> to vector<16xf32>
        %add3A_1180 = arith.constant 1 : i32
        %add3A_1181 = arith.addi %add3A_1175, %add3A_1180 : i32
        %get3A_1182 = arith.index_cast %add3A_1181 : i32 to index
        %get3A_1183 = arith.constant 64 : index
        %get3A_1184 = tpu.vector_load %arg16[%get3A_1182, %get3A_1183] {strides = array<i32>} : memref<416x128xf32, #tpu.memory_space<vmem>>, vector<1x16xf32>,
        %get3A_1185 = vector.shape_cast %get3A_1184 : vector<1x16xf32> to vector<16xf32>
        %add3A_1186 = arith.addf %get3A_1179, %get3A_1185 : vector<16xf32>
        %add3A_1187 = arith.constant 2 : i32
        %add3A_1188 = arith.addi %add3A_1175, %add3A_1187 : i32
        %get3A_1189 = arith.index_cast %add3A_1188 : i32 to index
        %get3A_1190 = arith.constant 64 : index
        %get3A_1191 = tpu.vector_load %arg16[%get3A_1189, %get3A_1190] {strides = array<i32>} : memref<416x128xf32, #tpu.memory_space<vmem>>, vector<1x16xf32>,
        %get3A_1192 = vector.shape_cast %get3A_1191 : vector<1x16xf32> to vector<16xf32>
        %add3A_1193 = arith.addf %add3A_1186, %get3A_1192 : vector<16xf32>
        %add3A_1194 = arith.constant 3 : i32
        %add3A_1195 = arith.addi %add3A_1175, %add3A_1194 : i32
        %get3A_1196 = arith.index_cast %add3A_1195 : i32 to index
        %get3A_1197 = arith.constant 64 : index
        %get3A_1198 = tpu.vector_load %arg16[%get3A_1196, %get3A_1197] {strides = array<i32>} : memref<416x128xf32, #tpu.memory_space<vmem>>, vector<1x16xf32>,
        %get3A_1199 = vector.shape_cast %get3A_1198 : vector<1x16xf32> to vector<16xf32>
        %add3A_1200 = arith.addf %add3A_1193, %get3A_1199 : vector<16xf32>
        %add3A_1201 = arith.constant 4 : i32
        %add3A_1202 = arith.addi %add3A_1175, %add3A_1201 : i32
        %get3A_1203 = arith.index_cast %add3A_1202 : i32 to index
        %get3A_1204 = arith.constant 64 : index
        %get3A_1205 = tpu.vector_load %arg16[%get3A_1203, %get3A_1204] {strides = array<i32>} : memref<416x128xf32, #tpu.memory_space<vmem>>, vector<1x16xf32>,
        %get3A_1206 = vector.shape_cast %get3A_1205 : vector<1x16xf32> to vector<16xf32>
        %add3A_1207 = arith.addf %add3A_1200, %get3A_1206 : vector<16xf32>
        %add3A_1208 = arith.constant 5 : i32
        %add3A_1209 = arith.addi %add3A_1175, %add3A_1208 : i32
        %get3A_1210 = arith.index_cast %add3A_1209 : i32 to index
        %get3A_1211 = arith.constant 64 : index
        %get3A_1212 = tpu.vector_load %arg16[%get3A_1210, %get3A_1211] {strides = array<i32>} : memref<416x128xf32, #tpu.memory_space<vmem>>, vector<1x16xf32>,
        %get3A_1213 = vector.shape_cast %get3A_1212 : vector<1x16xf32> to vector<16xf32>
        %add3A_1214 = arith.addf %add3A_1207, %get3A_1213 : vector<16xf32>
        %add3A_1215 = arith.constant 6 : i32
        %add3A_1216 = arith.addi %add3A_1175, %add3A_1215 : i32
        %get3A_1217 = arith.index_cast %add3A_1216 : i32 to index
        %get3A_1218 = arith.constant 64 : index
        %get3A_1219 = tpu.vector_load %arg16[%get3A_1217, %get3A_1218] {strides = array<i32>} : memref<416x128xf32, #tpu.memory_space<vmem>>, vector<1x16xf32>,
        %get3A_1220 = vector.shape_cast %get3A_1219 : vector<1x16xf32> to vector<16xf32>
        %add3A_1221 = arith.addf %add3A_1214, %get3A_1220 : vector<16xf32>
        %add3A_1222 = arith.constant 7 : i32
        %add3A_1223 = arith.addi %add3A_1175, %add3A_1222 : i32
        %get3A_1224 = arith.index_cast %add3A_1223 : i32 to index
        %get3A_1225 = arith.constant 64 : index
        %get3A_1226 = tpu.vector_load %arg16[%get3A_1224, %get3A_1225] {strides = array<i32>} : memref<416x128xf32, #tpu.memory_space<vmem>>, vector<1x16xf32>,
        %get3A_1227 = vector.shape_cast %get3A_1226 : vector<1x16xf32> to vector<16xf32>
        %add3A_1228 = arith.addf %add3A_1221, %get3A_1227 : vector<16xf32>
        %mul3A_1229 = arith.mulf %add3A_1228, %get3A_271 : vector<16xf32>
        %add3A_1230 = arith.addf %add3A_1171, %mul3A_1229 : vector<16xf32>
        %swap3A_1231 = arith.index_cast %scan3A_241 : i32 to index
        %swap3A_1232 = arith.constant 64 : index
        %swap3A_1233 = tpu.vector_load %arg21[%swap3A_1231, %swap3A_1232] {strides = array<i32>} : memref<16x128xf32, #tpu.memory_space<vmem>>, vector<1x16xf32>,
        %swap3A_1234 = vector.shape_cast %swap3A_1233 : vector<1x16xf32> to vector<16xf32>
        %swap3A_1235 = vector.shape_cast %add3A_1230 : vector<16xf32> to vector<1x16xf32>
        tpu.vector_store %arg21[%swap3A_1231, %swap3A_1232], %swap3A_1235 {strides = array<i32>} : memref<16x128xf32, #tpu.memory_space<vmem>>, vector<1x16xf32>,
        %get3A_1236 = arith.index_cast %scan3A_241 : i32 to index
        %get3A_1237 = arith.constant 80 : index
        %get3A_1238 = tpu.vector_load %arg16[%get3A_1236, %get3A_1237] {strides = array<i32>} : memref<416x128xf32, #tpu.memory_space<vmem>>, vector<1x16xf32>,
        %get3A_1239 = vector.shape_cast %get3A_1238 : vector<1x16xf32> to vector<16xf32>
        %add3A_1240 = arith.constant 16 : i32
        %add3A_1241 = arith.addi %add3A_1240, %scan3A_241 : i32
        %get3A_1242 = arith.index_cast %add3A_1241 : i32 to index
        %get3A_1243 = arith.constant 80 : index
        %get3A_1244 = tpu.vector_load %arg16[%get3A_1242, %get3A_1243] {strides = array<i32>} : memref<416x128xf32, #tpu.memory_space<vmem>>, vector<1x16xf32>,
        %get3A_1245 = vector.shape_cast %get3A_1244 : vector<1x16xf32> to vector<16xf32>
        %add3A_1246 = arith.addf %get3A_1239, %get3A_1245 : vector<16xf32>
        %mul3A_1247 = arith.constant 8 : i32
        %mul3A_1248 = arith.muli %scan3A_241, %mul3A_1247 : i32
        %add3A_1249 = arith.constant 32 : i32
        %add3A_1250 = arith.addi %add3A_1249, %mul3A_1248 : i32
        %get3A_1251 = arith.index_cast %add3A_1250 : i32 to index
        %get3A_1252 = arith.constant 80 : index
        %get3A_1253 = tpu.vector_load %arg16[%get3A_1251, %get3A_1252] {strides = array<i32>} : memref<416x128xf32, #tpu.memory_space<vmem>>, vector<1x16xf32>,
        %get3A_1254 = vector.shape_cast %get3A_1253 : vector<1x16xf32> to vector<16xf32>
        %add3A_1255 = arith.constant 1 : i32
        %add3A_1256 = arith.addi %add3A_1250, %add3A_1255 : i32
        %get3A_1257 = arith.index_cast %add3A_1256 : i32 to index
        %get3A_1258 = arith.constant 80 : index
        %get3A_1259 = tpu.vector_load %arg16[%get3A_1257, %get3A_1258] {strides = array<i32>} : memref<416x128xf32, #tpu.memory_space<vmem>>, vector<1x16xf32>,
        %get3A_1260 = vector.shape_cast %get3A_1259 : vector<1x16xf32> to vector<16xf32>
        %add3A_1261 = arith.addf %get3A_1254, %get3A_1260 : vector<16xf32>
        %add3A_1262 = arith.constant 2 : i32
        %add3A_1263 = arith.addi %add3A_1250, %add3A_1262 : i32
        %get3A_1264 = arith.index_cast %add3A_1263 : i32 to index
        %get3A_1265 = arith.constant 80 : index
        %get3A_1266 = tpu.vector_load %arg16[%get3A_1264, %get3A_1265] {strides = array<i32>} : memref<416x128xf32, #tpu.memory_space<vmem>>, vector<1x16xf32>,
        %get3A_1267 = vector.shape_cast %get3A_1266 : vector<1x16xf32> to vector<16xf32>
        %add3A_1268 = arith.addf %add3A_1261, %get3A_1267 : vector<16xf32>
        %add3A_1269 = arith.constant 3 : i32
        %add3A_1270 = arith.addi %add3A_1250, %add3A_1269 : i32
        %get3A_1271 = arith.index_cast %add3A_1270 : i32 to index
        %get3A_1272 = arith.constant 80 : index
        %get3A_1273 = tpu.vector_load %arg16[%get3A_1271, %get3A_1272] {strides = array<i32>} : memref<416x128xf32, #tpu.memory_space<vmem>>, vector<1x16xf32>,
        %get3A_1274 = vector.shape_cast %get3A_1273 : vector<1x16xf32> to vector<16xf32>
        %add3A_1275 = arith.addf %add3A_1268, %get3A_1274 : vector<16xf32>
        %add3A_1276 = arith.constant 4 : i32
        %add3A_1277 = arith.addi %add3A_1250, %add3A_1276 : i32
        %get3A_1278 = arith.index_cast %add3A_1277 : i32 to index
        %get3A_1279 = arith.constant 80 : index
        %get3A_1280 = tpu.vector_load %arg16[%get3A_1278, %get3A_1279] {strides = array<i32>} : memref<416x128xf32, #tpu.memory_space<vmem>>, vector<1x16xf32>,
        %get3A_1281 = vector.shape_cast %get3A_1280 : vector<1x16xf32> to vector<16xf32>
        %add3A_1282 = arith.addf %add3A_1275, %get3A_1281 : vector<16xf32>
        %add3A_1283 = arith.constant 5 : i32
        %add3A_1284 = arith.addi %add3A_1250, %add3A_1283 : i32
        %get3A_1285 = arith.index_cast %add3A_1284 : i32 to index
        %get3A_1286 = arith.constant 80 : index
        %get3A_1287 = tpu.vector_load %arg16[%get3A_1285, %get3A_1286] {strides = array<i32>} : memref<416x128xf32, #tpu.memory_space<vmem>>, vector<1x16xf32>,
        %get3A_1288 = vector.shape_cast %get3A_1287 : vector<1x16xf32> to vector<16xf32>
        %add3A_1289 = arith.addf %add3A_1282, %get3A_1288 : vector<16xf32>
        %add3A_1290 = arith.constant 6 : i32
        %add3A_1291 = arith.addi %add3A_1250, %add3A_1290 : i32
        %get3A_1292 = arith.index_cast %add3A_1291 : i32 to index
        %get3A_1293 = arith.constant 80 : index
        %get3A_1294 = tpu.vector_load %arg16[%get3A_1292, %get3A_1293] {strides = array<i32>} : memref<416x128xf32, #tpu.memory_space<vmem>>, vector<1x16xf32>,
        %get3A_1295 = vector.shape_cast %get3A_1294 : vector<1x16xf32> to vector<16xf32>
        %add3A_1296 = arith.addf %add3A_1289, %get3A_1295 : vector<16xf32>
        %add3A_1297 = arith.constant 7 : i32
        %add3A_1298 = arith.addi %add3A_1250, %add3A_1297 : i32
        %get3A_1299 = arith.index_cast %add3A_1298 : i32 to index
        %get3A_1300 = arith.constant 80 : index
        %get3A_1301 = tpu.vector_load %arg16[%get3A_1299, %get3A_1300] {strides = array<i32>} : memref<416x128xf32, #tpu.memory_space<vmem>>, vector<1x16xf32>,
        %get3A_1302 = vector.shape_cast %get3A_1301 : vector<1x16xf32> to vector<16xf32>
        %add3A_1303 = arith.addf %add3A_1296, %get3A_1302 : vector<16xf32>
        %mul3A_1304 = arith.mulf %add3A_1303, %get3A_249 : vector<16xf32>
        %add3A_1305 = arith.addf %add3A_1246, %mul3A_1304 : vector<16xf32>
        %mul3A_1306 = arith.constant 8 : i32
        %mul3A_1307 = arith.muli %scan3A_241, %mul3A_1306 : i32
        %add3A_1308 = arith.constant 160 : i32
        %add3A_1309 = arith.addi %add3A_1308, %mul3A_1307 : i32
        %get3A_1310 = arith.index_cast %add3A_1309 : i32 to index
        %get3A_1311 = arith.constant 80 : index
        %get3A_1312 = tpu.vector_load %arg16[%get3A_1310, %get3A_1311] {strides = array<i32>} : memref<416x128xf32, #tpu.memory_space<vmem>>, vector<1x16xf32>,
        %get3A_1313 = vector.shape_cast %get3A_1312 : vector<1x16xf32> to vector<16xf32>
        %add3A_1314 = arith.constant 1 : i32
        %add3A_1315 = arith.addi %add3A_1309, %add3A_1314 : i32
        %get3A_1316 = arith.index_cast %add3A_1315 : i32 to index
        %get3A_1317 = arith.constant 80 : index
        %get3A_1318 = tpu.vector_load %arg16[%get3A_1316, %get3A_1317] {strides = array<i32>} : memref<416x128xf32, #tpu.memory_space<vmem>>, vector<1x16xf32>,
        %get3A_1319 = vector.shape_cast %get3A_1318 : vector<1x16xf32> to vector<16xf32>
        %add3A_1320 = arith.addf %get3A_1313, %get3A_1319 : vector<16xf32>
        %add3A_1321 = arith.constant 2 : i32
        %add3A_1322 = arith.addi %add3A_1309, %add3A_1321 : i32
        %get3A_1323 = arith.index_cast %add3A_1322 : i32 to index
        %get3A_1324 = arith.constant 80 : index
        %get3A_1325 = tpu.vector_load %arg16[%get3A_1323, %get3A_1324] {strides = array<i32>} : memref<416x128xf32, #tpu.memory_space<vmem>>, vector<1x16xf32>,
        %get3A_1326 = vector.shape_cast %get3A_1325 : vector<1x16xf32> to vector<16xf32>
        %add3A_1327 = arith.addf %add3A_1320, %get3A_1326 : vector<16xf32>
        %add3A_1328 = arith.constant 3 : i32
        %add3A_1329 = arith.addi %add3A_1309, %add3A_1328 : i32
        %get3A_1330 = arith.index_cast %add3A_1329 : i32 to index
        %get3A_1331 = arith.constant 80 : index
        %get3A_1332 = tpu.vector_load %arg16[%get3A_1330, %get3A_1331] {strides = array<i32>} : memref<416x128xf32, #tpu.memory_space<vmem>>, vector<1x16xf32>,
        %get3A_1333 = vector.shape_cast %get3A_1332 : vector<1x16xf32> to vector<16xf32>
        %add3A_1334 = arith.addf %add3A_1327, %get3A_1333 : vector<16xf32>
        %add3A_1335 = arith.constant 4 : i32
        %add3A_1336 = arith.addi %add3A_1309, %add3A_1335 : i32
        %get3A_1337 = arith.index_cast %add3A_1336 : i32 to index
        %get3A_1338 = arith.constant 80 : index
        %get3A_1339 = tpu.vector_load %arg16[%get3A_1337, %get3A_1338] {strides = array<i32>} : memref<416x128xf32, #tpu.memory_space<vmem>>, vector<1x16xf32>,
        %get3A_1340 = vector.shape_cast %get3A_1339 : vector<1x16xf32> to vector<16xf32>
        %add3A_1341 = arith.addf %add3A_1334, %get3A_1340 : vector<16xf32>
        %add3A_1342 = arith.constant 5 : i32
        %add3A_1343 = arith.addi %add3A_1309, %add3A_1342 : i32
        %get3A_1344 = arith.index_cast %add3A_1343 : i32 to index
        %get3A_1345 = arith.constant 80 : index
        %get3A_1346 = tpu.vector_load %arg16[%get3A_1344, %get3A_1345] {strides = array<i32>} : memref<416x128xf32, #tpu.memory_space<vmem>>, vector<1x16xf32>,
        %get3A_1347 = vector.shape_cast %get3A_1346 : vector<1x16xf32> to vector<16xf32>
        %add3A_1348 = arith.addf %add3A_1341, %get3A_1347 : vector<16xf32>
        %add3A_1349 = arith.constant 6 : i32
        %add3A_1350 = arith.addi %add3A_1309, %add3A_1349 : i32
        %get3A_1351 = arith.index_cast %add3A_1350 : i32 to index
        %get3A_1352 = arith.constant 80 : index
        %get3A_1353 = tpu.vector_load %arg16[%get3A_1351, %get3A_1352] {strides = array<i32>} : memref<416x128xf32, #tpu.memory_space<vmem>>, vector<1x16xf32>,
        %get3A_1354 = vector.shape_cast %get3A_1353 : vector<1x16xf32> to vector<16xf32>
        %add3A_1355 = arith.addf %add3A_1348, %get3A_1354 : vector<16xf32>
        %add3A_1356 = arith.constant 7 : i32
        %add3A_1357 = arith.addi %add3A_1309, %add3A_1356 : i32
        %get3A_1358 = arith.index_cast %add3A_1357 : i32 to index
        %get3A_1359 = arith.constant 80 : index
        %get3A_1360 = tpu.vector_load %arg16[%get3A_1358, %get3A_1359] {strides = array<i32>} : memref<416x128xf32, #tpu.memory_space<vmem>>, vector<1x16xf32>,
        %get3A_1361 = vector.shape_cast %get3A_1360 : vector<1x16xf32> to vector<16xf32>
        %add3A_1362 = arith.addf %add3A_1355, %get3A_1361 : vector<16xf32>
        %mul3A_1363 = arith.mulf %add3A_1362, %get3A_260 : vector<16xf32>
        %add3A_1364 = arith.addf %add3A_1305, %mul3A_1363 : vector<16xf32>
        %mul3A_1365 = arith.constant 8 : i32
        %mul3A_1366 = arith.muli %scan3A_241, %mul3A_1365 : i32
        %add3A_1367 = arith.constant 288 : i32
        %add3A_1368 = arith.addi %add3A_1367, %mul3A_1366 : i32
        %get3A_1369 = arith.index_cast %add3A_1368 : i32 to index
        %get3A_1370 = arith.constant 80 : index
        %get3A_1371 = tpu.vector_load %arg16[%get3A_1369, %get3A_1370] {strides = array<i32>} : memref<416x128xf32, #tpu.memory_space<vmem>>, vector<1x16xf32>,
        %get3A_1372 = vector.shape_cast %get3A_1371 : vector<1x16xf32> to vector<16xf32>
        %add3A_1373 = arith.constant 1 : i32
        %add3A_1374 = arith.addi %add3A_1368, %add3A_1373 : i32
        %get3A_1375 = arith.index_cast %add3A_1374 : i32 to index
        %get3A_1376 = arith.constant 80 : index
        %get3A_1377 = tpu.vector_load %arg16[%get3A_1375, %get3A_1376] {strides = array<i32>} : memref<416x128xf32, #tpu.memory_space<vmem>>, vector<1x16xf32>,
        %get3A_1378 = vector.shape_cast %get3A_1377 : vector<1x16xf32> to vector<16xf32>
        %add3A_1379 = arith.addf %get3A_1372, %get3A_1378 : vector<16xf32>
        %add3A_1380 = arith.constant 2 : i32
        %add3A_1381 = arith.addi %add3A_1368, %add3A_1380 : i32
        %get3A_1382 = arith.index_cast %add3A_1381 : i32 to index
        %get3A_1383 = arith.constant 80 : index
        %get3A_1384 = tpu.vector_load %arg16[%get3A_1382, %get3A_1383] {strides = array<i32>} : memref<416x128xf32, #tpu.memory_space<vmem>>, vector<1x16xf32>,
        %get3A_1385 = vector.shape_cast %get3A_1384 : vector<1x16xf32> to vector<16xf32>
        %add3A_1386 = arith.addf %add3A_1379, %get3A_1385 : vector<16xf32>
        %add3A_1387 = arith.constant 3 : i32
        %add3A_1388 = arith.addi %add3A_1368, %add3A_1387 : i32
        %get3A_1389 = arith.index_cast %add3A_1388 : i32 to index
        %get3A_1390 = arith.constant 80 : index
        %get3A_1391 = tpu.vector_load %arg16[%get3A_1389, %get3A_1390] {strides = array<i32>} : memref<416x128xf32, #tpu.memory_space<vmem>>, vector<1x16xf32>,
        %get3A_1392 = vector.shape_cast %get3A_1391 : vector<1x16xf32> to vector<16xf32>
        %add3A_1393 = arith.addf %add3A_1386, %get3A_1392 : vector<16xf32>
        %add3A_1394 = arith.constant 4 : i32
        %add3A_1395 = arith.addi %add3A_1368, %add3A_1394 : i32
        %get3A_1396 = arith.index_cast %add3A_1395 : i32 to index
        %get3A_1397 = arith.constant 80 : index
        %get3A_1398 = tpu.vector_load %arg16[%get3A_1396, %get3A_1397] {strides = array<i32>} : memref<416x128xf32, #tpu.memory_space<vmem>>, vector<1x16xf32>,
        %get3A_1399 = vector.shape_cast %get3A_1398 : vector<1x16xf32> to vector<16xf32>
        %add3A_1400 = arith.addf %add3A_1393, %get3A_1399 : vector<16xf32>
        %add3A_1401 = arith.constant 5 : i32
        %add3A_1402 = arith.addi %add3A_1368, %add3A_1401 : i32
        %get3A_1403 = arith.index_cast %add3A_1402 : i32 to index
        %get3A_1404 = arith.constant 80 : index
        %get3A_1405 = tpu.vector_load %arg16[%get3A_1403, %get3A_1404] {strides = array<i32>} : memref<416x128xf32, #tpu.memory_space<vmem>>, vector<1x16xf32>,
        %get3A_1406 = vector.shape_cast %get3A_1405 : vector<1x16xf32> to vector<16xf32>
        %add3A_1407 = arith.addf %add3A_1400, %get3A_1406 : vector<16xf32>
        %add3A_1408 = arith.constant 6 : i32
        %add3A_1409 = arith.addi %add3A_1368, %add3A_1408 : i32
        %get3A_1410 = arith.index_cast %add3A_1409 : i32 to index
        %get3A_1411 = arith.constant 80 : index
        %get3A_1412 = tpu.vector_load %arg16[%get3A_1410, %get3A_1411] {strides = array<i32>} : memref<416x128xf32, #tpu.memory_space<vmem>>, vector<1x16xf32>,
        %get3A_1413 = vector.shape_cast %get3A_1412 : vector<1x16xf32> to vector<16xf32>
        %add3A_1414 = arith.addf %add3A_1407, %get3A_1413 : vector<16xf32>
        %add3A_1415 = arith.constant 7 : i32
        %add3A_1416 = arith.addi %add3A_1368, %add3A_1415 : i32
        %get3A_1417 = arith.index_cast %add3A_1416 : i32 to index
        %get3A_1418 = arith.constant 80 : index
        %get3A_1419 = tpu.vector_load %arg16[%get3A_1417, %get3A_1418] {strides = array<i32>} : memref<416x128xf32, #tpu.memory_space<vmem>>, vector<1x16xf32>,
        %get3A_1420 = vector.shape_cast %get3A_1419 : vector<1x16xf32> to vector<16xf32>
        %add3A_1421 = arith.addf %add3A_1414, %get3A_1420 : vector<16xf32>
        %mul3A_1422 = arith.mulf %add3A_1421, %get3A_271 : vector<16xf32>
        %add3A_1423 = arith.addf %add3A_1364, %mul3A_1422 : vector<16xf32>
        %swap3A_1424 = arith.index_cast %scan3A_241 : i32 to index
        %swap3A_1425 = arith.constant 80 : index
        %swap3A_1426 = tpu.vector_load %arg21[%swap3A_1424, %swap3A_1425] {strides = array<i32>} : memref<16x128xf32, #tpu.memory_space<vmem>>, vector<1x16xf32>,
        %swap3A_1427 = vector.shape_cast %swap3A_1426 : vector<1x16xf32> to vector<16xf32>
        %swap3A_1428 = vector.shape_cast %add3A_1423 : vector<16xf32> to vector<1x16xf32>
        tpu.vector_store %arg21[%swap3A_1424, %swap3A_1425], %swap3A_1428 {strides = array<i32>} : memref<16x128xf32, #tpu.memory_space<vmem>>, vector<1x16xf32>,
        %get3A_1429 = arith.index_cast %scan3A_241 : i32 to index
        %get3A_1430 = arith.constant 96 : index
        %get3A_1431 = tpu.vector_load %arg16[%get3A_1429, %get3A_1430] {strides = array<i32>} : memref<416x128xf32, #tpu.memory_space<vmem>>, vector<1x16xf32>,
        %get3A_1432 = vector.shape_cast %get3A_1431 : vector<1x16xf32> to vector<16xf32>
        %add3A_1433 = arith.constant 16 : i32
        %add3A_1434 = arith.addi %add3A_1433, %scan3A_241 : i32
        %get3A_1435 = arith.index_cast %add3A_1434 : i32 to index
        %get3A_1436 = arith.constant 96 : index
        %get3A_1437 = tpu.vector_load %arg16[%get3A_1435, %get3A_1436] {strides = array<i32>} : memref<416x128xf32, #tpu.memory_space<vmem>>, vector<1x16xf32>,
        %get3A_1438 = vector.shape_cast %get3A_1437 : vector<1x16xf32> to vector<16xf32>
        %add3A_1439 = arith.addf %get3A_1432, %get3A_1438 : vector<16xf32>
        %mul3A_1440 = arith.constant 8 : i32
        %mul3A_1441 = arith.muli %scan3A_241, %mul3A_1440 : i32
        %add3A_1442 = arith.constant 32 : i32
        %add3A_1443 = arith.addi %add3A_1442, %mul3A_1441 : i32
        %get3A_1444 = arith.index_cast %add3A_1443 : i32 to index
        %get3A_1445 = arith.constant 96 : index
        %get3A_1446 = tpu.vector_load %arg16[%get3A_1444, %get3A_1445] {strides = array<i32>} : memref<416x128xf32, #tpu.memory_space<vmem>>, vector<1x16xf32>,
        %get3A_1447 = vector.shape_cast %get3A_1446 : vector<1x16xf32> to vector<16xf32>
        %add3A_1448 = arith.constant 1 : i32
        %add3A_1449 = arith.addi %add3A_1443, %add3A_1448 : i32
        %get3A_1450 = arith.index_cast %add3A_1449 : i32 to index
        %get3A_1451 = arith.constant 96 : index
        %get3A_1452 = tpu.vector_load %arg16[%get3A_1450, %get3A_1451] {strides = array<i32>} : memref<416x128xf32, #tpu.memory_space<vmem>>, vector<1x16xf32>,
        %get3A_1453 = vector.shape_cast %get3A_1452 : vector<1x16xf32> to vector<16xf32>
        %add3A_1454 = arith.addf %get3A_1447, %get3A_1453 : vector<16xf32>
        %add3A_1455 = arith.constant 2 : i32
        %add3A_1456 = arith.addi %add3A_1443, %add3A_1455 : i32
        %get3A_1457 = arith.index_cast %add3A_1456 : i32 to index
        %get3A_1458 = arith.constant 96 : index
        %get3A_1459 = tpu.vector_load %arg16[%get3A_1457, %get3A_1458] {strides = array<i32>} : memref<416x128xf32, #tpu.memory_space<vmem>>, vector<1x16xf32>,
        %get3A_1460 = vector.shape_cast %get3A_1459 : vector<1x16xf32> to vector<16xf32>
        %add3A_1461 = arith.addf %add3A_1454, %get3A_1460 : vector<16xf32>
        %add3A_1462 = arith.constant 3 : i32
        %add3A_1463 = arith.addi %add3A_1443, %add3A_1462 : i32
        %get3A_1464 = arith.index_cast %add3A_1463 : i32 to index
        %get3A_1465 = arith.constant 96 : index
        %get3A_1466 = tpu.vector_load %arg16[%get3A_1464, %get3A_1465] {strides = array<i32>} : memref<416x128xf32, #tpu.memory_space<vmem>>, vector<1x16xf32>,
        %get3A_1467 = vector.shape_cast %get3A_1466 : vector<1x16xf32> to vector<16xf32>
        %add3A_1468 = arith.addf %add3A_1461, %get3A_1467 : vector<16xf32>
        %add3A_1469 = arith.constant 4 : i32
        %add3A_1470 = arith.addi %add3A_1443, %add3A_1469 : i32
        %get3A_1471 = arith.index_cast %add3A_1470 : i32 to index
        %get3A_1472 = arith.constant 96 : index
        %get3A_1473 = tpu.vector_load %arg16[%get3A_1471, %get3A_1472] {strides = array<i32>} : memref<416x128xf32, #tpu.memory_space<vmem>>, vector<1x16xf32>,
        %get3A_1474 = vector.shape_cast %get3A_1473 : vector<1x16xf32> to vector<16xf32>
        %add3A_1475 = arith.addf %add3A_1468, %get3A_1474 : vector<16xf32>
        %add3A_1476 = arith.constant 5 : i32
        %add3A_1477 = arith.addi %add3A_1443, %add3A_1476 : i32
        %get3A_1478 = arith.index_cast %add3A_1477 : i32 to index
        %get3A_1479 = arith.constant 96 : index
        %get3A_1480 = tpu.vector_load %arg16[%get3A_1478, %get3A_1479] {strides = array<i32>} : memref<416x128xf32, #tpu.memory_space<vmem>>, vector<1x16xf32>,
        %get3A_1481 = vector.shape_cast %get3A_1480 : vector<1x16xf32> to vector<16xf32>
        %add3A_1482 = arith.addf %add3A_1475, %get3A_1481 : vector<16xf32>
        %add3A_1483 = arith.constant 6 : i32
        %add3A_1484 = arith.addi %add3A_1443, %add3A_1483 : i32
        %get3A_1485 = arith.index_cast %add3A_1484 : i32 to index
        %get3A_1486 = arith.constant 96 : index
        %get3A_1487 = tpu.vector_load %arg16[%get3A_1485, %get3A_1486] {strides = array<i32>} : memref<416x128xf32, #tpu.memory_space<vmem>>, vector<1x16xf32>,
        %get3A_1488 = vector.shape_cast %get3A_1487 : vector<1x16xf32> to vector<16xf32>
        %add3A_1489 = arith.addf %add3A_1482, %get3A_1488 : vector<16xf32>
        %add3A_1490 = arith.constant 7 : i32
        %add3A_1491 = arith.addi %add3A_1443, %add3A_1490 : i32
        %get3A_1492 = arith.index_cast %add3A_1491 : i32 to index
        %get3A_1493 = arith.constant 96 : index
        %get3A_1494 = tpu.vector_load %arg16[%get3A_1492, %get3A_1493] {strides = array<i32>} : memref<416x128xf32, #tpu.memory_space<vmem>>, vector<1x16xf32>,
        %get3A_1495 = vector.shape_cast %get3A_1494 : vector<1x16xf32> to vector<16xf32>
        %add3A_1496 = arith.addf %add3A_1489, %get3A_1495 : vector<16xf32>
        %mul3A_1497 = arith.mulf %add3A_1496, %get3A_249 : vector<16xf32>
        %add3A_1498 = arith.addf %add3A_1439, %mul3A_1497 : vector<16xf32>
        %mul3A_1499 = arith.constant 8 : i32
        %mul3A_1500 = arith.muli %scan3A_241, %mul3A_1499 : i32
        %add3A_1501 = arith.constant 160 : i32
        %add3A_1502 = arith.addi %add3A_1501, %mul3A_1500 : i32
        %get3A_1503 = arith.index_cast %add3A_1502 : i32 to index
        %get3A_1504 = arith.constant 96 : index
        %get3A_1505 = tpu.vector_load %arg16[%get3A_1503, %get3A_1504] {strides = array<i32>} : memref<416x128xf32, #tpu.memory_space<vmem>>, vector<1x16xf32>,
        %get3A_1506 = vector.shape_cast %get3A_1505 : vector<1x16xf32> to vector<16xf32>
        %add3A_1507 = arith.constant 1 : i32
        %add3A_1508 = arith.addi %add3A_1502, %add3A_1507 : i32
        %get3A_1509 = arith.index_cast %add3A_1508 : i32 to index
        %get3A_1510 = arith.constant 96 : index
        %get3A_1511 = tpu.vector_load %arg16[%get3A_1509, %get3A_1510] {strides = array<i32>} : memref<416x128xf32, #tpu.memory_space<vmem>>, vector<1x16xf32>,
        %get3A_1512 = vector.shape_cast %get3A_1511 : vector<1x16xf32> to vector<16xf32>
        %add3A_1513 = arith.addf %get3A_1506, %get3A_1512 : vector<16xf32>
        %add3A_1514 = arith.constant 2 : i32
        %add3A_1515 = arith.addi %add3A_1502, %add3A_1514 : i32
        %get3A_1516 = arith.index_cast %add3A_1515 : i32 to index
        %get3A_1517 = arith.constant 96 : index
        %get3A_1518 = tpu.vector_load %arg16[%get3A_1516, %get3A_1517] {strides = array<i32>} : memref<416x128xf32, #tpu.memory_space<vmem>>, vector<1x16xf32>,
        %get3A_1519 = vector.shape_cast %get3A_1518 : vector<1x16xf32> to vector<16xf32>
        %add3A_1520 = arith.addf %add3A_1513, %get3A_1519 : vector<16xf32>
        %add3A_1521 = arith.constant 3 : i32
        %add3A_1522 = arith.addi %add3A_1502, %add3A_1521 : i32
        %get3A_1523 = arith.index_cast %add3A_1522 : i32 to index
        %get3A_1524 = arith.constant 96 : index
        %get3A_1525 = tpu.vector_load %arg16[%get3A_1523, %get3A_1524] {strides = array<i32>} : memref<416x128xf32, #tpu.memory_space<vmem>>, vector<1x16xf32>,
        %get3A_1526 = vector.shape_cast %get3A_1525 : vector<1x16xf32> to vector<16xf32>
        %add3A_1527 = arith.addf %add3A_1520, %get3A_1526 : vector<16xf32>
        %add3A_1528 = arith.constant 4 : i32
        %add3A_1529 = arith.addi %add3A_1502, %add3A_1528 : i32
        %get3A_1530 = arith.index_cast %add3A_1529 : i32 to index
        %get3A_1531 = arith.constant 96 : index
        %get3A_1532 = tpu.vector_load %arg16[%get3A_1530, %get3A_1531] {strides = array<i32>} : memref<416x128xf32, #tpu.memory_space<vmem>>, vector<1x16xf32>,
        %get3A_1533 = vector.shape_cast %get3A_1532 : vector<1x16xf32> to vector<16xf32>
        %add3A_1534 = arith.addf %add3A_1527, %get3A_1533 : vector<16xf32>
        %add3A_1535 = arith.constant 5 : i32
        %add3A_1536 = arith.addi %add3A_1502, %add3A_1535 : i32
        %get3A_1537 = arith.index_cast %add3A_1536 : i32 to index
        %get3A_1538 = arith.constant 96 : index
        %get3A_1539 = tpu.vector_load %arg16[%get3A_1537, %get3A_1538] {strides = array<i32>} : memref<416x128xf32, #tpu.memory_space<vmem>>, vector<1x16xf32>,
        %get3A_1540 = vector.shape_cast %get3A_1539 : vector<1x16xf32> to vector<16xf32>
        %add3A_1541 = arith.addf %add3A_1534, %get3A_1540 : vector<16xf32>
        %add3A_1542 = arith.constant 6 : i32
        %add3A_1543 = arith.addi %add3A_1502, %add3A_1542 : i32
        %get3A_1544 = arith.index_cast %add3A_1543 : i32 to index
        %get3A_1545 = arith.constant 96 : index
        %get3A_1546 = tpu.vector_load %arg16[%get3A_1544, %get3A_1545] {strides = array<i32>} : memref<416x128xf32, #tpu.memory_space<vmem>>, vector<1x16xf32>,
        %get3A_1547 = vector.shape_cast %get3A_1546 : vector<1x16xf32> to vector<16xf32>
        %add3A_1548 = arith.addf %add3A_1541, %get3A_1547 : vector<16xf32>
        %add3A_1549 = arith.constant 7 : i32
        %add3A_1550 = arith.addi %add3A_1502, %add3A_1549 : i32
        %get3A_1551 = arith.index_cast %add3A_1550 : i32 to index
        %get3A_1552 = arith.constant 96 : index
        %get3A_1553 = tpu.vector_load %arg16[%get3A_1551, %get3A_1552] {strides = array<i32>} : memref<416x128xf32, #tpu.memory_space<vmem>>, vector<1x16xf32>,
        %get3A_1554 = vector.shape_cast %get3A_1553 : vector<1x16xf32> to vector<16xf32>
        %add3A_1555 = arith.addf %add3A_1548, %get3A_1554 : vector<16xf32>
        %mul3A_1556 = arith.mulf %add3A_1555, %get3A_260 : vector<16xf32>
        %add3A_1557 = arith.addf %add3A_1498, %mul3A_1556 : vector<16xf32>
        %mul3A_1558 = arith.constant 8 : i32
        %mul3A_1559 = arith.muli %scan3A_241, %mul3A_1558 : i32
        %add3A_1560 = arith.constant 288 : i32
        %add3A_1561 = arith.addi %add3A_1560, %mul3A_1559 : i32
        %get3A_1562 = arith.index_cast %add3A_1561 : i32 to index
        %get3A_1563 = arith.constant 96 : index
        %get3A_1564 = tpu.vector_load %arg16[%get3A_1562, %get3A_1563] {strides = array<i32>} : memref<416x128xf32, #tpu.memory_space<vmem>>, vector<1x16xf32>,
        %get3A_1565 = vector.shape_cast %get3A_1564 : vector<1x16xf32> to vector<16xf32>
        %add3A_1566 = arith.constant 1 : i32
        %add3A_1567 = arith.addi %add3A_1561, %add3A_1566 : i32
        %get3A_1568 = arith.index_cast %add3A_1567 : i32 to index
        %get3A_1569 = arith.constant 96 : index
        %get3A_1570 = tpu.vector_load %arg16[%get3A_1568, %get3A_1569] {strides = array<i32>} : memref<416x128xf32, #tpu.memory_space<vmem>>, vector<1x16xf32>,
        %get3A_1571 = vector.shape_cast %get3A_1570 : vector<1x16xf32> to vector<16xf32>
        %add3A_1572 = arith.addf %get3A_1565, %get3A_1571 : vector<16xf32>
        %add3A_1573 = arith.constant 2 : i32
        %add3A_1574 = arith.addi %add3A_1561, %add3A_1573 : i32
        %get3A_1575 = arith.index_cast %add3A_1574 : i32 to index
        %get3A_1576 = arith.constant 96 : index
        %get3A_1577 = tpu.vector_load %arg16[%get3A_1575, %get3A_1576] {strides = array<i32>} : memref<416x128xf32, #tpu.memory_space<vmem>>, vector<1x16xf32>,
        %get3A_1578 = vector.shape_cast %get3A_1577 : vector<1x16xf32> to vector<16xf32>
        %add3A_1579 = arith.addf %add3A_1572, %get3A_1578 : vector<16xf32>
        %add3A_1580 = arith.constant 3 : i32
        %add3A_1581 = arith.addi %add3A_1561, %add3A_1580 : i32
        %get3A_1582 = arith.index_cast %add3A_1581 : i32 to index
        %get3A_1583 = arith.constant 96 : index
        %get3A_1584 = tpu.vector_load %arg16[%get3A_1582, %get3A_1583] {strides = array<i32>} : memref<416x128xf32, #tpu.memory_space<vmem>>, vector<1x16xf32>,
        %get3A_1585 = vector.shape_cast %get3A_1584 : vector<1x16xf32> to vector<16xf32>
        %add3A_1586 = arith.addf %add3A_1579, %get3A_1585 : vector<16xf32>
        %add3A_1587 = arith.constant 4 : i32
        %add3A_1588 = arith.addi %add3A_1561, %add3A_1587 : i32
        %get3A_1589 = arith.index_cast %add3A_1588 : i32 to index
        %get3A_1590 = arith.constant 96 : index
        %get3A_1591 = tpu.vector_load %arg16[%get3A_1589, %get3A_1590] {strides = array<i32>} : memref<416x128xf32, #tpu.memory_space<vmem>>, vector<1x16xf32>,
        %get3A_1592 = vector.shape_cast %get3A_1591 : vector<1x16xf32> to vector<16xf32>
        %add3A_1593 = arith.addf %add3A_1586, %get3A_1592 : vector<16xf32>
        %add3A_1594 = arith.constant 5 : i32
        %add3A_1595 = arith.addi %add3A_1561, %add3A_1594 : i32
        %get3A_1596 = arith.index_cast %add3A_1595 : i32 to index
        %get3A_1597 = arith.constant 96 : index
        %get3A_1598 = tpu.vector_load %arg16[%get3A_1596, %get3A_1597] {strides = array<i32>} : memref<416x128xf32, #tpu.memory_space<vmem>>, vector<1x16xf32>,
        %get3A_1599 = vector.shape_cast %get3A_1598 : vector<1x16xf32> to vector<16xf32>
        %add3A_1600 = arith.addf %add3A_1593, %get3A_1599 : vector<16xf32>
        %add3A_1601 = arith.constant 6 : i32
        %add3A_1602 = arith.addi %add3A_1561, %add3A_1601 : i32
        %get3A_1603 = arith.index_cast %add3A_1602 : i32 to index
        %get3A_1604 = arith.constant 96 : index
        %get3A_1605 = tpu.vector_load %arg16[%get3A_1603, %get3A_1604] {strides = array<i32>} : memref<416x128xf32, #tpu.memory_space<vmem>>, vector<1x16xf32>,
        %get3A_1606 = vector.shape_cast %get3A_1605 : vector<1x16xf32> to vector<16xf32>
        %add3A_1607 = arith.addf %add3A_1600, %get3A_1606 : vector<16xf32>
        %add3A_1608 = arith.constant 7 : i32
        %add3A_1609 = arith.addi %add3A_1561, %add3A_1608 : i32
        %get3A_1610 = arith.index_cast %add3A_1609 : i32 to index
        %get3A_1611 = arith.constant 96 : index
        %get3A_1612 = tpu.vector_load %arg16[%get3A_1610, %get3A_1611] {strides = array<i32>} : memref<416x128xf32, #tpu.memory_space<vmem>>, vector<1x16xf32>,
        %get3A_1613 = vector.shape_cast %get3A_1612 : vector<1x16xf32> to vector<16xf32>
        %add3A_1614 = arith.addf %add3A_1607, %get3A_1613 : vector<16xf32>
        %mul3A_1615 = arith.mulf %add3A_1614, %get3A_271 : vector<16xf32>
        %add3A_1616 = arith.addf %add3A_1557, %mul3A_1615 : vector<16xf32>
        %swap3A_1617 = arith.index_cast %scan3A_241 : i32 to index
        %swap3A_1618 = arith.constant 96 : index
        %swap3A_1619 = tpu.vector_load %arg21[%swap3A_1617, %swap3A_1618] {strides = array<i32>} : memref<16x128xf32, #tpu.memory_space<vmem>>, vector<1x16xf32>,
        %swap3A_1620 = vector.shape_cast %swap3A_1619 : vector<1x16xf32> to vector<16xf32>
        %swap3A_1621 = vector.shape_cast %add3A_1616 : vector<16xf32> to vector<1x16xf32>
        tpu.vector_store %arg21[%swap3A_1617, %swap3A_1618], %swap3A_1621 {strides = array<i32>} : memref<16x128xf32, #tpu.memory_space<vmem>>, vector<1x16xf32>,
        %get3A_1622 = arith.index_cast %scan3A_241 : i32 to index
        %get3A_1623 = arith.constant 112 : index
        %get3A_1624 = tpu.vector_load %arg16[%get3A_1622, %get3A_1623] {strides = array<i32>} : memref<416x128xf32, #tpu.memory_space<vmem>>, vector<1x16xf32>,
        %get3A_1625 = vector.shape_cast %get3A_1624 : vector<1x16xf32> to vector<16xf32>
        %add3A_1626 = arith.constant 16 : i32
        %add3A_1627 = arith.addi %add3A_1626, %scan3A_241 : i32
        %get3A_1628 = arith.index_cast %add3A_1627 : i32 to index
        %get3A_1629 = arith.constant 112 : index
        %get3A_1630 = tpu.vector_load %arg16[%get3A_1628, %get3A_1629] {strides = array<i32>} : memref<416x128xf32, #tpu.memory_space<vmem>>, vector<1x16xf32>,
        %get3A_1631 = vector.shape_cast %get3A_1630 : vector<1x16xf32> to vector<16xf32>
        %add3A_1632 = arith.addf %get3A_1625, %get3A_1631 : vector<16xf32>
        %mul3A_1633 = arith.constant 8 : i32
        %mul3A_1634 = arith.muli %scan3A_241, %mul3A_1633 : i32
        %add3A_1635 = arith.constant 32 : i32
        %add3A_1636 = arith.addi %add3A_1635, %mul3A_1634 : i32
        %get3A_1637 = arith.index_cast %add3A_1636 : i32 to index
        %get3A_1638 = arith.constant 112 : index
        %get3A_1639 = tpu.vector_load %arg16[%get3A_1637, %get3A_1638] {strides = array<i32>} : memref<416x128xf32, #tpu.memory_space<vmem>>, vector<1x16xf32>,
        %get3A_1640 = vector.shape_cast %get3A_1639 : vector<1x16xf32> to vector<16xf32>
        %add3A_1641 = arith.constant 1 : i32
        %add3A_1642 = arith.addi %add3A_1636, %add3A_1641 : i32
        %get3A_1643 = arith.index_cast %add3A_1642 : i32 to index
        %get3A_1644 = arith.constant 112 : index
        %get3A_1645 = tpu.vector_load %arg16[%get3A_1643, %get3A_1644] {strides = array<i32>} : memref<416x128xf32, #tpu.memory_space<vmem>>, vector<1x16xf32>,
        %get3A_1646 = vector.shape_cast %get3A_1645 : vector<1x16xf32> to vector<16xf32>
        %add3A_1647 = arith.addf %get3A_1640, %get3A_1646 : vector<16xf32>
        %add3A_1648 = arith.constant 2 : i32
        %add3A_1649 = arith.addi %add3A_1636, %add3A_1648 : i32
        %get3A_1650 = arith.index_cast %add3A_1649 : i32 to index
        %get3A_1651 = arith.constant 112 : index
        %get3A_1652 = tpu.vector_load %arg16[%get3A_1650, %get3A_1651] {strides = array<i32>} : memref<416x128xf32, #tpu.memory_space<vmem>>, vector<1x16xf32>,
        %get3A_1653 = vector.shape_cast %get3A_1652 : vector<1x16xf32> to vector<16xf32>
        %add3A_1654 = arith.addf %add3A_1647, %get3A_1653 : vector<16xf32>
        %add3A_1655 = arith.constant 3 : i32
        %add3A_1656 = arith.addi %add3A_1636, %add3A_1655 : i32
        %get3A_1657 = arith.index_cast %add3A_1656 : i32 to index
        %get3A_1658 = arith.constant 112 : index
        %get3A_1659 = tpu.vector_load %arg16[%get3A_1657, %get3A_1658] {strides = array<i32>} : memref<416x128xf32, #tpu.memory_space<vmem>>, vector<1x16xf32>,
        %get3A_1660 = vector.shape_cast %get3A_1659 : vector<1x16xf32> to vector<16xf32>
        %add3A_1661 = arith.addf %add3A_1654, %get3A_1660 : vector<16xf32>
        %add3A_1662 = arith.constant 4 : i32
        %add3A_1663 = arith.addi %add3A_1636, %add3A_1662 : i32
        %get3A_1664 = arith.index_cast %add3A_1663 : i32 to index
        %get3A_1665 = arith.constant 112 : index
        %get3A_1666 = tpu.vector_load %arg16[%get3A_1664, %get3A_1665] {strides = array<i32>} : memref<416x128xf32, #tpu.memory_space<vmem>>, vector<1x16xf32>,
        %get3A_1667 = vector.shape_cast %get3A_1666 : vector<1x16xf32> to vector<16xf32>
        %add3A_1668 = arith.addf %add3A_1661, %get3A_1667 : vector<16xf32>
        %add3A_1669 = arith.constant 5 : i32
        %add3A_1670 = arith.addi %add3A_1636, %add3A_1669 : i32
        %get3A_1671 = arith.index_cast %add3A_1670 : i32 to index
        %get3A_1672 = arith.constant 112 : index
        %get3A_1673 = tpu.vector_load %arg16[%get3A_1671, %get3A_1672] {strides = array<i32>} : memref<416x128xf32, #tpu.memory_space<vmem>>, vector<1x16xf32>,
        %get3A_1674 = vector.shape_cast %get3A_1673 : vector<1x16xf32> to vector<16xf32>
        %add3A_1675 = arith.addf %add3A_1668, %get3A_1674 : vector<16xf32>
        %add3A_1676 = arith.constant 6 : i32
        %add3A_1677 = arith.addi %add3A_1636, %add3A_1676 : i32
        %get3A_1678 = arith.index_cast %add3A_1677 : i32 to index
        %get3A_1679 = arith.constant 112 : index
        %get3A_1680 = tpu.vector_load %arg16[%get3A_1678, %get3A_1679] {strides = array<i32>} : memref<416x128xf32, #tpu.memory_space<vmem>>, vector<1x16xf32>,
        %get3A_1681 = vector.shape_cast %get3A_1680 : vector<1x16xf32> to vector<16xf32>
        %add3A_1682 = arith.addf %add3A_1675, %get3A_1681 : vector<16xf32>
        %add3A_1683 = arith.constant 7 : i32
        %add3A_1684 = arith.addi %add3A_1636, %add3A_1683 : i32
        %get3A_1685 = arith.index_cast %add3A_1684 : i32 to index
        %get3A_1686 = arith.constant 112 : index
        %get3A_1687 = tpu.vector_load %arg16[%get3A_1685, %get3A_1686] {strides = array<i32>} : memref<416x128xf32, #tpu.memory_space<vmem>>, vector<1x16xf32>,
        %get3A_1688 = vector.shape_cast %get3A_1687 : vector<1x16xf32> to vector<16xf32>
        %add3A_1689 = arith.addf %add3A_1682, %get3A_1688 : vector<16xf32>
        %mul3A_1690 = arith.mulf %add3A_1689, %get3A_249 : vector<16xf32>
        %add3A_1691 = arith.addf %add3A_1632, %mul3A_1690 : vector<16xf32>
        %mul3A_1692 = arith.constant 8 : i32
        %mul3A_1693 = arith.muli %scan3A_241, %mul3A_1692 : i32
        %add3A_1694 = arith.constant 160 : i32
        %add3A_1695 = arith.addi %add3A_1694, %mul3A_1693 : i32
        %get3A_1696 = arith.index_cast %add3A_1695 : i32 to index
        %get3A_1697 = arith.constant 112 : index
        %get3A_1698 = tpu.vector_load %arg16[%get3A_1696, %get3A_1697] {strides = array<i32>} : memref<416x128xf32, #tpu.memory_space<vmem>>, vector<1x16xf32>,
        %get3A_1699 = vector.shape_cast %get3A_1698 : vector<1x16xf32> to vector<16xf32>
        %add3A_1700 = arith.constant 1 : i32
        %add3A_1701 = arith.addi %add3A_1695, %add3A_1700 : i32
        %get3A_1702 = arith.index_cast %add3A_1701 : i32 to index
        %get3A_1703 = arith.constant 112 : index
        %get3A_1704 = tpu.vector_load %arg16[%get3A_1702, %get3A_1703] {strides = array<i32>} : memref<416x128xf32, #tpu.memory_space<vmem>>, vector<1x16xf32>,
        %get3A_1705 = vector.shape_cast %get3A_1704 : vector<1x16xf32> to vector<16xf32>
        %add3A_1706 = arith.addf %get3A_1699, %get3A_1705 : vector<16xf32>
        %add3A_1707 = arith.constant 2 : i32
        %add3A_1708 = arith.addi %add3A_1695, %add3A_1707 : i32
        %get3A_1709 = arith.index_cast %add3A_1708 : i32 to index
        %get3A_1710 = arith.constant 112 : index
        %get3A_1711 = tpu.vector_load %arg16[%get3A_1709, %get3A_1710] {strides = array<i32>} : memref<416x128xf32, #tpu.memory_space<vmem>>, vector<1x16xf32>,
        %get3A_1712 = vector.shape_cast %get3A_1711 : vector<1x16xf32> to vector<16xf32>
        %add3A_1713 = arith.addf %add3A_1706, %get3A_1712 : vector<16xf32>
        %add3A_1714 = arith.constant 3 : i32
        %add3A_1715 = arith.addi %add3A_1695, %add3A_1714 : i32
        %get3A_1716 = arith.index_cast %add3A_1715 : i32 to index
        %get3A_1717 = arith.constant 112 : index
        %get3A_1718 = tpu.vector_load %arg16[%get3A_1716, %get3A_1717] {strides = array<i32>} : memref<416x128xf32, #tpu.memory_space<vmem>>, vector<1x16xf32>,
        %get3A_1719 = vector.shape_cast %get3A_1718 : vector<1x16xf32> to vector<16xf32>
        %add3A_1720 = arith.addf %add3A_1713, %get3A_1719 : vector<16xf32>
        %add3A_1721 = arith.constant 4 : i32
        %add3A_1722 = arith.addi %add3A_1695, %add3A_1721 : i32
        %get3A_1723 = arith.index_cast %add3A_1722 : i32 to index
        %get3A_1724 = arith.constant 112 : index
        %get3A_1725 = tpu.vector_load %arg16[%get3A_1723, %get3A_1724] {strides = array<i32>} : memref<416x128xf32, #tpu.memory_space<vmem>>, vector<1x16xf32>,
        %get3A_1726 = vector.shape_cast %get3A_1725 : vector<1x16xf32> to vector<16xf32>
        %add3A_1727 = arith.addf %add3A_1720, %get3A_1726 : vector<16xf32>
        %add3A_1728 = arith.constant 5 : i32
        %add3A_1729 = arith.addi %add3A_1695, %add3A_1728 : i32
        %get3A_1730 = arith.index_cast %add3A_1729 : i32 to index
        %get3A_1731 = arith.constant 112 : index
        %get3A_1732 = tpu.vector_load %arg16[%get3A_1730, %get3A_1731] {strides = array<i32>} : memref<416x128xf32, #tpu.memory_space<vmem>>, vector<1x16xf32>,
        %get3A_1733 = vector.shape_cast %get3A_1732 : vector<1x16xf32> to vector<16xf32>
        %add3A_1734 = arith.addf %add3A_1727, %get3A_1733 : vector<16xf32>
        %add3A_1735 = arith.constant 6 : i32
        %add3A_1736 = arith.addi %add3A_1695, %add3A_1735 : i32
        %get3A_1737 = arith.index_cast %add3A_1736 : i32 to index
        %get3A_1738 = arith.constant 112 : index
        %get3A_1739 = tpu.vector_load %arg16[%get3A_1737, %get3A_1738] {strides = array<i32>} : memref<416x128xf32, #tpu.memory_space<vmem>>, vector<1x16xf32>,
        %get3A_1740 = vector.shape_cast %get3A_1739 : vector<1x16xf32> to vector<16xf32>
        %add3A_1741 = arith.addf %add3A_1734, %get3A_1740 : vector<16xf32>
        %add3A_1742 = arith.constant 7 : i32
        %add3A_1743 = arith.addi %add3A_1695, %add3A_1742 : i32
        %get3A_1744 = arith.index_cast %add3A_1743 : i32 to index
        %get3A_1745 = arith.constant 112 : index
        %get3A_1746 = tpu.vector_load %arg16[%get3A_1744, %get3A_1745] {strides = array<i32>} : memref<416x128xf32, #tpu.memory_space<vmem>>, vector<1x16xf32>,
        %get3A_1747 = vector.shape_cast %get3A_1746 : vector<1x16xf32> to vector<16xf32>
        %add3A_1748 = arith.addf %add3A_1741, %get3A_1747 : vector<16xf32>
        %mul3A_1749 = arith.mulf %add3A_1748, %get3A_260 : vector<16xf32>
        %add3A_1750 = arith.addf %add3A_1691, %mul3A_1749 : vector<16xf32>
        %mul3A_1751 = arith.constant 8 : i32
        %mul3A_1752 = arith.muli %scan3A_241, %mul3A_1751 : i32
        %add3A_1753 = arith.constant 288 : i32
        %add3A_1754 = arith.addi %add3A_1753, %mul3A_1752 : i32
        %get3A_1755 = arith.index_cast %add3A_1754 : i32 to index
        %get3A_1756 = arith.constant 112 : index
        %get3A_1757 = tpu.vector_load %arg16[%get3A_1755, %get3A_1756] {strides = array<i32>} : memref<416x128xf32, #tpu.memory_space<vmem>>, vector<1x16xf32>,
        %get3A_1758 = vector.shape_cast %get3A_1757 : vector<1x16xf32> to vector<16xf32>
        %add3A_1759 = arith.constant 1 : i32
        %add3A_1760 = arith.addi %add3A_1754, %add3A_1759 : i32
        %get3A_1761 = arith.index_cast %add3A_1760 : i32 to index
        %get3A_1762 = arith.constant 112 : index
        %get3A_1763 = tpu.vector_load %arg16[%get3A_1761, %get3A_1762] {strides = array<i32>} : memref<416x128xf32, #tpu.memory_space<vmem>>, vector<1x16xf32>,
        %get3A_1764 = vector.shape_cast %get3A_1763 : vector<1x16xf32> to vector<16xf32>
        %add3A_1765 = arith.addf %get3A_1758, %get3A_1764 : vector<16xf32>
        %add3A_1766 = arith.constant 2 : i32
        %add3A_1767 = arith.addi %add3A_1754, %add3A_1766 : i32
        %get3A_1768 = arith.index_cast %add3A_1767 : i32 to index
        %get3A_1769 = arith.constant 112 : index
        %get3A_1770 = tpu.vector_load %arg16[%get3A_1768, %get3A_1769] {strides = array<i32>} : memref<416x128xf32, #tpu.memory_space<vmem>>, vector<1x16xf32>,
        %get3A_1771 = vector.shape_cast %get3A_1770 : vector<1x16xf32> to vector<16xf32>
        %add3A_1772 = arith.addf %add3A_1765, %get3A_1771 : vector<16xf32>
        %add3A_1773 = arith.constant 3 : i32
        %add3A_1774 = arith.addi %add3A_1754, %add3A_1773 : i32
        %get3A_1775 = arith.index_cast %add3A_1774 : i32 to index
        %get3A_1776 = arith.constant 112 : index
        %get3A_1777 = tpu.vector_load %arg16[%get3A_1775, %get3A_1776] {strides = array<i32>} : memref<416x128xf32, #tpu.memory_space<vmem>>, vector<1x16xf32>,
        %get3A_1778 = vector.shape_cast %get3A_1777 : vector<1x16xf32> to vector<16xf32>
        %add3A_1779 = arith.addf %add3A_1772, %get3A_1778 : vector<16xf32>
        %add3A_1780 = arith.constant 4 : i32
        %add3A_1781 = arith.addi %add3A_1754, %add3A_1780 : i32
        %get3A_1782 = arith.index_cast %add3A_1781 : i32 to index
        %get3A_1783 = arith.constant 112 : index
        %get3A_1784 = tpu.vector_load %arg16[%get3A_1782, %get3A_1783] {strides = array<i32>} : memref<416x128xf32, #tpu.memory_space<vmem>>, vector<1x16xf32>,
        %get3A_1785 = vector.shape_cast %get3A_1784 : vector<1x16xf32> to vector<16xf32>
        %add3A_1786 = arith.addf %add3A_1779, %get3A_1785 : vector<16xf32>
        %add3A_1787 = arith.constant 5 : i32
        %add3A_1788 = arith.addi %add3A_1754, %add3A_1787 : i32
        %get3A_1789 = arith.index_cast %add3A_1788 : i32 to index
        %get3A_1790 = arith.constant 112 : index
        %get3A_1791 = tpu.vector_load %arg16[%get3A_1789, %get3A_1790] {strides = array<i32>} : memref<416x128xf32, #tpu.memory_space<vmem>>, vector<1x16xf32>,
        %get3A_1792 = vector.shape_cast %get3A_1791 : vector<1x16xf32> to vector<16xf32>
        %add3A_1793 = arith.addf %add3A_1786, %get3A_1792 : vector<16xf32>
        %add3A_1794 = arith.constant 6 : i32
        %add3A_1795 = arith.addi %add3A_1754, %add3A_1794 : i32
        %get3A_1796 = arith.index_cast %add3A_1795 : i32 to index
        %get3A_1797 = arith.constant 112 : index
        %get3A_1798 = tpu.vector_load %arg16[%get3A_1796, %get3A_1797] {strides = array<i32>} : memref<416x128xf32, #tpu.memory_space<vmem>>, vector<1x16xf32>,
        %get3A_1799 = vector.shape_cast %get3A_1798 : vector<1x16xf32> to vector<16xf32>
        %add3A_1800 = arith.addf %add3A_1793, %get3A_1799 : vector<16xf32>
        %add3A_1801 = arith.constant 7 : i32
        %add3A_1802 = arith.addi %add3A_1754, %add3A_1801 : i32
        %get3A_1803 = arith.index_cast %add3A_1802 : i32 to index
        %get3A_1804 = arith.constant 112 : index
        %get3A_1805 = tpu.vector_load %arg16[%get3A_1803, %get3A_1804] {strides = array<i32>} : memref<416x128xf32, #tpu.memory_space<vmem>>, vector<1x16xf32>,
        %get3A_1806 = vector.shape_cast %get3A_1805 : vector<1x16xf32> to vector<16xf32>
        %add3A_1807 = arith.addf %add3A_1800, %get3A_1806 : vector<16xf32>
        %mul3A_1808 = arith.mulf %add3A_1807, %get3A_271 : vector<16xf32>
        %add3A_1809 = arith.addf %add3A_1750, %mul3A_1808 : vector<16xf32>
        %swap3A_1810 = arith.index_cast %scan3A_241 : i32 to index
        %swap3A_1811 = arith.constant 112 : index
        %swap3A_1812 = tpu.vector_load %arg21[%swap3A_1810, %swap3A_1811] {strides = array<i32>} : memref<16x128xf32, #tpu.memory_space<vmem>>, vector<1x16xf32>,
        %swap3A_1813 = vector.shape_cast %swap3A_1812 : vector<1x16xf32> to vector<16xf32>
        %swap3A_1814 = vector.shape_cast %add3A_1809 : vector<16xf32> to vector<1x16xf32>
        tpu.vector_store %arg21[%swap3A_1810, %swap3A_1811], %swap3A_1814 {strides = array<i32>} : memref<16x128xf32, #tpu.memory_space<vmem>>, vector<1x16xf32>,
      }
      %scan3A_147 = arith.constant 16 : i32
      %mul3A_148 = arith.constant 16 : i32
      %mul3A_149 = arith.muli %add3A_75, %mul3A_148 : i32
      %dma_start3A_150 = arith.constant 0 : i32
      %dma_start3A_151 = tpu.memref_slice %arg11[%mul3A_149, %dma_start3A_150] : memref<51200x128xf32, #tpu.memory_space<hbm>> -> memref<16x128xf32, #tpu.memory_space<hbm>>
      %dma_start3A_152 = arith.constant 0 : i32
      %dma_start3A_153 = tpu.memref_slice %arg11[%mul3A_149, %dma_start3A_152] : memref<51200x128xf32, #tpu.memory_space<hbm>> -> memref<16x128xf32, #tpu.memory_space<hbm>>
      tpu.enqueue_dma source(%arg21 : memref<16x128xf32, #tpu.memory_space<vmem>>) target(%dma_start3A_153 : memref<16x128xf32, #tpu.memory_space<hbm>>) target_semaphore(%arg24 : memref<!tpu.dma_semaphore, #tpu.memory_space<semaphore_mem>>)
      %mul3A_154 = arith.constant 2 : i32
      %mul3A_155 = arith.muli %scan3A_70, %mul3A_154 : i32
      %add3A_156 = arith.constant 1 : i32
      %add3A_157 = arith.addi %mul3A_155, %add3A_156 : i32
      %add3A_158 = arith.addi %mul3A_2, %add3A_157 : i32
      %add3A_159 = arith.constant 1 : i32
      %add3A_160 = arith.addi %add3A_157, %add3A_159 : i32
      %lt3A_161 = arith.constant 100 : i32
      %lt3A_162 = arith.cmpi slt, %add3A_160, %lt3A_161 : i32
      %convert_element_type3A_163 = arith.extui %lt3A_162 : i1 to i32
      %cond3A_164 = arith.constant 0 : i32
      %cond3A_165 = arith.cmpi ne, %convert_element_type3A_163, %cond3A_164 : i32
      scf.if %cond3A_165 {
        %add3A_241 = arith.constant 1 : i32
        %add3A_242 = arith.addi %add3A_158, %add3A_241 : i32
        "tpu.region"() ({
          %run_scoped3A = tpu.sem_alloc : memref<!tpu.dma_semaphore, #tpu.memory_space<semaphore_mem>>
          %dma_start3A_301 = arith.constant 0 : i32
          %dma_start3A_302 = arith.constant 0 : i32
          %dma_start3A_303 = tpu.memref_slice %arg7[%add3A_242, %dma_start3A_301, %dma_start3A_302] : memref<3200x2x16xi32, #tpu.memory_space<hbm>> -> memref<1x2x16xi32, #tpu.memory_space<hbm>>
          %dma_start3A_304 = tpu.memref_squeeze %dma_start3A_303 : memref<1x2x16xi32, #tpu.memory_space<hbm>> -> memref<2x16xi32, #tpu.memory_space<hbm>>
          %dma_start3A_305 = arith.constant 0 : i32
          %dma_start3A_306 = arith.constant 0 : i32
          %dma_start3A_307 = tpu.memref_slice %arg7[%add3A_242, %dma_start3A_305, %dma_start3A_306] : memref<3200x2x16xi32, #tpu.memory_space<hbm>> -> memref<1x2x16xi32, #tpu.memory_space<hbm>>
          %dma_start3A_308 = tpu.memref_squeeze %dma_start3A_307 : memref<1x2x16xi32, #tpu.memory_space<hbm>> -> memref<2x16xi32, #tpu.memory_space<hbm>>
          tpu.enqueue_dma source(%dma_start3A_308 : memref<2x16xi32, #tpu.memory_space<hbm>>) target(%arg12 : memref<2x16xi32, #tpu.memory_space<vmem>>) target_semaphore(%run_scoped3A : memref<!tpu.dma_semaphore, #tpu.memory_space<semaphore_mem>>)
          %dma_wait3A_309 = arith.constant 0 : i32
          %dma_wait3A_310 = arith.constant 0 : i32
          %dma_wait3A_311 = tpu.memref_slice %arg7[%add3A_242, %dma_wait3A_309, %dma_wait3A_310] : memref<3200x2x16xi32, #tpu.memory_space<hbm>> -> memref<1x2x16xi32, #tpu.memory_space<hbm>>
          %dma_wait3A_312 = tpu.memref_squeeze %dma_wait3A_311 : memref<1x2x16xi32, #tpu.memory_space<hbm>> -> memref<2x16xi32, #tpu.memory_space<hbm>>
          %dma_wait3A_313 = arith.constant 0 : i32
          %dma_wait3A_314 = arith.constant 0 : i32
          %dma_wait3A_315 = tpu.memref_slice %arg7[%add3A_242, %dma_wait3A_313, %dma_wait3A_314] : memref<3200x2x16xi32, #tpu.memory_space<hbm>> -> memref<1x2x16xi32, #tpu.memory_space<hbm>>
          %dma_wait3A_316 = tpu.memref_squeeze %dma_wait3A_315 : memref<1x2x16xi32, #tpu.memory_space<hbm>> -> memref<2x16xi32, #tpu.memory_space<hbm>>
          tpu.wait_dma2 semaphore(%run_scoped3A : memref<!tpu.dma_semaphore, #tpu.memory_space<semaphore_mem>>) src(%dma_wait3A_316 : memref<2x16xi32, #tpu.memory_space<hbm>>) dst(%arg12 : memref<2x16xi32, #tpu.memory_space<vmem>>)
          tpu.yield
        }) : () -> ()
        "tpu.region"() ({
          %run_scoped3A = tpu.sem_alloc : memref<!tpu.dma_semaphore, #tpu.memory_space<semaphore_mem>>
          %dma_start3A_301 = arith.constant 0 : i32
          %dma_start3A_302 = arith.constant 0 : i32
          %dma_start3A_303 = tpu.memref_slice %arg8[%add3A_242, %dma_start3A_301, %dma_start3A_302] : memref<3200x3x128xi32, #tpu.memory_space<hbm>> -> memref<1x3x128xi32, #tpu.memory_space<hbm>>
          %dma_start3A_304 = tpu.memref_squeeze %dma_start3A_303 : memref<1x3x128xi32, #tpu.memory_space<hbm>> -> memref<3x128xi32, #tpu.memory_space<hbm>>
          %dma_start3A_305 = arith.constant 0 : i32
          %dma_start3A_306 = arith.constant 0 : i32
          %dma_start3A_307 = tpu.memref_slice %arg8[%add3A_242, %dma_start3A_305, %dma_start3A_306] : memref<3200x3x128xi32, #tpu.memory_space<hbm>> -> memref<1x3x128xi32, #tpu.memory_space<hbm>>
          %dma_start3A_308 = tpu.memref_squeeze %dma_start3A_307 : memref<1x3x128xi32, #tpu.memory_space<hbm>> -> memref<3x128xi32, #tpu.memory_space<hbm>>
          tpu.enqueue_dma source(%dma_start3A_308 : memref<3x128xi32, #tpu.memory_space<hbm>>) target(%arg14 : memref<3x128xi32, #tpu.memory_space<vmem>>) target_semaphore(%run_scoped3A : memref<!tpu.dma_semaphore, #tpu.memory_space<semaphore_mem>>)
          %dma_wait3A_309 = arith.constant 0 : i32
          %dma_wait3A_310 = arith.constant 0 : i32
          %dma_wait3A_311 = tpu.memref_slice %arg8[%add3A_242, %dma_wait3A_309, %dma_wait3A_310] : memref<3200x3x128xi32, #tpu.memory_space<hbm>> -> memref<1x3x128xi32, #tpu.memory_space<hbm>>
          %dma_wait3A_312 = tpu.memref_squeeze %dma_wait3A_311 : memref<1x3x128xi32, #tpu.memory_space<hbm>> -> memref<3x128xi32, #tpu.memory_space<hbm>>
          %dma_wait3A_313 = arith.constant 0 : i32
          %dma_wait3A_314 = arith.constant 0 : i32
          %dma_wait3A_315 = tpu.memref_slice %arg8[%add3A_242, %dma_wait3A_313, %dma_wait3A_314] : memref<3200x3x128xi32, #tpu.memory_space<hbm>> -> memref<1x3x128xi32, #tpu.memory_space<hbm>>
          %dma_wait3A_316 = tpu.memref_squeeze %dma_wait3A_315 : memref<1x3x128xi32, #tpu.memory_space<hbm>> -> memref<3x128xi32, #tpu.memory_space<hbm>>
          tpu.wait_dma2 semaphore(%run_scoped3A : memref<!tpu.dma_semaphore, #tpu.memory_space<semaphore_mem>>) src(%dma_wait3A_316 : memref<3x128xi32, #tpu.memory_space<hbm>>) dst(%arg14 : memref<3x128xi32, #tpu.memory_space<vmem>>)
          tpu.yield
        }) : () -> ()
        %dma_start3A_243 = arith.constant 0 : i32
        %dma_start3A_244 = arith.constant 0 : i32
        %dma_start3A_245 = arith.constant 0 : i32
        %dma_start3A_246 = tpu.memref_slice %arg16[%dma_start3A_244, %dma_start3A_245] : memref<416x128xf32, #tpu.memory_space<vmem>> -> memref<16x128xf32, #tpu.memory_space<vmem>>
        %dma_start3A_247 = arith.constant 0 : i32
        %dma_start3A_248 = tpu.memref_slice %arg12[%dma_start3A_243, %dma_start3A_247] : memref<2x16xi32, #tpu.memory_space<vmem>> -> memref<1x16xi32, #tpu.memory_space<vmem>>
        %dma_start3A_249 = tpu.memref_squeeze %dma_start3A_248 : memref<1x16xi32, #tpu.memory_space<vmem>> -> memref<16xi32, #tpu.memory_space<vmem>>
        %dma_start3A_250 = arith.constant 0 : i32
        %dma_start3A_251 = arith.constant 0 : i32
        %dma_start3A_252 = tpu.memref_slice %arg2[%dma_start3A_250, %dma_start3A_251] : memref<1000x128xf32, #tpu.memory_space<hbm>> -> memref<1000x128xf32, #tpu.memory_space<hbm>>
        tpu.enqueue_indirect_dma source(%dma_start3A_252 : memref<1000x128xf32, #tpu.memory_space<hbm>>) target(%dma_start3A_246 : memref<16x128xf32, #tpu.memory_space<vmem>>) offsets(%dma_start3A_249 : memref<16xi32, #tpu.memory_space<vmem>>) semaphore(%arg22 : memref<!tpu.dma_semaphore, #tpu.memory_space<semaphore_mem>>)
        %dma_start3A_253 = arith.constant 1 : i32
        %dma_start3A_254 = arith.constant 16 : i32
        %dma_start3A_255 = arith.constant 0 : i32
        %dma_start3A_256 = tpu.memref_slice %arg16[%dma_start3A_254, %dma_start3A_255] : memref<416x128xf32, #tpu.memory_space<vmem>> -> memref<16x128xf32, #tpu.memory_space<vmem>>
        %dma_start3A_257 = arith.constant 0 : i32
        %dma_start3A_258 = tpu.memref_slice %arg12[%dma_start3A_253, %dma_start3A_257] : memref<2x16xi32, #tpu.memory_space<vmem>> -> memref<1x16xi32, #tpu.memory_space<vmem>>
        %dma_start3A_259 = tpu.memref_squeeze %dma_start3A_258 : memref<1x16xi32, #tpu.memory_space<vmem>> -> memref<16xi32, #tpu.memory_space<vmem>>
        %dma_start3A_260 = arith.constant 0 : i32
        %dma_start3A_261 = arith.constant 0 : i32
        %dma_start3A_262 = tpu.memref_slice %arg3[%dma_start3A_260, %dma_start3A_261] : memref<1000x128xf32, #tpu.memory_space<hbm>> -> memref<1000x128xf32, #tpu.memory_space<hbm>>
        tpu.enqueue_indirect_dma source(%dma_start3A_262 : memref<1000x128xf32, #tpu.memory_space<hbm>>) target(%dma_start3A_256 : memref<16x128xf32, #tpu.memory_space<vmem>>) offsets(%dma_start3A_259 : memref<16xi32, #tpu.memory_space<vmem>>) semaphore(%arg22 : memref<!tpu.dma_semaphore, #tpu.memory_space<semaphore_mem>>)
        %dma_start3A_263 = arith.constant 0 : i32
        %dma_start3A_264 = arith.constant 32 : i32
        %dma_start3A_265 = arith.constant 0 : i32
        %dma_start3A_266 = tpu.memref_slice %arg16[%dma_start3A_264, %dma_start3A_265] : memref<416x128xf32, #tpu.memory_space<vmem>> -> memref<128x128xf32, #tpu.memory_space<vmem>>
        %dma_start3A_267 = arith.constant 0 : i32
        %dma_start3A_268 = tpu.memref_slice %arg14[%dma_start3A_263, %dma_start3A_267] : memref<3x128xi32, #tpu.memory_space<vmem>> -> memref<1x128xi32, #tpu.memory_space<vmem>>
        %dma_start3A_269 = tpu.memref_squeeze %dma_start3A_268 : memref<1x128xi32, #tpu.memory_space<vmem>> -> memref<128xi32, #tpu.memory_space<vmem>>
        %dma_start3A_270 = arith.constant 0 : i32
        %dma_start3A_271 = arith.constant 0 : i32
        %dma_start3A_272 = tpu.memref_slice %arg4[%dma_start3A_270, %dma_start3A_271] : memref<100000x128xf32, #tpu.memory_space<hbm>> -> memref<100000x128xf32, #tpu.memory_space<hbm>>
        tpu.enqueue_indirect_dma source(%dma_start3A_272 : memref<100000x128xf32, #tpu.memory_space<hbm>>) target(%dma_start3A_266 : memref<128x128xf32, #tpu.memory_space<vmem>>) offsets(%dma_start3A_269 : memref<128xi32, #tpu.memory_space<vmem>>) semaphore(%arg22 : memref<!tpu.dma_semaphore, #tpu.memory_space<semaphore_mem>>)
        %dma_start3A_273 = arith.constant 1 : i32
        %dma_start3A_274 = arith.constant 160 : i32
        %dma_start3A_275 = arith.constant 0 : i32
        %dma_start3A_276 = tpu.memref_slice %arg16[%dma_start3A_274, %dma_start3A_275] : memref<416x128xf32, #tpu.memory_space<vmem>> -> memref<128x128xf32, #tpu.memory_space<vmem>>
        %dma_start3A_277 = arith.constant 0 : i32
        %dma_start3A_278 = tpu.memref_slice %arg14[%dma_start3A_273, %dma_start3A_277] : memref<3x128xi32, #tpu.memory_space<vmem>> -> memref<1x128xi32, #tpu.memory_space<vmem>>
        %dma_start3A_279 = tpu.memref_squeeze %dma_start3A_278 : memref<1x128xi32, #tpu.memory_space<vmem>> -> memref<128xi32, #tpu.memory_space<vmem>>
        %dma_start3A_280 = arith.constant 0 : i32
        %dma_start3A_281 = arith.constant 0 : i32
        %dma_start3A_282 = tpu.memref_slice %arg5[%dma_start3A_280, %dma_start3A_281] : memref<100000x128xf32, #tpu.memory_space<hbm>> -> memref<100000x128xf32, #tpu.memory_space<hbm>>
        tpu.enqueue_indirect_dma source(%dma_start3A_282 : memref<100000x128xf32, #tpu.memory_space<hbm>>) target(%dma_start3A_276 : memref<128x128xf32, #tpu.memory_space<vmem>>) offsets(%dma_start3A_279 : memref<128xi32, #tpu.memory_space<vmem>>) semaphore(%arg22 : memref<!tpu.dma_semaphore, #tpu.memory_space<semaphore_mem>>)
        %dma_start3A_283 = arith.constant 2 : i32
        %dma_start3A_284 = arith.constant 288 : i32
        %dma_start3A_285 = arith.constant 0 : i32
        %dma_start3A_286 = tpu.memref_slice %arg16[%dma_start3A_284, %dma_start3A_285] : memref<416x128xf32, #tpu.memory_space<vmem>> -> memref<128x128xf32, #tpu.memory_space<vmem>>
        %dma_start3A_287 = arith.constant 0 : i32
        %dma_start3A_288 = tpu.memref_slice %arg14[%dma_start3A_283, %dma_start3A_287] : memref<3x128xi32, #tpu.memory_space<vmem>> -> memref<1x128xi32, #tpu.memory_space<vmem>>
        %dma_start3A_289 = tpu.memref_squeeze %dma_start3A_288 : memref<1x128xi32, #tpu.memory_space<vmem>> -> memref<128xi32, #tpu.memory_space<vmem>>
        %dma_start3A_290 = arith.constant 0 : i32
        %dma_start3A_291 = arith.constant 0 : i32
        %dma_start3A_292 = tpu.memref_slice %arg6[%dma_start3A_290, %dma_start3A_291] : memref<1000x128xf32, #tpu.memory_space<hbm>> -> memref<1000x128xf32, #tpu.memory_space<hbm>>
        tpu.enqueue_indirect_dma source(%dma_start3A_292 : memref<1000x128xf32, #tpu.memory_space<hbm>>) target(%dma_start3A_286 : memref<128x128xf32, #tpu.memory_space<vmem>>) offsets(%dma_start3A_289 : memref<128xi32, #tpu.memory_space<vmem>>) semaphore(%arg22 : memref<!tpu.dma_semaphore, #tpu.memory_space<semaphore_mem>>)
        %dma_start3A_293 = arith.constant 0 : i32
        %dma_start3A_294 = arith.constant 0 : i32
        %dma_start3A_295 = tpu.memref_slice %arg9[%add3A_242, %dma_start3A_293, %dma_start3A_294] : memref<3200x3x32xi32, #tpu.memory_space<hbm>> -> memref<1x3x32xi32, #tpu.memory_space<hbm>>
        %dma_start3A_296 = tpu.memref_squeeze %dma_start3A_295 : memref<1x3x32xi32, #tpu.memory_space<hbm>> -> memref<3x32xi32, #tpu.memory_space<hbm>>
        %dma_start3A_297 = arith.constant 0 : i32
        %dma_start3A_298 = arith.constant 0 : i32
        %dma_start3A_299 = tpu.memref_slice %arg9[%add3A_242, %dma_start3A_297, %dma_start3A_298] : memref<3200x3x32xi32, #tpu.memory_space<hbm>> -> memref<1x3x32xi32, #tpu.memory_space<hbm>>
        %dma_start3A_300 = tpu.memref_squeeze %dma_start3A_299 : memref<1x3x32xi32, #tpu.memory_space<hbm>> -> memref<3x32xi32, #tpu.memory_space<hbm>>
        tpu.enqueue_dma source(%dma_start3A_300 : memref<3x32xi32, #tpu.memory_space<hbm>>) target(%arg18 : memref<3x32xi32, #tpu.memory_space<vmem>>) target_semaphore(%arg22 : memref<!tpu.dma_semaphore, #tpu.memory_space<semaphore_mem>>)
      } else {
      }
      %gt3A_166 = arith.constant 0 : i32
      %gt3A_167 = arith.cmpi sgt, %add3A_157, %gt3A_166 : i32
      %convert_element_type3A_168 = arith.extui %gt3A_167 : i1 to i32
      %cond3A_169 = arith.constant 0 : i32
      %cond3A_170 = arith.cmpi ne, %convert_element_type3A_168, %cond3A_169 : i32
      scf.if %cond3A_170 {
        %mul3A_241 = arith.constant 16 : i32
        %mul3A_242 = arith.muli %add3A_158, %mul3A_241 : i32
        %dma_wait3A_243 = arith.constant 0 : i32
        %dma_wait3A_244 = tpu.memref_slice %arg11[%mul3A_242, %dma_wait3A_243] : memref<51200x128xf32, #tpu.memory_space<hbm>> -> memref<16x128xf32, #tpu.memory_space<hbm>>
        %dma_wait3A_245 = arith.constant 0 : i32
        %dma_wait3A_246 = tpu.memref_slice %arg11[%mul3A_242, %dma_wait3A_245] : memref<51200x128xf32, #tpu.memory_space<hbm>> -> memref<16x128xf32, #tpu.memory_space<hbm>>
        tpu.wait_dma2 semaphore(%arg24 : memref<!tpu.dma_semaphore, #tpu.memory_space<semaphore_mem>>) src(%arg21 : memref<16x128xf32, #tpu.memory_space<vmem>>) dst(%dma_wait3A_246 : memref<16x128xf32, #tpu.memory_space<hbm>>)
      } else {
      }
      %dma_wait3A_171 = arith.constant 0 : i32
      %dma_wait3A_172 = arith.constant 0 : i32
      %dma_wait3A_173 = arith.constant 0 : i32
      %dma_wait3A_174 = tpu.memref_slice %arg17[%dma_wait3A_172, %dma_wait3A_173] : memref<416x128xf32, #tpu.memory_space<vmem>> -> memref<16x128xf32, #tpu.memory_space<vmem>>
      %dma_wait3A_175 = arith.constant 0 : i32
      %dma_wait3A_176 = tpu.memref_slice %arg13[%dma_wait3A_171, %dma_wait3A_175] : memref<2x16xi32, #tpu.memory_space<vmem>> -> memref<1x16xi32, #tpu.memory_space<vmem>>
      %dma_wait3A_177 = tpu.memref_squeeze %dma_wait3A_176 : memref<1x16xi32, #tpu.memory_space<vmem>> -> memref<16xi32, #tpu.memory_space<vmem>>
      %dma_wait3A_178 = arith.constant 0 : i32
      %dma_wait3A_179 = arith.constant 0 : i32
      %dma_wait3A_180 = tpu.memref_slice %arg2[%dma_wait3A_178, %dma_wait3A_179] : memref<1000x128xf32, #tpu.memory_space<hbm>> -> memref<1000x128xf32, #tpu.memory_space<hbm>>
      tpu.wait_indirect_dma semaphore(%arg23 : memref<!tpu.dma_semaphore, #tpu.memory_space<semaphore_mem>>) src(%dma_wait3A_180 : memref<1000x128xf32, #tpu.memory_space<hbm>>) dst(%dma_wait3A_174 : memref<16x128xf32, #tpu.memory_space<vmem>>)
      %dma_wait3A_181 = arith.constant 1 : i32
      %dma_wait3A_182 = arith.constant 16 : i32
      %dma_wait3A_183 = arith.constant 0 : i32
      %dma_wait3A_184 = tpu.memref_slice %arg17[%dma_wait3A_182, %dma_wait3A_183] : memref<416x128xf32, #tpu.memory_space<vmem>> -> memref<16x128xf32, #tpu.memory_space<vmem>>
      %dma_wait3A_185 = arith.constant 0 : i32
      %dma_wait3A_186 = tpu.memref_slice %arg13[%dma_wait3A_181, %dma_wait3A_185] : memref<2x16xi32, #tpu.memory_space<vmem>> -> memref<1x16xi32, #tpu.memory_space<vmem>>
      %dma_wait3A_187 = tpu.memref_squeeze %dma_wait3A_186 : memref<1x16xi32, #tpu.memory_space<vmem>> -> memref<16xi32, #tpu.memory_space<vmem>>
      %dma_wait3A_188 = arith.constant 0 : i32
      %dma_wait3A_189 = arith.constant 0 : i32
      %dma_wait3A_190 = tpu.memref_slice %arg3[%dma_wait3A_188, %dma_wait3A_189] : memref<1000x128xf32, #tpu.memory_space<hbm>> -> memref<1000x128xf32, #tpu.memory_space<hbm>>
      tpu.wait_indirect_dma semaphore(%arg23 : memref<!tpu.dma_semaphore, #tpu.memory_space<semaphore_mem>>) src(%dma_wait3A_190 : memref<1000x128xf32, #tpu.memory_space<hbm>>) dst(%dma_wait3A_184 : memref<16x128xf32, #tpu.memory_space<vmem>>)
      %dma_wait3A_191 = arith.constant 0 : i32
      %dma_wait3A_192 = arith.constant 32 : i32
      %dma_wait3A_193 = arith.constant 0 : i32
      %dma_wait3A_194 = tpu.memref_slice %arg17[%dma_wait3A_192, %dma_wait3A_193] : memref<416x128xf32, #tpu.memory_space<vmem>> -> memref<128x128xf32, #tpu.memory_space<vmem>>
      %dma_wait3A_195 = arith.constant 0 : i32
      %dma_wait3A_196 = tpu.memref_slice %arg15[%dma_wait3A_191, %dma_wait3A_195] : memref<3x128xi32, #tpu.memory_space<vmem>> -> memref<1x128xi32, #tpu.memory_space<vmem>>
      %dma_wait3A_197 = tpu.memref_squeeze %dma_wait3A_196 : memref<1x128xi32, #tpu.memory_space<vmem>> -> memref<128xi32, #tpu.memory_space<vmem>>
      %dma_wait3A_198 = arith.constant 0 : i32
      %dma_wait3A_199 = arith.constant 0 : i32
      %dma_wait3A_200 = tpu.memref_slice %arg4[%dma_wait3A_198, %dma_wait3A_199] : memref<100000x128xf32, #tpu.memory_space<hbm>> -> memref<100000x128xf32, #tpu.memory_space<hbm>>
      tpu.wait_indirect_dma semaphore(%arg23 : memref<!tpu.dma_semaphore, #tpu.memory_space<semaphore_mem>>) src(%dma_wait3A_200 : memref<100000x128xf32, #tpu.memory_space<hbm>>) dst(%dma_wait3A_194 : memref<128x128xf32, #tpu.memory_space<vmem>>)
      %dma_wait3A_201 = arith.constant 1 : i32
      %dma_wait3A_202 = arith.constant 160 : i32
      %dma_wait3A_203 = arith.constant 0 : i32
      %dma_wait3A_204 = tpu.memref_slice %arg17[%dma_wait3A_202, %dma_wait3A_203] : memref<416x128xf32, #tpu.memory_space<vmem>> -> memref<128x128xf32, #tpu.memory_space<vmem>>
      %dma_wait3A_205 = arith.constant 0 : i32
      %dma_wait3A_206 = tpu.memref_slice %arg15[%dma_wait3A_201, %dma_wait3A_205] : memref<3x128xi32, #tpu.memory_space<vmem>> -> memref<1x128xi32, #tpu.memory_space<vmem>>
      %dma_wait3A_207 = tpu.memref_squeeze %dma_wait3A_206 : memref<1x128xi32, #tpu.memory_space<vmem>> -> memref<128xi32, #tpu.memory_space<vmem>>
      %dma_wait3A_208 = arith.constant 0 : i32
      %dma_wait3A_209 = arith.constant 0 : i32
      %dma_wait3A_210 = tpu.memref_slice %arg5[%dma_wait3A_208, %dma_wait3A_209] : memref<100000x128xf32, #tpu.memory_space<hbm>> -> memref<100000x128xf32, #tpu.memory_space<hbm>>
      tpu.wait_indirect_dma semaphore(%arg23 : memref<!tpu.dma_semaphore, #tpu.memory_space<semaphore_mem>>) src(%dma_wait3A_210 : memref<100000x128xf32, #tpu.memory_space<hbm>>) dst(%dma_wait3A_204 : memref<128x128xf32, #tpu.memory_space<vmem>>)
      %dma_wait3A_211 = arith.constant 2 : i32
      %dma_wait3A_212 = arith.constant 288 : i32
      %dma_wait3A_213 = arith.constant 0 : i32
      %dma_wait3A_214 = tpu.memref_slice %arg17[%dma_wait3A_212, %dma_wait3A_213] : memref<416x128xf32, #tpu.memory_space<vmem>> -> memref<128x128xf32, #tpu.memory_space<vmem>>
      %dma_wait3A_215 = arith.constant 0 : i32
      %dma_wait3A_216 = tpu.memref_slice %arg15[%dma_wait3A_211, %dma_wait3A_215] : memref<3x128xi32, #tpu.memory_space<vmem>> -> memref<1x128xi32, #tpu.memory_space<vmem>>
      %dma_wait3A_217 = tpu.memref_squeeze %dma_wait3A_216 : memref<1x128xi32, #tpu.memory_space<vmem>> -> memref<128xi32, #tpu.memory_space<vmem>>
      %dma_wait3A_218 = arith.constant 0 : i32
      %dma_wait3A_219 = arith.constant 0 : i32
      %dma_wait3A_220 = tpu.memref_slice %arg6[%dma_wait3A_218, %dma_wait3A_219] : memref<1000x128xf32, #tpu.memory_space<hbm>> -> memref<1000x128xf32, #tpu.memory_space<hbm>>
      tpu.wait_indirect_dma semaphore(%arg23 : memref<!tpu.dma_semaphore, #tpu.memory_space<semaphore_mem>>) src(%dma_wait3A_220 : memref<1000x128xf32, #tpu.memory_space<hbm>>) dst(%dma_wait3A_214 : memref<128x128xf32, #tpu.memory_space<vmem>>)
      %dma_wait3A_221 = arith.constant 0 : i32
      %dma_wait3A_222 = arith.constant 0 : i32
      %dma_wait3A_223 = tpu.memref_slice %arg9[%add3A_158, %dma_wait3A_221, %dma_wait3A_222] : memref<3200x3x32xi32, #tpu.memory_space<hbm>> -> memref<1x3x32xi32, #tpu.memory_space<hbm>>
      %dma_wait3A_224 = tpu.memref_squeeze %dma_wait3A_223 : memref<1x3x32xi32, #tpu.memory_space<hbm>> -> memref<3x32xi32, #tpu.memory_space<hbm>>
      %dma_wait3A_225 = arith.constant 0 : i32
      %dma_wait3A_226 = arith.constant 0 : i32
      %dma_wait3A_227 = tpu.memref_slice %arg9[%add3A_158, %dma_wait3A_225, %dma_wait3A_226] : memref<3200x3x32xi32, #tpu.memory_space<hbm>> -> memref<1x3x32xi32, #tpu.memory_space<hbm>>
      %dma_wait3A_228 = tpu.memref_squeeze %dma_wait3A_227 : memref<1x3x32xi32, #tpu.memory_space<hbm>> -> memref<3x32xi32, #tpu.memory_space<hbm>>
      tpu.wait_dma2 semaphore(%arg23 : memref<!tpu.dma_semaphore, #tpu.memory_space<semaphore_mem>>) src(%dma_wait3A_228 : memref<3x32xi32, #tpu.memory_space<hbm>>) dst(%arg19 : memref<3x32xi32, #tpu.memory_space<vmem>>)
      %scan3A_229 = arith.constant 0 : i32
      %scan3A_230 = arith.constant 0 : i32
      %scan3A_231 = arith.constant 16 : i32
      %scan3A_232 = arith.addi %scan3A_230, %scan3A_231 : i32
      %scan3A_233 = arith.constant 1 : i32
      scf.for %scan3A_241 = %scan3A_230 to %scan3A_232 step %scan3A_233  : i32 {
        %get3A = arith.constant 0 : i32
        %get3A_242 = arith.index_cast %get3A : i32 to index
        %get3A_243 = arith.index_cast %scan3A_241 : i32 to index
        %get3A_244 = tpu.vector_load %arg19[%get3A_242, %get3A_243] {strides = array<i32>} : memref<3x32xi32, #tpu.memory_space<vmem>>, vector<1x16xi32>,
        %get3A_245 = vector.shape_cast %get3A_244 : vector<1x16xi32> to vector<16xi32>
        %slice3A = vector.extract_strided_slice %get3A_245 {offsets = [0], sizes = [1], strides = [1]} : vector<16xi32> to vector<1xi32>
        %squeeze3A = vector.extract %slice3A[0] : i32 from vector<1xi32>
        %get3A_246 = arith.index_cast %squeeze3A : i32 to index
        %get3A_247 = arith.constant 0 : index
        %get3A_248 = tpu.vector_load %arg20[%get3A_246, %get3A_247] {strides = array<i32>} : memref<9x16xf32, #tpu.memory_space<vmem>>, vector<1x16xf32>,
        %get3A_249 = vector.shape_cast %get3A_248 : vector<1x16xf32> to vector<16xf32>
        %get3A_250 = arith.constant 1 : i32
        %get3A_251 = arith.index_cast %get3A_250 : i32 to index
        %get3A_252 = arith.index_cast %scan3A_241 : i32 to index
        %get3A_253 = tpu.vector_load %arg19[%get3A_251, %get3A_252] {strides = array<i32>} : memref<3x32xi32, #tpu.memory_space<vmem>>, vector<1x16xi32>,
        %get3A_254 = vector.shape_cast %get3A_253 : vector<1x16xi32> to vector<16xi32>
        %slice3A_255 = vector.extract_strided_slice %get3A_254 {offsets = [0], sizes = [1], strides = [1]} : vector<16xi32> to vector<1xi32>
        %squeeze3A_256 = vector.extract %slice3A_255[0] : i32 from vector<1xi32>
        %get3A_257 = arith.index_cast %squeeze3A_256 : i32 to index
        %get3A_258 = arith.constant 0 : index
        %get3A_259 = tpu.vector_load %arg20[%get3A_257, %get3A_258] {strides = array<i32>} : memref<9x16xf32, #tpu.memory_space<vmem>>, vector<1x16xf32>,
        %get3A_260 = vector.shape_cast %get3A_259 : vector<1x16xf32> to vector<16xf32>
        %get3A_261 = arith.constant 2 : i32
        %get3A_262 = arith.index_cast %get3A_261 : i32 to index
        %get3A_263 = arith.index_cast %scan3A_241 : i32 to index
        %get3A_264 = tpu.vector_load %arg19[%get3A_262, %get3A_263] {strides = array<i32>} : memref<3x32xi32, #tpu.memory_space<vmem>>, vector<1x16xi32>,
        %get3A_265 = vector.shape_cast %get3A_264 : vector<1x16xi32> to vector<16xi32>
        %slice3A_266 = vector.extract_strided_slice %get3A_265 {offsets = [0], sizes = [1], strides = [1]} : vector<16xi32> to vector<1xi32>
        %squeeze3A_267 = vector.extract %slice3A_266[0] : i32 from vector<1xi32>
        %get3A_268 = arith.index_cast %squeeze3A_267 : i32 to index
        %get3A_269 = arith.constant 0 : index
        %get3A_270 = tpu.vector_load %arg20[%get3A_268, %get3A_269] {strides = array<i32>} : memref<9x16xf32, #tpu.memory_space<vmem>>, vector<1x16xf32>,
        %get3A_271 = vector.shape_cast %get3A_270 : vector<1x16xf32> to vector<16xf32>
        %get3A_272 = arith.index_cast %scan3A_241 : i32 to index
        %get3A_273 = arith.constant 0 : index
        %get3A_274 = tpu.vector_load %arg17[%get3A_272, %get3A_273] {strides = array<i32>} : memref<416x128xf32, #tpu.memory_space<vmem>>, vector<1x16xf32>,
        %get3A_275 = vector.shape_cast %get3A_274 : vector<1x16xf32> to vector<16xf32>
        %add3A_276 = arith.constant 16 : i32
        %add3A_277 = arith.addi %add3A_276, %scan3A_241 : i32
        %get3A_278 = arith.index_cast %add3A_277 : i32 to index
        %get3A_279 = arith.constant 0 : index
        %get3A_280 = tpu.vector_load %arg17[%get3A_278, %get3A_279] {strides = array<i32>} : memref<416x128xf32, #tpu.memory_space<vmem>>, vector<1x16xf32>,
        %get3A_281 = vector.shape_cast %get3A_280 : vector<1x16xf32> to vector<16xf32>
        %add3A_282 = arith.addf %get3A_275, %get3A_281 : vector<16xf32>
        %mul3A_283 = arith.constant 8 : i32
        %mul3A_284 = arith.muli %scan3A_241, %mul3A_283 : i32
        %add3A_285 = arith.constant 32 : i32
        %add3A_286 = arith.addi %add3A_285, %mul3A_284 : i32
        %get3A_287 = arith.index_cast %add3A_286 : i32 to index
        %get3A_288 = arith.constant 0 : index
        %get3A_289 = tpu.vector_load %arg17[%get3A_287, %get3A_288] {strides = array<i32>} : memref<416x128xf32, #tpu.memory_space<vmem>>, vector<1x16xf32>,
        %get3A_290 = vector.shape_cast %get3A_289 : vector<1x16xf32> to vector<16xf32>
        %add3A_291 = arith.constant 1 : i32
        %add3A_292 = arith.addi %add3A_286, %add3A_291 : i32
        %get3A_293 = arith.index_cast %add3A_292 : i32 to index
        %get3A_294 = arith.constant 0 : index
        %get3A_295 = tpu.vector_load %arg17[%get3A_293, %get3A_294] {strides = array<i32>} : memref<416x128xf32, #tpu.memory_space<vmem>>, vector<1x16xf32>,
        %get3A_296 = vector.shape_cast %get3A_295 : vector<1x16xf32> to vector<16xf32>
        %add3A_297 = arith.addf %get3A_290, %get3A_296 : vector<16xf32>
        %add3A_298 = arith.constant 2 : i32
        %add3A_299 = arith.addi %add3A_286, %add3A_298 : i32
        %get3A_300 = arith.index_cast %add3A_299 : i32 to index
        %get3A_301 = arith.constant 0 : index
        %get3A_302 = tpu.vector_load %arg17[%get3A_300, %get3A_301] {strides = array<i32>} : memref<416x128xf32, #tpu.memory_space<vmem>>, vector<1x16xf32>,
        %get3A_303 = vector.shape_cast %get3A_302 : vector<1x16xf32> to vector<16xf32>
        %add3A_304 = arith.addf %add3A_297, %get3A_303 : vector<16xf32>
        %add3A_305 = arith.constant 3 : i32
        %add3A_306 = arith.addi %add3A_286, %add3A_305 : i32
        %get3A_307 = arith.index_cast %add3A_306 : i32 to index
        %get3A_308 = arith.constant 0 : index
        %get3A_309 = tpu.vector_load %arg17[%get3A_307, %get3A_308] {strides = array<i32>} : memref<416x128xf32, #tpu.memory_space<vmem>>, vector<1x16xf32>,
        %get3A_310 = vector.shape_cast %get3A_309 : vector<1x16xf32> to vector<16xf32>
        %add3A_311 = arith.addf %add3A_304, %get3A_310 : vector<16xf32>
        %add3A_312 = arith.constant 4 : i32
        %add3A_313 = arith.addi %add3A_286, %add3A_312 : i32
        %get3A_314 = arith.index_cast %add3A_313 : i32 to index
        %get3A_315 = arith.constant 0 : index
        %get3A_316 = tpu.vector_load %arg17[%get3A_314, %get3A_315] {strides = array<i32>} : memref<416x128xf32, #tpu.memory_space<vmem>>, vector<1x16xf32>,
        %get3A_317 = vector.shape_cast %get3A_316 : vector<1x16xf32> to vector<16xf32>
        %add3A_318 = arith.addf %add3A_311, %get3A_317 : vector<16xf32>
        %add3A_319 = arith.constant 5 : i32
        %add3A_320 = arith.addi %add3A_286, %add3A_319 : i32
        %get3A_321 = arith.index_cast %add3A_320 : i32 to index
        %get3A_322 = arith.constant 0 : index
        %get3A_323 = tpu.vector_load %arg17[%get3A_321, %get3A_322] {strides = array<i32>} : memref<416x128xf32, #tpu.memory_space<vmem>>, vector<1x16xf32>,
        %get3A_324 = vector.shape_cast %get3A_323 : vector<1x16xf32> to vector<16xf32>
        %add3A_325 = arith.addf %add3A_318, %get3A_324 : vector<16xf32>
        %add3A_326 = arith.constant 6 : i32
        %add3A_327 = arith.addi %add3A_286, %add3A_326 : i32
        %get3A_328 = arith.index_cast %add3A_327 : i32 to index
        %get3A_329 = arith.constant 0 : index
        %get3A_330 = tpu.vector_load %arg17[%get3A_328, %get3A_329] {strides = array<i32>} : memref<416x128xf32, #tpu.memory_space<vmem>>, vector<1x16xf32>,
        %get3A_331 = vector.shape_cast %get3A_330 : vector<1x16xf32> to vector<16xf32>
        %add3A_332 = arith.addf %add3A_325, %get3A_331 : vector<16xf32>
        %add3A_333 = arith.constant 7 : i32
        %add3A_334 = arith.addi %add3A_286, %add3A_333 : i32
        %get3A_335 = arith.index_cast %add3A_334 : i32 to index
        %get3A_336 = arith.constant 0 : index
        %get3A_337 = tpu.vector_load %arg17[%get3A_335, %get3A_336] {strides = array<i32>} : memref<416x128xf32, #tpu.memory_space<vmem>>, vector<1x16xf32>,
        %get3A_338 = vector.shape_cast %get3A_337 : vector<1x16xf32> to vector<16xf32>
        %add3A_339 = arith.addf %add3A_332, %get3A_338 : vector<16xf32>
        %mul3A_340 = arith.mulf %add3A_339, %get3A_249 : vector<16xf32>
        %add3A_341 = arith.addf %add3A_282, %mul3A_340 : vector<16xf32>
        %mul3A_342 = arith.constant 8 : i32
        %mul3A_343 = arith.muli %scan3A_241, %mul3A_342 : i32
        %add3A_344 = arith.constant 160 : i32
        %add3A_345 = arith.addi %add3A_344, %mul3A_343 : i32
        %get3A_346 = arith.index_cast %add3A_345 : i32 to index
        %get3A_347 = arith.constant 0 : index
        %get3A_348 = tpu.vector_load %arg17[%get3A_346, %get3A_347] {strides = array<i32>} : memref<416x128xf32, #tpu.memory_space<vmem>>, vector<1x16xf32>,
        %get3A_349 = vector.shape_cast %get3A_348 : vector<1x16xf32> to vector<16xf32>
        %add3A_350 = arith.constant 1 : i32
        %add3A_351 = arith.addi %add3A_345, %add3A_350 : i32
        %get3A_352 = arith.index_cast %add3A_351 : i32 to index
        %get3A_353 = arith.constant 0 : index
        %get3A_354 = tpu.vector_load %arg17[%get3A_352, %get3A_353] {strides = array<i32>} : memref<416x128xf32, #tpu.memory_space<vmem>>, vector<1x16xf32>,
        %get3A_355 = vector.shape_cast %get3A_354 : vector<1x16xf32> to vector<16xf32>
        %add3A_356 = arith.addf %get3A_349, %get3A_355 : vector<16xf32>
        %add3A_357 = arith.constant 2 : i32
        %add3A_358 = arith.addi %add3A_345, %add3A_357 : i32
        %get3A_359 = arith.index_cast %add3A_358 : i32 to index
        %get3A_360 = arith.constant 0 : index
        %get3A_361 = tpu.vector_load %arg17[%get3A_359, %get3A_360] {strides = array<i32>} : memref<416x128xf32, #tpu.memory_space<vmem>>, vector<1x16xf32>,
        %get3A_362 = vector.shape_cast %get3A_361 : vector<1x16xf32> to vector<16xf32>
        %add3A_363 = arith.addf %add3A_356, %get3A_362 : vector<16xf32>
        %add3A_364 = arith.constant 3 : i32
        %add3A_365 = arith.addi %add3A_345, %add3A_364 : i32
        %get3A_366 = arith.index_cast %add3A_365 : i32 to index
        %get3A_367 = arith.constant 0 : index
        %get3A_368 = tpu.vector_load %arg17[%get3A_366, %get3A_367] {strides = array<i32>} : memref<416x128xf32, #tpu.memory_space<vmem>>, vector<1x16xf32>,
        %get3A_369 = vector.shape_cast %get3A_368 : vector<1x16xf32> to vector<16xf32>
        %add3A_370 = arith.addf %add3A_363, %get3A_369 : vector<16xf32>
        %add3A_371 = arith.constant 4 : i32
        %add3A_372 = arith.addi %add3A_345, %add3A_371 : i32
        %get3A_373 = arith.index_cast %add3A_372 : i32 to index
        %get3A_374 = arith.constant 0 : index
        %get3A_375 = tpu.vector_load %arg17[%get3A_373, %get3A_374] {strides = array<i32>} : memref<416x128xf32, #tpu.memory_space<vmem>>, vector<1x16xf32>,
        %get3A_376 = vector.shape_cast %get3A_375 : vector<1x16xf32> to vector<16xf32>
        %add3A_377 = arith.addf %add3A_370, %get3A_376 : vector<16xf32>
        %add3A_378 = arith.constant 5 : i32
        %add3A_379 = arith.addi %add3A_345, %add3A_378 : i32
        %get3A_380 = arith.index_cast %add3A_379 : i32 to index
        %get3A_381 = arith.constant 0 : index
        %get3A_382 = tpu.vector_load %arg17[%get3A_380, %get3A_381] {strides = array<i32>} : memref<416x128xf32, #tpu.memory_space<vmem>>, vector<1x16xf32>,
        %get3A_383 = vector.shape_cast %get3A_382 : vector<1x16xf32> to vector<16xf32>
        %add3A_384 = arith.addf %add3A_377, %get3A_383 : vector<16xf32>
        %add3A_385 = arith.constant 6 : i32
        %add3A_386 = arith.addi %add3A_345, %add3A_385 : i32
        %get3A_387 = arith.index_cast %add3A_386 : i32 to index
        %get3A_388 = arith.constant 0 : index
        %get3A_389 = tpu.vector_load %arg17[%get3A_387, %get3A_388] {strides = array<i32>} : memref<416x128xf32, #tpu.memory_space<vmem>>, vector<1x16xf32>,
        %get3A_390 = vector.shape_cast %get3A_389 : vector<1x16xf32> to vector<16xf32>
        %add3A_391 = arith.addf %add3A_384, %get3A_390 : vector<16xf32>
        %add3A_392 = arith.constant 7 : i32
        %add3A_393 = arith.addi %add3A_345, %add3A_392 : i32
        %get3A_394 = arith.index_cast %add3A_393 : i32 to index
        %get3A_395 = arith.constant 0 : index
        %get3A_396 = tpu.vector_load %arg17[%get3A_394, %get3A_395] {strides = array<i32>} : memref<416x128xf32, #tpu.memory_space<vmem>>, vector<1x16xf32>,
        %get3A_397 = vector.shape_cast %get3A_396 : vector<1x16xf32> to vector<16xf32>
        %add3A_398 = arith.addf %add3A_391, %get3A_397 : vector<16xf32>
        %mul3A_399 = arith.mulf %add3A_398, %get3A_260 : vector<16xf32>
        %add3A_400 = arith.addf %add3A_341, %mul3A_399 : vector<16xf32>
        %mul3A_401 = arith.constant 8 : i32
        %mul3A_402 = arith.muli %scan3A_241, %mul3A_401 : i32
        %add3A_403 = arith.constant 288 : i32
        %add3A_404 = arith.addi %add3A_403, %mul3A_402 : i32
        %get3A_405 = arith.index_cast %add3A_404 : i32 to index
        %get3A_406 = arith.constant 0 : index
        %get3A_407 = tpu.vector_load %arg17[%get3A_405, %get3A_406] {strides = array<i32>} : memref<416x128xf32, #tpu.memory_space<vmem>>, vector<1x16xf32>,
        %get3A_408 = vector.shape_cast %get3A_407 : vector<1x16xf32> to vector<16xf32>
        %add3A_409 = arith.constant 1 : i32
        %add3A_410 = arith.addi %add3A_404, %add3A_409 : i32
        %get3A_411 = arith.index_cast %add3A_410 : i32 to index
        %get3A_412 = arith.constant 0 : index
        %get3A_413 = tpu.vector_load %arg17[%get3A_411, %get3A_412] {strides = array<i32>} : memref<416x128xf32, #tpu.memory_space<vmem>>, vector<1x16xf32>,
        %get3A_414 = vector.shape_cast %get3A_413 : vector<1x16xf32> to vector<16xf32>
        %add3A_415 = arith.addf %get3A_408, %get3A_414 : vector<16xf32>
        %add3A_416 = arith.constant 2 : i32
        %add3A_417 = arith.addi %add3A_404, %add3A_416 : i32
        %get3A_418 = arith.index_cast %add3A_417 : i32 to index
        %get3A_419 = arith.constant 0 : index
        %get3A_420 = tpu.vector_load %arg17[%get3A_418, %get3A_419] {strides = array<i32>} : memref<416x128xf32, #tpu.memory_space<vmem>>, vector<1x16xf32>,
        %get3A_421 = vector.shape_cast %get3A_420 : vector<1x16xf32> to vector<16xf32>
        %add3A_422 = arith.addf %add3A_415, %get3A_421 : vector<16xf32>
        %add3A_423 = arith.constant 3 : i32
        %add3A_424 = arith.addi %add3A_404, %add3A_423 : i32
        %get3A_425 = arith.index_cast %add3A_424 : i32 to index
        %get3A_426 = arith.constant 0 : index
        %get3A_427 = tpu.vector_load %arg17[%get3A_425, %get3A_426] {strides = array<i32>} : memref<416x128xf32, #tpu.memory_space<vmem>>, vector<1x16xf32>,
        %get3A_428 = vector.shape_cast %get3A_427 : vector<1x16xf32> to vector<16xf32>
        %add3A_429 = arith.addf %add3A_422, %get3A_428 : vector<16xf32>
        %add3A_430 = arith.constant 4 : i32
        %add3A_431 = arith.addi %add3A_404, %add3A_430 : i32
        %get3A_432 = arith.index_cast %add3A_431 : i32 to index
        %get3A_433 = arith.constant 0 : index
        %get3A_434 = tpu.vector_load %arg17[%get3A_432, %get3A_433] {strides = array<i32>} : memref<416x128xf32, #tpu.memory_space<vmem>>, vector<1x16xf32>,
        %get3A_435 = vector.shape_cast %get3A_434 : vector<1x16xf32> to vector<16xf32>
        %add3A_436 = arith.addf %add3A_429, %get3A_435 : vector<16xf32>
        %add3A_437 = arith.constant 5 : i32
        %add3A_438 = arith.addi %add3A_404, %add3A_437 : i32
        %get3A_439 = arith.index_cast %add3A_438 : i32 to index
        %get3A_440 = arith.constant 0 : index
        %get3A_441 = tpu.vector_load %arg17[%get3A_439, %get3A_440] {strides = array<i32>} : memref<416x128xf32, #tpu.memory_space<vmem>>, vector<1x16xf32>,
        %get3A_442 = vector.shape_cast %get3A_441 : vector<1x16xf32> to vector<16xf32>
        %add3A_443 = arith.addf %add3A_436, %get3A_442 : vector<16xf32>
        %add3A_444 = arith.constant 6 : i32
        %add3A_445 = arith.addi %add3A_404, %add3A_444 : i32
        %get3A_446 = arith.index_cast %add3A_445 : i32 to index
        %get3A_447 = arith.constant 0 : index
        %get3A_448 = tpu.vector_load %arg17[%get3A_446, %get3A_447] {strides = array<i32>} : memref<416x128xf32, #tpu.memory_space<vmem>>, vector<1x16xf32>,
        %get3A_449 = vector.shape_cast %get3A_448 : vector<1x16xf32> to vector<16xf32>
        %add3A_450 = arith.addf %add3A_443, %get3A_449 : vector<16xf32>
        %add3A_451 = arith.constant 7 : i32
        %add3A_452 = arith.addi %add3A_404, %add3A_451 : i32
        %get3A_453 = arith.index_cast %add3A_452 : i32 to index
        %get3A_454 = arith.constant 0 : index
        %get3A_455 = tpu.vector_load %arg17[%get3A_453, %get3A_454] {strides = array<i32>} : memref<416x128xf32, #tpu.memory_space<vmem>>, vector<1x16xf32>,
        %get3A_456 = vector.shape_cast %get3A_455 : vector<1x16xf32> to vector<16xf32>
        %add3A_457 = arith.addf %add3A_450, %get3A_456 : vector<16xf32>
        %mul3A_458 = arith.mulf %add3A_457, %get3A_271 : vector<16xf32>
        %add3A_459 = arith.addf %add3A_400, %mul3A_458 : vector<16xf32>
        %swap3A = arith.index_cast %scan3A_241 : i32 to index
        %swap3A_460 = arith.constant 0 : index
        %swap3A_461 = tpu.vector_load %arg21[%swap3A, %swap3A_460] {strides = array<i32>} : memref<16x128xf32, #tpu.memory_space<vmem>>, vector<1x16xf32>,
        %swap3A_462 = vector.shape_cast %swap3A_461 : vector<1x16xf32> to vector<16xf32>
        %swap3A_463 = vector.shape_cast %add3A_459 : vector<16xf32> to vector<1x16xf32>
        tpu.vector_store %arg21[%swap3A, %swap3A_460], %swap3A_463 {strides = array<i32>} : memref<16x128xf32, #tpu.memory_space<vmem>>, vector<1x16xf32>,
        %get3A_464 = arith.index_cast %scan3A_241 : i32 to index
        %get3A_465 = arith.constant 16 : index
        %get3A_466 = tpu.vector_load %arg17[%get3A_464, %get3A_465] {strides = array<i32>} : memref<416x128xf32, #tpu.memory_space<vmem>>, vector<1x16xf32>,
        %get3A_467 = vector.shape_cast %get3A_466 : vector<1x16xf32> to vector<16xf32>
        %add3A_468 = arith.constant 16 : i32
        %add3A_469 = arith.addi %add3A_468, %scan3A_241 : i32
        %get3A_470 = arith.index_cast %add3A_469 : i32 to index
        %get3A_471 = arith.constant 16 : index
        %get3A_472 = tpu.vector_load %arg17[%get3A_470, %get3A_471] {strides = array<i32>} : memref<416x128xf32, #tpu.memory_space<vmem>>, vector<1x16xf32>,
        %get3A_473 = vector.shape_cast %get3A_472 : vector<1x16xf32> to vector<16xf32>
        %add3A_474 = arith.addf %get3A_467, %get3A_473 : vector<16xf32>
        %mul3A_475 = arith.constant 8 : i32
        %mul3A_476 = arith.muli %scan3A_241, %mul3A_475 : i32
        %add3A_477 = arith.constant 32 : i32
        %add3A_478 = arith.addi %add3A_477, %mul3A_476 : i32
        %get3A_479 = arith.index_cast %add3A_478 : i32 to index
        %get3A_480 = arith.constant 16 : index
        %get3A_481 = tpu.vector_load %arg17[%get3A_479, %get3A_480] {strides = array<i32>} : memref<416x128xf32, #tpu.memory_space<vmem>>, vector<1x16xf32>,
        %get3A_482 = vector.shape_cast %get3A_481 : vector<1x16xf32> to vector<16xf32>
        %add3A_483 = arith.constant 1 : i32
        %add3A_484 = arith.addi %add3A_478, %add3A_483 : i32
        %get3A_485 = arith.index_cast %add3A_484 : i32 to index
        %get3A_486 = arith.constant 16 : index
        %get3A_487 = tpu.vector_load %arg17[%get3A_485, %get3A_486] {strides = array<i32>} : memref<416x128xf32, #tpu.memory_space<vmem>>, vector<1x16xf32>,
        %get3A_488 = vector.shape_cast %get3A_487 : vector<1x16xf32> to vector<16xf32>
        %add3A_489 = arith.addf %get3A_482, %get3A_488 : vector<16xf32>
        %add3A_490 = arith.constant 2 : i32
        %add3A_491 = arith.addi %add3A_478, %add3A_490 : i32
        %get3A_492 = arith.index_cast %add3A_491 : i32 to index
        %get3A_493 = arith.constant 16 : index
        %get3A_494 = tpu.vector_load %arg17[%get3A_492, %get3A_493] {strides = array<i32>} : memref<416x128xf32, #tpu.memory_space<vmem>>, vector<1x16xf32>,
        %get3A_495 = vector.shape_cast %get3A_494 : vector<1x16xf32> to vector<16xf32>
        %add3A_496 = arith.addf %add3A_489, %get3A_495 : vector<16xf32>
        %add3A_497 = arith.constant 3 : i32
        %add3A_498 = arith.addi %add3A_478, %add3A_497 : i32
        %get3A_499 = arith.index_cast %add3A_498 : i32 to index
        %get3A_500 = arith.constant 16 : index
        %get3A_501 = tpu.vector_load %arg17[%get3A_499, %get3A_500] {strides = array<i32>} : memref<416x128xf32, #tpu.memory_space<vmem>>, vector<1x16xf32>,
        %get3A_502 = vector.shape_cast %get3A_501 : vector<1x16xf32> to vector<16xf32>
        %add3A_503 = arith.addf %add3A_496, %get3A_502 : vector<16xf32>
        %add3A_504 = arith.constant 4 : i32
        %add3A_505 = arith.addi %add3A_478, %add3A_504 : i32
        %get3A_506 = arith.index_cast %add3A_505 : i32 to index
        %get3A_507 = arith.constant 16 : index
        %get3A_508 = tpu.vector_load %arg17[%get3A_506, %get3A_507] {strides = array<i32>} : memref<416x128xf32, #tpu.memory_space<vmem>>, vector<1x16xf32>,
        %get3A_509 = vector.shape_cast %get3A_508 : vector<1x16xf32> to vector<16xf32>
        %add3A_510 = arith.addf %add3A_503, %get3A_509 : vector<16xf32>
        %add3A_511 = arith.constant 5 : i32
        %add3A_512 = arith.addi %add3A_478, %add3A_511 : i32
        %get3A_513 = arith.index_cast %add3A_512 : i32 to index
        %get3A_514 = arith.constant 16 : index
        %get3A_515 = tpu.vector_load %arg17[%get3A_513, %get3A_514] {strides = array<i32>} : memref<416x128xf32, #tpu.memory_space<vmem>>, vector<1x16xf32>,
        %get3A_516 = vector.shape_cast %get3A_515 : vector<1x16xf32> to vector<16xf32>
        %add3A_517 = arith.addf %add3A_510, %get3A_516 : vector<16xf32>
        %add3A_518 = arith.constant 6 : i32
        %add3A_519 = arith.addi %add3A_478, %add3A_518 : i32
        %get3A_520 = arith.index_cast %add3A_519 : i32 to index
        %get3A_521 = arith.constant 16 : index
        %get3A_522 = tpu.vector_load %arg17[%get3A_520, %get3A_521] {strides = array<i32>} : memref<416x128xf32, #tpu.memory_space<vmem>>, vector<1x16xf32>,
        %get3A_523 = vector.shape_cast %get3A_522 : vector<1x16xf32> to vector<16xf32>
        %add3A_524 = arith.addf %add3A_517, %get3A_523 : vector<16xf32>
        %add3A_525 = arith.constant 7 : i32
        %add3A_526 = arith.addi %add3A_478, %add3A_525 : i32
        %get3A_527 = arith.index_cast %add3A_526 : i32 to index
        %get3A_528 = arith.constant 16 : index
        %get3A_529 = tpu.vector_load %arg17[%get3A_527, %get3A_528] {strides = array<i32>} : memref<416x128xf32, #tpu.memory_space<vmem>>, vector<1x16xf32>,
        %get3A_530 = vector.shape_cast %get3A_529 : vector<1x16xf32> to vector<16xf32>
        %add3A_531 = arith.addf %add3A_524, %get3A_530 : vector<16xf32>
        %mul3A_532 = arith.mulf %add3A_531, %get3A_249 : vector<16xf32>
        %add3A_533 = arith.addf %add3A_474, %mul3A_532 : vector<16xf32>
        %mul3A_534 = arith.constant 8 : i32
        %mul3A_535 = arith.muli %scan3A_241, %mul3A_534 : i32
        %add3A_536 = arith.constant 160 : i32
        %add3A_537 = arith.addi %add3A_536, %mul3A_535 : i32
        %get3A_538 = arith.index_cast %add3A_537 : i32 to index
        %get3A_539 = arith.constant 16 : index
        %get3A_540 = tpu.vector_load %arg17[%get3A_538, %get3A_539] {strides = array<i32>} : memref<416x128xf32, #tpu.memory_space<vmem>>, vector<1x16xf32>,
        %get3A_541 = vector.shape_cast %get3A_540 : vector<1x16xf32> to vector<16xf32>
        %add3A_542 = arith.constant 1 : i32
        %add3A_543 = arith.addi %add3A_537, %add3A_542 : i32
        %get3A_544 = arith.index_cast %add3A_543 : i32 to index
        %get3A_545 = arith.constant 16 : index
        %get3A_546 = tpu.vector_load %arg17[%get3A_544, %get3A_545] {strides = array<i32>} : memref<416x128xf32, #tpu.memory_space<vmem>>, vector<1x16xf32>,
        %get3A_547 = vector.shape_cast %get3A_546 : vector<1x16xf32> to vector<16xf32>
        %add3A_548 = arith.addf %get3A_541, %get3A_547 : vector<16xf32>
        %add3A_549 = arith.constant 2 : i32
        %add3A_550 = arith.addi %add3A_537, %add3A_549 : i32
        %get3A_551 = arith.index_cast %add3A_550 : i32 to index
        %get3A_552 = arith.constant 16 : index
        %get3A_553 = tpu.vector_load %arg17[%get3A_551, %get3A_552] {strides = array<i32>} : memref<416x128xf32, #tpu.memory_space<vmem>>, vector<1x16xf32>,
        %get3A_554 = vector.shape_cast %get3A_553 : vector<1x16xf32> to vector<16xf32>
        %add3A_555 = arith.addf %add3A_548, %get3A_554 : vector<16xf32>
        %add3A_556 = arith.constant 3 : i32
        %add3A_557 = arith.addi %add3A_537, %add3A_556 : i32
        %get3A_558 = arith.index_cast %add3A_557 : i32 to index
        %get3A_559 = arith.constant 16 : index
        %get3A_560 = tpu.vector_load %arg17[%get3A_558, %get3A_559] {strides = array<i32>} : memref<416x128xf32, #tpu.memory_space<vmem>>, vector<1x16xf32>,
        %get3A_561 = vector.shape_cast %get3A_560 : vector<1x16xf32> to vector<16xf32>
        %add3A_562 = arith.addf %add3A_555, %get3A_561 : vector<16xf32>
        %add3A_563 = arith.constant 4 : i32
        %add3A_564 = arith.addi %add3A_537, %add3A_563 : i32
        %get3A_565 = arith.index_cast %add3A_564 : i32 to index
        %get3A_566 = arith.constant 16 : index
        %get3A_567 = tpu.vector_load %arg17[%get3A_565, %get3A_566] {strides = array<i32>} : memref<416x128xf32, #tpu.memory_space<vmem>>, vector<1x16xf32>,
        %get3A_568 = vector.shape_cast %get3A_567 : vector<1x16xf32> to vector<16xf32>
        %add3A_569 = arith.addf %add3A_562, %get3A_568 : vector<16xf32>
        %add3A_570 = arith.constant 5 : i32
        %add3A_571 = arith.addi %add3A_537, %add3A_570 : i32
        %get3A_572 = arith.index_cast %add3A_571 : i32 to index
        %get3A_573 = arith.constant 16 : index
        %get3A_574 = tpu.vector_load %arg17[%get3A_572, %get3A_573] {strides = array<i32>} : memref<416x128xf32, #tpu.memory_space<vmem>>, vector<1x16xf32>,
        %get3A_575 = vector.shape_cast %get3A_574 : vector<1x16xf32> to vector<16xf32>
        %add3A_576 = arith.addf %add3A_569, %get3A_575 : vector<16xf32>
        %add3A_577 = arith.constant 6 : i32
        %add3A_578 = arith.addi %add3A_537, %add3A_577 : i32
        %get3A_579 = arith.index_cast %add3A_578 : i32 to index
        %get3A_580 = arith.constant 16 : index
        %get3A_581 = tpu.vector_load %arg17[%get3A_579, %get3A_580] {strides = array<i32>} : memref<416x128xf32, #tpu.memory_space<vmem>>, vector<1x16xf32>,
        %get3A_582 = vector.shape_cast %get3A_581 : vector<1x16xf32> to vector<16xf32>
        %add3A_583 = arith.addf %add3A_576, %get3A_582 : vector<16xf32>
        %add3A_584 = arith.constant 7 : i32
        %add3A_585 = arith.addi %add3A_537, %add3A_584 : i32
        %get3A_586 = arith.index_cast %add3A_585 : i32 to index
        %get3A_587 = arith.constant 16 : index
        %get3A_588 = tpu.vector_load %arg17[%get3A_586, %get3A_587] {strides = array<i32>} : memref<416x128xf32, #tpu.memory_space<vmem>>, vector<1x16xf32>,
        %get3A_589 = vector.shape_cast %get3A_588 : vector<1x16xf32> to vector<16xf32>
        %add3A_590 = arith.addf %add3A_583, %get3A_589 : vector<16xf32>
        %mul3A_591 = arith.mulf %add3A_590, %get3A_260 : vector<16xf32>
        %add3A_592 = arith.addf %add3A_533, %mul3A_591 : vector<16xf32>
        %mul3A_593 = arith.constant 8 : i32
        %mul3A_594 = arith.muli %scan3A_241, %mul3A_593 : i32
        %add3A_595 = arith.constant 288 : i32
        %add3A_596 = arith.addi %add3A_595, %mul3A_594 : i32
        %get3A_597 = arith.index_cast %add3A_596 : i32 to index
        %get3A_598 = arith.constant 16 : index
        %get3A_599 = tpu.vector_load %arg17[%get3A_597, %get3A_598] {strides = array<i32>} : memref<416x128xf32, #tpu.memory_space<vmem>>, vector<1x16xf32>,
        %get3A_600 = vector.shape_cast %get3A_599 : vector<1x16xf32> to vector<16xf32>
        %add3A_601 = arith.constant 1 : i32
        %add3A_602 = arith.addi %add3A_596, %add3A_601 : i32
        %get3A_603 = arith.index_cast %add3A_602 : i32 to index
        %get3A_604 = arith.constant 16 : index
        %get3A_605 = tpu.vector_load %arg17[%get3A_603, %get3A_604] {strides = array<i32>} : memref<416x128xf32, #tpu.memory_space<vmem>>, vector<1x16xf32>,
        %get3A_606 = vector.shape_cast %get3A_605 : vector<1x16xf32> to vector<16xf32>
        %add3A_607 = arith.addf %get3A_600, %get3A_606 : vector<16xf32>
        %add3A_608 = arith.constant 2 : i32
        %add3A_609 = arith.addi %add3A_596, %add3A_608 : i32
        %get3A_610 = arith.index_cast %add3A_609 : i32 to index
        %get3A_611 = arith.constant 16 : index
        %get3A_612 = tpu.vector_load %arg17[%get3A_610, %get3A_611] {strides = array<i32>} : memref<416x128xf32, #tpu.memory_space<vmem>>, vector<1x16xf32>,
        %get3A_613 = vector.shape_cast %get3A_612 : vector<1x16xf32> to vector<16xf32>
        %add3A_614 = arith.addf %add3A_607, %get3A_613 : vector<16xf32>
        %add3A_615 = arith.constant 3 : i32
        %add3A_616 = arith.addi %add3A_596, %add3A_615 : i32
        %get3A_617 = arith.index_cast %add3A_616 : i32 to index
        %get3A_618 = arith.constant 16 : index
        %get3A_619 = tpu.vector_load %arg17[%get3A_617, %get3A_618] {strides = array<i32>} : memref<416x128xf32, #tpu.memory_space<vmem>>, vector<1x16xf32>,
        %get3A_620 = vector.shape_cast %get3A_619 : vector<1x16xf32> to vector<16xf32>
        %add3A_621 = arith.addf %add3A_614, %get3A_620 : vector<16xf32>
        %add3A_622 = arith.constant 4 : i32
        %add3A_623 = arith.addi %add3A_596, %add3A_622 : i32
        %get3A_624 = arith.index_cast %add3A_623 : i32 to index
        %get3A_625 = arith.constant 16 : index
        %get3A_626 = tpu.vector_load %arg17[%get3A_624, %get3A_625] {strides = array<i32>} : memref<416x128xf32, #tpu.memory_space<vmem>>, vector<1x16xf32>,
        %get3A_627 = vector.shape_cast %get3A_626 : vector<1x16xf32> to vector<16xf32>
        %add3A_628 = arith.addf %add3A_621, %get3A_627 : vector<16xf32>
        %add3A_629 = arith.constant 5 : i32
        %add3A_630 = arith.addi %add3A_596, %add3A_629 : i32
        %get3A_631 = arith.index_cast %add3A_630 : i32 to index
        %get3A_632 = arith.constant 16 : index
        %get3A_633 = tpu.vector_load %arg17[%get3A_631, %get3A_632] {strides = array<i32>} : memref<416x128xf32, #tpu.memory_space<vmem>>, vector<1x16xf32>,
        %get3A_634 = vector.shape_cast %get3A_633 : vector<1x16xf32> to vector<16xf32>
        %add3A_635 = arith.addf %add3A_628, %get3A_634 : vector<16xf32>
        %add3A_636 = arith.constant 6 : i32
        %add3A_637 = arith.addi %add3A_596, %add3A_636 : i32
        %get3A_638 = arith.index_cast %add3A_637 : i32 to index
        %get3A_639 = arith.constant 16 : index
        %get3A_640 = tpu.vector_load %arg17[%get3A_638, %get3A_639] {strides = array<i32>} : memref<416x128xf32, #tpu.memory_space<vmem>>, vector<1x16xf32>,
        %get3A_641 = vector.shape_cast %get3A_640 : vector<1x16xf32> to vector<16xf32>
        %add3A_642 = arith.addf %add3A_635, %get3A_641 : vector<16xf32>
        %add3A_643 = arith.constant 7 : i32
        %add3A_644 = arith.addi %add3A_596, %add3A_643 : i32
        %get3A_645 = arith.index_cast %add3A_644 : i32 to index
        %get3A_646 = arith.constant 16 : index
        %get3A_647 = tpu.vector_load %arg17[%get3A_645, %get3A_646] {strides = array<i32>} : memref<416x128xf32, #tpu.memory_space<vmem>>, vector<1x16xf32>,
        %get3A_648 = vector.shape_cast %get3A_647 : vector<1x16xf32> to vector<16xf32>
        %add3A_649 = arith.addf %add3A_642, %get3A_648 : vector<16xf32>
        %mul3A_650 = arith.mulf %add3A_649, %get3A_271 : vector<16xf32>
        %add3A_651 = arith.addf %add3A_592, %mul3A_650 : vector<16xf32>
        %swap3A_652 = arith.index_cast %scan3A_241 : i32 to index
        %swap3A_653 = arith.constant 16 : index
        %swap3A_654 = tpu.vector_load %arg21[%swap3A_652, %swap3A_653] {strides = array<i32>} : memref<16x128xf32, #tpu.memory_space<vmem>>, vector<1x16xf32>,
        %swap3A_655 = vector.shape_cast %swap3A_654 : vector<1x16xf32> to vector<16xf32>
        %swap3A_656 = vector.shape_cast %add3A_651 : vector<16xf32> to vector<1x16xf32>
        tpu.vector_store %arg21[%swap3A_652, %swap3A_653], %swap3A_656 {strides = array<i32>} : memref<16x128xf32, #tpu.memory_space<vmem>>, vector<1x16xf32>,
        %get3A_657 = arith.index_cast %scan3A_241 : i32 to index
        %get3A_658 = arith.constant 32 : index
        %get3A_659 = tpu.vector_load %arg17[%get3A_657, %get3A_658] {strides = array<i32>} : memref<416x128xf32, #tpu.memory_space<vmem>>, vector<1x16xf32>,
        %get3A_660 = vector.shape_cast %get3A_659 : vector<1x16xf32> to vector<16xf32>
        %add3A_661 = arith.constant 16 : i32
        %add3A_662 = arith.addi %add3A_661, %scan3A_241 : i32
        %get3A_663 = arith.index_cast %add3A_662 : i32 to index
        %get3A_664 = arith.constant 32 : index
        %get3A_665 = tpu.vector_load %arg17[%get3A_663, %get3A_664] {strides = array<i32>} : memref<416x128xf32, #tpu.memory_space<vmem>>, vector<1x16xf32>,
        %get3A_666 = vector.shape_cast %get3A_665 : vector<1x16xf32> to vector<16xf32>
        %add3A_667 = arith.addf %get3A_660, %get3A_666 : vector<16xf32>
        %mul3A_668 = arith.constant 8 : i32
        %mul3A_669 = arith.muli %scan3A_241, %mul3A_668 : i32
        %add3A_670 = arith.constant 32 : i32
        %add3A_671 = arith.addi %add3A_670, %mul3A_669 : i32
        %get3A_672 = arith.index_cast %add3A_671 : i32 to index
        %get3A_673 = arith.constant 32 : index
        %get3A_674 = tpu.vector_load %arg17[%get3A_672, %get3A_673] {strides = array<i32>} : memref<416x128xf32, #tpu.memory_space<vmem>>, vector<1x16xf32>,
        %get3A_675 = vector.shape_cast %get3A_674 : vector<1x16xf32> to vector<16xf32>
        %add3A_676 = arith.constant 1 : i32
        %add3A_677 = arith.addi %add3A_671, %add3A_676 : i32
        %get3A_678 = arith.index_cast %add3A_677 : i32 to index
        %get3A_679 = arith.constant 32 : index
        %get3A_680 = tpu.vector_load %arg17[%get3A_678, %get3A_679] {strides = array<i32>} : memref<416x128xf32, #tpu.memory_space<vmem>>, vector<1x16xf32>,
        %get3A_681 = vector.shape_cast %get3A_680 : vector<1x16xf32> to vector<16xf32>
        %add3A_682 = arith.addf %get3A_675, %get3A_681 : vector<16xf32>
        %add3A_683 = arith.constant 2 : i32
        %add3A_684 = arith.addi %add3A_671, %add3A_683 : i32
        %get3A_685 = arith.index_cast %add3A_684 : i32 to index
        %get3A_686 = arith.constant 32 : index
        %get3A_687 = tpu.vector_load %arg17[%get3A_685, %get3A_686] {strides = array<i32>} : memref<416x128xf32, #tpu.memory_space<vmem>>, vector<1x16xf32>,
        %get3A_688 = vector.shape_cast %get3A_687 : vector<1x16xf32> to vector<16xf32>
        %add3A_689 = arith.addf %add3A_682, %get3A_688 : vector<16xf32>
        %add3A_690 = arith.constant 3 : i32
        %add3A_691 = arith.addi %add3A_671, %add3A_690 : i32
        %get3A_692 = arith.index_cast %add3A_691 : i32 to index
        %get3A_693 = arith.constant 32 : index
        %get3A_694 = tpu.vector_load %arg17[%get3A_692, %get3A_693] {strides = array<i32>} : memref<416x128xf32, #tpu.memory_space<vmem>>, vector<1x16xf32>,
        %get3A_695 = vector.shape_cast %get3A_694 : vector<1x16xf32> to vector<16xf32>
        %add3A_696 = arith.addf %add3A_689, %get3A_695 : vector<16xf32>
        %add3A_697 = arith.constant 4 : i32
        %add3A_698 = arith.addi %add3A_671, %add3A_697 : i32
        %get3A_699 = arith.index_cast %add3A_698 : i32 to index
        %get3A_700 = arith.constant 32 : index
        %get3A_701 = tpu.vector_load %arg17[%get3A_699, %get3A_700] {strides = array<i32>} : memref<416x128xf32, #tpu.memory_space<vmem>>, vector<1x16xf32>,
        %get3A_702 = vector.shape_cast %get3A_701 : vector<1x16xf32> to vector<16xf32>
        %add3A_703 = arith.addf %add3A_696, %get3A_702 : vector<16xf32>
        %add3A_704 = arith.constant 5 : i32
        %add3A_705 = arith.addi %add3A_671, %add3A_704 : i32
        %get3A_706 = arith.index_cast %add3A_705 : i32 to index
        %get3A_707 = arith.constant 32 : index
        %get3A_708 = tpu.vector_load %arg17[%get3A_706, %get3A_707] {strides = array<i32>} : memref<416x128xf32, #tpu.memory_space<vmem>>, vector<1x16xf32>,
        %get3A_709 = vector.shape_cast %get3A_708 : vector<1x16xf32> to vector<16xf32>
        %add3A_710 = arith.addf %add3A_703, %get3A_709 : vector<16xf32>
        %add3A_711 = arith.constant 6 : i32
        %add3A_712 = arith.addi %add3A_671, %add3A_711 : i32
        %get3A_713 = arith.index_cast %add3A_712 : i32 to index
        %get3A_714 = arith.constant 32 : index
        %get3A_715 = tpu.vector_load %arg17[%get3A_713, %get3A_714] {strides = array<i32>} : memref<416x128xf32, #tpu.memory_space<vmem>>, vector<1x16xf32>,
        %get3A_716 = vector.shape_cast %get3A_715 : vector<1x16xf32> to vector<16xf32>
        %add3A_717 = arith.addf %add3A_710, %get3A_716 : vector<16xf32>
        %add3A_718 = arith.constant 7 : i32
        %add3A_719 = arith.addi %add3A_671, %add3A_718 : i32
        %get3A_720 = arith.index_cast %add3A_719 : i32 to index
        %get3A_721 = arith.constant 32 : index
        %get3A_722 = tpu.vector_load %arg17[%get3A_720, %get3A_721] {strides = array<i32>} : memref<416x128xf32, #tpu.memory_space<vmem>>, vector<1x16xf32>,
        %get3A_723 = vector.shape_cast %get3A_722 : vector<1x16xf32> to vector<16xf32>
        %add3A_724 = arith.addf %add3A_717, %get3A_723 : vector<16xf32>
        %mul3A_725 = arith.mulf %add3A_724, %get3A_249 : vector<16xf32>
        %add3A_726 = arith.addf %add3A_667, %mul3A_725 : vector<16xf32>
        %mul3A_727 = arith.constant 8 : i32
        %mul3A_728 = arith.muli %scan3A_241, %mul3A_727 : i32
        %add3A_729 = arith.constant 160 : i32
        %add3A_730 = arith.addi %add3A_729, %mul3A_728 : i32
        %get3A_731 = arith.index_cast %add3A_730 : i32 to index
        %get3A_732 = arith.constant 32 : index
        %get3A_733 = tpu.vector_load %arg17[%get3A_731, %get3A_732] {strides = array<i32>} : memref<416x128xf32, #tpu.memory_space<vmem>>, vector<1x16xf32>,
        %get3A_734 = vector.shape_cast %get3A_733 : vector<1x16xf32> to vector<16xf32>
        %add3A_735 = arith.constant 1 : i32
        %add3A_736 = arith.addi %add3A_730, %add3A_735 : i32
        %get3A_737 = arith.index_cast %add3A_736 : i32 to index
        %get3A_738 = arith.constant 32 : index
        %get3A_739 = tpu.vector_load %arg17[%get3A_737, %get3A_738] {strides = array<i32>} : memref<416x128xf32, #tpu.memory_space<vmem>>, vector<1x16xf32>,
        %get3A_740 = vector.shape_cast %get3A_739 : vector<1x16xf32> to vector<16xf32>
        %add3A_741 = arith.addf %get3A_734, %get3A_740 : vector<16xf32>
        %add3A_742 = arith.constant 2 : i32
        %add3A_743 = arith.addi %add3A_730, %add3A_742 : i32
        %get3A_744 = arith.index_cast %add3A_743 : i32 to index
        %get3A_745 = arith.constant 32 : index
        %get3A_746 = tpu.vector_load %arg17[%get3A_744, %get3A_745] {strides = array<i32>} : memref<416x128xf32, #tpu.memory_space<vmem>>, vector<1x16xf32>,
        %get3A_747 = vector.shape_cast %get3A_746 : vector<1x16xf32> to vector<16xf32>
        %add3A_748 = arith.addf %add3A_741, %get3A_747 : vector<16xf32>
        %add3A_749 = arith.constant 3 : i32
        %add3A_750 = arith.addi %add3A_730, %add3A_749 : i32
        %get3A_751 = arith.index_cast %add3A_750 : i32 to index
        %get3A_752 = arith.constant 32 : index
        %get3A_753 = tpu.vector_load %arg17[%get3A_751, %get3A_752] {strides = array<i32>} : memref<416x128xf32, #tpu.memory_space<vmem>>, vector<1x16xf32>,
        %get3A_754 = vector.shape_cast %get3A_753 : vector<1x16xf32> to vector<16xf32>
        %add3A_755 = arith.addf %add3A_748, %get3A_754 : vector<16xf32>
        %add3A_756 = arith.constant 4 : i32
        %add3A_757 = arith.addi %add3A_730, %add3A_756 : i32
        %get3A_758 = arith.index_cast %add3A_757 : i32 to index
        %get3A_759 = arith.constant 32 : index
        %get3A_760 = tpu.vector_load %arg17[%get3A_758, %get3A_759] {strides = array<i32>} : memref<416x128xf32, #tpu.memory_space<vmem>>, vector<1x16xf32>,
        %get3A_761 = vector.shape_cast %get3A_760 : vector<1x16xf32> to vector<16xf32>
        %add3A_762 = arith.addf %add3A_755, %get3A_761 : vector<16xf32>
        %add3A_763 = arith.constant 5 : i32
        %add3A_764 = arith.addi %add3A_730, %add3A_763 : i32
        %get3A_765 = arith.index_cast %add3A_764 : i32 to index
        %get3A_766 = arith.constant 32 : index
        %get3A_767 = tpu.vector_load %arg17[%get3A_765, %get3A_766] {strides = array<i32>} : memref<416x128xf32, #tpu.memory_space<vmem>>, vector<1x16xf32>,
        %get3A_768 = vector.shape_cast %get3A_767 : vector<1x16xf32> to vector<16xf32>
        %add3A_769 = arith.addf %add3A_762, %get3A_768 : vector<16xf32>
        %add3A_770 = arith.constant 6 : i32
        %add3A_771 = arith.addi %add3A_730, %add3A_770 : i32
        %get3A_772 = arith.index_cast %add3A_771 : i32 to index
        %get3A_773 = arith.constant 32 : index
        %get3A_774 = tpu.vector_load %arg17[%get3A_772, %get3A_773] {strides = array<i32>} : memref<416x128xf32, #tpu.memory_space<vmem>>, vector<1x16xf32>,
        %get3A_775 = vector.shape_cast %get3A_774 : vector<1x16xf32> to vector<16xf32>
        %add3A_776 = arith.addf %add3A_769, %get3A_775 : vector<16xf32>
        %add3A_777 = arith.constant 7 : i32
        %add3A_778 = arith.addi %add3A_730, %add3A_777 : i32
        %get3A_779 = arith.index_cast %add3A_778 : i32 to index
        %get3A_780 = arith.constant 32 : index
        %get3A_781 = tpu.vector_load %arg17[%get3A_779, %get3A_780] {strides = array<i32>} : memref<416x128xf32, #tpu.memory_space<vmem>>, vector<1x16xf32>,
        %get3A_782 = vector.shape_cast %get3A_781 : vector<1x16xf32> to vector<16xf32>
        %add3A_783 = arith.addf %add3A_776, %get3A_782 : vector<16xf32>
        %mul3A_784 = arith.mulf %add3A_783, %get3A_260 : vector<16xf32>
        %add3A_785 = arith.addf %add3A_726, %mul3A_784 : vector<16xf32>
        %mul3A_786 = arith.constant 8 : i32
        %mul3A_787 = arith.muli %scan3A_241, %mul3A_786 : i32
        %add3A_788 = arith.constant 288 : i32
        %add3A_789 = arith.addi %add3A_788, %mul3A_787 : i32
        %get3A_790 = arith.index_cast %add3A_789 : i32 to index
        %get3A_791 = arith.constant 32 : index
        %get3A_792 = tpu.vector_load %arg17[%get3A_790, %get3A_791] {strides = array<i32>} : memref<416x128xf32, #tpu.memory_space<vmem>>, vector<1x16xf32>,
        %get3A_793 = vector.shape_cast %get3A_792 : vector<1x16xf32> to vector<16xf32>
        %add3A_794 = arith.constant 1 : i32
        %add3A_795 = arith.addi %add3A_789, %add3A_794 : i32
        %get3A_796 = arith.index_cast %add3A_795 : i32 to index
        %get3A_797 = arith.constant 32 : index
        %get3A_798 = tpu.vector_load %arg17[%get3A_796, %get3A_797] {strides = array<i32>} : memref<416x128xf32, #tpu.memory_space<vmem>>, vector<1x16xf32>,
        %get3A_799 = vector.shape_cast %get3A_798 : vector<1x16xf32> to vector<16xf32>
        %add3A_800 = arith.addf %get3A_793, %get3A_799 : vector<16xf32>
        %add3A_801 = arith.constant 2 : i32
        %add3A_802 = arith.addi %add3A_789, %add3A_801 : i32
        %get3A_803 = arith.index_cast %add3A_802 : i32 to index
        %get3A_804 = arith.constant 32 : index
        %get3A_805 = tpu.vector_load %arg17[%get3A_803, %get3A_804] {strides = array<i32>} : memref<416x128xf32, #tpu.memory_space<vmem>>, vector<1x16xf32>,
        %get3A_806 = vector.shape_cast %get3A_805 : vector<1x16xf32> to vector<16xf32>
        %add3A_807 = arith.addf %add3A_800, %get3A_806 : vector<16xf32>
        %add3A_808 = arith.constant 3 : i32
        %add3A_809 = arith.addi %add3A_789, %add3A_808 : i32
        %get3A_810 = arith.index_cast %add3A_809 : i32 to index
        %get3A_811 = arith.constant 32 : index
        %get3A_812 = tpu.vector_load %arg17[%get3A_810, %get3A_811] {strides = array<i32>} : memref<416x128xf32, #tpu.memory_space<vmem>>, vector<1x16xf32>,
        %get3A_813 = vector.shape_cast %get3A_812 : vector<1x16xf32> to vector<16xf32>
        %add3A_814 = arith.addf %add3A_807, %get3A_813 : vector<16xf32>
        %add3A_815 = arith.constant 4 : i32
        %add3A_816 = arith.addi %add3A_789, %add3A_815 : i32
        %get3A_817 = arith.index_cast %add3A_816 : i32 to index
        %get3A_818 = arith.constant 32 : index
        %get3A_819 = tpu.vector_load %arg17[%get3A_817, %get3A_818] {strides = array<i32>} : memref<416x128xf32, #tpu.memory_space<vmem>>, vector<1x16xf32>,
        %get3A_820 = vector.shape_cast %get3A_819 : vector<1x16xf32> to vector<16xf32>
        %add3A_821 = arith.addf %add3A_814, %get3A_820 : vector<16xf32>
        %add3A_822 = arith.constant 5 : i32
        %add3A_823 = arith.addi %add3A_789, %add3A_822 : i32
        %get3A_824 = arith.index_cast %add3A_823 : i32 to index
        %get3A_825 = arith.constant 32 : index
        %get3A_826 = tpu.vector_load %arg17[%get3A_824, %get3A_825] {strides = array<i32>} : memref<416x128xf32, #tpu.memory_space<vmem>>, vector<1x16xf32>,
        %get3A_827 = vector.shape_cast %get3A_826 : vector<1x16xf32> to vector<16xf32>
        %add3A_828 = arith.addf %add3A_821, %get3A_827 : vector<16xf32>
        %add3A_829 = arith.constant 6 : i32
        %add3A_830 = arith.addi %add3A_789, %add3A_829 : i32
        %get3A_831 = arith.index_cast %add3A_830 : i32 to index
        %get3A_832 = arith.constant 32 : index
        %get3A_833 = tpu.vector_load %arg17[%get3A_831, %get3A_832] {strides = array<i32>} : memref<416x128xf32, #tpu.memory_space<vmem>>, vector<1x16xf32>,
        %get3A_834 = vector.shape_cast %get3A_833 : vector<1x16xf32> to vector<16xf32>
        %add3A_835 = arith.addf %add3A_828, %get3A_834 : vector<16xf32>
        %add3A_836 = arith.constant 7 : i32
        %add3A_837 = arith.addi %add3A_789, %add3A_836 : i32
        %get3A_838 = arith.index_cast %add3A_837 : i32 to index
        %get3A_839 = arith.constant 32 : index
        %get3A_840 = tpu.vector_load %arg17[%get3A_838, %get3A_839] {strides = array<i32>} : memref<416x128xf32, #tpu.memory_space<vmem>>, vector<1x16xf32>,
        %get3A_841 = vector.shape_cast %get3A_840 : vector<1x16xf32> to vector<16xf32>
        %add3A_842 = arith.addf %add3A_835, %get3A_841 : vector<16xf32>
        %mul3A_843 = arith.mulf %add3A_842, %get3A_271 : vector<16xf32>
        %add3A_844 = arith.addf %add3A_785, %mul3A_843 : vector<16xf32>
        %swap3A_845 = arith.index_cast %scan3A_241 : i32 to index
        %swap3A_846 = arith.constant 32 : index
        %swap3A_847 = tpu.vector_load %arg21[%swap3A_845, %swap3A_846] {strides = array<i32>} : memref<16x128xf32, #tpu.memory_space<vmem>>, vector<1x16xf32>,
        %swap3A_848 = vector.shape_cast %swap3A_847 : vector<1x16xf32> to vector<16xf32>
        %swap3A_849 = vector.shape_cast %add3A_844 : vector<16xf32> to vector<1x16xf32>
        tpu.vector_store %arg21[%swap3A_845, %swap3A_846], %swap3A_849 {strides = array<i32>} : memref<16x128xf32, #tpu.memory_space<vmem>>, vector<1x16xf32>,
        %get3A_850 = arith.index_cast %scan3A_241 : i32 to index
        %get3A_851 = arith.constant 48 : index
        %get3A_852 = tpu.vector_load %arg17[%get3A_850, %get3A_851] {strides = array<i32>} : memref<416x128xf32, #tpu.memory_space<vmem>>, vector<1x16xf32>,
        %get3A_853 = vector.shape_cast %get3A_852 : vector<1x16xf32> to vector<16xf32>
        %add3A_854 = arith.constant 16 : i32
        %add3A_855 = arith.addi %add3A_854, %scan3A_241 : i32
        %get3A_856 = arith.index_cast %add3A_855 : i32 to index
        %get3A_857 = arith.constant 48 : index
        %get3A_858 = tpu.vector_load %arg17[%get3A_856, %get3A_857] {strides = array<i32>} : memref<416x128xf32, #tpu.memory_space<vmem>>, vector<1x16xf32>,
        %get3A_859 = vector.shape_cast %get3A_858 : vector<1x16xf32> to vector<16xf32>
        %add3A_860 = arith.addf %get3A_853, %get3A_859 : vector<16xf32>
        %mul3A_861 = arith.constant 8 : i32
        %mul3A_862 = arith.muli %scan3A_241, %mul3A_861 : i32
        %add3A_863 = arith.constant 32 : i32
        %add3A_864 = arith.addi %add3A_863, %mul3A_862 : i32
        %get3A_865 = arith.index_cast %add3A_864 : i32 to index
        %get3A_866 = arith.constant 48 : index
        %get3A_867 = tpu.vector_load %arg17[%get3A_865, %get3A_866] {strides = array<i32>} : memref<416x128xf32, #tpu.memory_space<vmem>>, vector<1x16xf32>,
        %get3A_868 = vector.shape_cast %get3A_867 : vector<1x16xf32> to vector<16xf32>
        %add3A_869 = arith.constant 1 : i32
        %add3A_870 = arith.addi %add3A_864, %add3A_869 : i32
        %get3A_871 = arith.index_cast %add3A_870 : i32 to index
        %get3A_872 = arith.constant 48 : index
        %get3A_873 = tpu.vector_load %arg17[%get3A_871, %get3A_872] {strides = array<i32>} : memref<416x128xf32, #tpu.memory_space<vmem>>, vector<1x16xf32>,
        %get3A_874 = vector.shape_cast %get3A_873 : vector<1x16xf32> to vector<16xf32>
        %add3A_875 = arith.addf %get3A_868, %get3A_874 : vector<16xf32>
        %add3A_876 = arith.constant 2 : i32
        %add3A_877 = arith.addi %add3A_864, %add3A_876 : i32
        %get3A_878 = arith.index_cast %add3A_877 : i32 to index
        %get3A_879 = arith.constant 48 : index
        %get3A_880 = tpu.vector_load %arg17[%get3A_878, %get3A_879] {strides = array<i32>} : memref<416x128xf32, #tpu.memory_space<vmem>>, vector<1x16xf32>,
        %get3A_881 = vector.shape_cast %get3A_880 : vector<1x16xf32> to vector<16xf32>
        %add3A_882 = arith.addf %add3A_875, %get3A_881 : vector<16xf32>
        %add3A_883 = arith.constant 3 : i32
        %add3A_884 = arith.addi %add3A_864, %add3A_883 : i32
        %get3A_885 = arith.index_cast %add3A_884 : i32 to index
        %get3A_886 = arith.constant 48 : index
        %get3A_887 = tpu.vector_load %arg17[%get3A_885, %get3A_886] {strides = array<i32>} : memref<416x128xf32, #tpu.memory_space<vmem>>, vector<1x16xf32>,
        %get3A_888 = vector.shape_cast %get3A_887 : vector<1x16xf32> to vector<16xf32>
        %add3A_889 = arith.addf %add3A_882, %get3A_888 : vector<16xf32>
        %add3A_890 = arith.constant 4 : i32
        %add3A_891 = arith.addi %add3A_864, %add3A_890 : i32
        %get3A_892 = arith.index_cast %add3A_891 : i32 to index
        %get3A_893 = arith.constant 48 : index
        %get3A_894 = tpu.vector_load %arg17[%get3A_892, %get3A_893] {strides = array<i32>} : memref<416x128xf32, #tpu.memory_space<vmem>>, vector<1x16xf32>,
        %get3A_895 = vector.shape_cast %get3A_894 : vector<1x16xf32> to vector<16xf32>
        %add3A_896 = arith.addf %add3A_889, %get3A_895 : vector<16xf32>
        %add3A_897 = arith.constant 5 : i32
        %add3A_898 = arith.addi %add3A_864, %add3A_897 : i32
        %get3A_899 = arith.index_cast %add3A_898 : i32 to index
        %get3A_900 = arith.constant 48 : index
        %get3A_901 = tpu.vector_load %arg17[%get3A_899, %get3A_900] {strides = array<i32>} : memref<416x128xf32, #tpu.memory_space<vmem>>, vector<1x16xf32>,
        %get3A_902 = vector.shape_cast %get3A_901 : vector<1x16xf32> to vector<16xf32>
        %add3A_903 = arith.addf %add3A_896, %get3A_902 : vector<16xf32>
        %add3A_904 = arith.constant 6 : i32
        %add3A_905 = arith.addi %add3A_864, %add3A_904 : i32
        %get3A_906 = arith.index_cast %add3A_905 : i32 to index
        %get3A_907 = arith.constant 48 : index
        %get3A_908 = tpu.vector_load %arg17[%get3A_906, %get3A_907] {strides = array<i32>} : memref<416x128xf32, #tpu.memory_space<vmem>>, vector<1x16xf32>,
        %get3A_909 = vector.shape_cast %get3A_908 : vector<1x16xf32> to vector<16xf32>
        %add3A_910 = arith.addf %add3A_903, %get3A_909 : vector<16xf32>
        %add3A_911 = arith.constant 7 : i32
        %add3A_912 = arith.addi %add3A_864, %add3A_911 : i32
        %get3A_913 = arith.index_cast %add3A_912 : i32 to index
        %get3A_914 = arith.constant 48 : index
        %get3A_915 = tpu.vector_load %arg17[%get3A_913, %get3A_914] {strides = array<i32>} : memref<416x128xf32, #tpu.memory_space<vmem>>, vector<1x16xf32>,
        %get3A_916 = vector.shape_cast %get3A_915 : vector<1x16xf32> to vector<16xf32>
        %add3A_917 = arith.addf %add3A_910, %get3A_916 : vector<16xf32>
        %mul3A_918 = arith.mulf %add3A_917, %get3A_249 : vector<16xf32>
        %add3A_919 = arith.addf %add3A_860, %mul3A_918 : vector<16xf32>
        %mul3A_920 = arith.constant 8 : i32
        %mul3A_921 = arith.muli %scan3A_241, %mul3A_920 : i32
        %add3A_922 = arith.constant 160 : i32
        %add3A_923 = arith.addi %add3A_922, %mul3A_921 : i32
        %get3A_924 = arith.index_cast %add3A_923 : i32 to index
        %get3A_925 = arith.constant 48 : index
        %get3A_926 = tpu.vector_load %arg17[%get3A_924, %get3A_925] {strides = array<i32>} : memref<416x128xf32, #tpu.memory_space<vmem>>, vector<1x16xf32>,
        %get3A_927 = vector.shape_cast %get3A_926 : vector<1x16xf32> to vector<16xf32>
        %add3A_928 = arith.constant 1 : i32
        %add3A_929 = arith.addi %add3A_923, %add3A_928 : i32
        %get3A_930 = arith.index_cast %add3A_929 : i32 to index
        %get3A_931 = arith.constant 48 : index
        %get3A_932 = tpu.vector_load %arg17[%get3A_930, %get3A_931] {strides = array<i32>} : memref<416x128xf32, #tpu.memory_space<vmem>>, vector<1x16xf32>,
        %get3A_933 = vector.shape_cast %get3A_932 : vector<1x16xf32> to vector<16xf32>
        %add3A_934 = arith.addf %get3A_927, %get3A_933 : vector<16xf32>
        %add3A_935 = arith.constant 2 : i32
        %add3A_936 = arith.addi %add3A_923, %add3A_935 : i32
        %get3A_937 = arith.index_cast %add3A_936 : i32 to index
        %get3A_938 = arith.constant 48 : index
        %get3A_939 = tpu.vector_load %arg17[%get3A_937, %get3A_938] {strides = array<i32>} : memref<416x128xf32, #tpu.memory_space<vmem>>, vector<1x16xf32>,
        %get3A_940 = vector.shape_cast %get3A_939 : vector<1x16xf32> to vector<16xf32>
        %add3A_941 = arith.addf %add3A_934, %get3A_940 : vector<16xf32>
        %add3A_942 = arith.constant 3 : i32
        %add3A_943 = arith.addi %add3A_923, %add3A_942 : i32
        %get3A_944 = arith.index_cast %add3A_943 : i32 to index
        %get3A_945 = arith.constant 48 : index
        %get3A_946 = tpu.vector_load %arg17[%get3A_944, %get3A_945] {strides = array<i32>} : memref<416x128xf32, #tpu.memory_space<vmem>>, vector<1x16xf32>,
        %get3A_947 = vector.shape_cast %get3A_946 : vector<1x16xf32> to vector<16xf32>
        %add3A_948 = arith.addf %add3A_941, %get3A_947 : vector<16xf32>
        %add3A_949 = arith.constant 4 : i32
        %add3A_950 = arith.addi %add3A_923, %add3A_949 : i32
        %get3A_951 = arith.index_cast %add3A_950 : i32 to index
        %get3A_952 = arith.constant 48 : index
        %get3A_953 = tpu.vector_load %arg17[%get3A_951, %get3A_952] {strides = array<i32>} : memref<416x128xf32, #tpu.memory_space<vmem>>, vector<1x16xf32>,
        %get3A_954 = vector.shape_cast %get3A_953 : vector<1x16xf32> to vector<16xf32>
        %add3A_955 = arith.addf %add3A_948, %get3A_954 : vector<16xf32>
        %add3A_956 = arith.constant 5 : i32
        %add3A_957 = arith.addi %add3A_923, %add3A_956 : i32
        %get3A_958 = arith.index_cast %add3A_957 : i32 to index
        %get3A_959 = arith.constant 48 : index
        %get3A_960 = tpu.vector_load %arg17[%get3A_958, %get3A_959] {strides = array<i32>} : memref<416x128xf32, #tpu.memory_space<vmem>>, vector<1x16xf32>,
        %get3A_961 = vector.shape_cast %get3A_960 : vector<1x16xf32> to vector<16xf32>
        %add3A_962 = arith.addf %add3A_955, %get3A_961 : vector<16xf32>
        %add3A_963 = arith.constant 6 : i32
        %add3A_964 = arith.addi %add3A_923, %add3A_963 : i32
        %get3A_965 = arith.index_cast %add3A_964 : i32 to index
        %get3A_966 = arith.constant 48 : index
        %get3A_967 = tpu.vector_load %arg17[%get3A_965, %get3A_966] {strides = array<i32>} : memref<416x128xf32, #tpu.memory_space<vmem>>, vector<1x16xf32>,
        %get3A_968 = vector.shape_cast %get3A_967 : vector<1x16xf32> to vector<16xf32>
        %add3A_969 = arith.addf %add3A_962, %get3A_968 : vector<16xf32>
        %add3A_970 = arith.constant 7 : i32
        %add3A_971 = arith.addi %add3A_923, %add3A_970 : i32
        %get3A_972 = arith.index_cast %add3A_971 : i32 to index
        %get3A_973 = arith.constant 48 : index
        %get3A_974 = tpu.vector_load %arg17[%get3A_972, %get3A_973] {strides = array<i32>} : memref<416x128xf32, #tpu.memory_space<vmem>>, vector<1x16xf32>,
        %get3A_975 = vector.shape_cast %get3A_974 : vector<1x16xf32> to vector<16xf32>
        %add3A_976 = arith.addf %add3A_969, %get3A_975 : vector<16xf32>
        %mul3A_977 = arith.mulf %add3A_976, %get3A_260 : vector<16xf32>
        %add3A_978 = arith.addf %add3A_919, %mul3A_977 : vector<16xf32>
        %mul3A_979 = arith.constant 8 : i32
        %mul3A_980 = arith.muli %scan3A_241, %mul3A_979 : i32
        %add3A_981 = arith.constant 288 : i32
        %add3A_982 = arith.addi %add3A_981, %mul3A_980 : i32
        %get3A_983 = arith.index_cast %add3A_982 : i32 to index
        %get3A_984 = arith.constant 48 : index
        %get3A_985 = tpu.vector_load %arg17[%get3A_983, %get3A_984] {strides = array<i32>} : memref<416x128xf32, #tpu.memory_space<vmem>>, vector<1x16xf32>,
        %get3A_986 = vector.shape_cast %get3A_985 : vector<1x16xf32> to vector<16xf32>
        %add3A_987 = arith.constant 1 : i32
        %add3A_988 = arith.addi %add3A_982, %add3A_987 : i32
        %get3A_989 = arith.index_cast %add3A_988 : i32 to index
        %get3A_990 = arith.constant 48 : index
        %get3A_991 = tpu.vector_load %arg17[%get3A_989, %get3A_990] {strides = array<i32>} : memref<416x128xf32, #tpu.memory_space<vmem>>, vector<1x16xf32>,
        %get3A_992 = vector.shape_cast %get3A_991 : vector<1x16xf32> to vector<16xf32>
        %add3A_993 = arith.addf %get3A_986, %get3A_992 : vector<16xf32>
        %add3A_994 = arith.constant 2 : i32
        %add3A_995 = arith.addi %add3A_982, %add3A_994 : i32
        %get3A_996 = arith.index_cast %add3A_995 : i32 to index
        %get3A_997 = arith.constant 48 : index
        %get3A_998 = tpu.vector_load %arg17[%get3A_996, %get3A_997] {strides = array<i32>} : memref<416x128xf32, #tpu.memory_space<vmem>>, vector<1x16xf32>,
        %get3A_999 = vector.shape_cast %get3A_998 : vector<1x16xf32> to vector<16xf32>
        %add3A_1000 = arith.addf %add3A_993, %get3A_999 : vector<16xf32>
        %add3A_1001 = arith.constant 3 : i32
        %add3A_1002 = arith.addi %add3A_982, %add3A_1001 : i32
        %get3A_1003 = arith.index_cast %add3A_1002 : i32 to index
        %get3A_1004 = arith.constant 48 : index
        %get3A_1005 = tpu.vector_load %arg17[%get3A_1003, %get3A_1004] {strides = array<i32>} : memref<416x128xf32, #tpu.memory_space<vmem>>, vector<1x16xf32>,
        %get3A_1006 = vector.shape_cast %get3A_1005 : vector<1x16xf32> to vector<16xf32>
        %add3A_1007 = arith.addf %add3A_1000, %get3A_1006 : vector<16xf32>
        %add3A_1008 = arith.constant 4 : i32
        %add3A_1009 = arith.addi %add3A_982, %add3A_1008 : i32
        %get3A_1010 = arith.index_cast %add3A_1009 : i32 to index
        %get3A_1011 = arith.constant 48 : index
        %get3A_1012 = tpu.vector_load %arg17[%get3A_1010, %get3A_1011] {strides = array<i32>} : memref<416x128xf32, #tpu.memory_space<vmem>>, vector<1x16xf32>,
        %get3A_1013 = vector.shape_cast %get3A_1012 : vector<1x16xf32> to vector<16xf32>
        %add3A_1014 = arith.addf %add3A_1007, %get3A_1013 : vector<16xf32>
        %add3A_1015 = arith.constant 5 : i32
        %add3A_1016 = arith.addi %add3A_982, %add3A_1015 : i32
        %get3A_1017 = arith.index_cast %add3A_1016 : i32 to index
        %get3A_1018 = arith.constant 48 : index
        %get3A_1019 = tpu.vector_load %arg17[%get3A_1017, %get3A_1018] {strides = array<i32>} : memref<416x128xf32, #tpu.memory_space<vmem>>, vector<1x16xf32>,
        %get3A_1020 = vector.shape_cast %get3A_1019 : vector<1x16xf32> to vector<16xf32>
        %add3A_1021 = arith.addf %add3A_1014, %get3A_1020 : vector<16xf32>
        %add3A_1022 = arith.constant 6 : i32
        %add3A_1023 = arith.addi %add3A_982, %add3A_1022 : i32
        %get3A_1024 = arith.index_cast %add3A_1023 : i32 to index
        %get3A_1025 = arith.constant 48 : index
        %get3A_1026 = tpu.vector_load %arg17[%get3A_1024, %get3A_1025] {strides = array<i32>} : memref<416x128xf32, #tpu.memory_space<vmem>>, vector<1x16xf32>,
        %get3A_1027 = vector.shape_cast %get3A_1026 : vector<1x16xf32> to vector<16xf32>
        %add3A_1028 = arith.addf %add3A_1021, %get3A_1027 : vector<16xf32>
        %add3A_1029 = arith.constant 7 : i32
        %add3A_1030 = arith.addi %add3A_982, %add3A_1029 : i32
        %get3A_1031 = arith.index_cast %add3A_1030 : i32 to index
        %get3A_1032 = arith.constant 48 : index
        %get3A_1033 = tpu.vector_load %arg17[%get3A_1031, %get3A_1032] {strides = array<i32>} : memref<416x128xf32, #tpu.memory_space<vmem>>, vector<1x16xf32>,
        %get3A_1034 = vector.shape_cast %get3A_1033 : vector<1x16xf32> to vector<16xf32>
        %add3A_1035 = arith.addf %add3A_1028, %get3A_1034 : vector<16xf32>
        %mul3A_1036 = arith.mulf %add3A_1035, %get3A_271 : vector<16xf32>
        %add3A_1037 = arith.addf %add3A_978, %mul3A_1036 : vector<16xf32>
        %swap3A_1038 = arith.index_cast %scan3A_241 : i32 to index
        %swap3A_1039 = arith.constant 48 : index
        %swap3A_1040 = tpu.vector_load %arg21[%swap3A_1038, %swap3A_1039] {strides = array<i32>} : memref<16x128xf32, #tpu.memory_space<vmem>>, vector<1x16xf32>,
        %swap3A_1041 = vector.shape_cast %swap3A_1040 : vector<1x16xf32> to vector<16xf32>
        %swap3A_1042 = vector.shape_cast %add3A_1037 : vector<16xf32> to vector<1x16xf32>
        tpu.vector_store %arg21[%swap3A_1038, %swap3A_1039], %swap3A_1042 {strides = array<i32>} : memref<16x128xf32, #tpu.memory_space<vmem>>, vector<1x16xf32>,
        %get3A_1043 = arith.index_cast %scan3A_241 : i32 to index
        %get3A_1044 = arith.constant 64 : index
        %get3A_1045 = tpu.vector_load %arg17[%get3A_1043, %get3A_1044] {strides = array<i32>} : memref<416x128xf32, #tpu.memory_space<vmem>>, vector<1x16xf32>,
        %get3A_1046 = vector.shape_cast %get3A_1045 : vector<1x16xf32> to vector<16xf32>
        %add3A_1047 = arith.constant 16 : i32
        %add3A_1048 = arith.addi %add3A_1047, %scan3A_241 : i32
        %get3A_1049 = arith.index_cast %add3A_1048 : i32 to index
        %get3A_1050 = arith.constant 64 : index
        %get3A_1051 = tpu.vector_load %arg17[%get3A_1049, %get3A_1050] {strides = array<i32>} : memref<416x128xf32, #tpu.memory_space<vmem>>, vector<1x16xf32>,
        %get3A_1052 = vector.shape_cast %get3A_1051 : vector<1x16xf32> to vector<16xf32>
        %add3A_1053 = arith.addf %get3A_1046, %get3A_1052 : vector<16xf32>
        %mul3A_1054 = arith.constant 8 : i32
        %mul3A_1055 = arith.muli %scan3A_241, %mul3A_1054 : i32
        %add3A_1056 = arith.constant 32 : i32
        %add3A_1057 = arith.addi %add3A_1056, %mul3A_1055 : i32
        %get3A_1058 = arith.index_cast %add3A_1057 : i32 to index
        %get3A_1059 = arith.constant 64 : index
        %get3A_1060 = tpu.vector_load %arg17[%get3A_1058, %get3A_1059] {strides = array<i32>} : memref<416x128xf32, #tpu.memory_space<vmem>>, vector<1x16xf32>,
        %get3A_1061 = vector.shape_cast %get3A_1060 : vector<1x16xf32> to vector<16xf32>
        %add3A_1062 = arith.constant 1 : i32
        %add3A_1063 = arith.addi %add3A_1057, %add3A_1062 : i32
        %get3A_1064 = arith.index_cast %add3A_1063 : i32 to index
        %get3A_1065 = arith.constant 64 : index
        %get3A_1066 = tpu.vector_load %arg17[%get3A_1064, %get3A_1065] {strides = array<i32>} : memref<416x128xf32, #tpu.memory_space<vmem>>, vector<1x16xf32>,
        %get3A_1067 = vector.shape_cast %get3A_1066 : vector<1x16xf32> to vector<16xf32>
        %add3A_1068 = arith.addf %get3A_1061, %get3A_1067 : vector<16xf32>
        %add3A_1069 = arith.constant 2 : i32
        %add3A_1070 = arith.addi %add3A_1057, %add3A_1069 : i32
        %get3A_1071 = arith.index_cast %add3A_1070 : i32 to index
        %get3A_1072 = arith.constant 64 : index
        %get3A_1073 = tpu.vector_load %arg17[%get3A_1071, %get3A_1072] {strides = array<i32>} : memref<416x128xf32, #tpu.memory_space<vmem>>, vector<1x16xf32>,
        %get3A_1074 = vector.shape_cast %get3A_1073 : vector<1x16xf32> to vector<16xf32>
        %add3A_1075 = arith.addf %add3A_1068, %get3A_1074 : vector<16xf32>
        %add3A_1076 = arith.constant 3 : i32
        %add3A_1077 = arith.addi %add3A_1057, %add3A_1076 : i32
        %get3A_1078 = arith.index_cast %add3A_1077 : i32 to index
        %get3A_1079 = arith.constant 64 : index
        %get3A_1080 = tpu.vector_load %arg17[%get3A_1078, %get3A_1079] {strides = array<i32>} : memref<416x128xf32, #tpu.memory_space<vmem>>, vector<1x16xf32>,
        %get3A_1081 = vector.shape_cast %get3A_1080 : vector<1x16xf32> to vector<16xf32>
        %add3A_1082 = arith.addf %add3A_1075, %get3A_1081 : vector<16xf32>
        %add3A_1083 = arith.constant 4 : i32
        %add3A_1084 = arith.addi %add3A_1057, %add3A_1083 : i32
        %get3A_1085 = arith.index_cast %add3A_1084 : i32 to index
        %get3A_1086 = arith.constant 64 : index
        %get3A_1087 = tpu.vector_load %arg17[%get3A_1085, %get3A_1086] {strides = array<i32>} : memref<416x128xf32, #tpu.memory_space<vmem>>, vector<1x16xf32>,
        %get3A_1088 = vector.shape_cast %get3A_1087 : vector<1x16xf32> to vector<16xf32>
        %add3A_1089 = arith.addf %add3A_1082, %get3A_1088 : vector<16xf32>
        %add3A_1090 = arith.constant 5 : i32
        %add3A_1091 = arith.addi %add3A_1057, %add3A_1090 : i32
        %get3A_1092 = arith.index_cast %add3A_1091 : i32 to index
        %get3A_1093 = arith.constant 64 : index
        %get3A_1094 = tpu.vector_load %arg17[%get3A_1092, %get3A_1093] {strides = array<i32>} : memref<416x128xf32, #tpu.memory_space<vmem>>, vector<1x16xf32>,
        %get3A_1095 = vector.shape_cast %get3A_1094 : vector<1x16xf32> to vector<16xf32>
        %add3A_1096 = arith.addf %add3A_1089, %get3A_1095 : vector<16xf32>
        %add3A_1097 = arith.constant 6 : i32
        %add3A_1098 = arith.addi %add3A_1057, %add3A_1097 : i32
        %get3A_1099 = arith.index_cast %add3A_1098 : i32 to index
        %get3A_1100 = arith.constant 64 : index
        %get3A_1101 = tpu.vector_load %arg17[%get3A_1099, %get3A_1100] {strides = array<i32>} : memref<416x128xf32, #tpu.memory_space<vmem>>, vector<1x16xf32>,
        %get3A_1102 = vector.shape_cast %get3A_1101 : vector<1x16xf32> to vector<16xf32>
        %add3A_1103 = arith.addf %add3A_1096, %get3A_1102 : vector<16xf32>
        %add3A_1104 = arith.constant 7 : i32
        %add3A_1105 = arith.addi %add3A_1057, %add3A_1104 : i32
        %get3A_1106 = arith.index_cast %add3A_1105 : i32 to index
        %get3A_1107 = arith.constant 64 : index
        %get3A_1108 = tpu.vector_load %arg17[%get3A_1106, %get3A_1107] {strides = array<i32>} : memref<416x128xf32, #tpu.memory_space<vmem>>, vector<1x16xf32>,
        %get3A_1109 = vector.shape_cast %get3A_1108 : vector<1x16xf32> to vector<16xf32>
        %add3A_1110 = arith.addf %add3A_1103, %get3A_1109 : vector<16xf32>
        %mul3A_1111 = arith.mulf %add3A_1110, %get3A_249 : vector<16xf32>
        %add3A_1112 = arith.addf %add3A_1053, %mul3A_1111 : vector<16xf32>
        %mul3A_1113 = arith.constant 8 : i32
        %mul3A_1114 = arith.muli %scan3A_241, %mul3A_1113 : i32
        %add3A_1115 = arith.constant 160 : i32
        %add3A_1116 = arith.addi %add3A_1115, %mul3A_1114 : i32
        %get3A_1117 = arith.index_cast %add3A_1116 : i32 to index
        %get3A_1118 = arith.constant 64 : index
        %get3A_1119 = tpu.vector_load %arg17[%get3A_1117, %get3A_1118] {strides = array<i32>} : memref<416x128xf32, #tpu.memory_space<vmem>>, vector<1x16xf32>,
        %get3A_1120 = vector.shape_cast %get3A_1119 : vector<1x16xf32> to vector<16xf32>
        %add3A_1121 = arith.constant 1 : i32
        %add3A_1122 = arith.addi %add3A_1116, %add3A_1121 : i32
        %get3A_1123 = arith.index_cast %add3A_1122 : i32 to index
        %get3A_1124 = arith.constant 64 : index
        %get3A_1125 = tpu.vector_load %arg17[%get3A_1123, %get3A_1124] {strides = array<i32>} : memref<416x128xf32, #tpu.memory_space<vmem>>, vector<1x16xf32>,
        %get3A_1126 = vector.shape_cast %get3A_1125 : vector<1x16xf32> to vector<16xf32>
        %add3A_1127 = arith.addf %get3A_1120, %get3A_1126 : vector<16xf32>
        %add3A_1128 = arith.constant 2 : i32
        %add3A_1129 = arith.addi %add3A_1116, %add3A_1128 : i32
        %get3A_1130 = arith.index_cast %add3A_1129 : i32 to index
        %get3A_1131 = arith.constant 64 : index
        %get3A_1132 = tpu.vector_load %arg17[%get3A_1130, %get3A_1131] {strides = array<i32>} : memref<416x128xf32, #tpu.memory_space<vmem>>, vector<1x16xf32>,
        %get3A_1133 = vector.shape_cast %get3A_1132 : vector<1x16xf32> to vector<16xf32>
        %add3A_1134 = arith.addf %add3A_1127, %get3A_1133 : vector<16xf32>
        %add3A_1135 = arith.constant 3 : i32
        %add3A_1136 = arith.addi %add3A_1116, %add3A_1135 : i32
        %get3A_1137 = arith.index_cast %add3A_1136 : i32 to index
        %get3A_1138 = arith.constant 64 : index
        %get3A_1139 = tpu.vector_load %arg17[%get3A_1137, %get3A_1138] {strides = array<i32>} : memref<416x128xf32, #tpu.memory_space<vmem>>, vector<1x16xf32>,
        %get3A_1140 = vector.shape_cast %get3A_1139 : vector<1x16xf32> to vector<16xf32>
        %add3A_1141 = arith.addf %add3A_1134, %get3A_1140 : vector<16xf32>
        %add3A_1142 = arith.constant 4 : i32
        %add3A_1143 = arith.addi %add3A_1116, %add3A_1142 : i32
        %get3A_1144 = arith.index_cast %add3A_1143 : i32 to index
        %get3A_1145 = arith.constant 64 : index
        %get3A_1146 = tpu.vector_load %arg17[%get3A_1144, %get3A_1145] {strides = array<i32>} : memref<416x128xf32, #tpu.memory_space<vmem>>, vector<1x16xf32>,
        %get3A_1147 = vector.shape_cast %get3A_1146 : vector<1x16xf32> to vector<16xf32>
        %add3A_1148 = arith.addf %add3A_1141, %get3A_1147 : vector<16xf32>
        %add3A_1149 = arith.constant 5 : i32
        %add3A_1150 = arith.addi %add3A_1116, %add3A_1149 : i32
        %get3A_1151 = arith.index_cast %add3A_1150 : i32 to index
        %get3A_1152 = arith.constant 64 : index
        %get3A_1153 = tpu.vector_load %arg17[%get3A_1151, %get3A_1152] {strides = array<i32>} : memref<416x128xf32, #tpu.memory_space<vmem>>, vector<1x16xf32>,
        %get3A_1154 = vector.shape_cast %get3A_1153 : vector<1x16xf32> to vector<16xf32>
        %add3A_1155 = arith.addf %add3A_1148, %get3A_1154 : vector<16xf32>
        %add3A_1156 = arith.constant 6 : i32
        %add3A_1157 = arith.addi %add3A_1116, %add3A_1156 : i32
        %get3A_1158 = arith.index_cast %add3A_1157 : i32 to index
        %get3A_1159 = arith.constant 64 : index
        %get3A_1160 = tpu.vector_load %arg17[%get3A_1158, %get3A_1159] {strides = array<i32>} : memref<416x128xf32, #tpu.memory_space<vmem>>, vector<1x16xf32>,
        %get3A_1161 = vector.shape_cast %get3A_1160 : vector<1x16xf32> to vector<16xf32>
        %add3A_1162 = arith.addf %add3A_1155, %get3A_1161 : vector<16xf32>
        %add3A_1163 = arith.constant 7 : i32
        %add3A_1164 = arith.addi %add3A_1116, %add3A_1163 : i32
        %get3A_1165 = arith.index_cast %add3A_1164 : i32 to index
        %get3A_1166 = arith.constant 64 : index
        %get3A_1167 = tpu.vector_load %arg17[%get3A_1165, %get3A_1166] {strides = array<i32>} : memref<416x128xf32, #tpu.memory_space<vmem>>, vector<1x16xf32>,
        %get3A_1168 = vector.shape_cast %get3A_1167 : vector<1x16xf32> to vector<16xf32>
        %add3A_1169 = arith.addf %add3A_1162, %get3A_1168 : vector<16xf32>
        %mul3A_1170 = arith.mulf %add3A_1169, %get3A_260 : vector<16xf32>
        %add3A_1171 = arith.addf %add3A_1112, %mul3A_1170 : vector<16xf32>
        %mul3A_1172 = arith.constant 8 : i32
        %mul3A_1173 = arith.muli %scan3A_241, %mul3A_1172 : i32
        %add3A_1174 = arith.constant 288 : i32
        %add3A_1175 = arith.addi %add3A_1174, %mul3A_1173 : i32
        %get3A_1176 = arith.index_cast %add3A_1175 : i32 to index
        %get3A_1177 = arith.constant 64 : index
        %get3A_1178 = tpu.vector_load %arg17[%get3A_1176, %get3A_1177] {strides = array<i32>} : memref<416x128xf32, #tpu.memory_space<vmem>>, vector<1x16xf32>,
        %get3A_1179 = vector.shape_cast %get3A_1178 : vector<1x16xf32> to vector<16xf32>
        %add3A_1180 = arith.constant 1 : i32
        %add3A_1181 = arith.addi %add3A_1175, %add3A_1180 : i32
        %get3A_1182 = arith.index_cast %add3A_1181 : i32 to index
        %get3A_1183 = arith.constant 64 : index
        %get3A_1184 = tpu.vector_load %arg17[%get3A_1182, %get3A_1183] {strides = array<i32>} : memref<416x128xf32, #tpu.memory_space<vmem>>, vector<1x16xf32>,
        %get3A_1185 = vector.shape_cast %get3A_1184 : vector<1x16xf32> to vector<16xf32>
        %add3A_1186 = arith.addf %get3A_1179, %get3A_1185 : vector<16xf32>
        %add3A_1187 = arith.constant 2 : i32
        %add3A_1188 = arith.addi %add3A_1175, %add3A_1187 : i32
        %get3A_1189 = arith.index_cast %add3A_1188 : i32 to index
        %get3A_1190 = arith.constant 64 : index
        %get3A_1191 = tpu.vector_load %arg17[%get3A_1189, %get3A_1190] {strides = array<i32>} : memref<416x128xf32, #tpu.memory_space<vmem>>, vector<1x16xf32>,
        %get3A_1192 = vector.shape_cast %get3A_1191 : vector<1x16xf32> to vector<16xf32>
        %add3A_1193 = arith.addf %add3A_1186, %get3A_1192 : vector<16xf32>
        %add3A_1194 = arith.constant 3 : i32
        %add3A_1195 = arith.addi %add3A_1175, %add3A_1194 : i32
        %get3A_1196 = arith.index_cast %add3A_1195 : i32 to index
        %get3A_1197 = arith.constant 64 : index
        %get3A_1198 = tpu.vector_load %arg17[%get3A_1196, %get3A_1197] {strides = array<i32>} : memref<416x128xf32, #tpu.memory_space<vmem>>, vector<1x16xf32>,
        %get3A_1199 = vector.shape_cast %get3A_1198 : vector<1x16xf32> to vector<16xf32>
        %add3A_1200 = arith.addf %add3A_1193, %get3A_1199 : vector<16xf32>
        %add3A_1201 = arith.constant 4 : i32
        %add3A_1202 = arith.addi %add3A_1175, %add3A_1201 : i32
        %get3A_1203 = arith.index_cast %add3A_1202 : i32 to index
        %get3A_1204 = arith.constant 64 : index
        %get3A_1205 = tpu.vector_load %arg17[%get3A_1203, %get3A_1204] {strides = array<i32>} : memref<416x128xf32, #tpu.memory_space<vmem>>, vector<1x16xf32>,
        %get3A_1206 = vector.shape_cast %get3A_1205 : vector<1x16xf32> to vector<16xf32>
        %add3A_1207 = arith.addf %add3A_1200, %get3A_1206 : vector<16xf32>
        %add3A_1208 = arith.constant 5 : i32
        %add3A_1209 = arith.addi %add3A_1175, %add3A_1208 : i32
        %get3A_1210 = arith.index_cast %add3A_1209 : i32 to index
        %get3A_1211 = arith.constant 64 : index
        %get3A_1212 = tpu.vector_load %arg17[%get3A_1210, %get3A_1211] {strides = array<i32>} : memref<416x128xf32, #tpu.memory_space<vmem>>, vector<1x16xf32>,
        %get3A_1213 = vector.shape_cast %get3A_1212 : vector<1x16xf32> to vector<16xf32>
        %add3A_1214 = arith.addf %add3A_1207, %get3A_1213 : vector<16xf32>
        %add3A_1215 = arith.constant 6 : i32
        %add3A_1216 = arith.addi %add3A_1175, %add3A_1215 : i32
        %get3A_1217 = arith.index_cast %add3A_1216 : i32 to index
        %get3A_1218 = arith.constant 64 : index
        %get3A_1219 = tpu.vector_load %arg17[%get3A_1217, %get3A_1218] {strides = array<i32>} : memref<416x128xf32, #tpu.memory_space<vmem>>, vector<1x16xf32>,
        %get3A_1220 = vector.shape_cast %get3A_1219 : vector<1x16xf32> to vector<16xf32>
        %add3A_1221 = arith.addf %add3A_1214, %get3A_1220 : vector<16xf32>
        %add3A_1222 = arith.constant 7 : i32
        %add3A_1223 = arith.addi %add3A_1175, %add3A_1222 : i32
        %get3A_1224 = arith.index_cast %add3A_1223 : i32 to index
        %get3A_1225 = arith.constant 64 : index
        %get3A_1226 = tpu.vector_load %arg17[%get3A_1224, %get3A_1225] {strides = array<i32>} : memref<416x128xf32, #tpu.memory_space<vmem>>, vector<1x16xf32>,
        %get3A_1227 = vector.shape_cast %get3A_1226 : vector<1x16xf32> to vector<16xf32>
        %add3A_1228 = arith.addf %add3A_1221, %get3A_1227 : vector<16xf32>
        %mul3A_1229 = arith.mulf %add3A_1228, %get3A_271 : vector<16xf32>
        %add3A_1230 = arith.addf %add3A_1171, %mul3A_1229 : vector<16xf32>
        %swap3A_1231 = arith.index_cast %scan3A_241 : i32 to index
        %swap3A_1232 = arith.constant 64 : index
        %swap3A_1233 = tpu.vector_load %arg21[%swap3A_1231, %swap3A_1232] {strides = array<i32>} : memref<16x128xf32, #tpu.memory_space<vmem>>, vector<1x16xf32>,
        %swap3A_1234 = vector.shape_cast %swap3A_1233 : vector<1x16xf32> to vector<16xf32>
        %swap3A_1235 = vector.shape_cast %add3A_1230 : vector<16xf32> to vector<1x16xf32>
        tpu.vector_store %arg21[%swap3A_1231, %swap3A_1232], %swap3A_1235 {strides = array<i32>} : memref<16x128xf32, #tpu.memory_space<vmem>>, vector<1x16xf32>,
        %get3A_1236 = arith.index_cast %scan3A_241 : i32 to index
        %get3A_1237 = arith.constant 80 : index
        %get3A_1238 = tpu.vector_load %arg17[%get3A_1236, %get3A_1237] {strides = array<i32>} : memref<416x128xf32, #tpu.memory_space<vmem>>, vector<1x16xf32>,
        %get3A_1239 = vector.shape_cast %get3A_1238 : vector<1x16xf32> to vector<16xf32>
        %add3A_1240 = arith.constant 16 : i32
        %add3A_1241 = arith.addi %add3A_1240, %scan3A_241 : i32
        %get3A_1242 = arith.index_cast %add3A_1241 : i32 to index
        %get3A_1243 = arith.constant 80 : index
        %get3A_1244 = tpu.vector_load %arg17[%get3A_1242, %get3A_1243] {strides = array<i32>} : memref<416x128xf32, #tpu.memory_space<vmem>>, vector<1x16xf32>,
        %get3A_1245 = vector.shape_cast %get3A_1244 : vector<1x16xf32> to vector<16xf32>
        %add3A_1246 = arith.addf %get3A_1239, %get3A_1245 : vector<16xf32>
        %mul3A_1247 = arith.constant 8 : i32
        %mul3A_1248 = arith.muli %scan3A_241, %mul3A_1247 : i32
        %add3A_1249 = arith.constant 32 : i32
        %add3A_1250 = arith.addi %add3A_1249, %mul3A_1248 : i32
        %get3A_1251 = arith.index_cast %add3A_1250 : i32 to index
        %get3A_1252 = arith.constant 80 : index
        %get3A_1253 = tpu.vector_load %arg17[%get3A_1251, %get3A_1252] {strides = array<i32>} : memref<416x128xf32, #tpu.memory_space<vmem>>, vector<1x16xf32>,
        %get3A_1254 = vector.shape_cast %get3A_1253 : vector<1x16xf32> to vector<16xf32>
        %add3A_1255 = arith.constant 1 : i32
        %add3A_1256 = arith.addi %add3A_1250, %add3A_1255 : i32
        %get3A_1257 = arith.index_cast %add3A_1256 : i32 to index
        %get3A_1258 = arith.constant 80 : index
        %get3A_1259 = tpu.vector_load %arg17[%get3A_1257, %get3A_1258] {strides = array<i32>} : memref<416x128xf32, #tpu.memory_space<vmem>>, vector<1x16xf32>,
        %get3A_1260 = vector.shape_cast %get3A_1259 : vector<1x16xf32> to vector<16xf32>
        %add3A_1261 = arith.addf %get3A_1254, %get3A_1260 : vector<16xf32>
        %add3A_1262 = arith.constant 2 : i32
        %add3A_1263 = arith.addi %add3A_1250, %add3A_1262 : i32
        %get3A_1264 = arith.index_cast %add3A_1263 : i32 to index
        %get3A_1265 = arith.constant 80 : index
        %get3A_1266 = tpu.vector_load %arg17[%get3A_1264, %get3A_1265] {strides = array<i32>} : memref<416x128xf32, #tpu.memory_space<vmem>>, vector<1x16xf32>,
        %get3A_1267 = vector.shape_cast %get3A_1266 : vector<1x16xf32> to vector<16xf32>
        %add3A_1268 = arith.addf %add3A_1261, %get3A_1267 : vector<16xf32>
        %add3A_1269 = arith.constant 3 : i32
        %add3A_1270 = arith.addi %add3A_1250, %add3A_1269 : i32
        %get3A_1271 = arith.index_cast %add3A_1270 : i32 to index
        %get3A_1272 = arith.constant 80 : index
        %get3A_1273 = tpu.vector_load %arg17[%get3A_1271, %get3A_1272] {strides = array<i32>} : memref<416x128xf32, #tpu.memory_space<vmem>>, vector<1x16xf32>,
        %get3A_1274 = vector.shape_cast %get3A_1273 : vector<1x16xf32> to vector<16xf32>
        %add3A_1275 = arith.addf %add3A_1268, %get3A_1274 : vector<16xf32>
        %add3A_1276 = arith.constant 4 : i32
        %add3A_1277 = arith.addi %add3A_1250, %add3A_1276 : i32
        %get3A_1278 = arith.index_cast %add3A_1277 : i32 to index
        %get3A_1279 = arith.constant 80 : index
        %get3A_1280 = tpu.vector_load %arg17[%get3A_1278, %get3A_1279] {strides = array<i32>} : memref<416x128xf32, #tpu.memory_space<vmem>>, vector<1x16xf32>,
        %get3A_1281 = vector.shape_cast %get3A_1280 : vector<1x16xf32> to vector<16xf32>
        %add3A_1282 = arith.addf %add3A_1275, %get3A_1281 : vector<16xf32>
        %add3A_1283 = arith.constant 5 : i32
        %add3A_1284 = arith.addi %add3A_1250, %add3A_1283 : i32
        %get3A_1285 = arith.index_cast %add3A_1284 : i32 to index
        %get3A_1286 = arith.constant 80 : index
        %get3A_1287 = tpu.vector_load %arg17[%get3A_1285, %get3A_1286] {strides = array<i32>} : memref<416x128xf32, #tpu.memory_space<vmem>>, vector<1x16xf32>,
        %get3A_1288 = vector.shape_cast %get3A_1287 : vector<1x16xf32> to vector<16xf32>
        %add3A_1289 = arith.addf %add3A_1282, %get3A_1288 : vector<16xf32>
        %add3A_1290 = arith.constant 6 : i32
        %add3A_1291 = arith.addi %add3A_1250, %add3A_1290 : i32
        %get3A_1292 = arith.index_cast %add3A_1291 : i32 to index
        %get3A_1293 = arith.constant 80 : index
        %get3A_1294 = tpu.vector_load %arg17[%get3A_1292, %get3A_1293] {strides = array<i32>} : memref<416x128xf32, #tpu.memory_space<vmem>>, vector<1x16xf32>,
        %get3A_1295 = vector.shape_cast %get3A_1294 : vector<1x16xf32> to vector<16xf32>
        %add3A_1296 = arith.addf %add3A_1289, %get3A_1295 : vector<16xf32>
        %add3A_1297 = arith.constant 7 : i32
        %add3A_1298 = arith.addi %add3A_1250, %add3A_1297 : i32
        %get3A_1299 = arith.index_cast %add3A_1298 : i32 to index
        %get3A_1300 = arith.constant 80 : index
        %get3A_1301 = tpu.vector_load %arg17[%get3A_1299, %get3A_1300] {strides = array<i32>} : memref<416x128xf32, #tpu.memory_space<vmem>>, vector<1x16xf32>,
        %get3A_1302 = vector.shape_cast %get3A_1301 : vector<1x16xf32> to vector<16xf32>
        %add3A_1303 = arith.addf %add3A_1296, %get3A_1302 : vector<16xf32>
        %mul3A_1304 = arith.mulf %add3A_1303, %get3A_249 : vector<16xf32>
        %add3A_1305 = arith.addf %add3A_1246, %mul3A_1304 : vector<16xf32>
        %mul3A_1306 = arith.constant 8 : i32
        %mul3A_1307 = arith.muli %scan3A_241, %mul3A_1306 : i32
        %add3A_1308 = arith.constant 160 : i32
        %add3A_1309 = arith.addi %add3A_1308, %mul3A_1307 : i32
        %get3A_1310 = arith.index_cast %add3A_1309 : i32 to index
        %get3A_1311 = arith.constant 80 : index
        %get3A_1312 = tpu.vector_load %arg17[%get3A_1310, %get3A_1311] {strides = array<i32>} : memref<416x128xf32, #tpu.memory_space<vmem>>, vector<1x16xf32>,
        %get3A_1313 = vector.shape_cast %get3A_1312 : vector<1x16xf32> to vector<16xf32>
        %add3A_1314 = arith.constant 1 : i32
        %add3A_1315 = arith.addi %add3A_1309, %add3A_1314 : i32
        %get3A_1316 = arith.index_cast %add3A_1315 : i32 to index
        %get3A_1317 = arith.constant 80 : index
        %get3A_1318 = tpu.vector_load %arg17[%get3A_1316, %get3A_1317] {strides = array<i32>} : memref<416x128xf32, #tpu.memory_space<vmem>>, vector<1x16xf32>,
        %get3A_1319 = vector.shape_cast %get3A_1318 : vector<1x16xf32> to vector<16xf32>
        %add3A_1320 = arith.addf %get3A_1313, %get3A_1319 : vector<16xf32>
        %add3A_1321 = arith.constant 2 : i32
        %add3A_1322 = arith.addi %add3A_1309, %add3A_1321 : i32
        %get3A_1323 = arith.index_cast %add3A_1322 : i32 to index
        %get3A_1324 = arith.constant 80 : index
        %get3A_1325 = tpu.vector_load %arg17[%get3A_1323, %get3A_1324] {strides = array<i32>} : memref<416x128xf32, #tpu.memory_space<vmem>>, vector<1x16xf32>,
        %get3A_1326 = vector.shape_cast %get3A_1325 : vector<1x16xf32> to vector<16xf32>
        %add3A_1327 = arith.addf %add3A_1320, %get3A_1326 : vector<16xf32>
        %add3A_1328 = arith.constant 3 : i32
        %add3A_1329 = arith.addi %add3A_1309, %add3A_1328 : i32
        %get3A_1330 = arith.index_cast %add3A_1329 : i32 to index
        %get3A_1331 = arith.constant 80 : index
        %get3A_1332 = tpu.vector_load %arg17[%get3A_1330, %get3A_1331] {strides = array<i32>} : memref<416x128xf32, #tpu.memory_space<vmem>>, vector<1x16xf32>,
        %get3A_1333 = vector.shape_cast %get3A_1332 : vector<1x16xf32> to vector<16xf32>
        %add3A_1334 = arith.addf %add3A_1327, %get3A_1333 : vector<16xf32>
        %add3A_1335 = arith.constant 4 : i32
        %add3A_1336 = arith.addi %add3A_1309, %add3A_1335 : i32
        %get3A_1337 = arith.index_cast %add3A_1336 : i32 to index
        %get3A_1338 = arith.constant 80 : index
        %get3A_1339 = tpu.vector_load %arg17[%get3A_1337, %get3A_1338] {strides = array<i32>} : memref<416x128xf32, #tpu.memory_space<vmem>>, vector<1x16xf32>,
        %get3A_1340 = vector.shape_cast %get3A_1339 : vector<1x16xf32> to vector<16xf32>
        %add3A_1341 = arith.addf %add3A_1334, %get3A_1340 : vector<16xf32>
        %add3A_1342 = arith.constant 5 : i32
        %add3A_1343 = arith.addi %add3A_1309, %add3A_1342 : i32
        %get3A_1344 = arith.index_cast %add3A_1343 : i32 to index
        %get3A_1345 = arith.constant 80 : index
        %get3A_1346 = tpu.vector_load %arg17[%get3A_1344, %get3A_1345] {strides = array<i32>} : memref<416x128xf32, #tpu.memory_space<vmem>>, vector<1x16xf32>,
        %get3A_1347 = vector.shape_cast %get3A_1346 : vector<1x16xf32> to vector<16xf32>
        %add3A_1348 = arith.addf %add3A_1341, %get3A_1347 : vector<16xf32>
        %add3A_1349 = arith.constant 6 : i32
        %add3A_1350 = arith.addi %add3A_1309, %add3A_1349 : i32
        %get3A_1351 = arith.index_cast %add3A_1350 : i32 to index
        %get3A_1352 = arith.constant 80 : index
        %get3A_1353 = tpu.vector_load %arg17[%get3A_1351, %get3A_1352] {strides = array<i32>} : memref<416x128xf32, #tpu.memory_space<vmem>>, vector<1x16xf32>,
        %get3A_1354 = vector.shape_cast %get3A_1353 : vector<1x16xf32> to vector<16xf32>
        %add3A_1355 = arith.addf %add3A_1348, %get3A_1354 : vector<16xf32>
        %add3A_1356 = arith.constant 7 : i32
        %add3A_1357 = arith.addi %add3A_1309, %add3A_1356 : i32
        %get3A_1358 = arith.index_cast %add3A_1357 : i32 to index
        %get3A_1359 = arith.constant 80 : index
        %get3A_1360 = tpu.vector_load %arg17[%get3A_1358, %get3A_1359] {strides = array<i32>} : memref<416x128xf32, #tpu.memory_space<vmem>>, vector<1x16xf32>,
        %get3A_1361 = vector.shape_cast %get3A_1360 : vector<1x16xf32> to vector<16xf32>
        %add3A_1362 = arith.addf %add3A_1355, %get3A_1361 : vector<16xf32>
        %mul3A_1363 = arith.mulf %add3A_1362, %get3A_260 : vector<16xf32>
        %add3A_1364 = arith.addf %add3A_1305, %mul3A_1363 : vector<16xf32>
        %mul3A_1365 = arith.constant 8 : i32
        %mul3A_1366 = arith.muli %scan3A_241, %mul3A_1365 : i32
        %add3A_1367 = arith.constant 288 : i32
        %add3A_1368 = arith.addi %add3A_1367, %mul3A_1366 : i32
        %get3A_1369 = arith.index_cast %add3A_1368 : i32 to index
        %get3A_1370 = arith.constant 80 : index
        %get3A_1371 = tpu.vector_load %arg17[%get3A_1369, %get3A_1370] {strides = array<i32>} : memref<416x128xf32, #tpu.memory_space<vmem>>, vector<1x16xf32>,
        %get3A_1372 = vector.shape_cast %get3A_1371 : vector<1x16xf32> to vector<16xf32>
        %add3A_1373 = arith.constant 1 : i32
        %add3A_1374 = arith.addi %add3A_1368, %add3A_1373 : i32
        %get3A_1375 = arith.index_cast %add3A_1374 : i32 to index
        %get3A_1376 = arith.constant 80 : index
        %get3A_1377 = tpu.vector_load %arg17[%get3A_1375, %get3A_1376] {strides = array<i32>} : memref<416x128xf32, #tpu.memory_space<vmem>>, vector<1x16xf32>,
        %get3A_1378 = vector.shape_cast %get3A_1377 : vector<1x16xf32> to vector<16xf32>
        %add3A_1379 = arith.addf %get3A_1372, %get3A_1378 : vector<16xf32>
        %add3A_1380 = arith.constant 2 : i32
        %add3A_1381 = arith.addi %add3A_1368, %add3A_1380 : i32
        %get3A_1382 = arith.index_cast %add3A_1381 : i32 to index
        %get3A_1383 = arith.constant 80 : index
        %get3A_1384 = tpu.vector_load %arg17[%get3A_1382, %get3A_1383] {strides = array<i32>} : memref<416x128xf32, #tpu.memory_space<vmem>>, vector<1x16xf32>,
        %get3A_1385 = vector.shape_cast %get3A_1384 : vector<1x16xf32> to vector<16xf32>
        %add3A_1386 = arith.addf %add3A_1379, %get3A_1385 : vector<16xf32>
        %add3A_1387 = arith.constant 3 : i32
        %add3A_1388 = arith.addi %add3A_1368, %add3A_1387 : i32
        %get3A_1389 = arith.index_cast %add3A_1388 : i32 to index
        %get3A_1390 = arith.constant 80 : index
        %get3A_1391 = tpu.vector_load %arg17[%get3A_1389, %get3A_1390] {strides = array<i32>} : memref<416x128xf32, #tpu.memory_space<vmem>>, vector<1x16xf32>,
        %get3A_1392 = vector.shape_cast %get3A_1391 : vector<1x16xf32> to vector<16xf32>
        %add3A_1393 = arith.addf %add3A_1386, %get3A_1392 : vector<16xf32>
        %add3A_1394 = arith.constant 4 : i32
        %add3A_1395 = arith.addi %add3A_1368, %add3A_1394 : i32
        %get3A_1396 = arith.index_cast %add3A_1395 : i32 to index
        %get3A_1397 = arith.constant 80 : index
        %get3A_1398 = tpu.vector_load %arg17[%get3A_1396, %get3A_1397] {strides = array<i32>} : memref<416x128xf32, #tpu.memory_space<vmem>>, vector<1x16xf32>,
        %get3A_1399 = vector.shape_cast %get3A_1398 : vector<1x16xf32> to vector<16xf32>
        %add3A_1400 = arith.addf %add3A_1393, %get3A_1399 : vector<16xf32>
        %add3A_1401 = arith.constant 5 : i32
        %add3A_1402 = arith.addi %add3A_1368, %add3A_1401 : i32
        %get3A_1403 = arith.index_cast %add3A_1402 : i32 to index
        %get3A_1404 = arith.constant 80 : index
        %get3A_1405 = tpu.vector_load %arg17[%get3A_1403, %get3A_1404] {strides = array<i32>} : memref<416x128xf32, #tpu.memory_space<vmem>>, vector<1x16xf32>,
        %get3A_1406 = vector.shape_cast %get3A_1405 : vector<1x16xf32> to vector<16xf32>
        %add3A_1407 = arith.addf %add3A_1400, %get3A_1406 : vector<16xf32>
        %add3A_1408 = arith.constant 6 : i32
        %add3A_1409 = arith.addi %add3A_1368, %add3A_1408 : i32
        %get3A_1410 = arith.index_cast %add3A_1409 : i32 to index
        %get3A_1411 = arith.constant 80 : index
        %get3A_1412 = tpu.vector_load %arg17[%get3A_1410, %get3A_1411] {strides = array<i32>} : memref<416x128xf32, #tpu.memory_space<vmem>>, vector<1x16xf32>,
        %get3A_1413 = vector.shape_cast %get3A_1412 : vector<1x16xf32> to vector<16xf32>
        %add3A_1414 = arith.addf %add3A_1407, %get3A_1413 : vector<16xf32>
        %add3A_1415 = arith.constant 7 : i32
        %add3A_1416 = arith.addi %add3A_1368, %add3A_1415 : i32
        %get3A_1417 = arith.index_cast %add3A_1416 : i32 to index
        %get3A_1418 = arith.constant 80 : index
        %get3A_1419 = tpu.vector_load %arg17[%get3A_1417, %get3A_1418] {strides = array<i32>} : memref<416x128xf32, #tpu.memory_space<vmem>>, vector<1x16xf32>,
        %get3A_1420 = vector.shape_cast %get3A_1419 : vector<1x16xf32> to vector<16xf32>
        %add3A_1421 = arith.addf %add3A_1414, %get3A_1420 : vector<16xf32>
        %mul3A_1422 = arith.mulf %add3A_1421, %get3A_271 : vector<16xf32>
        %add3A_1423 = arith.addf %add3A_1364, %mul3A_1422 : vector<16xf32>
        %swap3A_1424 = arith.index_cast %scan3A_241 : i32 to index
        %swap3A_1425 = arith.constant 80 : index
        %swap3A_1426 = tpu.vector_load %arg21[%swap3A_1424, %swap3A_1425] {strides = array<i32>} : memref<16x128xf32, #tpu.memory_space<vmem>>, vector<1x16xf32>,
        %swap3A_1427 = vector.shape_cast %swap3A_1426 : vector<1x16xf32> to vector<16xf32>
        %swap3A_1428 = vector.shape_cast %add3A_1423 : vector<16xf32> to vector<1x16xf32>
        tpu.vector_store %arg21[%swap3A_1424, %swap3A_1425], %swap3A_1428 {strides = array<i32>} : memref<16x128xf32, #tpu.memory_space<vmem>>, vector<1x16xf32>,
        %get3A_1429 = arith.index_cast %scan3A_241 : i32 to index
        %get3A_1430 = arith.constant 96 : index
        %get3A_1431 = tpu.vector_load %arg17[%get3A_1429, %get3A_1430] {strides = array<i32>} : memref<416x128xf32, #tpu.memory_space<vmem>>, vector<1x16xf32>,
        %get3A_1432 = vector.shape_cast %get3A_1431 : vector<1x16xf32> to vector<16xf32>
        %add3A_1433 = arith.constant 16 : i32
        %add3A_1434 = arith.addi %add3A_1433, %scan3A_241 : i32
        %get3A_1435 = arith.index_cast %add3A_1434 : i32 to index
        %get3A_1436 = arith.constant 96 : index
        %get3A_1437 = tpu.vector_load %arg17[%get3A_1435, %get3A_1436] {strides = array<i32>} : memref<416x128xf32, #tpu.memory_space<vmem>>, vector<1x16xf32>,
        %get3A_1438 = vector.shape_cast %get3A_1437 : vector<1x16xf32> to vector<16xf32>
        %add3A_1439 = arith.addf %get3A_1432, %get3A_1438 : vector<16xf32>
        %mul3A_1440 = arith.constant 8 : i32
        %mul3A_1441 = arith.muli %scan3A_241, %mul3A_1440 : i32
        %add3A_1442 = arith.constant 32 : i32
        %add3A_1443 = arith.addi %add3A_1442, %mul3A_1441 : i32
        %get3A_1444 = arith.index_cast %add3A_1443 : i32 to index
        %get3A_1445 = arith.constant 96 : index
        %get3A_1446 = tpu.vector_load %arg17[%get3A_1444, %get3A_1445] {strides = array<i32>} : memref<416x128xf32, #tpu.memory_space<vmem>>, vector<1x16xf32>,
        %get3A_1447 = vector.shape_cast %get3A_1446 : vector<1x16xf32> to vector<16xf32>
        %add3A_1448 = arith.constant 1 : i32
        %add3A_1449 = arith.addi %add3A_1443, %add3A_1448 : i32
        %get3A_1450 = arith.index_cast %add3A_1449 : i32 to index
        %get3A_1451 = arith.constant 96 : index
        %get3A_1452 = tpu.vector_load %arg17[%get3A_1450, %get3A_1451] {strides = array<i32>} : memref<416x128xf32, #tpu.memory_space<vmem>>, vector<1x16xf32>,
        %get3A_1453 = vector.shape_cast %get3A_1452 : vector<1x16xf32> to vector<16xf32>
        %add3A_1454 = arith.addf %get3A_1447, %get3A_1453 : vector<16xf32>
        %add3A_1455 = arith.constant 2 : i32
        %add3A_1456 = arith.addi %add3A_1443, %add3A_1455 : i32
        %get3A_1457 = arith.index_cast %add3A_1456 : i32 to index
        %get3A_1458 = arith.constant 96 : index
        %get3A_1459 = tpu.vector_load %arg17[%get3A_1457, %get3A_1458] {strides = array<i32>} : memref<416x128xf32, #tpu.memory_space<vmem>>, vector<1x16xf32>,
        %get3A_1460 = vector.shape_cast %get3A_1459 : vector<1x16xf32> to vector<16xf32>
        %add3A_1461 = arith.addf %add3A_1454, %get3A_1460 : vector<16xf32>
        %add3A_1462 = arith.constant 3 : i32
        %add3A_1463 = arith.addi %add3A_1443, %add3A_1462 : i32
        %get3A_1464 = arith.index_cast %add3A_1463 : i32 to index
        %get3A_1465 = arith.constant 96 : index
        %get3A_1466 = tpu.vector_load %arg17[%get3A_1464, %get3A_1465] {strides = array<i32>} : memref<416x128xf32, #tpu.memory_space<vmem>>, vector<1x16xf32>,
        %get3A_1467 = vector.shape_cast %get3A_1466 : vector<1x16xf32> to vector<16xf32>
        %add3A_1468 = arith.addf %add3A_1461, %get3A_1467 : vector<16xf32>
        %add3A_1469 = arith.constant 4 : i32
        %add3A_1470 = arith.addi %add3A_1443, %add3A_1469 : i32
        %get3A_1471 = arith.index_cast %add3A_1470 : i32 to index
        %get3A_1472 = arith.constant 96 : index
        %get3A_1473 = tpu.vector_load %arg17[%get3A_1471, %get3A_1472] {strides = array<i32>} : memref<416x128xf32, #tpu.memory_space<vmem>>, vector<1x16xf32>,
        %get3A_1474 = vector.shape_cast %get3A_1473 : vector<1x16xf32> to vector<16xf32>
        %add3A_1475 = arith.addf %add3A_1468, %get3A_1474 : vector<16xf32>
        %add3A_1476 = arith.constant 5 : i32
        %add3A_1477 = arith.addi %add3A_1443, %add3A_1476 : i32
        %get3A_1478 = arith.index_cast %add3A_1477 : i32 to index
        %get3A_1479 = arith.constant 96 : index
        %get3A_1480 = tpu.vector_load %arg17[%get3A_1478, %get3A_1479] {strides = array<i32>} : memref<416x128xf32, #tpu.memory_space<vmem>>, vector<1x16xf32>,
        %get3A_1481 = vector.shape_cast %get3A_1480 : vector<1x16xf32> to vector<16xf32>
        %add3A_1482 = arith.addf %add3A_1475, %get3A_1481 : vector<16xf32>
        %add3A_1483 = arith.constant 6 : i32
        %add3A_1484 = arith.addi %add3A_1443, %add3A_1483 : i32
        %get3A_1485 = arith.index_cast %add3A_1484 : i32 to index
        %get3A_1486 = arith.constant 96 : index
        %get3A_1487 = tpu.vector_load %arg17[%get3A_1485, %get3A_1486] {strides = array<i32>} : memref<416x128xf32, #tpu.memory_space<vmem>>, vector<1x16xf32>,
        %get3A_1488 = vector.shape_cast %get3A_1487 : vector<1x16xf32> to vector<16xf32>
        %add3A_1489 = arith.addf %add3A_1482, %get3A_1488 : vector<16xf32>
        %add3A_1490 = arith.constant 7 : i32
        %add3A_1491 = arith.addi %add3A_1443, %add3A_1490 : i32
        %get3A_1492 = arith.index_cast %add3A_1491 : i32 to index
        %get3A_1493 = arith.constant 96 : index
        %get3A_1494 = tpu.vector_load %arg17[%get3A_1492, %get3A_1493] {strides = array<i32>} : memref<416x128xf32, #tpu.memory_space<vmem>>, vector<1x16xf32>,
        %get3A_1495 = vector.shape_cast %get3A_1494 : vector<1x16xf32> to vector<16xf32>
        %add3A_1496 = arith.addf %add3A_1489, %get3A_1495 : vector<16xf32>
        %mul3A_1497 = arith.mulf %add3A_1496, %get3A_249 : vector<16xf32>
        %add3A_1498 = arith.addf %add3A_1439, %mul3A_1497 : vector<16xf32>
        %mul3A_1499 = arith.constant 8 : i32
        %mul3A_1500 = arith.muli %scan3A_241, %mul3A_1499 : i32
        %add3A_1501 = arith.constant 160 : i32
        %add3A_1502 = arith.addi %add3A_1501, %mul3A_1500 : i32
        %get3A_1503 = arith.index_cast %add3A_1502 : i32 to index
        %get3A_1504 = arith.constant 96 : index
        %get3A_1505 = tpu.vector_load %arg17[%get3A_1503, %get3A_1504] {strides = array<i32>} : memref<416x128xf32, #tpu.memory_space<vmem>>, vector<1x16xf32>,
        %get3A_1506 = vector.shape_cast %get3A_1505 : vector<1x16xf32> to vector<16xf32>
        %add3A_1507 = arith.constant 1 : i32
        %add3A_1508 = arith.addi %add3A_1502, %add3A_1507 : i32
        %get3A_1509 = arith.index_cast %add3A_1508 : i32 to index
        %get3A_1510 = arith.constant 96 : index
        %get3A_1511 = tpu.vector_load %arg17[%get3A_1509, %get3A_1510] {strides = array<i32>} : memref<416x128xf32, #tpu.memory_space<vmem>>, vector<1x16xf32>,
        %get3A_1512 = vector.shape_cast %get3A_1511 : vector<1x16xf32> to vector<16xf32>
        %add3A_1513 = arith.addf %get3A_1506, %get3A_1512 : vector<16xf32>
        %add3A_1514 = arith.constant 2 : i32
        %add3A_1515 = arith.addi %add3A_1502, %add3A_1514 : i32
        %get3A_1516 = arith.index_cast %add3A_1515 : i32 to index
        %get3A_1517 = arith.constant 96 : index
        %get3A_1518 = tpu.vector_load %arg17[%get3A_1516, %get3A_1517] {strides = array<i32>} : memref<416x128xf32, #tpu.memory_space<vmem>>, vector<1x16xf32>,
        %get3A_1519 = vector.shape_cast %get3A_1518 : vector<1x16xf32> to vector<16xf32>
        %add3A_1520 = arith.addf %add3A_1513, %get3A_1519 : vector<16xf32>
        %add3A_1521 = arith.constant 3 : i32
        %add3A_1522 = arith.addi %add3A_1502, %add3A_1521 : i32
        %get3A_1523 = arith.index_cast %add3A_1522 : i32 to index
        %get3A_1524 = arith.constant 96 : index
        %get3A_1525 = tpu.vector_load %arg17[%get3A_1523, %get3A_1524] {strides = array<i32>} : memref<416x128xf32, #tpu.memory_space<vmem>>, vector<1x16xf32>,
        %get3A_1526 = vector.shape_cast %get3A_1525 : vector<1x16xf32> to vector<16xf32>
        %add3A_1527 = arith.addf %add3A_1520, %get3A_1526 : vector<16xf32>
        %add3A_1528 = arith.constant 4 : i32
        %add3A_1529 = arith.addi %add3A_1502, %add3A_1528 : i32
        %get3A_1530 = arith.index_cast %add3A_1529 : i32 to index
        %get3A_1531 = arith.constant 96 : index
        %get3A_1532 = tpu.vector_load %arg17[%get3A_1530, %get3A_1531] {strides = array<i32>} : memref<416x128xf32, #tpu.memory_space<vmem>>, vector<1x16xf32>,
        %get3A_1533 = vector.shape_cast %get3A_1532 : vector<1x16xf32> to vector<16xf32>
        %add3A_1534 = arith.addf %add3A_1527, %get3A_1533 : vector<16xf32>
        %add3A_1535 = arith.constant 5 : i32
        %add3A_1536 = arith.addi %add3A_1502, %add3A_1535 : i32
        %get3A_1537 = arith.index_cast %add3A_1536 : i32 to index
        %get3A_1538 = arith.constant 96 : index
        %get3A_1539 = tpu.vector_load %arg17[%get3A_1537, %get3A_1538] {strides = array<i32>} : memref<416x128xf32, #tpu.memory_space<vmem>>, vector<1x16xf32>,
        %get3A_1540 = vector.shape_cast %get3A_1539 : vector<1x16xf32> to vector<16xf32>
        %add3A_1541 = arith.addf %add3A_1534, %get3A_1540 : vector<16xf32>
        %add3A_1542 = arith.constant 6 : i32
        %add3A_1543 = arith.addi %add3A_1502, %add3A_1542 : i32
        %get3A_1544 = arith.index_cast %add3A_1543 : i32 to index
        %get3A_1545 = arith.constant 96 : index
        %get3A_1546 = tpu.vector_load %arg17[%get3A_1544, %get3A_1545] {strides = array<i32>} : memref<416x128xf32, #tpu.memory_space<vmem>>, vector<1x16xf32>,
        %get3A_1547 = vector.shape_cast %get3A_1546 : vector<1x16xf32> to vector<16xf32>
        %add3A_1548 = arith.addf %add3A_1541, %get3A_1547 : vector<16xf32>
        %add3A_1549 = arith.constant 7 : i32
        %add3A_1550 = arith.addi %add3A_1502, %add3A_1549 : i32
        %get3A_1551 = arith.index_cast %add3A_1550 : i32 to index
        %get3A_1552 = arith.constant 96 : index
        %get3A_1553 = tpu.vector_load %arg17[%get3A_1551, %get3A_1552] {strides = array<i32>} : memref<416x128xf32, #tpu.memory_space<vmem>>, vector<1x16xf32>,
        %get3A_1554 = vector.shape_cast %get3A_1553 : vector<1x16xf32> to vector<16xf32>
        %add3A_1555 = arith.addf %add3A_1548, %get3A_1554 : vector<16xf32>
        %mul3A_1556 = arith.mulf %add3A_1555, %get3A_260 : vector<16xf32>
        %add3A_1557 = arith.addf %add3A_1498, %mul3A_1556 : vector<16xf32>
        %mul3A_1558 = arith.constant 8 : i32
        %mul3A_1559 = arith.muli %scan3A_241, %mul3A_1558 : i32
        %add3A_1560 = arith.constant 288 : i32
        %add3A_1561 = arith.addi %add3A_1560, %mul3A_1559 : i32
        %get3A_1562 = arith.index_cast %add3A_1561 : i32 to index
        %get3A_1563 = arith.constant 96 : index
        %get3A_1564 = tpu.vector_load %arg17[%get3A_1562, %get3A_1563] {strides = array<i32>} : memref<416x128xf32, #tpu.memory_space<vmem>>, vector<1x16xf32>,
        %get3A_1565 = vector.shape_cast %get3A_1564 : vector<1x16xf32> to vector<16xf32>
        %add3A_1566 = arith.constant 1 : i32
        %add3A_1567 = arith.addi %add3A_1561, %add3A_1566 : i32
        %get3A_1568 = arith.index_cast %add3A_1567 : i32 to index
        %get3A_1569 = arith.constant 96 : index
        %get3A_1570 = tpu.vector_load %arg17[%get3A_1568, %get3A_1569] {strides = array<i32>} : memref<416x128xf32, #tpu.memory_space<vmem>>, vector<1x16xf32>,
        %get3A_1571 = vector.shape_cast %get3A_1570 : vector<1x16xf32> to vector<16xf32>
        %add3A_1572 = arith.addf %get3A_1565, %get3A_1571 : vector<16xf32>
        %add3A_1573 = arith.constant 2 : i32
        %add3A_1574 = arith.addi %add3A_1561, %add3A_1573 : i32
        %get3A_1575 = arith.index_cast %add3A_1574 : i32 to index
        %get3A_1576 = arith.constant 96 : index
        %get3A_1577 = tpu.vector_load %arg17[%get3A_1575, %get3A_1576] {strides = array<i32>} : memref<416x128xf32, #tpu.memory_space<vmem>>, vector<1x16xf32>,
        %get3A_1578 = vector.shape_cast %get3A_1577 : vector<1x16xf32> to vector<16xf32>
        %add3A_1579 = arith.addf %add3A_1572, %get3A_1578 : vector<16xf32>
        %add3A_1580 = arith.constant 3 : i32
        %add3A_1581 = arith.addi %add3A_1561, %add3A_1580 : i32
        %get3A_1582 = arith.index_cast %add3A_1581 : i32 to index
        %get3A_1583 = arith.constant 96 : index
        %get3A_1584 = tpu.vector_load %arg17[%get3A_1582, %get3A_1583] {strides = array<i32>} : memref<416x128xf32, #tpu.memory_space<vmem>>, vector<1x16xf32>,
        %get3A_1585 = vector.shape_cast %get3A_1584 : vector<1x16xf32> to vector<16xf32>
        %add3A_1586 = arith.addf %add3A_1579, %get3A_1585 : vector<16xf32>
        %add3A_1587 = arith.constant 4 : i32
        %add3A_1588 = arith.addi %add3A_1561, %add3A_1587 : i32
        %get3A_1589 = arith.index_cast %add3A_1588 : i32 to index
        %get3A_1590 = arith.constant 96 : index
        %get3A_1591 = tpu.vector_load %arg17[%get3A_1589, %get3A_1590] {strides = array<i32>} : memref<416x128xf32, #tpu.memory_space<vmem>>, vector<1x16xf32>,
        %get3A_1592 = vector.shape_cast %get3A_1591 : vector<1x16xf32> to vector<16xf32>
        %add3A_1593 = arith.addf %add3A_1586, %get3A_1592 : vector<16xf32>
        %add3A_1594 = arith.constant 5 : i32
        %add3A_1595 = arith.addi %add3A_1561, %add3A_1594 : i32
        %get3A_1596 = arith.index_cast %add3A_1595 : i32 to index
        %get3A_1597 = arith.constant 96 : index
        %get3A_1598 = tpu.vector_load %arg17[%get3A_1596, %get3A_1597] {strides = array<i32>} : memref<416x128xf32, #tpu.memory_space<vmem>>, vector<1x16xf32>,
        %get3A_1599 = vector.shape_cast %get3A_1598 : vector<1x16xf32> to vector<16xf32>
        %add3A_1600 = arith.addf %add3A_1593, %get3A_1599 : vector<16xf32>
        %add3A_1601 = arith.constant 6 : i32
        %add3A_1602 = arith.addi %add3A_1561, %add3A_1601 : i32
        %get3A_1603 = arith.index_cast %add3A_1602 : i32 to index
        %get3A_1604 = arith.constant 96 : index
        %get3A_1605 = tpu.vector_load %arg17[%get3A_1603, %get3A_1604] {strides = array<i32>} : memref<416x128xf32, #tpu.memory_space<vmem>>, vector<1x16xf32>,
        %get3A_1606 = vector.shape_cast %get3A_1605 : vector<1x16xf32> to vector<16xf32>
        %add3A_1607 = arith.addf %add3A_1600, %get3A_1606 : vector<16xf32>
        %add3A_1608 = arith.constant 7 : i32
        %add3A_1609 = arith.addi %add3A_1561, %add3A_1608 : i32
        %get3A_1610 = arith.index_cast %add3A_1609 : i32 to index
        %get3A_1611 = arith.constant 96 : index
        %get3A_1612 = tpu.vector_load %arg17[%get3A_1610, %get3A_1611] {strides = array<i32>} : memref<416x128xf32, #tpu.memory_space<vmem>>, vector<1x16xf32>,
        %get3A_1613 = vector.shape_cast %get3A_1612 : vector<1x16xf32> to vector<16xf32>
        %add3A_1614 = arith.addf %add3A_1607, %get3A_1613 : vector<16xf32>
        %mul3A_1615 = arith.mulf %add3A_1614, %get3A_271 : vector<16xf32>
        %add3A_1616 = arith.addf %add3A_1557, %mul3A_1615 : vector<16xf32>
        %swap3A_1617 = arith.index_cast %scan3A_241 : i32 to index
        %swap3A_1618 = arith.constant 96 : index
        %swap3A_1619 = tpu.vector_load %arg21[%swap3A_1617, %swap3A_1618] {strides = array<i32>} : memref<16x128xf32, #tpu.memory_space<vmem>>, vector<1x16xf32>,
        %swap3A_1620 = vector.shape_cast %swap3A_1619 : vector<1x16xf32> to vector<16xf32>
        %swap3A_1621 = vector.shape_cast %add3A_1616 : vector<16xf32> to vector<1x16xf32>
        tpu.vector_store %arg21[%swap3A_1617, %swap3A_1618], %swap3A_1621 {strides = array<i32>} : memref<16x128xf32, #tpu.memory_space<vmem>>, vector<1x16xf32>,
        %get3A_1622 = arith.index_cast %scan3A_241 : i32 to index
        %get3A_1623 = arith.constant 112 : index
        %get3A_1624 = tpu.vector_load %arg17[%get3A_1622, %get3A_1623] {strides = array<i32>} : memref<416x128xf32, #tpu.memory_space<vmem>>, vector<1x16xf32>,
        %get3A_1625 = vector.shape_cast %get3A_1624 : vector<1x16xf32> to vector<16xf32>
        %add3A_1626 = arith.constant 16 : i32
        %add3A_1627 = arith.addi %add3A_1626, %scan3A_241 : i32
        %get3A_1628 = arith.index_cast %add3A_1627 : i32 to index
        %get3A_1629 = arith.constant 112 : index
        %get3A_1630 = tpu.vector_load %arg17[%get3A_1628, %get3A_1629] {strides = array<i32>} : memref<416x128xf32, #tpu.memory_space<vmem>>, vector<1x16xf32>,
        %get3A_1631 = vector.shape_cast %get3A_1630 : vector<1x16xf32> to vector<16xf32>
        %add3A_1632 = arith.addf %get3A_1625, %get3A_1631 : vector<16xf32>
        %mul3A_1633 = arith.constant 8 : i32
        %mul3A_1634 = arith.muli %scan3A_241, %mul3A_1633 : i32
        %add3A_1635 = arith.constant 32 : i32
        %add3A_1636 = arith.addi %add3A_1635, %mul3A_1634 : i32
        %get3A_1637 = arith.index_cast %add3A_1636 : i32 to index
        %get3A_1638 = arith.constant 112 : index
        %get3A_1639 = tpu.vector_load %arg17[%get3A_1637, %get3A_1638] {strides = array<i32>} : memref<416x128xf32, #tpu.memory_space<vmem>>, vector<1x16xf32>,
        %get3A_1640 = vector.shape_cast %get3A_1639 : vector<1x16xf32> to vector<16xf32>
        %add3A_1641 = arith.constant 1 : i32
        %add3A_1642 = arith.addi %add3A_1636, %add3A_1641 : i32
        %get3A_1643 = arith.index_cast %add3A_1642 : i32 to index
        %get3A_1644 = arith.constant 112 : index
        %get3A_1645 = tpu.vector_load %arg17[%get3A_1643, %get3A_1644] {strides = array<i32>} : memref<416x128xf32, #tpu.memory_space<vmem>>, vector<1x16xf32>,
        %get3A_1646 = vector.shape_cast %get3A_1645 : vector<1x16xf32> to vector<16xf32>
        %add3A_1647 = arith.addf %get3A_1640, %get3A_1646 : vector<16xf32>
        %add3A_1648 = arith.constant 2 : i32
        %add3A_1649 = arith.addi %add3A_1636, %add3A_1648 : i32
        %get3A_1650 = arith.index_cast %add3A_1649 : i32 to index
        %get3A_1651 = arith.constant 112 : index
        %get3A_1652 = tpu.vector_load %arg17[%get3A_1650, %get3A_1651] {strides = array<i32>} : memref<416x128xf32, #tpu.memory_space<vmem>>, vector<1x16xf32>,
        %get3A_1653 = vector.shape_cast %get3A_1652 : vector<1x16xf32> to vector<16xf32>
        %add3A_1654 = arith.addf %add3A_1647, %get3A_1653 : vector<16xf32>
        %add3A_1655 = arith.constant 3 : i32
        %add3A_1656 = arith.addi %add3A_1636, %add3A_1655 : i32
        %get3A_1657 = arith.index_cast %add3A_1656 : i32 to index
        %get3A_1658 = arith.constant 112 : index
        %get3A_1659 = tpu.vector_load %arg17[%get3A_1657, %get3A_1658] {strides = array<i32>} : memref<416x128xf32, #tpu.memory_space<vmem>>, vector<1x16xf32>,
        %get3A_1660 = vector.shape_cast %get3A_1659 : vector<1x16xf32> to vector<16xf32>
        %add3A_1661 = arith.addf %add3A_1654, %get3A_1660 : vector<16xf32>
        %add3A_1662 = arith.constant 4 : i32
        %add3A_1663 = arith.addi %add3A_1636, %add3A_1662 : i32
        %get3A_1664 = arith.index_cast %add3A_1663 : i32 to index
        %get3A_1665 = arith.constant 112 : index
        %get3A_1666 = tpu.vector_load %arg17[%get3A_1664, %get3A_1665] {strides = array<i32>} : memref<416x128xf32, #tpu.memory_space<vmem>>, vector<1x16xf32>,
        %get3A_1667 = vector.shape_cast %get3A_1666 : vector<1x16xf32> to vector<16xf32>
        %add3A_1668 = arith.addf %add3A_1661, %get3A_1667 : vector<16xf32>
        %add3A_1669 = arith.constant 5 : i32
        %add3A_1670 = arith.addi %add3A_1636, %add3A_1669 : i32
        %get3A_1671 = arith.index_cast %add3A_1670 : i32 to index
        %get3A_1672 = arith.constant 112 : index
        %get3A_1673 = tpu.vector_load %arg17[%get3A_1671, %get3A_1672] {strides = array<i32>} : memref<416x128xf32, #tpu.memory_space<vmem>>, vector<1x16xf32>,
        %get3A_1674 = vector.shape_cast %get3A_1673 : vector<1x16xf32> to vector<16xf32>
        %add3A_1675 = arith.addf %add3A_1668, %get3A_1674 : vector<16xf32>
        %add3A_1676 = arith.constant 6 : i32
        %add3A_1677 = arith.addi %add3A_1636, %add3A_1676 : i32
        %get3A_1678 = arith.index_cast %add3A_1677 : i32 to index
        %get3A_1679 = arith.constant 112 : index
        %get3A_1680 = tpu.vector_load %arg17[%get3A_1678, %get3A_1679] {strides = array<i32>} : memref<416x128xf32, #tpu.memory_space<vmem>>, vector<1x16xf32>,
        %get3A_1681 = vector.shape_cast %get3A_1680 : vector<1x16xf32> to vector<16xf32>
        %add3A_1682 = arith.addf %add3A_1675, %get3A_1681 : vector<16xf32>
        %add3A_1683 = arith.constant 7 : i32
        %add3A_1684 = arith.addi %add3A_1636, %add3A_1683 : i32
        %get3A_1685 = arith.index_cast %add3A_1684 : i32 to index
        %get3A_1686 = arith.constant 112 : index
        %get3A_1687 = tpu.vector_load %arg17[%get3A_1685, %get3A_1686] {strides = array<i32>} : memref<416x128xf32, #tpu.memory_space<vmem>>, vector<1x16xf32>,
        %get3A_1688 = vector.shape_cast %get3A_1687 : vector<1x16xf32> to vector<16xf32>
        %add3A_1689 = arith.addf %add3A_1682, %get3A_1688 : vector<16xf32>
        %mul3A_1690 = arith.mulf %add3A_1689, %get3A_249 : vector<16xf32>
        %add3A_1691 = arith.addf %add3A_1632, %mul3A_1690 : vector<16xf32>
        %mul3A_1692 = arith.constant 8 : i32
        %mul3A_1693 = arith.muli %scan3A_241, %mul3A_1692 : i32
        %add3A_1694 = arith.constant 160 : i32
        %add3A_1695 = arith.addi %add3A_1694, %mul3A_1693 : i32
        %get3A_1696 = arith.index_cast %add3A_1695 : i32 to index
        %get3A_1697 = arith.constant 112 : index
        %get3A_1698 = tpu.vector_load %arg17[%get3A_1696, %get3A_1697] {strides = array<i32>} : memref<416x128xf32, #tpu.memory_space<vmem>>, vector<1x16xf32>,
        %get3A_1699 = vector.shape_cast %get3A_1698 : vector<1x16xf32> to vector<16xf32>
        %add3A_1700 = arith.constant 1 : i32
        %add3A_1701 = arith.addi %add3A_1695, %add3A_1700 : i32
        %get3A_1702 = arith.index_cast %add3A_1701 : i32 to index
        %get3A_1703 = arith.constant 112 : index
        %get3A_1704 = tpu.vector_load %arg17[%get3A_1702, %get3A_1703] {strides = array<i32>} : memref<416x128xf32, #tpu.memory_space<vmem>>, vector<1x16xf32>,
        %get3A_1705 = vector.shape_cast %get3A_1704 : vector<1x16xf32> to vector<16xf32>
        %add3A_1706 = arith.addf %get3A_1699, %get3A_1705 : vector<16xf32>
        %add3A_1707 = arith.constant 2 : i32
        %add3A_1708 = arith.addi %add3A_1695, %add3A_1707 : i32
        %get3A_1709 = arith.index_cast %add3A_1708 : i32 to index
        %get3A_1710 = arith.constant 112 : index
        %get3A_1711 = tpu.vector_load %arg17[%get3A_1709, %get3A_1710] {strides = array<i32>} : memref<416x128xf32, #tpu.memory_space<vmem>>, vector<1x16xf32>,
        %get3A_1712 = vector.shape_cast %get3A_1711 : vector<1x16xf32> to vector<16xf32>
        %add3A_1713 = arith.addf %add3A_1706, %get3A_1712 : vector<16xf32>
        %add3A_1714 = arith.constant 3 : i32
        %add3A_1715 = arith.addi %add3A_1695, %add3A_1714 : i32
        %get3A_1716 = arith.index_cast %add3A_1715 : i32 to index
        %get3A_1717 = arith.constant 112 : index
        %get3A_1718 = tpu.vector_load %arg17[%get3A_1716, %get3A_1717] {strides = array<i32>} : memref<416x128xf32, #tpu.memory_space<vmem>>, vector<1x16xf32>,
        %get3A_1719 = vector.shape_cast %get3A_1718 : vector<1x16xf32> to vector<16xf32>
        %add3A_1720 = arith.addf %add3A_1713, %get3A_1719 : vector<16xf32>
        %add3A_1721 = arith.constant 4 : i32
        %add3A_1722 = arith.addi %add3A_1695, %add3A_1721 : i32
        %get3A_1723 = arith.index_cast %add3A_1722 : i32 to index
        %get3A_1724 = arith.constant 112 : index
        %get3A_1725 = tpu.vector_load %arg17[%get3A_1723, %get3A_1724] {strides = array<i32>} : memref<416x128xf32, #tpu.memory_space<vmem>>, vector<1x16xf32>,
        %get3A_1726 = vector.shape_cast %get3A_1725 : vector<1x16xf32> to vector<16xf32>
        %add3A_1727 = arith.addf %add3A_1720, %get3A_1726 : vector<16xf32>
        %add3A_1728 = arith.constant 5 : i32
        %add3A_1729 = arith.addi %add3A_1695, %add3A_1728 : i32
        %get3A_1730 = arith.index_cast %add3A_1729 : i32 to index
        %get3A_1731 = arith.constant 112 : index
        %get3A_1732 = tpu.vector_load %arg17[%get3A_1730, %get3A_1731] {strides = array<i32>} : memref<416x128xf32, #tpu.memory_space<vmem>>, vector<1x16xf32>,
        %get3A_1733 = vector.shape_cast %get3A_1732 : vector<1x16xf32> to vector<16xf32>
        %add3A_1734 = arith.addf %add3A_1727, %get3A_1733 : vector<16xf32>
        %add3A_1735 = arith.constant 6 : i32
        %add3A_1736 = arith.addi %add3A_1695, %add3A_1735 : i32
        %get3A_1737 = arith.index_cast %add3A_1736 : i32 to index
        %get3A_1738 = arith.constant 112 : index
        %get3A_1739 = tpu.vector_load %arg17[%get3A_1737, %get3A_1738] {strides = array<i32>} : memref<416x128xf32, #tpu.memory_space<vmem>>, vector<1x16xf32>,
        %get3A_1740 = vector.shape_cast %get3A_1739 : vector<1x16xf32> to vector<16xf32>
        %add3A_1741 = arith.addf %add3A_1734, %get3A_1740 : vector<16xf32>
        %add3A_1742 = arith.constant 7 : i32
        %add3A_1743 = arith.addi %add3A_1695, %add3A_1742 : i32
        %get3A_1744 = arith.index_cast %add3A_1743 : i32 to index
        %get3A_1745 = arith.constant 112 : index
        %get3A_1746 = tpu.vector_load %arg17[%get3A_1744, %get3A_1745] {strides = array<i32>} : memref<416x128xf32, #tpu.memory_space<vmem>>, vector<1x16xf32>,
        %get3A_1747 = vector.shape_cast %get3A_1746 : vector<1x16xf32> to vector<16xf32>
        %add3A_1748 = arith.addf %add3A_1741, %get3A_1747 : vector<16xf32>
        %mul3A_1749 = arith.mulf %add3A_1748, %get3A_260 : vector<16xf32>
        %add3A_1750 = arith.addf %add3A_1691, %mul3A_1749 : vector<16xf32>
        %mul3A_1751 = arith.constant 8 : i32
        %mul3A_1752 = arith.muli %scan3A_241, %mul3A_1751 : i32
        %add3A_1753 = arith.constant 288 : i32
        %add3A_1754 = arith.addi %add3A_1753, %mul3A_1752 : i32
        %get3A_1755 = arith.index_cast %add3A_1754 : i32 to index
        %get3A_1756 = arith.constant 112 : index
        %get3A_1757 = tpu.vector_load %arg17[%get3A_1755, %get3A_1756] {strides = array<i32>} : memref<416x128xf32, #tpu.memory_space<vmem>>, vector<1x16xf32>,
        %get3A_1758 = vector.shape_cast %get3A_1757 : vector<1x16xf32> to vector<16xf32>
        %add3A_1759 = arith.constant 1 : i32
        %add3A_1760 = arith.addi %add3A_1754, %add3A_1759 : i32
        %get3A_1761 = arith.index_cast %add3A_1760 : i32 to index
        %get3A_1762 = arith.constant 112 : index
        %get3A_1763 = tpu.vector_load %arg17[%get3A_1761, %get3A_1762] {strides = array<i32>} : memref<416x128xf32, #tpu.memory_space<vmem>>, vector<1x16xf32>,
        %get3A_1764 = vector.shape_cast %get3A_1763 : vector<1x16xf32> to vector<16xf32>
        %add3A_1765 = arith.addf %get3A_1758, %get3A_1764 : vector<16xf32>
        %add3A_1766 = arith.constant 2 : i32
        %add3A_1767 = arith.addi %add3A_1754, %add3A_1766 : i32
        %get3A_1768 = arith.index_cast %add3A_1767 : i32 to index
        %get3A_1769 = arith.constant 112 : index
        %get3A_1770 = tpu.vector_load %arg17[%get3A_1768, %get3A_1769] {strides = array<i32>} : memref<416x128xf32, #tpu.memory_space<vmem>>, vector<1x16xf32>,
        %get3A_1771 = vector.shape_cast %get3A_1770 : vector<1x16xf32> to vector<16xf32>
        %add3A_1772 = arith.addf %add3A_1765, %get3A_1771 : vector<16xf32>
        %add3A_1773 = arith.constant 3 : i32
        %add3A_1774 = arith.addi %add3A_1754, %add3A_1773 : i32
        %get3A_1775 = arith.index_cast %add3A_1774 : i32 to index
        %get3A_1776 = arith.constant 112 : index
        %get3A_1777 = tpu.vector_load %arg17[%get3A_1775, %get3A_1776] {strides = array<i32>} : memref<416x128xf32, #tpu.memory_space<vmem>>, vector<1x16xf32>,
        %get3A_1778 = vector.shape_cast %get3A_1777 : vector<1x16xf32> to vector<16xf32>
        %add3A_1779 = arith.addf %add3A_1772, %get3A_1778 : vector<16xf32>
        %add3A_1780 = arith.constant 4 : i32
        %add3A_1781 = arith.addi %add3A_1754, %add3A_1780 : i32
        %get3A_1782 = arith.index_cast %add3A_1781 : i32 to index
        %get3A_1783 = arith.constant 112 : index
        %get3A_1784 = tpu.vector_load %arg17[%get3A_1782, %get3A_1783] {strides = array<i32>} : memref<416x128xf32, #tpu.memory_space<vmem>>, vector<1x16xf32>,
        %get3A_1785 = vector.shape_cast %get3A_1784 : vector<1x16xf32> to vector<16xf32>
        %add3A_1786 = arith.addf %add3A_1779, %get3A_1785 : vector<16xf32>
        %add3A_1787 = arith.constant 5 : i32
        %add3A_1788 = arith.addi %add3A_1754, %add3A_1787 : i32
        %get3A_1789 = arith.index_cast %add3A_1788 : i32 to index
        %get3A_1790 = arith.constant 112 : index
        %get3A_1791 = tpu.vector_load %arg17[%get3A_1789, %get3A_1790] {strides = array<i32>} : memref<416x128xf32, #tpu.memory_space<vmem>>, vector<1x16xf32>,
        %get3A_1792 = vector.shape_cast %get3A_1791 : vector<1x16xf32> to vector<16xf32>
        %add3A_1793 = arith.addf %add3A_1786, %get3A_1792 : vector<16xf32>
        %add3A_1794 = arith.constant 6 : i32
        %add3A_1795 = arith.addi %add3A_1754, %add3A_1794 : i32
        %get3A_1796 = arith.index_cast %add3A_1795 : i32 to index
        %get3A_1797 = arith.constant 112 : index
        %get3A_1798 = tpu.vector_load %arg17[%get3A_1796, %get3A_1797] {strides = array<i32>} : memref<416x128xf32, #tpu.memory_space<vmem>>, vector<1x16xf32>,
        %get3A_1799 = vector.shape_cast %get3A_1798 : vector<1x16xf32> to vector<16xf32>
        %add3A_1800 = arith.addf %add3A_1793, %get3A_1799 : vector<16xf32>
        %add3A_1801 = arith.constant 7 : i32
        %add3A_1802 = arith.addi %add3A_1754, %add3A_1801 : i32
        %get3A_1803 = arith.index_cast %add3A_1802 : i32 to index
        %get3A_1804 = arith.constant 112 : index
        %get3A_1805 = tpu.vector_load %arg17[%get3A_1803, %get3A_1804] {strides = array<i32>} : memref<416x128xf32, #tpu.memory_space<vmem>>, vector<1x16xf32>,
        %get3A_1806 = vector.shape_cast %get3A_1805 : vector<1x16xf32> to vector<16xf32>
        %add3A_1807 = arith.addf %add3A_1800, %get3A_1806 : vector<16xf32>
        %mul3A_1808 = arith.mulf %add3A_1807, %get3A_271 : vector<16xf32>
        %add3A_1809 = arith.addf %add3A_1750, %mul3A_1808 : vector<16xf32>
        %swap3A_1810 = arith.index_cast %scan3A_241 : i32 to index
        %swap3A_1811 = arith.constant 112 : index
        %swap3A_1812 = tpu.vector_load %arg21[%swap3A_1810, %swap3A_1811] {strides = array<i32>} : memref<16x128xf32, #tpu.memory_space<vmem>>, vector<1x16xf32>,
        %swap3A_1813 = vector.shape_cast %swap3A_1812 : vector<1x16xf32> to vector<16xf32>
        %swap3A_1814 = vector.shape_cast %add3A_1809 : vector<16xf32> to vector<1x16xf32>
        tpu.vector_store %arg21[%swap3A_1810, %swap3A_1811], %swap3A_1814 {strides = array<i32>} : memref<16x128xf32, #tpu.memory_space<vmem>>, vector<1x16xf32>,
      }
      %scan3A_234 = arith.constant 16 : i32
      %mul3A_235 = arith.constant 16 : i32
      %mul3A_236 = arith.muli %add3A_158, %mul3A_235 : i32
      %dma_start3A_237 = arith.constant 0 : i32
      %dma_start3A_238 = tpu.memref_slice %arg11[%mul3A_236, %dma_start3A_237] : memref<51200x128xf32, #tpu.memory_space<hbm>> -> memref<16x128xf32, #tpu.memory_space<hbm>>
      %dma_start3A_239 = arith.constant 0 : i32
      %dma_start3A_240 = tpu.memref_slice %arg11[%mul3A_236, %dma_start3A_239] : memref<51200x128xf32, #tpu.memory_space<hbm>> -> memref<16x128xf32, #tpu.memory_space<hbm>>
      tpu.enqueue_dma source(%arg21 : memref<16x128xf32, #tpu.memory_space<vmem>>) target(%dma_start3A_240 : memref<16x128xf32, #tpu.memory_space<hbm>>) target_semaphore(%arg24 : memref<!tpu.dma_semaphore, #tpu.memory_space<semaphore_mem>>)
    }
    %scan3A_64 = arith.constant 50 : i32
    %mul3A_65 = arith.constant 16 : i32
    %mul3A_66 = arith.muli %mul3A_2, %mul3A_65 : i32
    %dma_wait3A = arith.constant 0 : i32
    %dma_wait3A_67 = tpu.memref_slice %arg11[%mul3A_66, %dma_wait3A] : memref<51200x128xf32, #tpu.memory_space<hbm>> -> memref<16x128xf32, #tpu.memory_space<hbm>>
    %dma_wait3A_68 = arith.constant 0 : i32
    %dma_wait3A_69 = tpu.memref_slice %arg11[%mul3A_66, %dma_wait3A_68] : memref<51200x128xf32, #tpu.memory_space<hbm>> -> memref<16x128xf32, #tpu.memory_space<hbm>>
    tpu.wait_dma2 semaphore(%arg24 : memref<!tpu.dma_semaphore, #tpu.memory_space<semaphore_mem>>) src(%arg21 : memref<16x128xf32, #tpu.memory_space<vmem>>) dst(%dma_wait3A_69 : memref<16x128xf32, #tpu.memory_space<hbm>>)
    return
  }
}

module attributes {stable_mosaic.version = 14 : i64} {
  func.func @_proj_body(%arg0: i32, %arg1: memref<1000x128xf32, #tpu.memory_space<vmem>>, %arg2: memref<128x128xf32, #tpu.memory_space<vmem>>, %arg3: memref<1x128xf32, #tpu.memory_space<vmem>>, %arg4: memref<1000x128xf32, #tpu.memory_space<vmem>>) attributes {dimension_semantics = [#tpu.dimension_semantics<arbitrary>], iteration_bounds = array<i64: 1>, scalar_prefetch = 0 : i64, scratch_operands = 0 : i64, tpu.core_type = #tpu.core_type<tc>, window_params = [{transform_indices = @transform_0, window_bounds = array<i64: 1000, 128>}, {pipeline_mode = #tpu.pipeline_mode<synchronous>, transform_indices = @transform_1, window_bounds = array<i64: 128, 128>}, {pipeline_mode = #tpu.pipeline_mode<synchronous>, transform_indices = @transform_2, window_bounds = array<i64: 1, 128>}, {transform_indices = @transform_3, window_bounds = array<i64: 1000, 128>}]} {
    %get3A = arith.constant 0 : index
    %get3A_0 = arith.constant 0 : index
    %get3A_1 = vector.load %arg1[%get3A, %get3A_0] : memref<1000x128xf32, #tpu.memory_space<vmem>>, vector<1000x128xf32>
    %iota3A = tpu.iota {dimensions = array<i32: 0>} : vector<1000x128xi32>
    %mul3A = arith.constant 1000 : i32
    %mul3A_2 = arith.muli %arg0, %mul3A : i32
    %add3A = vector.broadcast %mul3A_2 : i32 to vector<1000x128xi32>
    %add3A_3 = arith.addi %iota3A, %add3A : vector<1000x128xi32>
    %eq3A = arith.constant 0 : i32
    %eq3A_4 = vector.broadcast %eq3A : i32 to vector<1000x128xi32>
    %eq3A_5 = arith.cmpi eq, %add3A_3, %eq3A_4 : vector<1000x128xi32>
    %jit3A = arith.constant 0.000000e+00 : f32
    %broadcast_in_dim3A = vector.broadcast %jit3A : f32 to vector<1000x128xf32>
    %select_n3A = arith.select %eq3A_5, %broadcast_in_dim3A, %get3A_1 : vector<1000x128xi1>, vector<1000x128xf32>
    %get3A_6 = arith.constant 0 : index
    %get3A_7 = arith.constant 0 : index
    %get3A_8 = vector.load %arg2[%get3A_6, %get3A_7] : memref<128x128xf32, #tpu.memory_space<vmem>>, vector<128x128xf32>
    %dot_general3A = arith.constant dense<0.000000e+00> : vector<1000x128xf32>
    %dot_general3A_9 = tpu.matmul %select_n3A, %get3A_8, %dot_general3A {dimension_numbers = #tpu.dot_dimension_numbers<[1], [0], [0], [1], [0, 0, 1, 1], [], []>, transpose_lhs_hint = false} : vector<1000x128xf32>, vector<128x128xf32>, vector<1000x128xf32> -> vector<1000x128xf32>
    %get3A_10 = arith.constant 0 : index
    %get3A_11 = arith.constant 0 : index
    %get3A_12 = vector.load %arg3[%get3A_10, %get3A_11] : memref<1x128xf32, #tpu.memory_space<vmem>>, vector<1x128xf32>
    %add3A_13 = vector.broadcast %get3A_12 : vector<1x128xf32> to vector<1000x128xf32>
    %add3A_14 = arith.addf %dot_general3A_9, %add3A_13 : vector<1000x128xf32>
    %swap3A = arith.constant 0 : index
    %swap3A_15 = arith.constant 0 : index
    %swap3A_16 = vector.load %arg4[%swap3A, %swap3A_15] : memref<1000x128xf32, #tpu.memory_space<vmem>>, vector<1000x128xf32>
    tpu.vector_store %arg4[%swap3A, %swap3A_15], %add3A_14 {strides = array<i32>} : memref<1000x128xf32, #tpu.memory_space<vmem>>, vector<1000x128xf32>,
    return
  }
  func.func @transform_0(%arg0: i32) -> (i32, i32) {
    %c0_i32 = arith.constant 0 : i32
    %c0_i32_0 = arith.constant 0 : i32
    return %arg0, %c0_i32 : i32, i32
  }
  func.func @transform_1(%arg0: i32) -> (i32, i32) {
    %c0_i32 = arith.constant 0 : i32
    %c0_i32_0 = arith.constant 0 : i32
    %c0_i32_1 = arith.constant 0 : i32
    return %c0_i32, %c0_i32_0 : i32, i32
  }
  func.func @transform_2(%arg0: i32) -> (i32, i32) {
    %c0_i32 = arith.constant 0 : i32
    %c0_i32_0 = arith.constant 0 : i32
    %c0_i32_1 = arith.constant 0 : i32
    return %c0_i32, %c0_i32_0 : i32, i32
  }
  func.func @transform_3(%arg0: i32) -> (i32, i32) {
    %c0_i32 = arith.constant 0 : i32
    %c0_i32_0 = arith.constant 0 : i32
    return %arg0, %c0_i32 : i32, i32
  }
}

module attributes {stable_mosaic.version = 14 : i64} {
  func.func @_proj_body(%arg0: i32, %arg1: memref<1000x128xf32, #tpu.memory_space<vmem>>, %arg2: memref<128x128xf32, #tpu.memory_space<vmem>>, %arg3: memref<1x128xf32, #tpu.memory_space<vmem>>, %arg4: memref<1000x128xf32, #tpu.memory_space<vmem>>) attributes {dimension_semantics = [#tpu.dimension_semantics<arbitrary>], iteration_bounds = array<i64: 1>, scalar_prefetch = 0 : i64, scratch_operands = 0 : i64, tpu.core_type = #tpu.core_type<tc>, window_params = [{transform_indices = @transform_0, window_bounds = array<i64: 1000, 128>}, {pipeline_mode = #tpu.pipeline_mode<synchronous>, transform_indices = @transform_1, window_bounds = array<i64: 128, 128>}, {pipeline_mode = #tpu.pipeline_mode<synchronous>, transform_indices = @transform_2, window_bounds = array<i64: 1, 128>}, {transform_indices = @transform_3, window_bounds = array<i64: 1000, 128>}]} {
    %get3A = arith.constant 0 : index
    %get3A_0 = arith.constant 0 : index
    %get3A_1 = vector.load %arg1[%get3A, %get3A_0] : memref<1000x128xf32, #tpu.memory_space<vmem>>, vector<1000x128xf32>
    %get3A_2 = arith.constant 0 : index
    %get3A_3 = arith.constant 0 : index
    %get3A_4 = vector.load %arg2[%get3A_2, %get3A_3] : memref<128x128xf32, #tpu.memory_space<vmem>>, vector<128x128xf32>
    %dot_general3A = arith.constant dense<0.000000e+00> : vector<1000x128xf32>
    %dot_general3A_5 = tpu.matmul %get3A_1, %get3A_4, %dot_general3A {dimension_numbers = #tpu.dot_dimension_numbers<[1], [0], [0], [1], [0, 0, 1, 1], [], []>, transpose_lhs_hint = false} : vector<1000x128xf32>, vector<128x128xf32>, vector<1000x128xf32> -> vector<1000x128xf32>
    %get3A_6 = arith.constant 0 : index
    %get3A_7 = arith.constant 0 : index
    %get3A_8 = vector.load %arg3[%get3A_6, %get3A_7] : memref<1x128xf32, #tpu.memory_space<vmem>>, vector<1x128xf32>
    %add3A = vector.broadcast %get3A_8 : vector<1x128xf32> to vector<1000x128xf32>
    %add3A_9 = arith.addf %dot_general3A_5, %add3A : vector<1000x128xf32>
    %swap3A = arith.constant 0 : index
    %swap3A_10 = arith.constant 0 : index
    %swap3A_11 = vector.load %arg4[%swap3A, %swap3A_10] : memref<1000x128xf32, #tpu.memory_space<vmem>>, vector<1000x128xf32>
    tpu.vector_store %arg4[%swap3A, %swap3A_10], %add3A_9 {strides = array<i32>} : memref<1000x128xf32, #tpu.memory_space<vmem>>, vector<1000x128xf32>,
    return
  }
  func.func @transform_0(%arg0: i32) -> (i32, i32) {
    %c0_i32 = arith.constant 0 : i32
    %c0_i32_0 = arith.constant 0 : i32
    return %arg0, %c0_i32 : i32, i32
  }
  func.func @transform_1(%arg0: i32) -> (i32, i32) {
    %c0_i32 = arith.constant 0 : i32
    %c0_i32_0 = arith.constant 0 : i32
    %c0_i32_1 = arith.constant 0 : i32
    return %c0_i32, %c0_i32_0 : i32, i32
  }
  func.func @transform_2(%arg0: i32) -> (i32, i32) {
    %c0_i32 = arith.constant 0 : i32
    %c0_i32_0 = arith.constant 0 : i32
    %c0_i32_1 = arith.constant 0 : i32
    return %c0_i32, %c0_i32_0 : i32, i32
  }
  func.func @transform_3(%arg0: i32) -> (i32, i32) {
    %c0_i32 = arith.constant 0 : i32
    %c0_i32_0 = arith.constant 0 : i32
    return %arg0, %c0_i32 : i32, i32
  }
}

module attributes {stable_mosaic.version = 14 : i64} {
  func.func @_proj_body(%arg0: i32, %arg1: memref<2000x128xf32, #tpu.memory_space<vmem>>, %arg2: memref<128x128xf32, #tpu.memory_space<vmem>>, %arg3: memref<1x128xf32, #tpu.memory_space<vmem>>, %arg4: memref<2000x128xf32, #tpu.memory_space<vmem>>) attributes {dimension_semantics = [#tpu.dimension_semantics<arbitrary>], iteration_bounds = array<i64: 50>, scalar_prefetch = 0 : i64, scratch_operands = 0 : i64, tpu.core_type = #tpu.core_type<tc>, window_params = [{transform_indices = @transform_0, window_bounds = array<i64: 2000, 128>}, {pipeline_mode = #tpu.pipeline_mode<synchronous>, transform_indices = @transform_1, window_bounds = array<i64: 128, 128>}, {pipeline_mode = #tpu.pipeline_mode<synchronous>, transform_indices = @transform_2, window_bounds = array<i64: 1, 128>}, {transform_indices = @transform_3, window_bounds = array<i64: 2000, 128>}]} {
    %get3A = arith.constant 0 : index
    %get3A_0 = arith.constant 0 : index
    %get3A_1 = vector.load %arg1[%get3A, %get3A_0] : memref<2000x128xf32, #tpu.memory_space<vmem>>, vector<2000x128xf32>
    %iota3A = tpu.iota {dimensions = array<i32: 0>} : vector<2000x128xi32>
    %mul3A = arith.constant 2000 : i32
    %mul3A_2 = arith.muli %arg0, %mul3A : i32
    %add3A = vector.broadcast %mul3A_2 : i32 to vector<2000x128xi32>
    %add3A_3 = arith.addi %iota3A, %add3A : vector<2000x128xi32>
    %eq3A = arith.constant 0 : i32
    %eq3A_4 = vector.broadcast %eq3A : i32 to vector<2000x128xi32>
    %eq3A_5 = arith.cmpi eq, %add3A_3, %eq3A_4 : vector<2000x128xi32>
    %jit3A = arith.constant 0.000000e+00 : f32
    %broadcast_in_dim3A = vector.broadcast %jit3A : f32 to vector<2000x128xf32>
    %select_n3A = arith.select %eq3A_5, %broadcast_in_dim3A, %get3A_1 : vector<2000x128xi1>, vector<2000x128xf32>
    %get3A_6 = arith.constant 0 : index
    %get3A_7 = arith.constant 0 : index
    %get3A_8 = vector.load %arg2[%get3A_6, %get3A_7] : memref<128x128xf32, #tpu.memory_space<vmem>>, vector<128x128xf32>
    %dot_general3A = arith.constant dense<0.000000e+00> : vector<2000x128xf32>
    %dot_general3A_9 = tpu.matmul %select_n3A, %get3A_8, %dot_general3A {dimension_numbers = #tpu.dot_dimension_numbers<[1], [0], [0], [1], [0, 0, 1, 1], [], []>, transpose_lhs_hint = false} : vector<2000x128xf32>, vector<128x128xf32>, vector<2000x128xf32> -> vector<2000x128xf32>
    %get3A_10 = arith.constant 0 : index
    %get3A_11 = arith.constant 0 : index
    %get3A_12 = vector.load %arg3[%get3A_10, %get3A_11] : memref<1x128xf32, #tpu.memory_space<vmem>>, vector<1x128xf32>
    %add3A_13 = vector.broadcast %get3A_12 : vector<1x128xf32> to vector<2000x128xf32>
    %add3A_14 = arith.addf %dot_general3A_9, %add3A_13 : vector<2000x128xf32>
    %swap3A = arith.constant 0 : index
    %swap3A_15 = arith.constant 0 : index
    %swap3A_16 = vector.load %arg4[%swap3A, %swap3A_15] : memref<2000x128xf32, #tpu.memory_space<vmem>>, vector<2000x128xf32>
    tpu.vector_store %arg4[%swap3A, %swap3A_15], %add3A_14 {strides = array<i32>} : memref<2000x128xf32, #tpu.memory_space<vmem>>, vector<2000x128xf32>,
    return
  }
  func.func @transform_0(%arg0: i32) -> (i32, i32) {
    %c0_i32 = arith.constant 0 : i32
    %c0_i32_0 = arith.constant 0 : i32
    return %arg0, %c0_i32 : i32, i32
  }
  func.func @transform_1(%arg0: i32) -> (i32, i32) {
    %c0_i32 = arith.constant 0 : i32
    %c0_i32_0 = arith.constant 0 : i32
    %c0_i32_1 = arith.constant 0 : i32
    return %c0_i32, %c0_i32_0 : i32, i32
  }
  func.func @transform_2(%arg0: i32) -> (i32, i32) {
    %c0_i32 = arith.constant 0 : i32
    %c0_i32_0 = arith.constant 0 : i32
    %c0_i32_1 = arith.constant 0 : i32
    return %c0_i32, %c0_i32_0 : i32, i32
  }
  func.func @transform_3(%arg0: i32) -> (i32, i32) {
    %c0_i32 = arith.constant 0 : i32
    %c0_i32_0 = arith.constant 0 : i32
    return %arg0, %c0_i32 : i32, i32
  }
}

module attributes {stable_mosaic.version = 14 : i64} {
  func.func @_cnt_body(%arg0: i32, %arg1: memref<400x128xi32, #tpu.memory_space<vmem>>, %arg2: memref<400x128xi32, #tpu.memory_space<vmem>>, %arg3: memref<400x128xi32, #tpu.memory_space<vmem>>, %arg4: memref<128x32xf32, #tpu.memory_space<vmem>>, %arg5: memref<400x3x32xi32, #tpu.memory_space<vmem>>) attributes {dimension_semantics = [#tpu.dimension_semantics<arbitrary>], iteration_bounds = array<i64: 8>, scalar_prefetch = 0 : i64, scratch_operands = 0 : i64, tpu.core_type = #tpu.core_type<tc>, window_params = [{transform_indices = @transform_0, window_bounds = array<i64: 400, 128>}, {transform_indices = @transform_1, window_bounds = array<i64: 400, 128>}, {transform_indices = @transform_2, window_bounds = array<i64: 400, 128>}, {pipeline_mode = #tpu.pipeline_mode<synchronous>, transform_indices = @transform_3, window_bounds = array<i64: 128, 32>}, {transform_indices = @transform_4, window_bounds = array<i64: 400, 3, 32>}]} {
    %get3A = arith.constant 0 : index
    %get3A_0 = arith.constant 0 : index
    %get3A_1 = vector.load %arg4[%get3A, %get3A_0] : memref<128x32xf32, #tpu.memory_space<vmem>>, vector<128x32xf32>
    %get3A_2 = arith.constant 0 : index
    %get3A_3 = arith.constant 0 : index
    %get3A_4 = vector.load %arg1[%get3A_2, %get3A_3] : memref<400x128xi32, #tpu.memory_space<vmem>>, vector<400x128xi32>
    %ne3A = arith.constant 0 : i32
    %ne3A_5 = vector.broadcast %ne3A : i32 to vector<400x128xi32>
    %ne3A_6 = arith.cmpi ne, %get3A_4, %ne3A_5 : vector<400x128xi32>
    %convert_element_type3A = arith.extui %ne3A_6 : vector<400x128xi1> to vector<400x128xi32>
    %convert_element_type3A_7 = arith.sitofp %convert_element_type3A : vector<400x128xi32> to vector<400x128xf32>
    %dot_general3A = arith.constant dense<0.000000e+00> : vector<400x32xf32>
    %dot_general3A_8 = tpu.matmul %convert_element_type3A_7, %get3A_1, %dot_general3A {dimension_numbers = #tpu.dot_dimension_numbers<[1], [0], [0], [1], [0, 0, 1, 1], [], []>, transpose_lhs_hint = false} : vector<400x128xf32>, vector<128x32xf32>, vector<400x32xf32> -> vector<400x32xf32>
    %convert_element_type3A_9 = arith.fptosi %dot_general3A_8 : vector<400x32xf32> to vector<400x32xi32>
    %swap3A = arith.constant 0 : index
    %swap3A_10 = arith.constant 0 : index
    %swap3A_11 = arith.constant 0 : index
    %swap3A_12 = vector.load %arg5[%swap3A, %swap3A_10, %swap3A_11] : memref<400x3x32xi32, #tpu.memory_space<vmem>>, vector<400x1x32xi32>
    %swap3A_13 = vector.shape_cast %swap3A_12 : vector<400x1x32xi32> to vector<400x32xi32>
    %swap3A_14 = vector.shape_cast %convert_element_type3A_9 : vector<400x32xi32> to vector<400x1x32xi32>
    tpu.vector_store %arg5[%swap3A, %swap3A_10, %swap3A_11], %swap3A_14 {strides = array<i32>} : memref<400x3x32xi32, #tpu.memory_space<vmem>>, vector<400x1x32xi32>,
    %get3A_15 = arith.constant 0 : index
    %get3A_16 = arith.constant 0 : index
    %get3A_17 = vector.load %arg2[%get3A_15, %get3A_16] : memref<400x128xi32, #tpu.memory_space<vmem>>, vector<400x128xi32>
    %ne3A_18 = arith.constant 0 : i32
    %ne3A_19 = vector.broadcast %ne3A_18 : i32 to vector<400x128xi32>
    %ne3A_20 = arith.cmpi ne, %get3A_17, %ne3A_19 : vector<400x128xi32>
    %convert_element_type3A_21 = arith.extui %ne3A_20 : vector<400x128xi1> to vector<400x128xi32>
    %convert_element_type3A_22 = arith.sitofp %convert_element_type3A_21 : vector<400x128xi32> to vector<400x128xf32>
    %dot_general3A_23 = arith.constant dense<0.000000e+00> : vector<400x32xf32>
    %dot_general3A_24 = tpu.matmul %convert_element_type3A_22, %get3A_1, %dot_general3A_23 {dimension_numbers = #tpu.dot_dimension_numbers<[1], [0], [0], [1], [0, 0, 1, 1], [], []>, transpose_lhs_hint = false} : vector<400x128xf32>, vector<128x32xf32>, vector<400x32xf32> -> vector<400x32xf32>
    %convert_element_type3A_25 = arith.fptosi %dot_general3A_24 : vector<400x32xf32> to vector<400x32xi32>
    %swap3A_26 = arith.constant 0 : index
    %swap3A_27 = arith.constant 1 : index
    %swap3A_28 = arith.constant 0 : index
    %swap3A_29 = vector.load %arg5[%swap3A_26, %swap3A_27, %swap3A_28] : memref<400x3x32xi32, #tpu.memory_space<vmem>>, vector<400x1x32xi32>
    %swap3A_30 = vector.shape_cast %swap3A_29 : vector<400x1x32xi32> to vector<400x32xi32>
    %swap3A_31 = vector.shape_cast %convert_element_type3A_25 : vector<400x32xi32> to vector<400x1x32xi32>
    tpu.vector_store %arg5[%swap3A_26, %swap3A_27, %swap3A_28], %swap3A_31 {strides = array<i32>} : memref<400x3x32xi32, #tpu.memory_space<vmem>>, vector<400x1x32xi32>,
    %get3A_32 = arith.constant 0 : index
    %get3A_33 = arith.constant 0 : index
    %get3A_34 = vector.load %arg3[%get3A_32, %get3A_33] : memref<400x128xi32, #tpu.memory_space<vmem>>, vector<400x128xi32>
    %ne3A_35 = arith.constant 0 : i32
    %ne3A_36 = vector.broadcast %ne3A_35 : i32 to vector<400x128xi32>
    %ne3A_37 = arith.cmpi ne, %get3A_34, %ne3A_36 : vector<400x128xi32>
    %convert_element_type3A_38 = arith.extui %ne3A_37 : vector<400x128xi1> to vector<400x128xi32>
    %convert_element_type3A_39 = arith.sitofp %convert_element_type3A_38 : vector<400x128xi32> to vector<400x128xf32>
    %dot_general3A_40 = arith.constant dense<0.000000e+00> : vector<400x32xf32>
    %dot_general3A_41 = tpu.matmul %convert_element_type3A_39, %get3A_1, %dot_general3A_40 {dimension_numbers = #tpu.dot_dimension_numbers<[1], [0], [0], [1], [0, 0, 1, 1], [], []>, transpose_lhs_hint = false} : vector<400x128xf32>, vector<128x32xf32>, vector<400x32xf32> -> vector<400x32xf32>
    %convert_element_type3A_42 = arith.fptosi %dot_general3A_41 : vector<400x32xf32> to vector<400x32xi32>
    %swap3A_43 = arith.constant 0 : index
    %swap3A_44 = arith.constant 2 : index
    %swap3A_45 = arith.constant 0 : index
    %swap3A_46 = vector.load %arg5[%swap3A_43, %swap3A_44, %swap3A_45] : memref<400x3x32xi32, #tpu.memory_space<vmem>>, vector<400x1x32xi32>
    %swap3A_47 = vector.shape_cast %swap3A_46 : vector<400x1x32xi32> to vector<400x32xi32>
    %swap3A_48 = vector.shape_cast %convert_element_type3A_42 : vector<400x32xi32> to vector<400x1x32xi32>
    tpu.vector_store %arg5[%swap3A_43, %swap3A_44, %swap3A_45], %swap3A_48 {strides = array<i32>} : memref<400x3x32xi32, #tpu.memory_space<vmem>>, vector<400x1x32xi32>,
    return
  }
  func.func @transform_0(%arg0: i32) -> (i32, i32) {
    %c0_i32 = arith.constant 0 : i32
    %c0_i32_0 = arith.constant 0 : i32
    return %arg0, %c0_i32 : i32, i32
  }
  func.func @transform_1(%arg0: i32) -> (i32, i32) {
    %c0_i32 = arith.constant 0 : i32
    %c0_i32_0 = arith.constant 0 : i32
    return %arg0, %c0_i32 : i32, i32
  }
  func.func @transform_2(%arg0: i32) -> (i32, i32) {
    %c0_i32 = arith.constant 0 : i32
    %c0_i32_0 = arith.constant 0 : i32
    return %arg0, %c0_i32 : i32, i32
  }
  func.func @transform_3(%arg0: i32) -> (i32, i32) {
    %c0_i32 = arith.constant 0 : i32
    %c0_i32_0 = arith.constant 0 : i32
    %c0_i32_1 = arith.constant 0 : i32
    return %c0_i32, %c0_i32_0 : i32, i32
  }
  func.func @transform_4(%arg0: i32) -> (i32, i32, i32) {
    %c0_i32 = arith.constant 0 : i32
    %c0_i32_0 = arith.constant 0 : i32
    %c0_i32_1 = arith.constant 0 : i32
    return %arg0, %c0_i32, %c0_i32_0 : i32, i32, i32
  }
}

</mosaic_0001>

<sc_bundles>
// kernel: kernel.9.cloned.1.call-start
scs
__scs_entry_jumppad:
0x0: {  	(pc) =	sbr.rel $0x88, $3  }
0x1: {  	(tag) =	ssettag $0x0;
	lr =	simm.s32 $0x1  }
0x2: {  	[smem:$0x3F95] =	sst lr;
	_ =	strace $0xD0000000  }
0x3: {  	_ = 	snop  }
0x4: {  	_ = 	snop  }
0x5: {  	_ = 	snop  }
0x6: {  	_ = 	snop  }
0x7: {  	_ = 	snop  }
__scs_overlays_trampoline_lowered:
0x8: {  	[smem:$0x3FA4] =	sst s0  }
0x9: {  	[smem:$0x3FA5] =	sst s1  }
0xa: {  	[smem:$0x3FA6] =	sst s2  }
0xb: {  	[smem:$0x3FA7] =	sst s3  }
0xc: {  	[smem:$0x3FA8] =	sst s4  }
0xd: {  	[smem:$0x3FA9] =	sst s5  }
0xe: {  	[smem:$0x3FAA] =	sst s6  }
0xf: {  	[smem:$0x3FAB] =	sst s7  }
0x10: {  	[smem:$0x3FAC] =	sst s8  }
0x11: {  	[smem:$0x3FAD] =	sst s9;
	s0 =	simm.s32 @!p0 $0x0  }
0x12: {  	s1 =	sld [smem:$0x3F93];
	s0 =	simm.s32 @p0 $0x1  }
0x13: {  	[smem:$0x3FAE] =	sst s0;
	s0 =	simm.s32 @!p1 $0x0  }
0x14: {  	s2 =	sld [smem:$0x3F92];
	s0 =	simm.s32 @p1 $0x1  }
0x15: {  	[smem:$0x3FAF] =	sst s0;
	s0 =	simm.s32 @!p2 $0x0  }
0x16: {  	s3 =	sld [smem:$0x3FDB];
	s0 =	simm.s32 @p2 $0x1  }
0x17: {  	s4 =	simm.s32 $0x1BF5;
	[smem:$0x3FB1] =	sst s0  }
0x18: {  	s0 =	sld [smem:$0x3F94];
	_ =	swait.ge [sflag:s4], $0x0  }
0x19: {  	s7 =	sld [smem:$0x3F95]  }
0x1a: {  	s8 =	sadd.s32 $0xFFFFE003, lr  }
0x1b: {  	s9 =	sadd.s32 $0xFFFFFEF7, lr;
	s5 =	simm.s32 $0xFFFFFFFF;
	p2 =	slt.u32 s8, $0xFFFFF086  }
0x1c: {  	p1 =	slt.u32 s9, $0xF7A;
	s5 =	simm.s32 @!p2 $0x0  }
0x1d: {  	s5 =	simm.s32 @p1 $0x1;
	p0 =	seq.s32 s7, s2  }
0x1e: {  	s7 =	smul.u32 @!p0 $0xF7A, s2;
	p2 =	seq.s32 @!p0 s5, $0x0  }
0x1f: {  	s9 =	smul.u32 $0xF7A, s1;
	s8 =	simm.s32 @!p0 $0x1BF5;
	p2 =	por !p2, p0  }
0x20: {  	[sflag:s8] =	ssyncset.s32 @!p0 $0xFFFFF086;
	s6 =	sadd.s32 @!p0 s3, s7;
	s7 =	simm.s32 @!p0 $0x108  }
0x21: {  	s3 =	sadd.s32 s3, s9;
	s6 =	sadd.s32 @!p0 $0x88, s6;
	s7 =	simm.s32 @p2 $0x1082  }
0x22: {  	[simem:s7], [sflag:s8] =	dma.local @!p0 [hbm:s6], $0xF7A  }
0x23: {  	s9 =	sor.u32 $0xD0000000, s2;
	s6 =	simm.s32 $0x108;
	_ =	swait.ge @!p0 [sflag:s8], $0x0  }
0x24: {  	s3 =	sadd.s32 $0x88, s3;
	s6 =	simm.s32 @!p1 $0x1082;
	[sflag:s4] =	ssyncset.s32 $0xFFFFF086  }
0x25: {  	[simem:s6], [sflag:s4] =	dma.local [hbm:s3], $0xF7A  }
0x26: {  	[smem:$0x3F95] =	sst s1;
	(tag) =	ssettag s2;
	_ =	strace s9  }
0x27: {  	s1 =	sld [smem:$0x3FA5]  }
0x28: {  	s2 =	sld [smem:$0x3FA6]  }
0x29: {  	s4 =	sld [smem:$0x3FA8]  }
0x2a: {  	p0 =	seq.s32 s5, $0x0;
	s5 =	sld [smem:$0x3FA9]  }
0x2b: {  	s6 =	sld [smem:$0x3FAA]  }
0x2c: {  	s7 =	sld [smem:$0x3FAB]  }
0x2d: {  	s3 =	simm.s32 $0x108;
	s8 =	sld [smem:$0x3FAC]  }
0x2e: {  	s3 =	simm.s32 @!p0 $0x1082;
	s9 =	sld [smem:$0x3FAD]  }
0x2f: {  	lr =	sadd.s32 s0, s3;
	s0 =	sld [smem:$0x3FA4]  }
0x30: {  	s3 =	sld [smem:$0x3FA7]  }
0x31: {  	[smem:$0x3FB0] =	sst s10  }
0x32: {  	s10 =	sld [smem:$0x3FAE];
	_ =	sdelay $0x3  }
0x33: {  	p0 =	seq.s32 s10, $0x1;
	s10 =	sld [smem:$0x3FB0];
	_ =	sdelay $0x3  }
0x34: {  	[smem:$0x3FB0] =	sst s10  }
0x35: {  	s10 =	sld [smem:$0x3FAF];
	_ =	sdelay $0x3  }
0x36: {  	p1 =	seq.s32 s10, $0x1;
	s10 =	sld [smem:$0x3FB0];
	_ =	sdelay $0x3  }
0x37: {  	[smem:$0x3FB0] =	sst s10  }
0x38: {  	s10 =	sld [smem:$0x3FB1]  }
0x39: {  	_ = 	snop;
	(pc) =	sbr.ind lr, $3  }
0x3a: {  	_ = 	snop  }
0x3b: {  	_ = 	snop  }
0x3c: {  	p2 =	seq.s32 s10, $0x1;
	s10 =	sld [smem:$0x3FB0]  }
0x3d: {  	_ =	shalt  }
0x3e: {  	_ =	shalt  }
0x3f: {  	_ =	shalt  }
0x40: {  	_ =	shalt  }
0x41: {  	_ =	shalt  }
0x42: {  	_ =	shalt  }
0x43: {  	_ =	shalt  }
0x44: {  	_ =	shalt  }
0x45: {  	_ =	shalt  }
0x46: {  	_ =	shalt  }
0x47: {  	_ =	shalt  }
0x48: {  	_ =	shalt  }
0x49: {  	_ =	shalt  }
0x4a: {  	_ =	shalt  }
0x4b: {  	_ =	shalt  }
0x4c: {  	_ =	shalt  }
0x4d: {  	_ =	shalt  }
0x4e: {  	_ =	shalt  }
0x4f: {  	_ =	shalt  }
0x50: {  	_ =	shalt  }
0x51: {  	_ =	shalt  }
0x52: {  	_ =	shalt  }
0x53: {  	_ =	shalt  }
0x54: {  	_ =	shalt  }
0x55: {  	_ =	shalt  }
0x56: {  	_ =	shalt  }
0x57: {  	_ =	shalt  }
0x58: {  	_ =	shalt  }
0x59: {  	_ =	shalt  }
0x5a: {  	_ =	shalt  }
0x5b: {  	_ =	shalt  }
0x5c: {  	_ =	shalt  }
0x5d: {  	_ =	shalt  }
0x5e: {  	_ =	shalt  }
0x5f: {  	_ =	shalt  }
0x60: {  	_ =	shalt  }
0x61: {  	_ =	shalt  }
0x62: {  	_ =	shalt  }
0x63: {  	_ =	shalt  }
0x64: {  	_ =	shalt  }
0x65: {  	_ =	shalt  }
0x66: {  	_ =	shalt  }
0x67: {  	_ =	shalt  }
0x68: {  	_ =	shalt  }
0x69: {  	_ =	shalt  }
0x6a: {  	_ =	shalt  }
0x6b: {  	_ =	shalt  }
0x6c: {  	_ =	shalt  }
0x6d: {  	_ =	shalt  }
0x6e: {  	_ =	shalt  }
0x6f: {  	_ =	shalt  }
0x70: {  	_ =	shalt  }
0x71: {  	_ =	shalt  }
0x72: {  	_ =	shalt  }
0x73: {  	_ =	shalt  }
0x74: {  	_ =	shalt  }
0x75: {  	_ =	shalt  }
0x76: {  	_ =	shalt  }
0x77: {  	_ =	shalt  }
0x78: {  	_ =	shalt  }
0x79: {  	_ =	shalt  }
0x7a: {  	_ =	shalt  }
0x7b: {  	_ =	shalt  }
0x7c: {  	_ =	shalt  }
0x7d: {  	_ =	shalt  }
0x7e: {  	_ =	shalt  }
0x7f: {  	_ =	shalt  }
0x80: {  	_ =	shalt  }
0x81: {  	_ =	shalt  }
0x82: {  	_ =	shalt  }
0x83: {  	_ =	shalt  }
0x84: {  	_ =	shalt  }
0x85: {  	_ =	shalt  }
0x86: {  	_ =	shalt  }
0x87: {  	_ =	shalt  }
.Lfunc_end0:
.L_simem_size_0:
called_computation_lowered:
.L_overlay_start_0:
0x88: {  	s2 =	sld [smem:$0x3FD9]  }
0x89: {  	s3 =	sld [smem:$0x3FFE];
	_ =	sdelay $0x1  }
0x8a: {  	s1 =	srdreg.scid  }
0x8b: {  	s0 =	sand.u32 $0x1, s1  }
0x8c: {  	s17 =	sshll.u32 s0, $0xA;
	s2 =	sadd.s32 s3, s2  }
0x8d: {  	s2 =	sadd.s32 s2, s17  }
0x8e: {  	[smem:$0x3FBC] =	sst s2  }
0x8f: {  	_ = 	snop  }
0x90: {  	s2 =	sld [smem:$0x3FD0];
	(tm) =	ssettm $0x1  }
0x91: {  	s18 =	sld [smem:$0x3FFB];
	_ =	sdelay $0x3  }
0x92: {  	_ =	strace s18  }
0x93: {  	s3 =	sld [smem:$0x3FFC];
	_ =	sdelay $0x3  }
0x94: {  	_ =	strace s3  }
0x95: {  	s3 =	sld [smem:$0x3FFD];
	_ =	sdelay $0x3  }
0x96: {  	_ =	strace s3  }
0x97: {  	_ =	strace $0x8FFFFFFF  }
0x98: {  	s19 =	sld [smem:$0x3FDB];
	_ =	sdelay $0x1  }
0x99: {  	s4 =	simm.s32 $_scs_section_size  }
0x9a: {  	s5 =	simm.s32 $_size__tile_overlayer_lowered;
	s6 =	simm.s32 $_tile_overlayer_lowered  }
0x9b: {  	s22 =	simm.s32 $0x1BFF;
	s21 =	sshll.u32 s6, $0x1;
	s3 =	sadd.s32 s4, s19  }
0x9c: {  	s7 =	simm.s32 $0x0;
	s20 =	sshll.u32 s5, $0x1;
	s5 =	sadd.s32 s21, s3  }
0x9d: {  	[timem:s7], [sflag:s22] =	dma.local [hbm:s5], s20  }
0x9e: {  	_ =	swait.ge [sflag:s22], s20  }
0x9f: {  	s4 =	ssub.s32 $0x0, s20;
	[sflag:s22] =	ssyncset.done $0x0  }
0xa0: {  	[sflag:s22] =	ssyncadd.s32 s4;
	_ =	sdelay $0x1  }
0xa1: {  	s23 =	simm.s32 $0x1B8B  }
0xa2: {  	_ =	swait.ge [sflag:s23], $0x1  }
0xa3: {  	[sflag:s23] =	ssyncset.done $0x0  }
0xa4: {  	s25 =	simm.s32 $0x1B8E;
	s24 =	sld [smem:$0x3FFE];
	[sflag:s23] =	ssyncadd.s32 $0xFFFFFFFF  }
0xa5: {  	s26 =	simm.s32 $execute0_lowered;
	[smem:$0x3FD2] =	sst s25  }
0xa6: {  	s5 =	sshll.u32 s26, $0x1;
	_ =	strace $0x80000046;
	[dreg:$0x1] =	wrdreg $0xFFFFFFFF  }
0xa7: {  	s28 =	simm.s32 $_size_execute0_lowered;
	s3 =	sadd.s32 s3, s5;
	[dreg:$0x0] =	wrdreg $0x0  }
0xa8: {  	s5 =	sshll.u32 s28, $0x1;
	[dreg:$0x2] =	wrdreg s3  }
0xa9: {  	[dreg:$0x3] =	wrdreg s5  }
0xaa: {  	[dreg:$0x4] =	wrdreg $0xC0  }
0xab: {  	_ =	task [dreg:s7], $0x5FFFF  }
0xac: {  	[dreg:$0x1] =	wrdreg $0xFFFFFFFF  }
0xad: {  	[dreg:$0x0] =	wrdreg $0x60  }
0xae: {  	[dreg:$0x2] =	wrdreg s24  }
0xaf: {  	[dreg:$0x3] =	wrdreg s2  }
0xb0: {  	[dreg:$0x4] =	wrdreg $0x9  }
0xb1: {  	_ =	task.clear_ibuf [dreg:s7], $0x5FFFF;
	_ =	strace $0x90000046  }
0xb2: {  	s29 =	simm.s32 $0x9;
	_ =	strace $0x80000048  }
0xb3: {  	_ =	swait.ge [sflag:s29], $0x1  }
0xb4: {  	[sflag:s29] =	ssyncadd.s32 $0xFFFFFFFF  }
0xb5: {  	_ =	strace $0x90000048  }
0xb6: {  	_ =	sfence  }
0xb7: {  	s30 =	sld [smem:$0x0];
	_ =	sdelay $0x2  }
0xb8: {  	s31 =	sshll.u32 s1, $0xD;
	s1 =	sshrl.u32 s1, $0x2  }
0xb9: {  	s3 =	sand.u32 $0x4000, s31;
	s1 =	sadd.s32 s1, s30  }
0xba: {  	s0 =	sor.u32 s3, s0;
	s1 =	sshll.u32 s1, $0x11  }
0xbb: {  	s0 =	sor.u32 s1, s0  }
0xbc: {  	s0 =	sadd.s32 $0x8F2B, s0  }
0xbd: {  	[sflag:s0] =	ssyncadd.remote.s32 $0x1  }
0xbe: {  	_ =	sfence.sel $0xFFFF  }
0xbf: {  	[dreg:$0x0] =	wrdreg $0xFFFFFFFF;
	(pc) =	sbr.abs _section_cstart, $3  }
0xc0: {  	[dreg:$0x1] =	wrdreg $0xFFFFFFFF  }
0xc1: {  	_ =	task.clear_ibuf [dreg:s7], $0x2FFFF;
	_ =	strace $0x9FFFFFFF  }
0xc2: {  	(tm) =	ssettm $0x7FFFFFFF  }
0xc3: {  	_ =	shalt  }
tec
execute0_lowered:
.L_overlay_start_1:
0x0: {  	(tag) =	ssettag $0x1  }
0x1: {  	s0 =	rddreg [dreg:$0x0]  }
0x2: {  	s1 =	rddreg [dreg:$0x1]  }
0x3: {  	s2 =	simm.s32 $0x0;
	s3 =	srdreg.scid;
	s8 =	stileid.u32  }
0x4: {  	s19 =	simm.s32 $0x4;
	s21 =	simm.s32 $0x10;
	s23 =	simm.s32 $0x80  }
0x5: {  	s29 =	simm.s32 $0x500;
	s30 =	simm.s32 $0x16600;
	s31 =	simm.s32 $0x1A800  }
0x6: {  	s20 =	simm.s32 $0x1;
	s17 =	simm.s32 $0x0;
	s4 =	sadd.s32 $0x33CC00, s0  }
0x7: {  	[smem:$0x7FF] =	sst s2;
	s5 =	sadd.s32 $0x12800, s0;
	s6 =	sadd.s32 $0x1B6200, s0  }
0x8: {  	s7 =	sadd.s32 $0x2F800, s0;
	s3 =	sand.u32 $0x1, s3;
	s10 =	sshll.u32 s8, $0x1  }
0x9: {  	s8 =	sadd.s32 $0xE800, s0;
	s9 =	sadd.s32 $0x16800, s0;
	s11 =	sadd.s32 $0x372C00, s0  }
0xa: {  	_ =	strace $0x80000047;
	s12 =	sor.u32 s3, s10;
	s10 =	sadd.s32 $0x340C00, s0  }
0xb: {  	s3 =	ssub.s32 $0x2, s3;
	s0 =	sadd.s32 $0x2000, s0;
	s14 =	smul.u32 $0xC80, s12  }
0xc: {  	s13 =	sshrl.u32 s3, $0x1;
	s15 =	smul.u32 $0x1900, s12;
	[dreg:$0x3] =	wrdreg s0  }
0xd: {  	s24 =	ssub.s32 s3, s13;
	s13 =	smul.u32 $0x64, s12;
	s25 =	sadd.s32 s9, s14  }
0xe: {  	s3 =	simm.s32 $0x400;
	s26 =	sadd.s32 s10, s15;
	[dreg:$0x4] =	wrdreg s25  }
0xf: {  	s12 =	simm.s32 $0x1B200;
	s28 =	sadd.s32 s11, s15;
	[dreg:$0x5] =	wrdreg s26  }
0x10: {  	s0 =	smax.u32 s24, $0x1;
	s14 =	simm.s32 $0x3;
	[dreg:$0x6] =	wrdreg s28  }
0x11: {  	s15 =	simm.s32 $0x2;
	[dreg:$0x7] =	wrdreg s0;
	s0 =	simm.s32 $0x100  }
.LBB2_1:
0x12: {  	[dreg:$0x8] =	wrdreg s17  }
0x13: {  	s16 =	rddreg [dreg:$0x3];
	s28 =	simm.s32 $0x1AA00  }
0x14: {  	[tilespmem:s28], [sflag:$0x4] =	stream.linear.gather [hbm4b:s16+s2], $0x480, $0x38;
	[tilespmem:$0x1BA00] =	vst v63  }
0x15: {  	_ =	swait.ge [sflag:s19], $0x480  }
0x16: {  	[sflag:s19] =	ssyncset.done $0x0  }
0x17: {  	s18 =	rddreg [dreg:$0x4];
	[sflag:s19] =	ssyncadd.s32 $0xFFFFFB80  }
0x18: {  	[tilespmem:s2], [sflag:$0x4] =	stream.linear.gather [hbm4b:s18+s2], $0x100, $0x38;
	[tilespmem:$0x1BA00] =	vst v63  }
0x19: {  	_ =	swait.ge [sflag:s19], $0x100  }
0x1a: {  	[sflag:s19] =	ssyncset.done $0x0  }
0x1b: {  	s24 =	simm.s32 $0x200;
	s22 =	rddreg [dreg:$0x5];
	[sflag:s19] =	ssyncadd.s32 $0xFFFFFF00  }
0x1c: {  	[tilespmem:s24], [sflag:$0x4] =	stream.linear.gather [hbm4b:s22+s2], $0x180, $0x38;
	[tilespmem:$0x1BA00] =	vst v63  }
0x1d: {  	_ =	swait.ge [sflag:s19], $0x180  }
0x1e: {  	[sflag:s19] =	ssyncset.done $0x0  }
0x1f: {  	s25 =	simm.s32 $0x600;
	[sflag:s19] =	ssyncadd.s32 $0xFFFFFE80  }
0x20: {  	[tilespmem:s25], [sflag:$0x1] =	stream.indirect.gather [hbm4b:s4+s21], $0x80, s2, s21, $0xb8;
	[tilespmem:$0x1BA00] =	vst v63  }
0x21: {  	s26 =	simm.s32 $0xE00  }
0x22: {  	[tilespmem:s26], [sflag:$0x1] =	stream.indirect.gather [hbm4b:s5+s21], $0x80, s23, s21, $0xb8;
	[tilespmem:$0x1BA00] =	vst v63  }
0x23: {  	s28 =	simm.s32 $0x1600  }
0x24: {  	[tilespmem:s28], [sflag:$0x1] =	stream.indirect.gather [hbm4b:s6+s23], $0x80, s24, s23, $0xb8;
	[tilespmem:$0x1BA00] =	vst v63  }
0x25: {  	s18 =	simm.s32 $0x280;
	s22 =	simm.s32 $0x5600  }
0x26: {  	[tilespmem:s22], [sflag:$0x1] =	stream.indirect.gather [hbm4b:s7+s23], $0x80, s18, s23, $0xb8;
	[tilespmem:$0x1BA00] =	vst v63  }
0x27: {  	s25 =	simm.s32 $0x9600;
	s24 =	simm.s32 $0x300  }
0x28: {  	[tilespmem:s25], [sflag:$0x1] =	stream.indirect.gather [hbm4b:s8+s23], $0x80, s24, s23, $0xb8;
	[tilespmem:$0x1BA00] =	vst v63  }
0x29: {  	s17 =	simm.s32 $0x0;
	s26 =	rddreg [dreg:$0x6];
	s28 =	simm.s32 $0x1A600  }
0x2a: {  	[tilespmem:s28], [sflag:$0x1] =	stream.linear.gather [hbm4b:s26+s2], $0x180, $0x38;
	[tilespmem:$0x1BA00] =	vst v63  }
.LBB2_2:
0x2b: {  	s16 =	sshll.u32 s17, $0x1  }
0x2c: {  	s16 =	sadd.s32 s13, s16  }
0x2d: {  	s18 =	sor.u32 $0x1, s16  }
0x2e: {  	s22 =	sshll.u32 s18, $0x5  }
0x2f: {  	s22 =	sand.u32 $0x1FFFFFE0, s22  }
0x30: {  	s22 =	sadd.s32 s9, s22  }
0x31: {  	[tilespmem:s0], [sflag:$0x4] =	stream.linear.gather [hbm4b:s22+s2], $0x100, $0x38;
	[tilespmem:$0x1BA00] =	vst v63  }
0x32: {  	s18 =	sshll.u32 s18, $0x6;
	_ =	swait.ge [sflag:s19], $0x100  }
0x33: {  	s18 =	sand.u32 $0x1FFFFFC0, s18;
	[sflag:s19] =	ssyncset.done $0x0  }
0x34: {  	s25 =	sadd.s32 s10, s18;
	[sflag:s19] =	ssyncadd.s32 $0xFFFFFF00  }
0x35: {  	[tilespmem:s3], [sflag:$0x4] =	stream.linear.gather [hbm4b:s25+s2], $0x180, $0x38;
	[tilespmem:$0x1BA00] =	vst v63  }
0x36: {  	_ =	swait.ge [sflag:s19], $0x180  }
0x37: {  	[sflag:s19] =	ssyncset.done $0x0  }
0x38: {  	s26 =	simm.s32 $0xD600;
	[sflag:s19] =	ssyncadd.s32 $0xFFFFFE80  }
0x39: {  	[tilespmem:s26], [sflag:$0x2] =	stream.indirect.gather [hbm4b:s4+s21], $0x80, s0, s21, $0xb8;
	[tilespmem:$0x1BA00] =	vst v63  }
0x3a: {  	s28 =	simm.s32 $0x180;
	s24 =	simm.s32 $0xDE00  }
0x3b: {  	[tilespmem:s24], [sflag:$0x2] =	stream.indirect.gather [hbm4b:s5+s21], $0x80, s28, s21, $0xb8;
	[tilespmem:$0x1BA00] =	vst v63  }
0x3c: {  	s25 =	simm.s32 $0xE600  }
0x3d: {  	[tilespmem:s25], [sflag:$0x2] =	stream.indirect.gather [hbm4b:s6+s23], $0x80, s3, s23, $0xb8;
	[tilespmem:$0x1BA00] =	vst v63  }
0x3e: {  	s26 =	simm.s32 $0x480;
	s28 =	simm.s32 $0x12600  }
0x3f: {  	[tilespmem:s28], [sflag:$0x2] =	stream.indirect.gather [hbm4b:s7+s23], $0x80, s26, s23, $0xb8;
	[tilespmem:$0x1BA00] =	vst v63  }
0x40: {  	_ = 	snop  }
0x41: {  	[tilespmem:s30], [sflag:$0x2] =	stream.indirect.gather [hbm4b:s8+s23], $0x80, s29, s23, $0xb8;
	[tilespmem:$0x1BA00] =	vst v63  }
0x42: {  	p0 =	seq.s32 s17, $0x0;
	s18 =	sadd.s32 s11, s18  }
0x43: {  	[tilespmem:s31], [sflag:$0x2] =	stream.linear.gather [hbm4b:s18+s2], $0x180, $0x38;
	[tilespmem:$0x1BA00] =	vst v63  }
0x44: {  	s18 =	simm.s32 @!p0 $0x3  }
0x45: {  	_ =	swait.ge @!p0 [sflag:s18], $0x800  }
0x46: {  	[sflag:s18] =	ssyncset.done @!p0 $0x0  }
0x47: {  	[sflag:s18] =	ssyncadd.s32 @!p0 $0xFFFFF800  }
0x48: {  	_ =	swait.ge [sflag:s20], $0x800  }
0x49: {  	[sflag:s20] =	ssyncset.done $0x0  }
0x4a: {  	[sflag:s20] =	ssyncadd.s32 $0xFFFFF800  }
0x4b: {  	_ =	swait.ge [sflag:s20], $0x800  }
0x4c: {  	[sflag:s20] =	ssyncset.done $0x0  }
0x4d: {  	[sflag:s20] =	ssyncadd.s32 $0xFFFFF800  }
0x4e: {  	_ =	swait.ge [sflag:s20], $0x4000  }
0x4f: {  	[sflag:s20] =	ssyncset.done $0x0  }
0x50: {  	[sflag:s20] =	ssyncadd.s32 $0xFFFFC000  }
0x51: {  	_ =	swait.ge [sflag:s20], $0x4000  }
0x52: {  	[sflag:s20] =	ssyncset.done $0x0  }
0x53: {  	[sflag:s20] =	ssyncadd.s32 $0xFFFFC000  }
0x54: {  	_ =	swait.ge [sflag:s20], $0x4000  }
0x55: {  	[sflag:s20] =	ssyncset.done $0x0  }
0x56: {  	[sflag:s20] =	ssyncadd.s32 $0xFFFFC000  }
0x57: {  	_ =	swait.ge [sflag:s20], $0x180  }
0x58: {  	[sflag:s20] =	ssyncset.done $0x0  }
0x59: {  	s22 =	simm.s32 $0x0;
	s18 =	sshllo.u32 s17, $0x1;
	[sflag:s20] =	ssyncadd.s32 $0xFFFFFE80  }
.LBB2_3:
0x5a: {  	v0 =	vld [tilespmem:s22+$0x1A600];
	_ =	sdelay $0x4  }
0x5b: {  	(v2sf) =	vpush v0, $0x0;
	_ =	sdelay $0x3  }
0x5c: {  	v1 =	vld [tilespmem:s22+$0x1A680];
	s25 =	sshll.u32 s22, $0xA  }
0x5d: {  	v2 =	vld [tilespmem:s22+$0x1A700];
	s25 =	sand.u32 $0x3FFFFC00, s25  }
0x5e: {  	v5 =	vld [tilespmem:s25+$0x1600]  }
0x5f: {  	v6 =	vld [tilespmem:s25+$0x1680]  }
0x60: {  	v7 =	vld [tilespmem:s25+$0x1700]  }
0x61: {  	v8 =	vld [tilespmem:s25+$0x1780]  }
0x62: {  	v9 =	vld [tilespmem:s25+$0x1800]  }
0x63: {  	v54 =	vld [tilespmem:s25+$0x1880]  }
0x64: {  	v10 =	vld [tilespmem:s25+$0x1900]  }
0x65: {  	v11 =	vld [tilespmem:s25+$0x1980]  }
0x66: {  	v55 =	vld [tilespmem:s25+$0x5600]  }
0x67: {  	v12 =	vld [tilespmem:s25+$0x5680];
	s24 =	spop (v2sf);
	(v2sf) =	vpush v1, $0x0  }
0x68: {  	v13 =	vld [tilespmem:s25+$0x5700]  }
0x69: {  	v14 =	vld [tilespmem:s25+$0x9600];
	(v2sf) =	vpush v2, $0x0  }
0x6a: {  	v56 =	vld [tilespmem:s25+$0x9680]  }
0x6b: {  	v15 =	vld [tilespmem:s25+$0x5780]  }
0x6c: {  	v57 =	vld [tilespmem:s25+$0x9700]  }
0x6d: {  	v58 =	vld [tilespmem:s25+$0x5800]  }
0x6e: {  	v59 =	vld [tilespmem:s25+$0x9780];
	v5 =	vadd.f32 v6, v5  }
0x6f: {  	v60 =	vld [tilespmem:s25+$0x5880]  }
0x70: {  	v61 =	vld [tilespmem:s25+$0x9800];
	v5 =	vadd.f32 v7, v5;
	v2 =	vadd.f32 v12, v55  }
0x71: {  	v62 =	vld [tilespmem:s25+$0x5900];
	v6 =	vadd.f32 v56, v14  }
0x72: {  	v63 =	vld [tilespmem:s25+$0x9880];
	v5 =	vadd.f32 v8, v5;
	v2 =	vadd.f32 v13, v2  }
0x73: {  	v16 =	vld [tilespmem:s25+$0x9900];
	v6 =	vadd.f32 v57, v6;
	s24 =	sshll.u32 s24, $0x9  }
0x74: {  	v5 =	vadd.f32 v9, v5;
	v12 =	vld [tilespmem:s25+$0x5980];
	s24 =	sshra.s32 s24, $0x2;
	v2 =	vadd.f32 v15, v2  }
0x75: {  	v6 =	vadd.f32 v59, v6;
	v0 =	vld [tilespmem:s24+$0x1AA00];
	s24 =	sshll.u32 s22, $0x7  }
0x76: {  	v1 =	vadd.f32 v54, v5;
	v3 =	vld [tilespmem:s24+$0x600];
	v2 =	vadd.f32 v58, v2;
	s26 =	spop (v2sf)  }
0x77: {  	v6 =	vadd.f32 v61, v6;
	v4 =	vld [tilespmem:s24+$0xE00];
	s26 =	sshll.u32 s26, $0x9  }
0x78: {  	v17 =	vld [tilespmem:s25+$0x9980];
	v15 =	vadd.f32 v10, v1;
	v2 =	vadd.f32 v60, v2;
	s28 =	spop (v2sf);
	s26 =	sshra.s32 s26, $0x2  }
0x79: {  	v5 =	vadd.f32 v63, v6;
	v1 =	vld [tilespmem:s26+$0x1AA00];
	s26 =	sshll.u32 s28, $0x9  }
0x7a: {  	v8 =	vadd.f32 v11, v15;
	v18 =	vadd.f32 v62, v2;
	s26 =	sshra.s32 s26, $0x2  }
0x7b: {  	v5 =	vadd.f32 v16, v5;
	v2 =	vld [tilespmem:s26+$0x1AA00]  }
0x7c: {  	v3 =	vadd.f32 v4, v3;
	v19 =	vmul.f32 v8, v0;
	v20 =	vadd.f32 v12, v18;
	_ =	sdelay $0x1  }
0x7d: {  	v5 =	vadd.f32 v17, v5;
	v3 =	vadd.f32 v19, v3;
	v21 =	vmul.f32 v20, v1;
	_ =	sdelay $0x1  }
0x7e: {  	v3 =	vadd.f32 v21, v3;
	v22 =	vmul.f32 v5, v2;
	_ =	sdelay $0x1  }
0x7f: {  	v3 =	vadd.f32 v22, v3  }
0x80: {  	v23 =	vld [tilespmem:s24+$0x610]  }
0x81: {  	v24 =	vld [tilespmem:s24+$0xE10];
	[tilespmem:s24+$0x1B200] =	vst v3  }
0x82: {  	v25 =	vld [tilespmem:s25+$0x1610]  }
0x83: {  	v26 =	vld [tilespmem:s25+$0x1690]  }
0x84: {  	v27 =	vld [tilespmem:s25+$0x1710]  }
0x85: {  	v28 =	vld [tilespmem:s25+$0x1790]  }
0x86: {  	v29 =	vld [tilespmem:s25+$0x1810]  }
0x87: {  	v30 =	vld [tilespmem:s25+$0x1890]  }
0x88: {  	v31 =	vld [tilespmem:s25+$0x1910]  }
0x89: {  	v32 =	vld [tilespmem:s25+$0x1990]  }
0x8a: {  	v33 =	vld [tilespmem:s25+$0x5610]  }
0x8b: {  	v34 =	vld [tilespmem:s25+$0x5690]  }
0x8c: {  	v16 =	vld [tilespmem:s25+$0x9610]  }
0x8d: {  	v36 =	vld [tilespmem:s25+$0x9690]  }
0x8e: {  	v35 =	vld [tilespmem:s25+$0x5710]  }
0x8f: {  	v37 =	vld [tilespmem:s25+$0x9710];
	v5 =	vadd.f32 v26, v25  }
0x90: {  	v17 =	vld [tilespmem:s25+$0x5790]  }
0x91: {  	v39 =	vld [tilespmem:s25+$0x9790];
	v13 =	vadd.f32 v34, v33;
	v5 =	vadd.f32 v27, v5  }
0x92: {  	v38 =	vld [tilespmem:s25+$0x5810];
	v6 =	vadd.f32 v36, v16  }
0x93: {  	v41 =	vld [tilespmem:s25+$0x9810];
	v13 =	vadd.f32 v35, v13;
	v5 =	vadd.f32 v28, v5  }
0x94: {  	v40 =	vld [tilespmem:s25+$0x5890];
	v6 =	vadd.f32 v37, v6  }
0x95: {  	v43 =	vld [tilespmem:s25+$0x9890];
	v13 =	vadd.f32 v17, v13;
	v5 =	vadd.f32 v29, v5  }
0x96: {  	v42 =	vld [tilespmem:s25+$0x5910];
	v6 =	vadd.f32 v39, v6  }
0x97: {  	v45 =	vld [tilespmem:s25+$0x5990];
	v44 =	vadd.f32 v38, v13;
	v5 =	vadd.f32 v30, v5  }
0x98: {  	v46 =	vld [tilespmem:s25+$0x9910];
	v6 =	vadd.f32 v41, v6  }
0x99: {  	v10 =	vadd.f32 v40, v44;
	v5 =	vadd.f32 v31, v5  }
0x9a: {  	v47 =	vld [tilespmem:s25+$0x9990];
	v6 =	vadd.f32 v43, v6  }
0x9b: {  	v10 =	vadd.f32 v42, v10;
	v5 =	vadd.f32 v32, v5  }
0x9c: {  	v3 =	vadd.f32 v24, v23  }
0x9d: {  	v6 =	vadd.f32 v46, v6;
	v49 =	vadd.f32 v45, v10;
	v48 =	vmul.f32 v5, v0;
	_ =	sdelay $0x1  }
0x9e: {  	v51 =	vadd.f32 v47, v6;
	v50 =	vmul.f32 v49, v1;
	v3 =	vadd.f32 v48, v3;
	_ =	sdelay $0x1  }
0x9f: {  	v52 =	vmul.f32 v51, v2;
	v3 =	vadd.f32 v50, v3;
	_ =	sdelay $0x1  }
0xa0: {  	v3 =	vadd.f32 v52, v3  }
0xa1: {  	v53 =	vld [tilespmem:s24+$0x620]  }
0xa2: {  	v54 =	vld [tilespmem:s24+$0xE20];
	[tilespmem:s24+$0x1B210] =	vst v3  }
0xa3: {  	v55 =	vld [tilespmem:s25+$0x1620]  }
0xa4: {  	v56 =	vld [tilespmem:s25+$0x16A0]  }
0xa5: {  	v57 =	vld [tilespmem:s25+$0x1720]  }
0xa6: {  	v58 =	vld [tilespmem:s25+$0x17A0]  }
0xa7: {  	v59 =	vld [tilespmem:s25+$0x1820]  }
0xa8: {  	v60 =	vld [tilespmem:s25+$0x18A0]  }
0xa9: {  	v61 =	vld [tilespmem:s25+$0x1920]  }
0xaa: {  	v62 =	vld [tilespmem:s25+$0x19A0]  }
0xab: {  	v63 =	vld [tilespmem:s25+$0x5620]  }
0xac: {  	v20 =	vld [tilespmem:s25+$0x56A0]  }
0xad: {  	v22 =	vld [tilespmem:s25+$0x9620]  }
0xae: {  	v23 =	vld [tilespmem:s25+$0x96A0]  }
0xaf: {  	v21 =	vld [tilespmem:s25+$0x5720]  }
0xb0: {  	v25 =	vld [tilespmem:s25+$0x9720];
	v5 =	vadd.f32 v56, v55  }
0xb1: {  	v24 =	vld [tilespmem:s25+$0x57A0]  }
0xb2: {  	v27 =	vld [tilespmem:s25+$0x97A0];
	v13 =	vadd.f32 v20, v63;
	v5 =	vadd.f32 v57, v5  }
0xb3: {  	v26 =	vld [tilespmem:s25+$0x5820];
	v6 =	vadd.f32 v23, v22  }
0xb4: {  	v29 =	vld [tilespmem:s25+$0x9820];
	v13 =	vadd.f32 v21, v13;
	v5 =	vadd.f32 v58, v5  }
0xb5: {  	v28 =	vld [tilespmem:s25+$0x58A0];
	v6 =	vadd.f32 v25, v6  }
0xb6: {  	v31 =	vld [tilespmem:s25+$0x98A0];
	v13 =	vadd.f32 v24, v13;
	v5 =	vadd.f32 v59, v5  }
0xb7: {  	v30 =	vld [tilespmem:s25+$0x5920];
	v6 =	vadd.f32 v27, v6  }
0xb8: {  	v33 =	vld [tilespmem:s25+$0x59A0];
	v32 =	vadd.f32 v26, v13;
	v5 =	vadd.f32 v60, v5  }
0xb9: {  	v34 =	vld [tilespmem:s25+$0x9920];
	v6 =	vadd.f32 v29, v6  }
0xba: {  	v10 =	vadd.f32 v28, v32;
	v5 =	vadd.f32 v61, v5  }
0xbb: {  	v35 =	vld [tilespmem:s25+$0x99A0];
	v6 =	vadd.f32 v31, v6  }
0xbc: {  	v10 =	vadd.f32 v30, v10;
	v5 =	vadd.f32 v62, v5  }
0xbd: {  	v3 =	vadd.f32 v54, v53  }
0xbe: {  	v6 =	vadd.f32 v34, v6;
	v37 =	vadd.f32 v33, v10;
	v36 =	vmul.f32 v5, v0;
	_ =	sdelay $0x1  }
0xbf: {  	v39 =	vadd.f32 v35, v6;
	v38 =	vmul.f32 v37, v1;
	v3 =	vadd.f32 v36, v3;
	_ =	sdelay $0x1  }
0xc0: {  	v40 =	vmul.f32 v39, v2;
	v3 =	vadd.f32 v38, v3;
	_ =	sdelay $0x1  }
0xc1: {  	v3 =	vadd.f32 v40, v3  }
0xc2: {  	v41 =	vld [tilespmem:s24+$0x630]  }
0xc3: {  	v42 =	vld [tilespmem:s24+$0xE30];
	[tilespmem:s24+$0x1B220] =	vst v3  }
0xc4: {  	v43 =	vld [tilespmem:s25+$0x1630]  }
0xc5: {  	v44 =	vld [tilespmem:s25+$0x16B0]  }
0xc6: {  	v45 =	vld [tilespmem:s25+$0x1730]  }
0xc7: {  	v46 =	vld [tilespmem:s25+$0x17B0]  }
0xc8: {  	v47 =	vld [tilespmem:s25+$0x1830]  }
0xc9: {  	v48 =	vld [tilespmem:s25+$0x18B0]  }
0xca: {  	v49 =	vld [tilespmem:s25+$0x1930]  }
0xcb: {  	v50 =	vld [tilespmem:s25+$0x19B0]  }
0xcc: {  	v51 =	vld [tilespmem:s25+$0x5630]  }
0xcd: {  	v52 =	vld [tilespmem:s25+$0x56B0]  }
0xce: {  	v54 =	vld [tilespmem:s25+$0x9630]  }
0xcf: {  	v55 =	vld [tilespmem:s25+$0x96B0]  }
0xd0: {  	v53 =	vld [tilespmem:s25+$0x5730]  }
0xd1: {  	v57 =	vld [tilespmem:s25+$0x9730];
	v5 =	vadd.f32 v44, v43  }
0xd2: {  	v56 =	vld [tilespmem:s25+$0x57B0]  }
0xd3: {  	v59 =	vld [tilespmem:s25+$0x97B0];
	v13 =	vadd.f32 v52, v51;
	v5 =	vadd.f32 v45, v5  }
0xd4: {  	v58 =	vld [tilespmem:s25+$0x5830];
	v6 =	vadd.f32 v55, v54  }
0xd5: {  	v61 =	vld [tilespmem:s25+$0x9830];
	v13 =	vadd.f32 v53, v13;
	v5 =	vadd.f32 v46, v5  }
0xd6: {  	v60 =	vld [tilespmem:s25+$0x58B0];
	v6 =	vadd.f32 v57, v6  }
0xd7: {  	v63 =	vld [tilespmem:s25+$0x98B0];
	v13 =	vadd.f32 v56, v13;
	v5 =	vadd.f32 v47, v5  }
0xd8: {  	v62 =	vld [tilespmem:s25+$0x5930];
	v6 =	vadd.f32 v59, v6  }
0xd9: {  	v18 =	vld [tilespmem:s25+$0x59B0];
	v17 =	vadd.f32 v58, v13;
	v5 =	vadd.f32 v48, v5  }
0xda: {  	v19 =	vld [tilespmem:s25+$0x9930];
	v6 =	vadd.f32 v61, v6  }
0xdb: {  	v10 =	vadd.f32 v60, v17;
	v5 =	vadd.f32 v49, v5  }
0xdc: {  	v20 =	vld [tilespmem:s25+$0x99B0];
	v6 =	vadd.f32 v63, v6  }
0xdd: {  	v10 =	vadd.f32 v62, v10;
	v5 =	vadd.f32 v50, v5  }
0xde: {  	v3 =	vadd.f32 v42, v41  }
0xdf: {  	v6 =	vadd.f32 v19, v6;
	v22 =	vadd.f32 v18, v10;
	v21 =	vmul.f32 v5, v0;
	_ =	sdelay $0x1  }
0xe0: {  	v24 =	vadd.f32 v20, v6;
	v23 =	vmul.f32 v22, v1;
	v3 =	vadd.f32 v21, v3;
	_ =	sdelay $0x1  }
0xe1: {  	v25 =	vmul.f32 v24, v2;
	v3 =	vadd.f32 v23, v3;
	_ =	sdelay $0x1  }
0xe2: {  	v3 =	vadd.f32 v25, v3  }
0xe3: {  	v27 =	vld [tilespmem:s24+$0xE40]  }
0xe4: {  	v26 =	vld [tilespmem:s24+$0x640];
	[tilespmem:s24+$0x1B230] =	vst v3  }
0xe5: {  	v28 =	vld [tilespmem:s25+$0x1640]  }
0xe6: {  	v29 =	vld [tilespmem:s25+$0x16C0]  }
0xe7: {  	v30 =	vld [tilespmem:s25+$0x1740]  }
0xe8: {  	v31 =	vld [tilespmem:s25+$0x17C0]  }
0xe9: {  	v32 =	vld [tilespmem:s25+$0x1840]  }
0xea: {  	v33 =	vld [tilespmem:s25+$0x18C0]  }
0xeb: {  	v34 =	vld [tilespmem:s25+$0x1940]  }
0xec: {  	v35 =	vld [tilespmem:s25+$0x19C0]  }
0xed: {  	v36 =	vld [tilespmem:s25+$0x5640]  }
0xee: {  	v37 =	vld [tilespmem:s25+$0x56C0]  }
0xef: {  	v39 =	vld [tilespmem:s25+$0x9640]  }
0xf0: {  	v40 =	vld [tilespmem:s25+$0x96C0]  }
0xf1: {  	v38 =	vld [tilespmem:s25+$0x5740]  }
0xf2: {  	v42 =	vld [tilespmem:s25+$0x9740];
	v5 =	vadd.f32 v29, v28  }
0xf3: {  	v41 =	vld [tilespmem:s25+$0x57C0]  }
0xf4: {  	v44 =	vld [tilespmem:s25+$0x97C0];
	v13 =	vadd.f32 v37, v36;
	v5 =	vadd.f32 v30, v5  }
0xf5: {  	v43 =	vld [tilespmem:s25+$0x5840];
	v6 =	vadd.f32 v40, v39  }
0xf6: {  	v46 =	vld [tilespmem:s25+$0x9840];
	v13 =	vadd.f32 v38, v13;
	v5 =	vadd.f32 v31, v5  }
0xf7: {  	v45 =	vld [tilespmem:s25+$0x58C0];
	v6 =	vadd.f32 v42, v6  }
0xf8: {  	v48 =	vld [tilespmem:s25+$0x98C0];
	v13 =	vadd.f32 v41, v13;
	v5 =	vadd.f32 v32, v5  }
0xf9: {  	v47 =	vld [tilespmem:s25+$0x5940];
	v6 =	vadd.f32 v44, v6  }
0xfa: {  	v50 =	vld [tilespmem:s25+$0x59C0];
	v49 =	vadd.f32 v43, v13;
	v5 =	vadd.f32 v33, v5  }
0xfb: {  	v51 =	vld [tilespmem:s25+$0x9940];
	v6 =	vadd.f32 v46, v6  }
0xfc: {  	v10 =	vadd.f32 v45, v49;
	v5 =	vadd.f32 v34, v5  }
0xfd: {  	v52 =	vld [tilespmem:s25+$0x99C0];
	v6 =	vadd.f32 v48, v6  }
0xfe: {  	v10 =	vadd.f32 v47, v10;
	v5 =	vadd.f32 v35, v5  }
0xff: {  	v3 =	vadd.f32 v27, v26  }
0x100: {  	v6 =	vadd.f32 v51, v6;
	v54 =	vadd.f32 v50, v10;
	v53 =	vmul.f32 v5, v0;
	_ =	sdelay $0x1  }
0x101: {  	v56 =	vadd.f32 v52, v6;
	v55 =	vmul.f32 v54, v1;
	v3 =	vadd.f32 v53, v3;
	_ =	sdelay $0x1  }
0x102: {  	v57 =	vmul.f32 v56, v2;
	v3 =	vadd.f32 v55, v3;
	_ =	sdelay $0x1  }
0x103: {  	v3 =	vadd.f32 v57, v3  }
0x104: {  	v59 =	vld [tilespmem:s24+$0xE50]  }
0x105: {  	v58 =	vld [tilespmem:s24+$0x650];
	[tilespmem:s24+$0x1B240] =	vst v3  }
0x106: {  	v60 =	vld [tilespmem:s25+$0x1650]  }
0x107: {  	v61 =	vld [tilespmem:s25+$0x16D0]  }
0x108: {  	v62 =	vld [tilespmem:s25+$0x1750]  }
0x109: {  	v63 =	vld [tilespmem:s25+$0x17D0]  }
0x10a: {  	v20 =	vld [tilespmem:s25+$0x1850]  }
0x10b: {  	v21 =	vld [tilespmem:s25+$0x18D0]  }
0x10c: {  	v22 =	vld [tilespmem:s25+$0x1950]  }
0x10d: {  	v23 =	vld [tilespmem:s25+$0x19D0]  }
0x10e: {  	v24 =	vld [tilespmem:s25+$0x5650]  }
0x10f: {  	v25 =	vld [tilespmem:s25+$0x56D0]  }
0x110: {  	v27 =	vld [tilespmem:s25+$0x9650]  }
0x111: {  	v28 =	vld [tilespmem:s25+$0x96D0]  }
0x112: {  	v26 =	vld [tilespmem:s25+$0x5750]  }
0x113: {  	v30 =	vld [tilespmem:s25+$0x9750];
	v5 =	vadd.f32 v61, v60  }
0x114: {  	v29 =	vld [tilespmem:s25+$0x57D0]  }
0x115: {  	v32 =	vld [tilespmem:s25+$0x97D0];
	v13 =	vadd.f32 v25, v24;
	v5 =	vadd.f32 v62, v5  }
0x116: {  	v31 =	vld [tilespmem:s25+$0x5850];
	v6 =	vadd.f32 v28, v27  }
0x117: {  	v34 =	vld [tilespmem:s25+$0x9850];
	v13 =	vadd.f32 v26, v13;
	v5 =	vadd.f32 v63, v5  }
0x118: {  	v33 =	vld [tilespmem:s25+$0x58D0];
	v6 =	vadd.f32 v30, v6  }
0x119: {  	v36 =	vld [tilespmem:s25+$0x98D0];
	v13 =	vadd.f32 v29, v13;
	v5 =	vadd.f32 v20, v5  }
0x11a: {  	v35 =	vld [tilespmem:s25+$0x5950];
	v6 =	vadd.f32 v32, v6  }
0x11b: {  	v38 =	vld [tilespmem:s25+$0x59D0];
	v37 =	vadd.f32 v31, v13;
	v5 =	vadd.f32 v21, v5  }
0x11c: {  	v39 =	vld [tilespmem:s25+$0x9950];
	v6 =	vadd.f32 v34, v6  }
0x11d: {  	v10 =	vadd.f32 v33, v37;
	v5 =	vadd.f32 v22, v5  }
0x11e: {  	v40 =	vld [tilespmem:s25+$0x99D0];
	v6 =	vadd.f32 v36, v6  }
0x11f: {  	v10 =	vadd.f32 v35, v10;
	v5 =	vadd.f32 v23, v5  }
0x120: {  	v3 =	vadd.f32 v59, v58  }
0x121: {  	v6 =	vadd.f32 v39, v6;
	v42 =	vadd.f32 v38, v10;
	v41 =	vmul.f32 v5, v0;
	_ =	sdelay $0x1  }
0x122: {  	v44 =	vadd.f32 v40, v6;
	v43 =	vmul.f32 v42, v1;
	v3 =	vadd.f32 v41, v3;
	_ =	sdelay $0x1  }
0x123: {  	v45 =	vmul.f32 v44, v2;
	v3 =	vadd.f32 v43, v3;
	_ =	sdelay $0x1  }
0x124: {  	v3 =	vadd.f32 v45, v3  }
0x125: {  	v46 =	vld [tilespmem:s24+$0x660]  }
0x126: {  	v47 =	vld [tilespmem:s24+$0xE60];
	[tilespmem:s24+$0x1B250] =	vst v3  }
0x127: {  	v48 =	vld [tilespmem:s25+$0x1660]  }
0x128: {  	v49 =	vld [tilespmem:s25+$0x16E0]  }
0x129: {  	v50 =	vld [tilespmem:s25+$0x1760]  }
0x12a: {  	v51 =	vld [tilespmem:s25+$0x17E0]  }
0x12b: {  	v52 =	vld [tilespmem:s25+$0x1860]  }
0x12c: {  	v53 =	vld [tilespmem:s25+$0x18E0]  }
0x12d: {  	v54 =	vld [tilespmem:s25+$0x1960]  }
0x12e: {  	v55 =	vld [tilespmem:s25+$0x19E0]  }
0x12f: {  	v56 =	vld [tilespmem:s25+$0x5660]  }
0x130: {  	v57 =	vld [tilespmem:s25+$0x56E0]  }
0x131: {  	v59 =	vld [tilespmem:s25+$0x9660]  }
0x132: {  	v60 =	vld [tilespmem:s25+$0x96E0]  }
0x133: {  	v58 =	vld [tilespmem:s25+$0x5760]  }
0x134: {  	v62 =	vld [tilespmem:s25+$0x9760];
	v5 =	vadd.f32 v49, v48  }
0x135: {  	v61 =	vld [tilespmem:s25+$0x57E0]  }
0x136: {  	v20 =	vld [tilespmem:s25+$0x97E0];
	v13 =	vadd.f32 v57, v56;
	v5 =	vadd.f32 v50, v5  }
0x137: {  	v63 =	vld [tilespmem:s25+$0x5860];
	v6 =	vadd.f32 v60, v59  }
0x138: {  	v22 =	vld [tilespmem:s25+$0x9860];
	v13 =	vadd.f32 v58, v13;
	v5 =	vadd.f32 v51, v5  }
0x139: {  	v21 =	vld [tilespmem:s25+$0x58E0];
	v6 =	vadd.f32 v62, v6  }
0x13a: {  	v24 =	vld [tilespmem:s25+$0x98E0];
	v13 =	vadd.f32 v61, v13;
	v5 =	vadd.f32 v52, v5  }
0x13b: {  	v23 =	vld [tilespmem:s25+$0x5960];
	v6 =	vadd.f32 v20, v6  }
0x13c: {  	v26 =	vld [tilespmem:s25+$0x59E0];
	v25 =	vadd.f32 v63, v13;
	v5 =	vadd.f32 v53, v5  }
0x13d: {  	v27 =	vld [tilespmem:s25+$0x9960];
	v6 =	vadd.f32 v22, v6  }
0x13e: {  	v10 =	vadd.f32 v21, v25;
	v5 =	vadd.f32 v54, v5  }
0x13f: {  	v28 =	vld [tilespmem:s25+$0x99E0];
	v6 =	vadd.f32 v24, v6  }
0x140: {  	v10 =	vadd.f32 v23, v10;
	v5 =	vadd.f32 v55, v5  }
0x141: {  	v3 =	vadd.f32 v47, v46  }
0x142: {  	v6 =	vadd.f32 v27, v6;
	v30 =	vadd.f32 v26, v10;
	v29 =	vmul.f32 v5, v0;
	_ =	sdelay $0x1  }
0x143: {  	v32 =	vadd.f32 v28, v6;
	v31 =	vmul.f32 v30, v1;
	v3 =	vadd.f32 v29, v3;
	_ =	sdelay $0x1  }
0x144: {  	v33 =	vmul.f32 v32, v2;
	v3 =	vadd.f32 v31, v3;
	_ =	sdelay $0x1  }
0x145: {  	v3 =	vadd.f32 v33, v3  }
0x146: {  	v34 =	vld [tilespmem:s24+$0x670]  }
0x147: {  	v35 =	vld [tilespmem:s24+$0xE70];
	[tilespmem:s24+$0x1B260] =	vst v3  }
0x148: {  	v36 =	vld [tilespmem:s25+$0x1670]  }
0x149: {  	v37 =	vld [tilespmem:s25+$0x16F0]  }
0x14a: {  	v38 =	vld [tilespmem:s25+$0x1770]  }
0x14b: {  	v39 =	vld [tilespmem:s25+$0x17F0]  }
0x14c: {  	v40 =	vld [tilespmem:s25+$0x1870]  }
0x14d: {  	v41 =	vld [tilespmem:s25+$0x18F0]  }
0x14e: {  	v42 =	vld [tilespmem:s25+$0x1970]  }
0x14f: {  	v43 =	vld [tilespmem:s25+$0x19F0]  }
0x150: {  	v44 =	vld [tilespmem:s25+$0x5670]  }
0x151: {  	v45 =	vld [tilespmem:s25+$0x56F0]  }
0x152: {  	v47 =	vld [tilespmem:s25+$0x9670]  }
0x153: {  	v48 =	vld [tilespmem:s25+$0x96F0]  }
0x154: {  	v46 =	vld [tilespmem:s25+$0x5770]  }
0x155: {  	v50 =	vld [tilespmem:s25+$0x9770];
	v5 =	vadd.f32 v37, v36  }
0x156: {  	v49 =	vld [tilespmem:s25+$0x57F0]  }
0x157: {  	v52 =	vld [tilespmem:s25+$0x97F0];
	v13 =	vadd.f32 v45, v44;
	v5 =	vadd.f32 v38, v5  }
0x158: {  	v51 =	vld [tilespmem:s25+$0x5870];
	v6 =	vadd.f32 v48, v47  }
0x159: {  	v54 =	vld [tilespmem:s25+$0x9870];
	v13 =	vadd.f32 v46, v13;
	v5 =	vadd.f32 v39, v5  }
0x15a: {  	v53 =	vld [tilespmem:s25+$0x58F0];
	v6 =	vadd.f32 v50, v6  }
0x15b: {  	v56 =	vld [tilespmem:s25+$0x98F0];
	v13 =	vadd.f32 v49, v13;
	v5 =	vadd.f32 v40, v5  }
0x15c: {  	v55 =	vld [tilespmem:s25+$0x5970];
	v6 =	vadd.f32 v52, v6  }
0x15d: {  	v57 =	vld [tilespmem:s25+$0x59F0];
	v13 =	vadd.f32 v51, v13;
	v5 =	vadd.f32 v41, v5  }
0x15e: {  	v58 =	vld [tilespmem:s25+$0x9970];
	v6 =	vadd.f32 v54, v6  }
0x15f: {  	v13 =	vadd.f32 v53, v13;
	v5 =	vadd.f32 v42, v5  }
0x160: {  	v59 =	vld [tilespmem:s25+$0x99F0];
	v6 =	vadd.f32 v56, v6  }
0x161: {  	v7 =	vadd.f32 v55, v13;
	v5 =	vadd.f32 v43, v5  }
0x162: {  	v3 =	vadd.f32 v35, v34  }
0x163: {  	v61 =	vadd.f32 v58, v6;
	v60 =	vadd.f32 v57, v7;
	v0 =	vmul.f32 v5, v0;
	_ =	sdelay $0x1  }
0x164: {  	v62 =	vadd.f32 v59, v61;
	v1 =	vmul.f32 v60, v1;
	v0 =	vadd.f32 v0, v3  }
0x165: {  	p0 =	sne.s32 s22, $0xF  }
.Ltmp0:
0x166: {  	v63 =	vmul.f32 v62, v2;
	v0 =	vadd.f32 v1, v0;
	(pc) =	sbr.rel @p0 .LBB2_3-.Ltmp0, $3  }
0x167: {  	_ = 	snop  }
0x168: {  	v0 =	vadd.f32 v63, v0;
	_ =	sdelay $0x1  }
0x169: {  	s22 =	sadd.s32 $0x1, s22;
	[tilespmem:s24+$0x1B270] =	vst v0  }
0x16a: {  	s16 =	sshll.u32 s16, $0x8  }
0x16b: {  	s16 =	sadd.s32 s1, s16  }
0x16c: {  	[hbm4b:s16+s2] =	stream.linear.scatter [tilespmem:s12], [sflag:$0x3], $0x800, $0x38;
	[tilespmem:$0x1BA00] =	vst v63  }
0x16d: {  	p0 =	seq.s32 s17, $0x31;
	s16 =	sadd.s32 s13, s18  }
0x16e: {  	s18 =	sadd.s32 @!p0 $0x1, s16  }
0x16f: {  	s22 =	sshll.u32 @!p0 s18, $0x5  }
0x170: {  	s22 =	sand.u32 @!p0 $0x1FFFFFC0, s22  }
0x171: {  	s24 =	simm.s32 @!p0 $0x0;
	s22 =	sadd.s32 @!p0 s9, s22  }
0x172: {  	[tilespmem:s24], [sflag:$0x4] =	stream.linear.gather @!p0 [hbm4b:s22+s24], $0x100, $0x38;
	[tilespmem:$0x1BA00] =	vst v63  }
0x173: {  	s22 =	simm.s32 @!p0 $0x4  }
0x174: {  	s18 =	sshll.u32 @!p0 s18, $0x6;
	_ =	swait.ge @!p0 [sflag:s22], $0x100  }
0x175: {  	s18 =	sand.u32 @!p0 $0x1FFFFF80, s18;
	[sflag:s22] =	ssyncset.done @!p0 $0x0  }
0x176: {  	s26 =	simm.s32 @!p0 $0x200;
	s25 =	sadd.s32 @!p0 s10, s18;
	[sflag:s22] =	ssyncadd.s32 @!p0 $0xFFFFFF00  }
0x177: {  	[tilespmem:s26], [sflag:$0x4] =	stream.linear.gather @!p0 [hbm4b:s25+s24], $0x180, $0x38;
	[tilespmem:$0x1BA00] =	vst v63  }
0x178: {  	_ =	swait.ge @!p0 [sflag:s22], $0x180  }
0x179: {  	[sflag:s22] =	ssyncset.done @!p0 $0x0  }
0x17a: {  	s25 =	simm.s32 @!p0 $0x600;
	[sflag:s22] =	ssyncadd.s32 @!p0 $0xFFFFFE80;
	s22 =	simm.s32 @!p0 $0x10  }
0x17b: {  	[tilespmem:s25], [sflag:$0x1] =	stream.indirect.gather @!p0 [hbm4b:s4+s22], $0x80, s24, s22, $0xb8;
	[tilespmem:$0x1BA00] =	vst v63  }
0x17c: {  	s28 =	simm.s32 @!p0 $0xE00;
	s25 =	simm.s32 @!p0 $0x80  }
0x17d: {  	[tilespmem:s28], [sflag:$0x1] =	stream.indirect.gather @!p0 [hbm4b:s5+s22], $0x80, s25, s22, $0xb8;
	[tilespmem:$0x1BA00] =	vst v63  }
0x17e: {  	s22 =	simm.s32 @!p0 $0x1600  }
0x17f: {  	[tilespmem:s22], [sflag:$0x1] =	stream.indirect.gather @!p0 [hbm4b:s6+s25], $0x80, s26, s25, $0xb8;
	[tilespmem:$0x1BA00] =	vst v63  }
0x180: {  	s22 =	simm.s32 @!p0 $0x280;
	s26 =	simm.s32 @!p0 $0x5600  }
0x181: {  	[tilespmem:s26], [sflag:$0x1] =	stream.indirect.gather @!p0 [hbm4b:s7+s25], $0x80, s22, s25, $0xb8;
	[tilespmem:$0x1BA00] =	vst v63  }
0x182: {  	s22 =	simm.s32 @!p0 $0x300;
	s26 =	simm.s32 @!p0 $0x9600  }
0x183: {  	[tilespmem:s26], [sflag:$0x1] =	stream.indirect.gather @!p0 [hbm4b:s8+s25], $0x80, s22, s25, $0xb8;
	[tilespmem:$0x1BA00] =	vst v63  }
0x184: {  	s18 =	sadd.s32 @!p0 s11, s18;
	s22 =	simm.s32 @!p0 $0x1A600  }
0x185: {  	[tilespmem:s22], [sflag:$0x1] =	stream.linear.gather @!p0 [hbm4b:s18+s24], $0x180, $0x38;
	[tilespmem:$0x1BA00] =	vst v63  }
0x186: {  	_ =	swait.ge [sflag:s14], $0x800  }
0x187: {  	[sflag:s14] =	ssyncset.done $0x0  }
0x188: {  	[sflag:s14] =	ssyncadd.s32 $0xFFFFF800  }
0x189: {  	_ =	swait.ge [sflag:s15], $0x800  }
0x18a: {  	[sflag:s15] =	ssyncset.done $0x0  }
0x18b: {  	[sflag:s15] =	ssyncadd.s32 $0xFFFFF800  }
0x18c: {  	_ =	swait.ge [sflag:s15], $0x800  }
0x18d: {  	[sflag:s15] =	ssyncset.done $0x0  }
0x18e: {  	[sflag:s15] =	ssyncadd.s32 $0xFFFFF800  }
0x18f: {  	_ =	swait.ge [sflag:s15], $0x4000  }
0x190: {  	[sflag:s15] =	ssyncset.done $0x0  }
0x191: {  	[sflag:s15] =	ssyncadd.s32 $0xFFFFC000  }
0x192: {  	_ =	swait.ge [sflag:s15], $0x4000  }
0x193: {  	[sflag:s15] =	ssyncset.done $0x0  }
0x194: {  	[sflag:s15] =	ssyncadd.s32 $0xFFFFC000  }
0x195: {  	_ =	swait.ge [sflag:s15], $0x4000  }
0x196: {  	[sflag:s15] =	ssyncset.done $0x0  }
0x197: {  	[sflag:s15] =	ssyncadd.s32 $0xFFFFC000  }
0x198: {  	_ =	swait.ge [sflag:s15], $0x180  }
0x199: {  	[sflag:s15] =	ssyncset.done $0x0  }
0x19a: {  	s18 =	simm.s32 $0x0;
	[sflag:s15] =	ssyncadd.s32 $0xFFFFFE80  }
.LBB2_5:
0x19b: {  	v0 =	vld [tilespmem:s18+$0x1A800];
	_ =	sdelay $0x4  }
0x19c: {  	(v2sf) =	vpush v0, $0x0;
	_ =	sdelay $0x3  }
0x19d: {  	v1 =	vld [tilespmem:s18+$0x1A880]  }
0x19e: {  	v2 =	vld [tilespmem:s18+$0x1A900];
	s26 =	sshll.u32 s18, $0x7  }
0x19f: {  	s24 =	sshll.u32 s18, $0xA;
	v3 =	vld [tilespmem:s26+$0xD600]  }
0x1a0: {  	v4 =	vld [tilespmem:s26+$0xDE00];
	s24 =	sand.u32 $0x3FFFFC00, s24  }
0x1a1: {  	v5 =	vld [tilespmem:s24+$0xE600]  }
0x1a2: {  	v6 =	vld [tilespmem:s24+$0xE680]  }
0x1a3: {  	v7 =	vld [tilespmem:s24+$0xE700]  }
0x1a4: {  	v8 =	vld [tilespmem:s24+$0xE780]  }
0x1a5: {  	v9 =	vld [tilespmem:s24+$0xE800]  }
0x1a6: {  	v54 =	vld [tilespmem:s24+$0xE880]  }
0x1a7: {  	v10 =	vld [tilespmem:s24+$0xE900]  }
0x1a8: {  	v11 =	vld [tilespmem:s24+$0xE980];
	s22 =	spop (v2sf);
	(v2sf) =	vpush v1, $0x0  }
0x1a9: {  	v55 =	vld [tilespmem:s24+$0x12600]  }
0x1aa: {  	v12 =	vld [tilespmem:s24+$0x12680];
	(v2sf) =	vpush v2, $0x0  }
0x1ab: {  	v13 =	vld [tilespmem:s24+$0x12700]  }
0x1ac: {  	v14 =	vld [tilespmem:s24+$0x16600]  }
0x1ad: {  	v56 =	vld [tilespmem:s24+$0x16680]  }
0x1ae: {  	v15 =	vld [tilespmem:s24+$0x12780]  }
0x1af: {  	v57 =	vld [tilespmem:s24+$0x16700];
	v5 =	vadd.f32 v6, v5  }
0x1b0: {  	v58 =	vld [tilespmem:s24+$0x12800]  }
0x1b1: {  	v59 =	vld [tilespmem:s24+$0x16780];
	v5 =	vadd.f32 v7, v5;
	v2 =	vadd.f32 v12, v55  }
0x1b2: {  	v60 =	vld [tilespmem:s24+$0x12880];
	v6 =	vadd.f32 v56, v14  }
0x1b3: {  	v61 =	vld [tilespmem:s24+$0x16800];
	v5 =	vadd.f32 v8, v5;
	v2 =	vadd.f32 v13, v2  }
0x1b4: {  	v62 =	vld [tilespmem:s24+$0x12900];
	v6 =	vadd.f32 v57, v6  }
0x1b5: {  	v63 =	vld [tilespmem:s24+$0x16880];
	v5 =	vadd.f32 v9, v5;
	v2 =	vadd.f32 v15, v2  }
0x1b6: {  	v16 =	vld [tilespmem:s24+$0x16900];
	v6 =	vadd.f32 v59, v6;
	s22 =	sshll.u32 s22, $0x9  }
0x1b7: {  	v1 =	vadd.f32 v54, v5;
	v12 =	vld [tilespmem:s24+$0x12980];
	s22 =	sshra.s32 s22, $0x2;
	v2 =	vadd.f32 v58, v2;
	s25 =	spop (v2sf)  }
0x1b8: {  	v6 =	vadd.f32 v61, v6;
	v0 =	vld [tilespmem:s22+$0x1AA00];
	s25 =	sshll.u32 s25, $0x9  }
0x1b9: {  	v17 =	vld [tilespmem:s24+$0x16980];
	v15 =	vadd.f32 v10, v1;
	v2 =	vadd.f32 v60, v2;
	s28 =	spop (v2sf);
	s25 =	sshra.s32 s25, $0x2  }
0x1ba: {  	v5 =	vadd.f32 v63, v6;
	v1 =	vld [tilespmem:s25+$0x1AA00];
	s25 =	sshll.u32 s28, $0x9  }
0x1bb: {  	v8 =	vadd.f32 v11, v15;
	v18 =	vadd.f32 v62, v2;
	s25 =	sshra.s32 s25, $0x2  }
0x1bc: {  	v3 =	vadd.f32 v4, v3;
	v2 =	vld [tilespmem:s25+$0x1AA00]  }
0x1bd: {  	v5 =	vadd.f32 v16, v5;
	v19 =	vmul.f32 v8, v0;
	v20 =	vadd.f32 v12, v18;
	_ =	sdelay $0x1  }
0x1be: {  	v5 =	vadd.f32 v17, v5;
	v3 =	vadd.f32 v19, v3;
	v21 =	vmul.f32 v20, v1;
	_ =	sdelay $0x1  }
0x1bf: {  	v3 =	vadd.f32 v21, v3;
	v22 =	vmul.f32 v5, v2;
	_ =	sdelay $0x1  }
0x1c0: {  	v3 =	vadd.f32 v22, v3  }
0x1c1: {  	v23 =	vld [tilespmem:s26+$0xD610]  }
0x1c2: {  	v24 =	vld [tilespmem:s26+$0xDE10];
	[tilespmem:s26+$0x1B200] =	vst v3  }
0x1c3: {  	v25 =	vld [tilespmem:s24+$0xE610]  }
0x1c4: {  	v26 =	vld [tilespmem:s24+$0xE690]  }
0x1c5: {  	v27 =	vld [tilespmem:s24+$0xE710]  }
0x1c6: {  	v28 =	vld [tilespmem:s24+$0xE790]  }
0x1c7: {  	v29 =	vld [tilespmem:s24+$0xE810]  }
0x1c8: {  	v30 =	vld [tilespmem:s24+$0xE890]  }
0x1c9: {  	v31 =	vld [tilespmem:s24+$0xE910]  }
0x1ca: {  	v32 =	vld [tilespmem:s24+$0xE990]  }
0x1cb: {  	v33 =	vld [tilespmem:s24+$0x12610]  }
0x1cc: {  	v34 =	vld [tilespmem:s24+$0x12690]  }
0x1cd: {  	v16 =	vld [tilespmem:s24+$0x16610]  }
0x1ce: {  	v36 =	vld [tilespmem:s24+$0x16690]  }
0x1cf: {  	v35 =	vld [tilespmem:s24+$0x12710]  }
0x1d0: {  	v37 =	vld [tilespmem:s24+$0x16710];
	v5 =	vadd.f32 v26, v25  }
0x1d1: {  	v17 =	vld [tilespmem:s24+$0x12790]  }
0x1d2: {  	v39 =	vld [tilespmem:s24+$0x16790];
	v13 =	vadd.f32 v34, v33;
	v5 =	vadd.f32 v27, v5  }
0x1d3: {  	v38 =	vld [tilespmem:s24+$0x12810];
	v6 =	vadd.f32 v36, v16  }
0x1d4: {  	v41 =	vld [tilespmem:s24+$0x16810];
	v13 =	vadd.f32 v35, v13;
	v5 =	vadd.f32 v28, v5  }
0x1d5: {  	v40 =	vld [tilespmem:s24+$0x12890];
	v6 =	vadd.f32 v37, v6  }
0x1d6: {  	v43 =	vld [tilespmem:s24+$0x16890];
	v13 =	vadd.f32 v17, v13;
	v5 =	vadd.f32 v29, v5  }
0x1d7: {  	v42 =	vld [tilespmem:s24+$0x12910];
	v6 =	vadd.f32 v39, v6  }
0x1d8: {  	v45 =	vld [tilespmem:s24+$0x12990];
	v44 =	vadd.f32 v38, v13;
	v5 =	vadd.f32 v30, v5  }
0x1d9: {  	v46 =	vld [tilespmem:s24+$0x16910];
	v6 =	vadd.f32 v41, v6  }
0x1da: {  	v10 =	vadd.f32 v40, v44;
	v5 =	vadd.f32 v31, v5  }
0x1db: {  	v47 =	vld [tilespmem:s24+$0x16990];
	v6 =	vadd.f32 v43, v6  }
0x1dc: {  	v10 =	vadd.f32 v42, v10;
	v5 =	vadd.f32 v32, v5  }
0x1dd: {  	v3 =	vadd.f32 v24, v23  }
0x1de: {  	v6 =	vadd.f32 v46, v6;
	v49 =	vadd.f32 v45, v10;
	v48 =	vmul.f32 v5, v0;
	_ =	sdelay $0x1  }
0x1df: {  	v51 =	vadd.f32 v47, v6;
	v50 =	vmul.f32 v49, v1;
	v3 =	vadd.f32 v48, v3;
	_ =	sdelay $0x1  }
0x1e0: {  	v52 =	vmul.f32 v51, v2;
	v3 =	vadd.f32 v50, v3;
	_ =	sdelay $0x1  }
0x1e1: {  	v3 =	vadd.f32 v52, v3  }
0x1e2: {  	v53 =	vld [tilespmem:s26+$0xD620]  }
0x1e3: {  	v54 =	vld [tilespmem:s26+$0xDE20];
	[tilespmem:s26+$0x1B210] =	vst v3  }
0x1e4: {  	v55 =	vld [tilespmem:s24+$0xE620]  }
0x1e5: {  	v56 =	vld [tilespmem:s24+$0xE6A0]  }
0x1e6: {  	v57 =	vld [tilespmem:s24+$0xE720]  }
0x1e7: {  	v58 =	vld [tilespmem:s24+$0xE7A0]  }
0x1e8: {  	v59 =	vld [tilespmem:s24+$0xE820]  }
0x1e9: {  	v60 =	vld [tilespmem:s24+$0xE8A0]  }
0x1ea: {  	v61 =	vld [tilespmem:s24+$0xE920]  }
0x1eb: {  	v62 =	vld [tilespmem:s24+$0xE9A0]  }
0x1ec: {  	v63 =	vld [tilespmem:s24+$0x12620]  }
0x1ed: {  	v20 =	vld [tilespmem:s24+$0x126A0]  }
0x1ee: {  	v22 =	vld [tilespmem:s24+$0x16620]  }
0x1ef: {  	v23 =	vld [tilespmem:s24+$0x166A0]  }
0x1f0: {  	v21 =	vld [tilespmem:s24+$0x12720]  }
0x1f1: {  	v25 =	vld [tilespmem:s24+$0x16720];
	v5 =	vadd.f32 v56, v55  }
0x1f2: {  	v24 =	vld [tilespmem:s24+$0x127A0]  }
0x1f3: {  	v27 =	vld [tilespmem:s24+$0x167A0];
	v13 =	vadd.f32 v20, v63;
	v5 =	vadd.f32 v57, v5  }
0x1f4: {  	v26 =	vld [tilespmem:s24+$0x12820];
	v6 =	vadd.f32 v23, v22  }
0x1f5: {  	v29 =	vld [tilespmem:s24+$0x16820];
	v13 =	vadd.f32 v21, v13;
	v5 =	vadd.f32 v58, v5  }
0x1f6: {  	v28 =	vld [tilespmem:s24+$0x128A0];
	v6 =	vadd.f32 v25, v6  }
0x1f7: {  	v31 =	vld [tilespmem:s24+$0x168A0];
	v13 =	vadd.f32 v24, v13;
	v5 =	vadd.f32 v59, v5  }
0x1f8: {  	v30 =	vld [tilespmem:s24+$0x12920];
	v6 =	vadd.f32 v27, v6  }
0x1f9: {  	v33 =	vld [tilespmem:s24+$0x129A0];
	v32 =	vadd.f32 v26, v13;
	v5 =	vadd.f32 v60, v5  }
0x1fa: {  	v34 =	vld [tilespmem:s24+$0x16920];
	v6 =	vadd.f32 v29, v6  }
0x1fb: {  	v10 =	vadd.f32 v28, v32;
	v5 =	vadd.f32 v61, v5  }
0x1fc: {  	v35 =	vld [tilespmem:s24+$0x169A0];
	v6 =	vadd.f32 v31, v6  }
0x1fd: {  	v10 =	vadd.f32 v30, v10;
	v5 =	vadd.f32 v62, v5  }
0x1fe: {  	v3 =	vadd.f32 v54, v53  }
0x1ff: {  	v6 =	vadd.f32 v34, v6;
	v37 =	vadd.f32 v33, v10;
	v36 =	vmul.f32 v5, v0;
	_ =	sdelay $0x1  }
0x200: {  	v39 =	vadd.f32 v35, v6;
	v38 =	vmul.f32 v37, v1;
	v3 =	vadd.f32 v36, v3;
	_ =	sdelay $0x1  }
0x201: {  	v40 =	vmul.f32 v39, v2;
	v3 =	vadd.f32 v38, v3;
	_ =	sdelay $0x1  }
0x202: {  	v3 =	vadd.f32 v40, v3  }
0x203: {  	v41 =	vld [tilespmem:s26+$0xD630]  }
0x204: {  	v42 =	vld [tilespmem:s26+$0xDE30];
	[tilespmem:s26+$0x1B220] =	vst v3  }
0x205: {  	v43 =	vld [tilespmem:s24+$0xE630]  }
0x206: {  	v44 =	vld [tilespmem:s24+$0xE6B0]  }
0x207: {  	v45 =	vld [tilespmem:s24+$0xE730]  }
0x208: {  	v46 =	vld [tilespmem:s24+$0xE7B0]  }
0x209: {  	v47 =	vld [tilespmem:s24+$0xE830]  }
0x20a: {  	v48 =	vld [tilespmem:s24+$0xE8B0]  }
0x20b: {  	v49 =	vld [tilespmem:s24+$0xE930]  }
0x20c: {  	v50 =	vld [tilespmem:s24+$0xE9B0]  }
0x20d: {  	v51 =	vld [tilespmem:s24+$0x12630]  }
0x20e: {  	v52 =	vld [tilespmem:s24+$0x126B0]  }
0x20f: {  	v54 =	vld [tilespmem:s24+$0x16630]  }
0x210: {  	v55 =	vld [tilespmem:s24+$0x166B0]  }
0x211: {  	v53 =	vld [tilespmem:s24+$0x12730]  }
0x212: {  	v57 =	vld [tilespmem:s24+$0x16730];
	v5 =	vadd.f32 v44, v43  }
0x213: {  	v56 =	vld [tilespmem:s24+$0x127B0]  }
0x214: {  	v59 =	vld [tilespmem:s24+$0x167B0];
	v13 =	vadd.f32 v52, v51;
	v5 =	vadd.f32 v45, v5  }
0x215: {  	v58 =	vld [tilespmem:s24+$0x12830];
	v6 =	vadd.f32 v55, v54  }
0x216: {  	v61 =	vld [tilespmem:s24+$0x16830];
	v13 =	vadd.f32 v53, v13;
	v5 =	vadd.f32 v46, v5  }
0x217: {  	v60 =	vld [tilespmem:s24+$0x128B0];
	v6 =	vadd.f32 v57, v6  }
0x218: {  	v63 =	vld [tilespmem:s24+$0x168B0];
	v13 =	vadd.f32 v56, v13;
	v5 =	vadd.f32 v47, v5  }
0x219: {  	v62 =	vld [tilespmem:s24+$0x12930];
	v6 =	vadd.f32 v59, v6  }
0x21a: {  	v18 =	vld [tilespmem:s24+$0x129B0];
	v17 =	vadd.f32 v58, v13;
	v5 =	vadd.f32 v48, v5  }
0x21b: {  	v19 =	vld [tilespmem:s24+$0x16930];
	v6 =	vadd.f32 v61, v6  }
0x21c: {  	v10 =	vadd.f32 v60, v17;
	v5 =	vadd.f32 v49, v5  }
0x21d: {  	v20 =	vld [tilespmem:s24+$0x169B0];
	v6 =	vadd.f32 v63, v6  }
0x21e: {  	v10 =	vadd.f32 v62, v10;
	v5 =	vadd.f32 v50, v5  }
0x21f: {  	v3 =	vadd.f32 v42, v41  }
0x220: {  	v6 =	vadd.f32 v19, v6;
	v22 =	vadd.f32 v18, v10;
	v21 =	vmul.f32 v5, v0;
	_ =	sdelay $0x1  }
0x221: {  	v24 =	vadd.f32 v20, v6;
	v23 =	vmul.f32 v22, v1;
	v3 =	vadd.f32 v21, v3;
	_ =	sdelay $0x1  }
0x222: {  	v25 =	vmul.f32 v24, v2;
	v3 =	vadd.f32 v23, v3;
	_ =	sdelay $0x1  }
0x223: {  	v3 =	vadd.f32 v25, v3  }
0x224: {  	v27 =	vld [tilespmem:s26+$0xDE40]  }
0x225: {  	v26 =	vld [tilespmem:s26+$0xD640];
	[tilespmem:s26+$0x1B230] =	vst v3  }
0x226: {  	v28 =	vld [tilespmem:s24+$0xE640]  }
0x227: {  	v29 =	vld [tilespmem:s24+$0xE6C0]  }
0x228: {  	v30 =	vld [tilespmem:s24+$0xE740]  }
0x229: {  	v31 =	vld [tilespmem:s24+$0xE7C0]  }
0x22a: {  	v32 =	vld [tilespmem:s24+$0xE840]  }
0x22b: {  	v33 =	vld [tilespmem:s24+$0xE8C0]  }
0x22c: {  	v34 =	vld [tilespmem:s24+$0xE940]  }
0x22d: {  	v35 =	vld [tilespmem:s24+$0xE9C0]  }
0x22e: {  	v36 =	vld [tilespmem:s24+$0x12640]  }
0x22f: {  	v37 =	vld [tilespmem:s24+$0x126C0]  }
0x230: {  	v39 =	vld [tilespmem:s24+$0x16640]  }
0x231: {  	v40 =	vld [tilespmem:s24+$0x166C0]  }
0x232: {  	v38 =	vld [tilespmem:s24+$0x12740]  }
0x233: {  	v42 =	vld [tilespmem:s24+$0x16740];
	v5 =	vadd.f32 v29, v28  }
0x234: {  	v41 =	vld [tilespmem:s24+$0x127C0]  }
0x235: {  	v44 =	vld [tilespmem:s24+$0x167C0];
	v13 =	vadd.f32 v37, v36;
	v5 =	vadd.f32 v30, v5  }
0x236: {  	v43 =	vld [tilespmem:s24+$0x12840];
	v6 =	vadd.f32 v40, v39  }
0x237: {  	v46 =	vld [tilespmem:s24+$0x16840];
	v13 =	vadd.f32 v38, v13;
	v5 =	vadd.f32 v31, v5  }
0x238: {  	v45 =	vld [tilespmem:s24+$0x128C0];
	v6 =	vadd.f32 v42, v6  }
0x239: {  	v48 =	vld [tilespmem:s24+$0x168C0];
	v13 =	vadd.f32 v41, v13;
	v5 =	vadd.f32 v32, v5  }
0x23a: {  	v47 =	vld [tilespmem:s24+$0x12940];
	v6 =	vadd.f32 v44, v6  }
0x23b: {  	v50 =	vld [tilespmem:s24+$0x129C0];
	v49 =	vadd.f32 v43, v13;
	v5 =	vadd.f32 v33, v5  }
0x23c: {  	v51 =	vld [tilespmem:s24+$0x16940];
	v6 =	vadd.f32 v46, v6  }
0x23d: {  	v10 =	vadd.f32 v45, v49;
	v5 =	vadd.f32 v34, v5  }
0x23e: {  	v52 =	vld [tilespmem:s24+$0x169C0];
	v6 =	vadd.f32 v48, v6  }
0x23f: {  	v10 =	vadd.f32 v47, v10;
	v5 =	vadd.f32 v35, v5  }
0x240: {  	v3 =	vadd.f32 v27, v26  }
0x241: {  	v6 =	vadd.f32 v51, v6;
	v54 =	vadd.f32 v50, v10;
	v53 =	vmul.f32 v5, v0;
	_ =	sdelay $0x1  }
0x242: {  	v56 =	vadd.f32 v52, v6;
	v55 =	vmul.f32 v54, v1;
	v3 =	vadd.f32 v53, v3;
	_ =	sdelay $0x1  }
0x243: {  	v57 =	vmul.f32 v56, v2;
	v3 =	vadd.f32 v55, v3;
	_ =	sdelay $0x1  }
0x244: {  	v3 =	vadd.f32 v57, v3  }
0x245: {  	v59 =	vld [tilespmem:s26+$0xDE50]  }
0x246: {  	v58 =	vld [tilespmem:s26+$0xD650];
	[tilespmem:s26+$0x1B240] =	vst v3  }
0x247: {  	v60 =	vld [tilespmem:s24+$0xE650]  }
0x248: {  	v61 =	vld [tilespmem:s24+$0xE6D0]  }
0x249: {  	v62 =	vld [tilespmem:s24+$0xE750]  }
0x24a: {  	v63 =	vld [tilespmem:s24+$0xE7D0]  }
0x24b: {  	v20 =	vld [tilespmem:s24+$0xE850]  }
0x24c: {  	v21 =	vld [tilespmem:s24+$0xE8D0]  }
0x24d: {  	v22 =	vld [tilespmem:s24+$0xE950]  }
0x24e: {  	v23 =	vld [tilespmem:s24+$0xE9D0]  }
0x24f: {  	v24 =	vld [tilespmem:s24+$0x12650]  }
0x250: {  	v25 =	vld [tilespmem:s24+$0x126D0]  }
0x251: {  	v27 =	vld [tilespmem:s24+$0x16650]  }
0x252: {  	v28 =	vld [tilespmem:s24+$0x166D0]  }
0x253: {  	v26 =	vld [tilespmem:s24+$0x12750]  }
0x254: {  	v30 =	vld [tilespmem:s24+$0x16750];
	v5 =	vadd.f32 v61, v60  }
0x255: {  	v29 =	vld [tilespmem:s24+$0x127D0]  }
0x256: {  	v32 =	vld [tilespmem:s24+$0x167D0];
	v13 =	vadd.f32 v25, v24;
	v5 =	vadd.f32 v62, v5  }
0x257: {  	v31 =	vld [tilespmem:s24+$0x12850];
	v6 =	vadd.f32 v28, v27  }
0x258: {  	v34 =	vld [tilespmem:s24+$0x16850];
	v13 =	vadd.f32 v26, v13;
	v5 =	vadd.f32 v63, v5  }
0x259: {  	v33 =	vld [tilespmem:s24+$0x128D0];
	v6 =	vadd.f32 v30, v6  }
0x25a: {  	v36 =	vld [tilespmem:s24+$0x168D0];
	v13 =	vadd.f32 v29, v13;
	v5 =	vadd.f32 v20, v5  }
0x25b: {  	v35 =	vld [tilespmem:s24+$0x12950];
	v6 =	vadd.f32 v32, v6  }
0x25c: {  	v38 =	vld [tilespmem:s24+$0x129D0];
	v37 =	vadd.f32 v31, v13;
	v5 =	vadd.f32 v21, v5  }
0x25d: {  	v39 =	vld [tilespmem:s24+$0x16950];
	v6 =	vadd.f32 v34, v6  }
0x25e: {  	v10 =	vadd.f32 v33, v37;
	v5 =	vadd.f32 v22, v5  }
0x25f: {  	v40 =	vld [tilespmem:s24+$0x169D0];
	v6 =	vadd.f32 v36, v6  }
0x260: {  	v10 =	vadd.f32 v35, v10;
	v5 =	vadd.f32 v23, v5  }
0x261: {  	v3 =	vadd.f32 v59, v58  }
0x262: {  	v6 =	vadd.f32 v39, v6;
	v42 =	vadd.f32 v38, v10;
	v41 =	vmul.f32 v5, v0;
	_ =	sdelay $0x1  }
0x263: {  	v44 =	vadd.f32 v40, v6;
	v43 =	vmul.f32 v42, v1;
	v3 =	vadd.f32 v41, v3;
	_ =	sdelay $0x1  }
0x264: {  	v45 =	vmul.f32 v44, v2;
	v3 =	vadd.f32 v43, v3;
	_ =	sdelay $0x1  }
0x265: {  	v3 =	vadd.f32 v45, v3  }
0x266: {  	v46 =	vld [tilespmem:s26+$0xD660]  }
0x267: {  	v47 =	vld [tilespmem:s26+$0xDE60];
	[tilespmem:s26+$0x1B250] =	vst v3  }
0x268: {  	v48 =	vld [tilespmem:s24+$0xE660]  }
0x269: {  	v49 =	vld [tilespmem:s24+$0xE6E0]  }
0x26a: {  	v50 =	vld [tilespmem:s24+$0xE760]  }
0x26b: {  	v51 =	vld [tilespmem:s24+$0xE7E0]  }
0x26c: {  	v52 =	vld [tilespmem:s24+$0xE860]  }
0x26d: {  	v53 =	vld [tilespmem:s24+$0xE8E0]  }
0x26e: {  	v54 =	vld [tilespmem:s24+$0xE960]  }
0x26f: {  	v55 =	vld [tilespmem:s24+$0xE9E0]  }
0x270: {  	v56 =	vld [tilespmem:s24+$0x12660]  }
0x271: {  	v57 =	vld [tilespmem:s24+$0x126E0]  }
0x272: {  	v59 =	vld [tilespmem:s24+$0x16660]  }
0x273: {  	v60 =	vld [tilespmem:s24+$0x166E0]  }
0x274: {  	v58 =	vld [tilespmem:s24+$0x12760]  }
0x275: {  	v62 =	vld [tilespmem:s24+$0x16760];
	v5 =	vadd.f32 v49, v48  }
0x276: {  	v61 =	vld [tilespmem:s24+$0x127E0]  }
0x277: {  	v20 =	vld [tilespmem:s24+$0x167E0];
	v13 =	vadd.f32 v57, v56;
	v5 =	vadd.f32 v50, v5  }
0x278: {  	v63 =	vld [tilespmem:s24+$0x12860];
	v6 =	vadd.f32 v60, v59  }
0x279: {  	v22 =	vld [tilespmem:s24+$0x16860];
	v13 =	vadd.f32 v58, v13;
	v5 =	vadd.f32 v51, v5  }
0x27a: {  	v21 =	vld [tilespmem:s24+$0x128E0];
	v6 =	vadd.f32 v62, v6  }
0x27b: {  	v24 =	vld [tilespmem:s24+$0x168E0];
	v13 =	vadd.f32 v61, v13;
	v5 =	vadd.f32 v52, v5  }
0x27c: {  	v23 =	vld [tilespmem:s24+$0x12960];
	v6 =	vadd.f32 v20, v6  }
0x27d: {  	v26 =	vld [tilespmem:s24+$0x129E0];
	v25 =	vadd.f32 v63, v13;
	v5 =	vadd.f32 v53, v5  }
0x27e: {  	v27 =	vld [tilespmem:s24+$0x16960];
	v6 =	vadd.f32 v22, v6  }
0x27f: {  	v10 =	vadd.f32 v21, v25;
	v5 =	vadd.f32 v54, v5  }
0x280: {  	v28 =	vld [tilespmem:s24+$0x169E0];
	v6 =	vadd.f32 v24, v6  }
0x281: {  	v10 =	vadd.f32 v23, v10;
	v5 =	vadd.f32 v55, v5  }
0x282: {  	v3 =	vadd.f32 v47, v46  }
0x283: {  	v6 =	vadd.f32 v27, v6;
	v30 =	vadd.f32 v26, v10;
	v29 =	vmul.f32 v5, v0;
	_ =	sdelay $0x1  }
0x284: {  	v32 =	vadd.f32 v28, v6;
	v31 =	vmul.f32 v30, v1;
	v3 =	vadd.f32 v29, v3;
	_ =	sdelay $0x1  }
0x285: {  	v33 =	vmul.f32 v32, v2;
	v3 =	vadd.f32 v31, v3;
	_ =	sdelay $0x1  }
0x286: {  	v3 =	vadd.f32 v33, v3  }
0x287: {  	v34 =	vld [tilespmem:s26+$0xD670]  }
0x288: {  	v35 =	vld [tilespmem:s26+$0xDE70];
	[tilespmem:s26+$0x1B260] =	vst v3  }
0x289: {  	v36 =	vld [tilespmem:s24+$0xE670]  }
0x28a: {  	v37 =	vld [tilespmem:s24+$0xE6F0]  }
0x28b: {  	v38 =	vld [tilespmem:s24+$0xE770]  }
0x28c: {  	v39 =	vld [tilespmem:s24+$0xE7F0]  }
0x28d: {  	v40 =	vld [tilespmem:s24+$0xE870]  }
0x28e: {  	v41 =	vld [tilespmem:s24+$0xE8F0]  }
0x28f: {  	v42 =	vld [tilespmem:s24+$0xE970]  }
0x290: {  	v43 =	vld [tilespmem:s24+$0xE9F0]  }
0x291: {  	v44 =	vld [tilespmem:s24+$0x12670]  }
0x292: {  	v45 =	vld [tilespmem:s24+$0x126F0]  }
0x293: {  	v47 =	vld [tilespmem:s24+$0x16670]  }
0x294: {  	v48 =	vld [tilespmem:s24+$0x166F0]  }
0x295: {  	v46 =	vld [tilespmem:s24+$0x12770]  }
0x296: {  	v50 =	vld [tilespmem:s24+$0x16770];
	v5 =	vadd.f32 v37, v36  }
0x297: {  	v49 =	vld [tilespmem:s24+$0x127F0]  }
0x298: {  	v52 =	vld [tilespmem:s24+$0x167F0];
	v13 =	vadd.f32 v45, v44;
	v5 =	vadd.f32 v38, v5  }
0x299: {  	v51 =	vld [tilespmem:s24+$0x12870];
	v6 =	vadd.f32 v48, v47  }
0x29a: {  	v54 =	vld [tilespmem:s24+$0x16870];
	v13 =	vadd.f32 v46, v13;
	v5 =	vadd.f32 v39, v5  }
0x29b: {  	v53 =	vld [tilespmem:s24+$0x128F0];
	v6 =	vadd.f32 v50, v6  }
0x29c: {  	v56 =	vld [tilespmem:s24+$0x168F0];
	v13 =	vadd.f32 v49, v13;
	v5 =	vadd.f32 v40, v5  }
0x29d: {  	v55 =	vld [tilespmem:s24+$0x12970];
	v6 =	vadd.f32 v52, v6  }
0x29e: {  	v57 =	vld [tilespmem:s24+$0x129F0];
	v13 =	vadd.f32 v51, v13;
	v5 =	vadd.f32 v41, v5  }
0x29f: {  	v58 =	vld [tilespmem:s24+$0x16970];
	v6 =	vadd.f32 v54, v6  }
0x2a0: {  	v13 =	vadd.f32 v53, v13;
	v5 =	vadd.f32 v42, v5  }
0x2a1: {  	v59 =	vld [tilespmem:s24+$0x169F0];
	v6 =	vadd.f32 v56, v6  }
0x2a2: {  	v7 =	vadd.f32 v55, v13;
	v5 =	vadd.f32 v43, v5  }
0x2a3: {  	v3 =	vadd.f32 v35, v34  }
0x2a4: {  	v61 =	vadd.f32 v58, v6;
	v60 =	vadd.f32 v57, v7;
	v0 =	vmul.f32 v5, v0;
	_ =	sdelay $0x1  }
0x2a5: {  	v62 =	vadd.f32 v59, v61;
	v1 =	vmul.f32 v60, v1;
	v0 =	vadd.f32 v0, v3  }
0x2a6: {  	p0 =	sne.s32 s18, $0xF  }
.Ltmp1:
0x2a7: {  	v63 =	vmul.f32 v62, v2;
	v0 =	vadd.f32 v1, v0;
	(pc) =	sbr.rel @p0 .LBB2_5-.Ltmp1, $3  }
0x2a8: {  	_ = 	snop  }
0x2a9: {  	v0 =	vadd.f32 v63, v0;
	_ =	sdelay $0x1  }
0x2aa: {  	s18 =	sadd.s32 $0x1, s18;
	[tilespmem:s26+$0x1B270] =	vst v0  }
0x2ab: {  	s17 =	sadd.s32 $0x1, s17  }
0x2ac: {  	p0 =	sne.s32 s17, $0x32  }
.Ltmp2:
0x2ad: {  	_ = 	snop;
	(pc) =	sbr.rel @p0 .LBB2_2-.Ltmp2, $4  }
0x2ae: {  	s16 =	sshll.u32 s16, $0x8  }
0x2af: {  	s16 =	sand.u32 $0x1FFFFF00, s16  }
0x2b0: {  	s16 =	sadd.s32 s1, s16  }
0x2b1: {  	[hbm4b:s16+s2] =	stream.linear.scatter [tilespmem:s12], [sflag:$0x3], $0x800, $0x38;
	[tilespmem:$0x1BA00] =	vst v63  }
0x2b2: {  	_ =	swait.ge [sflag:s14], $0x800  }
0x2b3: {  	s17 =	rddreg [dreg:$0x8]  }
0x2b4: {  	s16 =	rddreg [dreg:$0x7];
	s17 =	sadd.s32 $0x1, s17  }
0x2b5: {  	p0 =	sne.s32 s17, s16  }
.Ltmp3:
0x2b6: {  	_ = 	snop;
	(pc) =	sbr.rel @p0 .LBB2_1-.Ltmp3, $3  }
0x2b7: {  	_ =	sdelay $0x1  }
0x2b8: {  	[sflag:s14] =	ssyncset.done $0x0  }
0x2b9: {  	[sflag:s14] =	ssyncadd.s32 $0xFFFFF800  }
0x2ba: {  	_ =	sfence.sel $0x180000  }
0x2bb: {  	[bflag:$0x0] =	sbarrier.arrive $0xFFFF  }
0x2bc: {  	_ =	strace $0x90000047  }
0x2bd: {  	s0 =	stileid.u32;
	[bflag:$0x2] =	sbarrier.arrive $0xFFFF  }
0x2be: {  	p0 =	sne.s32 s0, $0x0;
	s0 =	rddreg [dreg:$0x2]  }
0x2bf: {  	s0 =	sadd.s32 @!p0 $0x100000, s0  }
0x2c0: {  	[sflag:s0] =	ssyncadd.tile.s32 @!p0 $0x1;
	_ =	shalt  }
.Lfunc_end2:
_tile_overlayer_lowered:
.L_overlay_start_2:
0x2c1: {  	(tag) =	ssettag $0x2  }
0x2c2: {  	s0 =	rddreg [dreg:$0x0];
	s2 =	stileid.u32  }
0x2c3: {  	s1 =	rddreg [dreg:$0x1];
	p0 =	sne.s32 s2, $0x0  }
0x2c4: {  	s3 =	rddreg [dreg:$0x2];
	[bflag:$0x3] =	sbarrier.arrive $0xFFFF;
	s2 =	simm.s32 @!p0 $0x1C04  }
0x2c5: {  	[timem:s3], [sflag:s2] =	dma.local @!p0 [hbm:s0], s1  }
0x2c6: {  	s0 =	simm.s32 @!p0 $0x4  }
0x2c7: {  	_ =	swait.ge @!p0 [sflag:s0], s1  }
0x2c8: {  	s1 =	ssub.s32 @!p0 $0x0, s1;
	[sflag:s0] =	ssyncset.done @!p0 $0x0  }
0x2c9: {  	[sflag:s0] =	ssyncadd.s32 @!p0 s1  }
0x2ca: {  	[bflag:$0x3] =	sbarrier.arrive $0xFFFF  }
0x2cb: {  	_ =	shalt  }

</sc_bundles>
